<compile_context>
chip_gen: v7x
topology: tpu7x:2x2x1
jax: 0.10.2.dev20260603
libtpu: 0.0.44.dev20260713+nightly
codegen_flags: <defaults>
</compile_context>

<pallas_src>
import functools

import jax
import jax.numpy as jnp
from jax import lax
from jax.experimental import pallas as pl
from jax.experimental.pallas import tpu as pltpu
from jax.experimental.pallas import tpu_sc as plsc

N = 10000
E = 320000
D = 128
C = 2

NC = 2
NS = 16
NW = NC * NS
CHUNK = 128
G = 8
CPW0 = 136
CPW1 = 24
DCH = CPW0 + CPW1
TOTCH = NS * DCH
EPAD = TOTCH * CHUNK
ROWS_PER_TILE = 640
NP = NS * ROWS_PER_TILE
ZROWS = 8

_mesh = plsc.VectorSubcoreMesh(core_axis_name="c", subcore_axis_name="s",
                               num_cores=NC, num_subcores=NS)


def _make_sc_aggregate(with_deg):
    out_type = [jax.ShapeDtypeStruct((NC, NP, D), jnp.float32)]
    scratch = [
        pltpu.VMEM((G, CHUNK), jnp.int32),
        pltpu.VMEM((G, CHUNK), jnp.int32),
        pltpu.VMEM((CHUNK, D), jnp.float32),
        pltpu.VMEM((CHUNK, D), jnp.float32),
        pltpu.VMEM((ZROWS, D), jnp.float32),
        pltpu.VMEM_SHARED((NP, D), jnp.float32),
        pltpu.SemaphoreType.DMA,
        pltpu.SemaphoreType.DMA,
    ]
    if with_deg:
        out_type.append(jax.ShapeDtypeStruct((NP, D), jnp.float32))

    def body(x_hbm, src_hbm, dst_hbm, *rest):
        if with_deg:
            (sum_out, deg_out, srcblk, dstblk, rows_a, rows_b, zbuf, acc,
             sem_a, sem_b) = rest
        else:
            (sum_out, srcblk, dstblk, rows_a, rows_b, zbuf, acc,
             sem_a, sem_b) = rest
        c = lax.axis_index("c")
        s = lax.axis_index("s")
        base = s * ROWS_PER_TILE
        base_chunk = jnp.where(c == 0, s * CPW0, NS * CPW0 + s * CPW1)
        nblk = jnp.where(c == 0, CPW0 // G, CPW1 // G)
        bufs = (rows_a, rows_b)
        sems = (sem_a, sem_b)

        zero16 = jnp.zeros((16,), jnp.float32)
        for r in range(ZROWS):
            for l in range(D // 16):
                zbuf[r, pl.ds(l * 16, 16)] = zero16

        def zacc(j, _):
            pltpu.sync_copy(zbuf, acc.at[pl.ds(base + j * ZROWS, ZROWS)])
            return 0
        lax.fori_loop(0, ROWS_PER_TILE // ZROWS, zacc, 0)

        plsc.subcore_barrier()

        def blk(b, _):
            cb = base_chunk + b * G
            pltpu.sync_copy(src_hbm.at[pl.ds(cb, G)], srcblk)
            pltpu.sync_copy(dst_hbm.at[pl.ds(cb, G)], dstblk)
            pltpu.async_copy(x_hbm.at[srcblk.at[0]], rows_a, sem_a)
            for k in range(G):
                cur, csem = bufs[k % 2], sems[k % 2]
                if k < G - 1:
                    nxt, nsem = bufs[(k + 1) % 2], sems[(k + 1) % 2]
                    pltpu.async_copy(x_hbm.at[srcblk.at[k + 1]], nxt,
                                     nsem)
                pltpu.make_async_copy(x_hbm.at[srcblk.at[k]], cur,
                                      csem).wait()
                pltpu.sync_copy(cur, acc.at[dstblk.at[k]], add=True)
            return 0
        lax.fori_loop(0, nblk, blk, 0)

        plsc.subcore_barrier()

        pltpu.sync_copy(acc.at[pl.ds(base, ROWS_PER_TILE)],
                        sum_out.at[c, pl.ds(base, ROWS_PER_TILE)])

        if with_deg:
            @pl.when(c == 0)
            def _():
                plsc.subcore_barrier()

                def zacc2(j, _):
                    pltpu.sync_copy(zbuf,
                                    acc.at[pl.ds(base + j * ZROWS, ZROWS)])
                    return 0
                lax.fori_loop(0, ROWS_PER_TILE // ZROWS, zacc2, 0)

                one16 = jnp.ones((16,), jnp.float32)

                def onef(r, _):
                    for l in range(D // 16):
                        rows_a[r, pl.ds(l * 16, 16)] = one16
                    return 0
                lax.fori_loop(0, CHUNK, onef, 0)

                plsc.subcore_barrier()

                def dblk(b, _):
                    pltpu.sync_copy(
                        dst_hbm.at[pl.ds(s * DCH + b * G, G)], dstblk)
                    for k in range(G):
                        pltpu.sync_copy(rows_a, acc.at[dstblk.at[k]],
                                        add=True)
                    return 0
                lax.fori_loop(0, DCH // G, dblk, 0)

                plsc.subcore_barrier()
                pltpu.sync_copy(acc.at[pl.ds(base, ROWS_PER_TILE)],
                                deg_out.at[pl.ds(base, ROWS_PER_TILE)])

    return pl.kernel(body, out_type=out_type, mesh=_mesh,
                     scratch_types=scratch)


_sc_aggregate_deg = _make_sc_aggregate(True)
_sc_aggregate = _make_sc_aggregate(False)


def _tc_layer_body(head, sum_ref, deg_ref, x_ref, wl_ref, bl_ref, wr_ref,
                   g_ref, be_ref, *rest):
    if head:
        wc_ref, bc_ref, out_ref = rest
    else:
        (out_ref,) = rest
    ssum = sum_ref[0, :N, :] + sum_ref[1, :N, :]
    deg = jnp.maximum(deg_ref[...], 1.0)
    mean = ssum / deg
    x = x_ref[...]
    dn = (((1,), (1,)), ((), ()))
    h = (lax.dot_general(mean, wl_ref[...], dn,
                         preferred_element_type=jnp.float32)
         + bl_ref[...]
         + lax.dot_general(x, wr_ref[...], dn,
                           preferred_element_type=jnp.float32))
    m = jnp.mean(h, axis=0, keepdims=True)
    hc = h - m
    v = jnp.mean(hc * hc, axis=0, keepdims=True)
    h = jnp.maximum(g_ref[...] * hc * lax.rsqrt(v + 1e-5) + be_ref[...], 0.0)
    if head:
        out_ref[...] = (lax.dot_general(h, wc_ref[...], dn,
                                        preferred_element_type=jnp.float32)
                        + bc_ref[...])
    else:
        out_ref[...] = h


def _tc_layer(ssum, degcol, x, wl, bl, wr, g, be, wc=None, bc=None):
    head = wc is not None
    args = [ssum, degcol, x, wl, bl[None, :], wr, g[None, :], be[None, :]]
    if head:
        args += [wc, bc[None, :]]
        out_shape = jax.ShapeDtypeStruct((N, C), jnp.float32)
    else:
        out_shape = jax.ShapeDtypeStruct((N, D), jnp.float32)
    return pl.pallas_call(
        functools.partial(_tc_layer_body, head),
        out_shape=out_shape,
    )(*args)


def kernel(x, edge_index, W0l, b0l, W0r, g0, be0, W1l, b1l, W1r, g1, be1,
           Wc, bc):
    src = edge_index[0]
    dst = edge_index[1]
    pad = EPAD - E
    src3 = jnp.concatenate(
        [src, jnp.zeros((pad,), jnp.int32)]).reshape(TOTCH, CHUNK)
    dump = N + (jnp.arange(pad, dtype=jnp.int32) % (NP - N))
    dst3 = jnp.concatenate([dst, dump]).reshape(TOTCH, CHUNK)

    sum0, degfull = _sc_aggregate_deg(x, src3, dst3)
    degcol = degfull[:N, 0:1]
    h0 = _tc_layer(sum0, degcol, x, W0l, b0l, W0r, g0, be0)
    (sum1,) = _sc_aggregate(h0, src3, dst3)
    return _tc_layer(sum1, degcol, h0, W1l, b1l, W1r, g1, be1, Wc, bc)

# --- scband reference (transcript-rebuilt; emitter-appended) ---
"""Pipeline reference for scband-flow-graph-sage-30339648979091 (READ-ONLY COPY).

The authoritative reference and input builder live on the scoring server;
editing this copy changes nothing except your own understanding.
"""

import jax, jax.numpy as jnp
import numpy as np

N = 10000
E = 320000
D = 128
H = 128
C = 2

def setup_inputs(seed: int = 0):
    key = jax.random.key(seed)
    ks = jax.random.split(key, 16)
    x = jax.random.normal(ks[0], (N, D), dtype=jnp.float32)
    edge_index = jax.random.randint(ks[1], (2, E), 0, N, dtype=jnp.int32)
    s = 0.05
    W0l = jax.random.normal(ks[2], (H, D), dtype=jnp.float32) * s
    b0l = jnp.zeros((H,), dtype=jnp.float32)
    W0r = jax.random.normal(ks[3], (H, D), dtype=jnp.float32) * s
    g0 = jnp.ones((H,), dtype=jnp.float32)
    be0 = jnp.zeros((H,), dtype=jnp.float32)
    W1l = jax.random.normal(ks[4], (H, H), dtype=jnp.float32) * s
    b1l = jnp.zeros((H,), dtype=jnp.float32)
    W1r = jax.random.normal(ks[5], (H, H), dtype=jnp.float32) * s
    g1 = jnp.ones((H,), dtype=jnp.float32)
    be1 = jnp.zeros((H,), dtype=jnp.float32)
    Wc = jax.random.normal(ks[6], (C, H), dtype=jnp.float32) * s
    bc = jnp.zeros((C,), dtype=jnp.float32)
    return {"x": x, "edge_index": edge_index, "W0l": W0l, "b0l": b0l, "W0r": W0r,
            "g0": g0, "be0": be0, "W1l": W1l, "b1l": b1l, "W1r": W1r,
            "g1": g1, "be1": be1, "Wc": Wc, "bc": bc}

def _sage_conv(x, edge_index, Wl, bl, Wr):
    # PyG SAGEConv with mean aggregation:
    # out = lin_l(mean_{j in N(i)} x_j) + lin_r(x_i)
    src = edge_index[0]
    dst = edge_index[1]
    n = x.shape[0]
    msgs = jnp.take(x, src, axis=0)
    summed = jax.ops.segment_sum(msgs, dst, num_segments=n)
    deg = jax.ops.segment_sum(jnp.ones((msgs.shape[0],), dtype=x.dtype), dst, num_segments=n)
    mean = summed / jnp.clip(deg, 1.0, None)[:, None]
    return mean @ Wl.T + bl + x @ Wr.T

def _bn(x, g, b, eps=1e-5):
    m = jnp.mean(x, axis=0)
    v = jnp.var(x, axis=0)
    return g * (x - m) / jnp.sqrt(v + eps) + b

def reference(x, edge_index, W0l, b0l, W0r, g0, be0, W1l, b1l, W1r, g1, be1, Wc, bc):
    h = _sage_conv(x, edge_index, W0l, b0l, W0r)
    h = jax.nn.relu(_bn(h, g0, be0))
    h = _sage_conv(h, edge_index, W1l, b1l, W1r)
    h = jax.nn.relu(_bn(h, g1, be1))
    return h @ Wc.T + bc

if False:  # reference __main__ guard neutralized (emitter)
    out = reference(**setup_inputs())
    print(out.shape)

if __name__ == "__main__":
    import jax
    _d = setup_inputs()
    print(jax.jit(kernel)(*tuple(_d.values())))

</pallas_src>

<mosaic_0001>
#map = affine_map<(d0, d1) -> (0, 0)>
#map1 = affine_map<(d0, d1) -> (0, 0, 0)>
module attributes {stable_mosaic.version = 14 : i64} {
  func.func @body(%arg0: i32, %arg1: i32, %arg2: memref<10000x128xf32, #tpu.memory_space<hbm>>, %arg3: memref<2560x128xi32, #tpu.memory_space<hbm>>, %arg4: memref<2560x128xi32, #tpu.memory_space<hbm>>, %arg5: memref<2x10240x128xf32, #tpu.memory_space<hbm>>, %arg6: memref<10240x128xf32, #tpu.memory_space<hbm>>, %arg7: memref<8x128xi32, #tpu.memory_space<vmem>>, %arg8: memref<8x128xi32, #tpu.memory_space<vmem>>, %arg9: memref<128x128xf32, #tpu.memory_space<vmem>>, %arg10: memref<128x128xf32, #tpu.memory_space<vmem>>, %arg11: memref<8x128xf32, #tpu.memory_space<vmem>>, %arg12: memref<10240x128xf32, #tpu.memory_space<vmem_shared>>, %arg13: memref<!tpu.dma_semaphore, #tpu.memory_space<semaphore_mem>>, %arg14: memref<!tpu.dma_semaphore, #tpu.memory_space<semaphore_mem>>) attributes {dimension_semantics = [#tpu.dimension_semantics<core_parallel>, #tpu.dimension_semantics<subcore_parallel>], iteration_bounds = array<i64: 2, 16>, scalar_prefetch = 0 : i64, scratch_operands = 8 : i64, tpu.core_type = #tpu.core_type<sc_vector_subcore>, window_params = [{transform_indices = #map}, {transform_indices = #map}, {transform_indices = #map}, {transform_indices = #map1}, {transform_indices = #map}]} {
    %mul3A = arith.constant 640 : i32
    %mul3A_0 = arith.muli %arg1, %mul3A : i32
    %eq3A = arith.constant 0 : i32
    %eq3A_1 = arith.cmpi eq, %arg0, %eq3A : i32
    %mul3A_2 = arith.constant 136 : i32
    %mul3A_3 = arith.muli %arg1, %mul3A_2 : i32
    %mul3A_4 = arith.constant 24 : i32
    %mul3A_5 = arith.muli %arg1, %mul3A_4 : i32
    %add3A = arith.constant 2176 : i32
    %add3A_6 = arith.addi %add3A, %mul3A_5 : i32
    %select_n3A = arith.select %eq3A_1, %mul3A_3, %add3A_6 : i32
    %eq3A_7 = arith.constant 0 : i32
    %eq3A_8 = arith.cmpi eq, %arg0, %eq3A_7 : i32
    %jit3A = arith.constant 17 : i32
    %jit3A_9 = arith.constant 3 : i32
    %select_n3A_10 = arith.select %eq3A_8, %jit3A, %jit3A_9 : i32
    %broadcast_in_dim3A = arith.constant 0.000000e+00 : f32
    %broadcast_in_dim3A_11 = vector.broadcast %broadcast_in_dim3A : f32 to vector<16xf32>
    %swap3A = arith.constant 0 : i32
    %swap3A_12 = arith.index_cast %swap3A : i32 to index
    %swap3A_13 = arith.constant 0 : index
    %swap3A_14 = tpu.vector_load %arg11[%swap3A_12, %swap3A_13] {strides = array<i32>} : memref<8x128xf32, #tpu.memory_space<vmem>>, vector<1x16xf32>,
    %swap3A_15 = vector.shape_cast %swap3A_14 : vector<1x16xf32> to vector<16xf32>
    %swap3A_16 = vector.shape_cast %broadcast_in_dim3A_11 : vector<16xf32> to vector<1x16xf32>
    tpu.vector_store %arg11[%swap3A_12, %swap3A_13], %swap3A_16 {strides = array<i32>} : memref<8x128xf32, #tpu.memory_space<vmem>>, vector<1x16xf32>,
    %swap3A_17 = arith.constant 0 : i32
    %swap3A_18 = arith.index_cast %swap3A_17 : i32 to index
    %swap3A_19 = arith.constant 16 : index
    %swap3A_20 = tpu.vector_load %arg11[%swap3A_18, %swap3A_19] {strides = array<i32>} : memref<8x128xf32, #tpu.memory_space<vmem>>, vector<1x16xf32>,
    %swap3A_21 = vector.shape_cast %swap3A_20 : vector<1x16xf32> to vector<16xf32>
    %swap3A_22 = vector.shape_cast %broadcast_in_dim3A_11 : vector<16xf32> to vector<1x16xf32>
    tpu.vector_store %arg11[%swap3A_18, %swap3A_19], %swap3A_22 {strides = array<i32>} : memref<8x128xf32, #tpu.memory_space<vmem>>, vector<1x16xf32>,
    %swap3A_23 = arith.constant 0 : i32
    %swap3A_24 = arith.index_cast %swap3A_23 : i32 to index
    %swap3A_25 = arith.constant 32 : index
    %swap3A_26 = tpu.vector_load %arg11[%swap3A_24, %swap3A_25] {strides = array<i32>} : memref<8x128xf32, #tpu.memory_space<vmem>>, vector<1x16xf32>,
    %swap3A_27 = vector.shape_cast %swap3A_26 : vector<1x16xf32> to vector<16xf32>
    %swap3A_28 = vector.shape_cast %broadcast_in_dim3A_11 : vector<16xf32> to vector<1x16xf32>
    tpu.vector_store %arg11[%swap3A_24, %swap3A_25], %swap3A_28 {strides = array<i32>} : memref<8x128xf32, #tpu.memory_space<vmem>>, vector<1x16xf32>,
    %swap3A_29 = arith.constant 0 : i32
    %swap3A_30 = arith.index_cast %swap3A_29 : i32 to index
    %swap3A_31 = arith.constant 48 : index
    %swap3A_32 = tpu.vector_load %arg11[%swap3A_30, %swap3A_31] {strides = array<i32>} : memref<8x128xf32, #tpu.memory_space<vmem>>, vector<1x16xf32>,
    %swap3A_33 = vector.shape_cast %swap3A_32 : vector<1x16xf32> to vector<16xf32>
    %swap3A_34 = vector.shape_cast %broadcast_in_dim3A_11 : vector<16xf32> to vector<1x16xf32>
    tpu.vector_store %arg11[%swap3A_30, %swap3A_31], %swap3A_34 {strides = array<i32>} : memref<8x128xf32, #tpu.memory_space<vmem>>, vector<1x16xf32>,
    %swap3A_35 = arith.constant 0 : i32
    %swap3A_36 = arith.index_cast %swap3A_35 : i32 to index
    %swap3A_37 = arith.constant 64 : index
    %swap3A_38 = tpu.vector_load %arg11[%swap3A_36, %swap3A_37] {strides = array<i32>} : memref<8x128xf32, #tpu.memory_space<vmem>>, vector<1x16xf32>,
    %swap3A_39 = vector.shape_cast %swap3A_38 : vector<1x16xf32> to vector<16xf32>
    %swap3A_40 = vector.shape_cast %broadcast_in_dim3A_11 : vector<16xf32> to vector<1x16xf32>
    tpu.vector_store %arg11[%swap3A_36, %swap3A_37], %swap3A_40 {strides = array<i32>} : memref<8x128xf32, #tpu.memory_space<vmem>>, vector<1x16xf32>,
    %swap3A_41 = arith.constant 0 : i32
    %swap3A_42 = arith.index_cast %swap3A_41 : i32 to index
    %swap3A_43 = arith.constant 80 : index
    %swap3A_44 = tpu.vector_load %arg11[%swap3A_42, %swap3A_43] {strides = array<i32>} : memref<8x128xf32, #tpu.memory_space<vmem>>, vector<1x16xf32>,
    %swap3A_45 = vector.shape_cast %swap3A_44 : vector<1x16xf32> to vector<16xf32>
    %swap3A_46 = vector.shape_cast %broadcast_in_dim3A_11 : vector<16xf32> to vector<1x16xf32>
    tpu.vector_store %arg11[%swap3A_42, %swap3A_43], %swap3A_46 {strides = array<i32>} : memref<8x128xf32, #tpu.memory_space<vmem>>, vector<1x16xf32>,
    %swap3A_47 = arith.constant 0 : i32
    %swap3A_48 = arith.index_cast %swap3A_47 : i32 to index
    %swap3A_49 = arith.constant 96 : index
    %swap3A_50 = tpu.vector_load %arg11[%swap3A_48, %swap3A_49] {strides = array<i32>} : memref<8x128xf32, #tpu.memory_space<vmem>>, vector<1x16xf32>,
    %swap3A_51 = vector.shape_cast %swap3A_50 : vector<1x16xf32> to vector<16xf32>
    %swap3A_52 = vector.shape_cast %broadcast_in_dim3A_11 : vector<16xf32> to vector<1x16xf32>
    tpu.vector_store %arg11[%swap3A_48, %swap3A_49], %swap3A_52 {strides = array<i32>} : memref<8x128xf32, #tpu.memory_space<vmem>>, vector<1x16xf32>,
    %swap3A_53 = arith.constant 0 : i32
    %swap3A_54 = arith.index_cast %swap3A_53 : i32 to index
    %swap3A_55 = arith.constant 112 : index
    %swap3A_56 = tpu.vector_load %arg11[%swap3A_54, %swap3A_55] {strides = array<i32>} : memref<8x128xf32, #tpu.memory_space<vmem>>, vector<1x16xf32>,
    %swap3A_57 = vector.shape_cast %swap3A_56 : vector<1x16xf32> to vector<16xf32>
    %swap3A_58 = vector.shape_cast %broadcast_in_dim3A_11 : vector<16xf32> to vector<1x16xf32>
    tpu.vector_store %arg11[%swap3A_54, %swap3A_55], %swap3A_58 {strides = array<i32>} : memref<8x128xf32, #tpu.memory_space<vmem>>, vector<1x16xf32>,
    %swap3A_59 = arith.constant 1 : i32
    %swap3A_60 = arith.index_cast %swap3A_59 : i32 to index
    %swap3A_61 = arith.constant 0 : index
    %swap3A_62 = tpu.vector_load %arg11[%swap3A_60, %swap3A_61] {strides = array<i32>} : memref<8x128xf32, #tpu.memory_space<vmem>>, vector<1x16xf32>,
    %swap3A_63 = vector.shape_cast %swap3A_62 : vector<1x16xf32> to vector<16xf32>
    %swap3A_64 = vector.shape_cast %broadcast_in_dim3A_11 : vector<16xf32> to vector<1x16xf32>
    tpu.vector_store %arg11[%swap3A_60, %swap3A_61], %swap3A_64 {strides = array<i32>} : memref<8x128xf32, #tpu.memory_space<vmem>>, vector<1x16xf32>,
    %swap3A_65 = arith.constant 1 : i32
    %swap3A_66 = arith.index_cast %swap3A_65 : i32 to index
    %swap3A_67 = arith.constant 16 : index
    %swap3A_68 = tpu.vector_load %arg11[%swap3A_66, %swap3A_67] {strides = array<i32>} : memref<8x128xf32, #tpu.memory_space<vmem>>, vector<1x16xf32>,
    %swap3A_69 = vector.shape_cast %swap3A_68 : vector<1x16xf32> to vector<16xf32>
    %swap3A_70 = vector.shape_cast %broadcast_in_dim3A_11 : vector<16xf32> to vector<1x16xf32>
    tpu.vector_store %arg11[%swap3A_66, %swap3A_67], %swap3A_70 {strides = array<i32>} : memref<8x128xf32, #tpu.memory_space<vmem>>, vector<1x16xf32>,
    %swap3A_71 = arith.constant 1 : i32
    %swap3A_72 = arith.index_cast %swap3A_71 : i32 to index
    %swap3A_73 = arith.constant 32 : index
    %swap3A_74 = tpu.vector_load %arg11[%swap3A_72, %swap3A_73] {strides = array<i32>} : memref<8x128xf32, #tpu.memory_space<vmem>>, vector<1x16xf32>,
    %swap3A_75 = vector.shape_cast %swap3A_74 : vector<1x16xf32> to vector<16xf32>
    %swap3A_76 = vector.shape_cast %broadcast_in_dim3A_11 : vector<16xf32> to vector<1x16xf32>
    tpu.vector_store %arg11[%swap3A_72, %swap3A_73], %swap3A_76 {strides = array<i32>} : memref<8x128xf32, #tpu.memory_space<vmem>>, vector<1x16xf32>,
    %swap3A_77 = arith.constant 1 : i32
    %swap3A_78 = arith.index_cast %swap3A_77 : i32 to index
    %swap3A_79 = arith.constant 48 : index
    %swap3A_80 = tpu.vector_load %arg11[%swap3A_78, %swap3A_79] {strides = array<i32>} : memref<8x128xf32, #tpu.memory_space<vmem>>, vector<1x16xf32>,
    %swap3A_81 = vector.shape_cast %swap3A_80 : vector<1x16xf32> to vector<16xf32>
    %swap3A_82 = vector.shape_cast %broadcast_in_dim3A_11 : vector<16xf32> to vector<1x16xf32>
    tpu.vector_store %arg11[%swap3A_78, %swap3A_79], %swap3A_82 {strides = array<i32>} : memref<8x128xf32, #tpu.memory_space<vmem>>, vector<1x16xf32>,
    %swap3A_83 = arith.constant 1 : i32
    %swap3A_84 = arith.index_cast %swap3A_83 : i32 to index
    %swap3A_85 = arith.constant 64 : index
    %swap3A_86 = tpu.vector_load %arg11[%swap3A_84, %swap3A_85] {strides = array<i32>} : memref<8x128xf32, #tpu.memory_space<vmem>>, vector<1x16xf32>,
    %swap3A_87 = vector.shape_cast %swap3A_86 : vector<1x16xf32> to vector<16xf32>
    %swap3A_88 = vector.shape_cast %broadcast_in_dim3A_11 : vector<16xf32> to vector<1x16xf32>
    tpu.vector_store %arg11[%swap3A_84, %swap3A_85], %swap3A_88 {strides = array<i32>} : memref<8x128xf32, #tpu.memory_space<vmem>>, vector<1x16xf32>,
    %swap3A_89 = arith.constant 1 : i32
    %swap3A_90 = arith.index_cast %swap3A_89 : i32 to index
    %swap3A_91 = arith.constant 80 : index
    %swap3A_92 = tpu.vector_load %arg11[%swap3A_90, %swap3A_91] {strides = array<i32>} : memref<8x128xf32, #tpu.memory_space<vmem>>, vector<1x16xf32>,
    %swap3A_93 = vector.shape_cast %swap3A_92 : vector<1x16xf32> to vector<16xf32>
    %swap3A_94 = vector.shape_cast %broadcast_in_dim3A_11 : vector<16xf32> to vector<1x16xf32>
    tpu.vector_store %arg11[%swap3A_90, %swap3A_91], %swap3A_94 {strides = array<i32>} : memref<8x128xf32, #tpu.memory_space<vmem>>, vector<1x16xf32>,
    %swap3A_95 = arith.constant 1 : i32
    %swap3A_96 = arith.index_cast %swap3A_95 : i32 to index
    %swap3A_97 = arith.constant 96 : index
    %swap3A_98 = tpu.vector_load %arg11[%swap3A_96, %swap3A_97] {strides = array<i32>} : memref<8x128xf32, #tpu.memory_space<vmem>>, vector<1x16xf32>,
    %swap3A_99 = vector.shape_cast %swap3A_98 : vector<1x16xf32> to vector<16xf32>
    %swap3A_100 = vector.shape_cast %broadcast_in_dim3A_11 : vector<16xf32> to vector<1x16xf32>
    tpu.vector_store %arg11[%swap3A_96, %swap3A_97], %swap3A_100 {strides = array<i32>} : memref<8x128xf32, #tpu.memory_space<vmem>>, vector<1x16xf32>,
    %swap3A_101 = arith.constant 1 : i32
    %swap3A_102 = arith.index_cast %swap3A_101 : i32 to index
    %swap3A_103 = arith.constant 112 : index
    %swap3A_104 = tpu.vector_load %arg11[%swap3A_102, %swap3A_103] {strides = array<i32>} : memref<8x128xf32, #tpu.memory_space<vmem>>, vector<1x16xf32>,
    %swap3A_105 = vector.shape_cast %swap3A_104 : vector<1x16xf32> to vector<16xf32>
    %swap3A_106 = vector.shape_cast %broadcast_in_dim3A_11 : vector<16xf32> to vector<1x16xf32>
    tpu.vector_store %arg11[%swap3A_102, %swap3A_103], %swap3A_106 {strides = array<i32>} : memref<8x128xf32, #tpu.memory_space<vmem>>, vector<1x16xf32>,
    %swap3A_107 = arith.constant 2 : i32
    %swap3A_108 = arith.index_cast %swap3A_107 : i32 to index
    %swap3A_109 = arith.constant 0 : index
    %swap3A_110 = tpu.vector_load %arg11[%swap3A_108, %swap3A_109] {strides = array<i32>} : memref<8x128xf32, #tpu.memory_space<vmem>>, vector<1x16xf32>,
    %swap3A_111 = vector.shape_cast %swap3A_110 : vector<1x16xf32> to vector<16xf32>
    %swap3A_112 = vector.shape_cast %broadcast_in_dim3A_11 : vector<16xf32> to vector<1x16xf32>
    tpu.vector_store %arg11[%swap3A_108, %swap3A_109], %swap3A_112 {strides = array<i32>} : memref<8x128xf32, #tpu.memory_space<vmem>>, vector<1x16xf32>,
    %swap3A_113 = arith.constant 2 : i32
    %swap3A_114 = arith.index_cast %swap3A_113 : i32 to index
    %swap3A_115 = arith.constant 16 : index
    %swap3A_116 = tpu.vector_load %arg11[%swap3A_114, %swap3A_115] {strides = array<i32>} : memref<8x128xf32, #tpu.memory_space<vmem>>, vector<1x16xf32>,
    %swap3A_117 = vector.shape_cast %swap3A_116 : vector<1x16xf32> to vector<16xf32>
    %swap3A_118 = vector.shape_cast %broadcast_in_dim3A_11 : vector<16xf32> to vector<1x16xf32>
    tpu.vector_store %arg11[%swap3A_114, %swap3A_115], %swap3A_118 {strides = array<i32>} : memref<8x128xf32, #tpu.memory_space<vmem>>, vector<1x16xf32>,
    %swap3A_119 = arith.constant 2 : i32
    %swap3A_120 = arith.index_cast %swap3A_119 : i32 to index
    %swap3A_121 = arith.constant 32 : index
    %swap3A_122 = tpu.vector_load %arg11[%swap3A_120, %swap3A_121] {strides = array<i32>} : memref<8x128xf32, #tpu.memory_space<vmem>>, vector<1x16xf32>,
    %swap3A_123 = vector.shape_cast %swap3A_122 : vector<1x16xf32> to vector<16xf32>
    %swap3A_124 = vector.shape_cast %broadcast_in_dim3A_11 : vector<16xf32> to vector<1x16xf32>
    tpu.vector_store %arg11[%swap3A_120, %swap3A_121], %swap3A_124 {strides = array<i32>} : memref<8x128xf32, #tpu.memory_space<vmem>>, vector<1x16xf32>,
    %swap3A_125 = arith.constant 2 : i32
    %swap3A_126 = arith.index_cast %swap3A_125 : i32 to index
    %swap3A_127 = arith.constant 48 : index
    %swap3A_128 = tpu.vector_load %arg11[%swap3A_126, %swap3A_127] {strides = array<i32>} : memref<8x128xf32, #tpu.memory_space<vmem>>, vector<1x16xf32>,
    %swap3A_129 = vector.shape_cast %swap3A_128 : vector<1x16xf32> to vector<16xf32>
    %swap3A_130 = vector.shape_cast %broadcast_in_dim3A_11 : vector<16xf32> to vector<1x16xf32>
    tpu.vector_store %arg11[%swap3A_126, %swap3A_127], %swap3A_130 {strides = array<i32>} : memref<8x128xf32, #tpu.memory_space<vmem>>, vector<1x16xf32>,
    %swap3A_131 = arith.constant 2 : i32
    %swap3A_132 = arith.index_cast %swap3A_131 : i32 to index
    %swap3A_133 = arith.constant 64 : index
    %swap3A_134 = tpu.vector_load %arg11[%swap3A_132, %swap3A_133] {strides = array<i32>} : memref<8x128xf32, #tpu.memory_space<vmem>>, vector<1x16xf32>,
    %swap3A_135 = vector.shape_cast %swap3A_134 : vector<1x16xf32> to vector<16xf32>
    %swap3A_136 = vector.shape_cast %broadcast_in_dim3A_11 : vector<16xf32> to vector<1x16xf32>
    tpu.vector_store %arg11[%swap3A_132, %swap3A_133], %swap3A_136 {strides = array<i32>} : memref<8x128xf32, #tpu.memory_space<vmem>>, vector<1x16xf32>,
    %swap3A_137 = arith.constant 2 : i32
    %swap3A_138 = arith.index_cast %swap3A_137 : i32 to index
    %swap3A_139 = arith.constant 80 : index
    %swap3A_140 = tpu.vector_load %arg11[%swap3A_138, %swap3A_139] {strides = array<i32>} : memref<8x128xf32, #tpu.memory_space<vmem>>, vector<1x16xf32>,
    %swap3A_141 = vector.shape_cast %swap3A_140 : vector<1x16xf32> to vector<16xf32>
    %swap3A_142 = vector.shape_cast %broadcast_in_dim3A_11 : vector<16xf32> to vector<1x16xf32>
    tpu.vector_store %arg11[%swap3A_138, %swap3A_139], %swap3A_142 {strides = array<i32>} : memref<8x128xf32, #tpu.memory_space<vmem>>, vector<1x16xf32>,
    %swap3A_143 = arith.constant 2 : i32
    %swap3A_144 = arith.index_cast %swap3A_143 : i32 to index
    %swap3A_145 = arith.constant 96 : index
    %swap3A_146 = tpu.vector_load %arg11[%swap3A_144, %swap3A_145] {strides = array<i32>} : memref<8x128xf32, #tpu.memory_space<vmem>>, vector<1x16xf32>,
    %swap3A_147 = vector.shape_cast %swap3A_146 : vector<1x16xf32> to vector<16xf32>
    %swap3A_148 = vector.shape_cast %broadcast_in_dim3A_11 : vector<16xf32> to vector<1x16xf32>
    tpu.vector_store %arg11[%swap3A_144, %swap3A_145], %swap3A_148 {strides = array<i32>} : memref<8x128xf32, #tpu.memory_space<vmem>>, vector<1x16xf32>,
    %swap3A_149 = arith.constant 2 : i32
    %swap3A_150 = arith.index_cast %swap3A_149 : i32 to index
    %swap3A_151 = arith.constant 112 : index
    %swap3A_152 = tpu.vector_load %arg11[%swap3A_150, %swap3A_151] {strides = array<i32>} : memref<8x128xf32, #tpu.memory_space<vmem>>, vector<1x16xf32>,
    %swap3A_153 = vector.shape_cast %swap3A_152 : vector<1x16xf32> to vector<16xf32>
    %swap3A_154 = vector.shape_cast %broadcast_in_dim3A_11 : vector<16xf32> to vector<1x16xf32>
    tpu.vector_store %arg11[%swap3A_150, %swap3A_151], %swap3A_154 {strides = array<i32>} : memref<8x128xf32, #tpu.memory_space<vmem>>, vector<1x16xf32>,
    %swap3A_155 = arith.constant 3 : i32
    %swap3A_156 = arith.index_cast %swap3A_155 : i32 to index
    %swap3A_157 = arith.constant 0 : index
    %swap3A_158 = tpu.vector_load %arg11[%swap3A_156, %swap3A_157] {strides = array<i32>} : memref<8x128xf32, #tpu.memory_space<vmem>>, vector<1x16xf32>,
    %swap3A_159 = vector.shape_cast %swap3A_158 : vector<1x16xf32> to vector<16xf32>
    %swap3A_160 = vector.shape_cast %broadcast_in_dim3A_11 : vector<16xf32> to vector<1x16xf32>
    tpu.vector_store %arg11[%swap3A_156, %swap3A_157], %swap3A_160 {strides = array<i32>} : memref<8x128xf32, #tpu.memory_space<vmem>>, vector<1x16xf32>,
    %swap3A_161 = arith.constant 3 : i32
    %swap3A_162 = arith.index_cast %swap3A_161 : i32 to index
    %swap3A_163 = arith.constant 16 : index
    %swap3A_164 = tpu.vector_load %arg11[%swap3A_162, %swap3A_163] {strides = array<i32>} : memref<8x128xf32, #tpu.memory_space<vmem>>, vector<1x16xf32>,
    %swap3A_165 = vector.shape_cast %swap3A_164 : vector<1x16xf32> to vector<16xf32>
    %swap3A_166 = vector.shape_cast %broadcast_in_dim3A_11 : vector<16xf32> to vector<1x16xf32>
    tpu.vector_store %arg11[%swap3A_162, %swap3A_163], %swap3A_166 {strides = array<i32>} : memref<8x128xf32, #tpu.memory_space<vmem>>, vector<1x16xf32>,
    %swap3A_167 = arith.constant 3 : i32
    %swap3A_168 = arith.index_cast %swap3A_167 : i32 to index
    %swap3A_169 = arith.constant 32 : index
    %swap3A_170 = tpu.vector_load %arg11[%swap3A_168, %swap3A_169] {strides = array<i32>} : memref<8x128xf32, #tpu.memory_space<vmem>>, vector<1x16xf32>,
    %swap3A_171 = vector.shape_cast %swap3A_170 : vector<1x16xf32> to vector<16xf32>
    %swap3A_172 = vector.shape_cast %broadcast_in_dim3A_11 : vector<16xf32> to vector<1x16xf32>
    tpu.vector_store %arg11[%swap3A_168, %swap3A_169], %swap3A_172 {strides = array<i32>} : memref<8x128xf32, #tpu.memory_space<vmem>>, vector<1x16xf32>,
    %swap3A_173 = arith.constant 3 : i32
    %swap3A_174 = arith.index_cast %swap3A_173 : i32 to index
    %swap3A_175 = arith.constant 48 : index
    %swap3A_176 = tpu.vector_load %arg11[%swap3A_174, %swap3A_175] {strides = array<i32>} : memref<8x128xf32, #tpu.memory_space<vmem>>, vector<1x16xf32>,
    %swap3A_177 = vector.shape_cast %swap3A_176 : vector<1x16xf32> to vector<16xf32>
    %swap3A_178 = vector.shape_cast %broadcast_in_dim3A_11 : vector<16xf32> to vector<1x16xf32>
    tpu.vector_store %arg11[%swap3A_174, %swap3A_175], %swap3A_178 {strides = array<i32>} : memref<8x128xf32, #tpu.memory_space<vmem>>, vector<1x16xf32>,
    %swap3A_179 = arith.constant 3 : i32
    %swap3A_180 = arith.index_cast %swap3A_179 : i32 to index
    %swap3A_181 = arith.constant 64 : index
    %swap3A_182 = tpu.vector_load %arg11[%swap3A_180, %swap3A_181] {strides = array<i32>} : memref<8x128xf32, #tpu.memory_space<vmem>>, vector<1x16xf32>,
    %swap3A_183 = vector.shape_cast %swap3A_182 : vector<1x16xf32> to vector<16xf32>
    %swap3A_184 = vector.shape_cast %broadcast_in_dim3A_11 : vector<16xf32> to vector<1x16xf32>
    tpu.vector_store %arg11[%swap3A_180, %swap3A_181], %swap3A_184 {strides = array<i32>} : memref<8x128xf32, #tpu.memory_space<vmem>>, vector<1x16xf32>,
    %swap3A_185 = arith.constant 3 : i32
    %swap3A_186 = arith.index_cast %swap3A_185 : i32 to index
    %swap3A_187 = arith.constant 80 : index
    %swap3A_188 = tpu.vector_load %arg11[%swap3A_186, %swap3A_187] {strides = array<i32>} : memref<8x128xf32, #tpu.memory_space<vmem>>, vector<1x16xf32>,
    %swap3A_189 = vector.shape_cast %swap3A_188 : vector<1x16xf32> to vector<16xf32>
    %swap3A_190 = vector.shape_cast %broadcast_in_dim3A_11 : vector<16xf32> to vector<1x16xf32>
    tpu.vector_store %arg11[%swap3A_186, %swap3A_187], %swap3A_190 {strides = array<i32>} : memref<8x128xf32, #tpu.memory_space<vmem>>, vector<1x16xf32>,
    %swap3A_191 = arith.constant 3 : i32
    %swap3A_192 = arith.index_cast %swap3A_191 : i32 to index
    %swap3A_193 = arith.constant 96 : index
    %swap3A_194 = tpu.vector_load %arg11[%swap3A_192, %swap3A_193] {strides = array<i32>} : memref<8x128xf32, #tpu.memory_space<vmem>>, vector<1x16xf32>,
    %swap3A_195 = vector.shape_cast %swap3A_194 : vector<1x16xf32> to vector<16xf32>
    %swap3A_196 = vector.shape_cast %broadcast_in_dim3A_11 : vector<16xf32> to vector<1x16xf32>
    tpu.vector_store %arg11[%swap3A_192, %swap3A_193], %swap3A_196 {strides = array<i32>} : memref<8x128xf32, #tpu.memory_space<vmem>>, vector<1x16xf32>,
    %swap3A_197 = arith.constant 3 : i32
    %swap3A_198 = arith.index_cast %swap3A_197 : i32 to index
    %swap3A_199 = arith.constant 112 : index
    %swap3A_200 = tpu.vector_load %arg11[%swap3A_198, %swap3A_199] {strides = array<i32>} : memref<8x128xf32, #tpu.memory_space<vmem>>, vector<1x16xf32>,
    %swap3A_201 = vector.shape_cast %swap3A_200 : vector<1x16xf32> to vector<16xf32>
    %swap3A_202 = vector.shape_cast %broadcast_in_dim3A_11 : vector<16xf32> to vector<1x16xf32>
    tpu.vector_store %arg11[%swap3A_198, %swap3A_199], %swap3A_202 {strides = array<i32>} : memref<8x128xf32, #tpu.memory_space<vmem>>, vector<1x16xf32>,
    %swap3A_203 = arith.constant 4 : i32
    %swap3A_204 = arith.index_cast %swap3A_203 : i32 to index
    %swap3A_205 = arith.constant 0 : index
    %swap3A_206 = tpu.vector_load %arg11[%swap3A_204, %swap3A_205] {strides = array<i32>} : memref<8x128xf32, #tpu.memory_space<vmem>>, vector<1x16xf32>,
    %swap3A_207 = vector.shape_cast %swap3A_206 : vector<1x16xf32> to vector<16xf32>
    %swap3A_208 = vector.shape_cast %broadcast_in_dim3A_11 : vector<16xf32> to vector<1x16xf32>
    tpu.vector_store %arg11[%swap3A_204, %swap3A_205], %swap3A_208 {strides = array<i32>} : memref<8x128xf32, #tpu.memory_space<vmem>>, vector<1x16xf32>,
    %swap3A_209 = arith.constant 4 : i32
    %swap3A_210 = arith.index_cast %swap3A_209 : i32 to index
    %swap3A_211 = arith.constant 16 : index
    %swap3A_212 = tpu.vector_load %arg11[%swap3A_210, %swap3A_211] {strides = array<i32>} : memref<8x128xf32, #tpu.memory_space<vmem>>, vector<1x16xf32>,
    %swap3A_213 = vector.shape_cast %swap3A_212 : vector<1x16xf32> to vector<16xf32>
    %swap3A_214 = vector.shape_cast %broadcast_in_dim3A_11 : vector<16xf32> to vector<1x16xf32>
    tpu.vector_store %arg11[%swap3A_210, %swap3A_211], %swap3A_214 {strides = array<i32>} : memref<8x128xf32, #tpu.memory_space<vmem>>, vector<1x16xf32>,
    %swap3A_215 = arith.constant 4 : i32
    %swap3A_216 = arith.index_cast %swap3A_215 : i32 to index
    %swap3A_217 = arith.constant 32 : index
    %swap3A_218 = tpu.vector_load %arg11[%swap3A_216, %swap3A_217] {strides = array<i32>} : memref<8x128xf32, #tpu.memory_space<vmem>>, vector<1x16xf32>,
    %swap3A_219 = vector.shape_cast %swap3A_218 : vector<1x16xf32> to vector<16xf32>
    %swap3A_220 = vector.shape_cast %broadcast_in_dim3A_11 : vector<16xf32> to vector<1x16xf32>
    tpu.vector_store %arg11[%swap3A_216, %swap3A_217], %swap3A_220 {strides = array<i32>} : memref<8x128xf32, #tpu.memory_space<vmem>>, vector<1x16xf32>,
    %swap3A_221 = arith.constant 4 : i32
    %swap3A_222 = arith.index_cast %swap3A_221 : i32 to index
    %swap3A_223 = arith.constant 48 : index
    %swap3A_224 = tpu.vector_load %arg11[%swap3A_222, %swap3A_223] {strides = array<i32>} : memref<8x128xf32, #tpu.memory_space<vmem>>, vector<1x16xf32>,
    %swap3A_225 = vector.shape_cast %swap3A_224 : vector<1x16xf32> to vector<16xf32>
    %swap3A_226 = vector.shape_cast %broadcast_in_dim3A_11 : vector<16xf32> to vector<1x16xf32>
    tpu.vector_store %arg11[%swap3A_222, %swap3A_223], %swap3A_226 {strides = array<i32>} : memref<8x128xf32, #tpu.memory_space<vmem>>, vector<1x16xf32>,
    %swap3A_227 = arith.constant 4 : i32
    %swap3A_228 = arith.index_cast %swap3A_227 : i32 to index
    %swap3A_229 = arith.constant 64 : index
    %swap3A_230 = tpu.vector_load %arg11[%swap3A_228, %swap3A_229] {strides = array<i32>} : memref<8x128xf32, #tpu.memory_space<vmem>>, vector<1x16xf32>,
    %swap3A_231 = vector.shape_cast %swap3A_230 : vector<1x16xf32> to vector<16xf32>
    %swap3A_232 = vector.shape_cast %broadcast_in_dim3A_11 : vector<16xf32> to vector<1x16xf32>
    tpu.vector_store %arg11[%swap3A_228, %swap3A_229], %swap3A_232 {strides = array<i32>} : memref<8x128xf32, #tpu.memory_space<vmem>>, vector<1x16xf32>,
    %swap3A_233 = arith.constant 4 : i32
    %swap3A_234 = arith.index_cast %swap3A_233 : i32 to index
    %swap3A_235 = arith.constant 80 : index
    %swap3A_236 = tpu.vector_load %arg11[%swap3A_234, %swap3A_235] {strides = array<i32>} : memref<8x128xf32, #tpu.memory_space<vmem>>, vector<1x16xf32>,
    %swap3A_237 = vector.shape_cast %swap3A_236 : vector<1x16xf32> to vector<16xf32>
    %swap3A_238 = vector.shape_cast %broadcast_in_dim3A_11 : vector<16xf32> to vector<1x16xf32>
    tpu.vector_store %arg11[%swap3A_234, %swap3A_235], %swap3A_238 {strides = array<i32>} : memref<8x128xf32, #tpu.memory_space<vmem>>, vector<1x16xf32>,
    %swap3A_239 = arith.constant 4 : i32
    %swap3A_240 = arith.index_cast %swap3A_239 : i32 to index
    %swap3A_241 = arith.constant 96 : index
    %swap3A_242 = tpu.vector_load %arg11[%swap3A_240, %swap3A_241] {strides = array<i32>} : memref<8x128xf32, #tpu.memory_space<vmem>>, vector<1x16xf32>,
    %swap3A_243 = vector.shape_cast %swap3A_242 : vector<1x16xf32> to vector<16xf32>
    %swap3A_244 = vector.shape_cast %broadcast_in_dim3A_11 : vector<16xf32> to vector<1x16xf32>
    tpu.vector_store %arg11[%swap3A_240, %swap3A_241], %swap3A_244 {strides = array<i32>} : memref<8x128xf32, #tpu.memory_space<vmem>>, vector<1x16xf32>,
    %swap3A_245 = arith.constant 4 : i32
    %swap3A_246 = arith.index_cast %swap3A_245 : i32 to index
    %swap3A_247 = arith.constant 112 : index
    %swap3A_248 = tpu.vector_load %arg11[%swap3A_246, %swap3A_247] {strides = array<i32>} : memref<8x128xf32, #tpu.memory_space<vmem>>, vector<1x16xf32>,
    %swap3A_249 = vector.shape_cast %swap3A_248 : vector<1x16xf32> to vector<16xf32>
    %swap3A_250 = vector.shape_cast %broadcast_in_dim3A_11 : vector<16xf32> to vector<1x16xf32>
    tpu.vector_store %arg11[%swap3A_246, %swap3A_247], %swap3A_250 {strides = array<i32>} : memref<8x128xf32, #tpu.memory_space<vmem>>, vector<1x16xf32>,
    %swap3A_251 = arith.constant 5 : i32
    %swap3A_252 = arith.index_cast %swap3A_251 : i32 to index
    %swap3A_253 = arith.constant 0 : index
    %swap3A_254 = tpu.vector_load %arg11[%swap3A_252, %swap3A_253] {strides = array<i32>} : memref<8x128xf32, #tpu.memory_space<vmem>>, vector<1x16xf32>,
    %swap3A_255 = vector.shape_cast %swap3A_254 : vector<1x16xf32> to vector<16xf32>
    %swap3A_256 = vector.shape_cast %broadcast_in_dim3A_11 : vector<16xf32> to vector<1x16xf32>
    tpu.vector_store %arg11[%swap3A_252, %swap3A_253], %swap3A_256 {strides = array<i32>} : memref<8x128xf32, #tpu.memory_space<vmem>>, vector<1x16xf32>,
    %swap3A_257 = arith.constant 5 : i32
    %swap3A_258 = arith.index_cast %swap3A_257 : i32 to index
    %swap3A_259 = arith.constant 16 : index
    %swap3A_260 = tpu.vector_load %arg11[%swap3A_258, %swap3A_259] {strides = array<i32>} : memref<8x128xf32, #tpu.memory_space<vmem>>, vector<1x16xf32>,
    %swap3A_261 = vector.shape_cast %swap3A_260 : vector<1x16xf32> to vector<16xf32>
    %swap3A_262 = vector.shape_cast %broadcast_in_dim3A_11 : vector<16xf32> to vector<1x16xf32>
    tpu.vector_store %arg11[%swap3A_258, %swap3A_259], %swap3A_262 {strides = array<i32>} : memref<8x128xf32, #tpu.memory_space<vmem>>, vector<1x16xf32>,
    %swap3A_263 = arith.constant 5 : i32
    %swap3A_264 = arith.index_cast %swap3A_263 : i32 to index
    %swap3A_265 = arith.constant 32 : index
    %swap3A_266 = tpu.vector_load %arg11[%swap3A_264, %swap3A_265] {strides = array<i32>} : memref<8x128xf32, #tpu.memory_space<vmem>>, vector<1x16xf32>,
    %swap3A_267 = vector.shape_cast %swap3A_266 : vector<1x16xf32> to vector<16xf32>
    %swap3A_268 = vector.shape_cast %broadcast_in_dim3A_11 : vector<16xf32> to vector<1x16xf32>
    tpu.vector_store %arg11[%swap3A_264, %swap3A_265], %swap3A_268 {strides = array<i32>} : memref<8x128xf32, #tpu.memory_space<vmem>>, vector<1x16xf32>,
    %swap3A_269 = arith.constant 5 : i32
    %swap3A_270 = arith.index_cast %swap3A_269 : i32 to index
    %swap3A_271 = arith.constant 48 : index
    %swap3A_272 = tpu.vector_load %arg11[%swap3A_270, %swap3A_271] {strides = array<i32>} : memref<8x128xf32, #tpu.memory_space<vmem>>, vector<1x16xf32>,
    %swap3A_273 = vector.shape_cast %swap3A_272 : vector<1x16xf32> to vector<16xf32>
    %swap3A_274 = vector.shape_cast %broadcast_in_dim3A_11 : vector<16xf32> to vector<1x16xf32>
    tpu.vector_store %arg11[%swap3A_270, %swap3A_271], %swap3A_274 {strides = array<i32>} : memref<8x128xf32, #tpu.memory_space<vmem>>, vector<1x16xf32>,
    %swap3A_275 = arith.constant 5 : i32
    %swap3A_276 = arith.index_cast %swap3A_275 : i32 to index
    %swap3A_277 = arith.constant 64 : index
    %swap3A_278 = tpu.vector_load %arg11[%swap3A_276, %swap3A_277] {strides = array<i32>} : memref<8x128xf32, #tpu.memory_space<vmem>>, vector<1x16xf32>,
    %swap3A_279 = vector.shape_cast %swap3A_278 : vector<1x16xf32> to vector<16xf32>
    %swap3A_280 = vector.shape_cast %broadcast_in_dim3A_11 : vector<16xf32> to vector<1x16xf32>
    tpu.vector_store %arg11[%swap3A_276, %swap3A_277], %swap3A_280 {strides = array<i32>} : memref<8x128xf32, #tpu.memory_space<vmem>>, vector<1x16xf32>,
    %swap3A_281 = arith.constant 5 : i32
    %swap3A_282 = arith.index_cast %swap3A_281 : i32 to index
    %swap3A_283 = arith.constant 80 : index
    %swap3A_284 = tpu.vector_load %arg11[%swap3A_282, %swap3A_283] {strides = array<i32>} : memref<8x128xf32, #tpu.memory_space<vmem>>, vector<1x16xf32>,
    %swap3A_285 = vector.shape_cast %swap3A_284 : vector<1x16xf32> to vector<16xf32>
    %swap3A_286 = vector.shape_cast %broadcast_in_dim3A_11 : vector<16xf32> to vector<1x16xf32>
    tpu.vector_store %arg11[%swap3A_282, %swap3A_283], %swap3A_286 {strides = array<i32>} : memref<8x128xf32, #tpu.memory_space<vmem>>, vector<1x16xf32>,
    %swap3A_287 = arith.constant 5 : i32
    %swap3A_288 = arith.index_cast %swap3A_287 : i32 to index
    %swap3A_289 = arith.constant 96 : index
    %swap3A_290 = tpu.vector_load %arg11[%swap3A_288, %swap3A_289] {strides = array<i32>} : memref<8x128xf32, #tpu.memory_space<vmem>>, vector<1x16xf32>,
    %swap3A_291 = vector.shape_cast %swap3A_290 : vector<1x16xf32> to vector<16xf32>
    %swap3A_292 = vector.shape_cast %broadcast_in_dim3A_11 : vector<16xf32> to vector<1x16xf32>
    tpu.vector_store %arg11[%swap3A_288, %swap3A_289], %swap3A_292 {strides = array<i32>} : memref<8x128xf32, #tpu.memory_space<vmem>>, vector<1x16xf32>,
    %swap3A_293 = arith.constant 5 : i32
    %swap3A_294 = arith.index_cast %swap3A_293 : i32 to index
    %swap3A_295 = arith.constant 112 : index
    %swap3A_296 = tpu.vector_load %arg11[%swap3A_294, %swap3A_295] {strides = array<i32>} : memref<8x128xf32, #tpu.memory_space<vmem>>, vector<1x16xf32>,
    %swap3A_297 = vector.shape_cast %swap3A_296 : vector<1x16xf32> to vector<16xf32>
    %swap3A_298 = vector.shape_cast %broadcast_in_dim3A_11 : vector<16xf32> to vector<1x16xf32>
    tpu.vector_store %arg11[%swap3A_294, %swap3A_295], %swap3A_298 {strides = array<i32>} : memref<8x128xf32, #tpu.memory_space<vmem>>, vector<1x16xf32>,
    %swap3A_299 = arith.constant 6 : i32
    %swap3A_300 = arith.index_cast %swap3A_299 : i32 to index
    %swap3A_301 = arith.constant 0 : index
    %swap3A_302 = tpu.vector_load %arg11[%swap3A_300, %swap3A_301] {strides = array<i32>} : memref<8x128xf32, #tpu.memory_space<vmem>>, vector<1x16xf32>,
    %swap3A_303 = vector.shape_cast %swap3A_302 : vector<1x16xf32> to vector<16xf32>
    %swap3A_304 = vector.shape_cast %broadcast_in_dim3A_11 : vector<16xf32> to vector<1x16xf32>
    tpu.vector_store %arg11[%swap3A_300, %swap3A_301], %swap3A_304 {strides = array<i32>} : memref<8x128xf32, #tpu.memory_space<vmem>>, vector<1x16xf32>,
    %swap3A_305 = arith.constant 6 : i32
    %swap3A_306 = arith.index_cast %swap3A_305 : i32 to index
    %swap3A_307 = arith.constant 16 : index
    %swap3A_308 = tpu.vector_load %arg11[%swap3A_306, %swap3A_307] {strides = array<i32>} : memref<8x128xf32, #tpu.memory_space<vmem>>, vector<1x16xf32>,
    %swap3A_309 = vector.shape_cast %swap3A_308 : vector<1x16xf32> to vector<16xf32>
    %swap3A_310 = vector.shape_cast %broadcast_in_dim3A_11 : vector<16xf32> to vector<1x16xf32>
    tpu.vector_store %arg11[%swap3A_306, %swap3A_307], %swap3A_310 {strides = array<i32>} : memref<8x128xf32, #tpu.memory_space<vmem>>, vector<1x16xf32>,
    %swap3A_311 = arith.constant 6 : i32
    %swap3A_312 = arith.index_cast %swap3A_311 : i32 to index
    %swap3A_313 = arith.constant 32 : index
    %swap3A_314 = tpu.vector_load %arg11[%swap3A_312, %swap3A_313] {strides = array<i32>} : memref<8x128xf32, #tpu.memory_space<vmem>>, vector<1x16xf32>,
    %swap3A_315 = vector.shape_cast %swap3A_314 : vector<1x16xf32> to vector<16xf32>
    %swap3A_316 = vector.shape_cast %broadcast_in_dim3A_11 : vector<16xf32> to vector<1x16xf32>
    tpu.vector_store %arg11[%swap3A_312, %swap3A_313], %swap3A_316 {strides = array<i32>} : memref<8x128xf32, #tpu.memory_space<vmem>>, vector<1x16xf32>,
    %swap3A_317 = arith.constant 6 : i32
    %swap3A_318 = arith.index_cast %swap3A_317 : i32 to index
    %swap3A_319 = arith.constant 48 : index
    %swap3A_320 = tpu.vector_load %arg11[%swap3A_318, %swap3A_319] {strides = array<i32>} : memref<8x128xf32, #tpu.memory_space<vmem>>, vector<1x16xf32>,
    %swap3A_321 = vector.shape_cast %swap3A_320 : vector<1x16xf32> to vector<16xf32>
    %swap3A_322 = vector.shape_cast %broadcast_in_dim3A_11 : vector<16xf32> to vector<1x16xf32>
    tpu.vector_store %arg11[%swap3A_318, %swap3A_319], %swap3A_322 {strides = array<i32>} : memref<8x128xf32, #tpu.memory_space<vmem>>, vector<1x16xf32>,
    %swap3A_323 = arith.constant 6 : i32
    %swap3A_324 = arith.index_cast %swap3A_323 : i32 to index
    %swap3A_325 = arith.constant 64 : index
    %swap3A_326 = tpu.vector_load %arg11[%swap3A_324, %swap3A_325] {strides = array<i32>} : memref<8x128xf32, #tpu.memory_space<vmem>>, vector<1x16xf32>,
    %swap3A_327 = vector.shape_cast %swap3A_326 : vector<1x16xf32> to vector<16xf32>
    %swap3A_328 = vector.shape_cast %broadcast_in_dim3A_11 : vector<16xf32> to vector<1x16xf32>
    tpu.vector_store %arg11[%swap3A_324, %swap3A_325], %swap3A_328 {strides = array<i32>} : memref<8x128xf32, #tpu.memory_space<vmem>>, vector<1x16xf32>,
    %swap3A_329 = arith.constant 6 : i32
    %swap3A_330 = arith.index_cast %swap3A_329 : i32 to index
    %swap3A_331 = arith.constant 80 : index
    %swap3A_332 = tpu.vector_load %arg11[%swap3A_330, %swap3A_331] {strides = array<i32>} : memref<8x128xf32, #tpu.memory_space<vmem>>, vector<1x16xf32>,
    %swap3A_333 = vector.shape_cast %swap3A_332 : vector<1x16xf32> to vector<16xf32>
    %swap3A_334 = vector.shape_cast %broadcast_in_dim3A_11 : vector<16xf32> to vector<1x16xf32>
    tpu.vector_store %arg11[%swap3A_330, %swap3A_331], %swap3A_334 {strides = array<i32>} : memref<8x128xf32, #tpu.memory_space<vmem>>, vector<1x16xf32>,
    %swap3A_335 = arith.constant 6 : i32
    %swap3A_336 = arith.index_cast %swap3A_335 : i32 to index
    %swap3A_337 = arith.constant 96 : index
    %swap3A_338 = tpu.vector_load %arg11[%swap3A_336, %swap3A_337] {strides = array<i32>} : memref<8x128xf32, #tpu.memory_space<vmem>>, vector<1x16xf32>,
    %swap3A_339 = vector.shape_cast %swap3A_338 : vector<1x16xf32> to vector<16xf32>
    %swap3A_340 = vector.shape_cast %broadcast_in_dim3A_11 : vector<16xf32> to vector<1x16xf32>
    tpu.vector_store %arg11[%swap3A_336, %swap3A_337], %swap3A_340 {strides = array<i32>} : memref<8x128xf32, #tpu.memory_space<vmem>>, vector<1x16xf32>,
    %swap3A_341 = arith.constant 6 : i32
    %swap3A_342 = arith.index_cast %swap3A_341 : i32 to index
    %swap3A_343 = arith.constant 112 : index
    %swap3A_344 = tpu.vector_load %arg11[%swap3A_342, %swap3A_343] {strides = array<i32>} : memref<8x128xf32, #tpu.memory_space<vmem>>, vector<1x16xf32>,
    %swap3A_345 = vector.shape_cast %swap3A_344 : vector<1x16xf32> to vector<16xf32>
    %swap3A_346 = vector.shape_cast %broadcast_in_dim3A_11 : vector<16xf32> to vector<1x16xf32>
    tpu.vector_store %arg11[%swap3A_342, %swap3A_343], %swap3A_346 {strides = array<i32>} : memref<8x128xf32, #tpu.memory_space<vmem>>, vector<1x16xf32>,
    %swap3A_347 = arith.constant 7 : i32
    %swap3A_348 = arith.index_cast %swap3A_347 : i32 to index
    %swap3A_349 = arith.constant 0 : index
    %swap3A_350 = tpu.vector_load %arg11[%swap3A_348, %swap3A_349] {strides = array<i32>} : memref<8x128xf32, #tpu.memory_space<vmem>>, vector<1x16xf32>,
    %swap3A_351 = vector.shape_cast %swap3A_350 : vector<1x16xf32> to vector<16xf32>
    %swap3A_352 = vector.shape_cast %broadcast_in_dim3A_11 : vector<16xf32> to vector<1x16xf32>
    tpu.vector_store %arg11[%swap3A_348, %swap3A_349], %swap3A_352 {strides = array<i32>} : memref<8x128xf32, #tpu.memory_space<vmem>>, vector<1x16xf32>,
    %swap3A_353 = arith.constant 7 : i32
    %swap3A_354 = arith.index_cast %swap3A_353 : i32 to index
    %swap3A_355 = arith.constant 16 : index
    %swap3A_356 = tpu.vector_load %arg11[%swap3A_354, %swap3A_355] {strides = array<i32>} : memref<8x128xf32, #tpu.memory_space<vmem>>, vector<1x16xf32>,
    %swap3A_357 = vector.shape_cast %swap3A_356 : vector<1x16xf32> to vector<16xf32>
    %swap3A_358 = vector.shape_cast %broadcast_in_dim3A_11 : vector<16xf32> to vector<1x16xf32>
    tpu.vector_store %arg11[%swap3A_354, %swap3A_355], %swap3A_358 {strides = array<i32>} : memref<8x128xf32, #tpu.memory_space<vmem>>, vector<1x16xf32>,
    %swap3A_359 = arith.constant 7 : i32
    %swap3A_360 = arith.index_cast %swap3A_359 : i32 to index
    %swap3A_361 = arith.constant 32 : index
    %swap3A_362 = tpu.vector_load %arg11[%swap3A_360, %swap3A_361] {strides = array<i32>} : memref<8x128xf32, #tpu.memory_space<vmem>>, vector<1x16xf32>,
    %swap3A_363 = vector.shape_cast %swap3A_362 : vector<1x16xf32> to vector<16xf32>
    %swap3A_364 = vector.shape_cast %broadcast_in_dim3A_11 : vector<16xf32> to vector<1x16xf32>
    tpu.vector_store %arg11[%swap3A_360, %swap3A_361], %swap3A_364 {strides = array<i32>} : memref<8x128xf32, #tpu.memory_space<vmem>>, vector<1x16xf32>,
    %swap3A_365 = arith.constant 7 : i32
    %swap3A_366 = arith.index_cast %swap3A_365 : i32 to index
    %swap3A_367 = arith.constant 48 : index
    %swap3A_368 = tpu.vector_load %arg11[%swap3A_366, %swap3A_367] {strides = array<i32>} : memref<8x128xf32, #tpu.memory_space<vmem>>, vector<1x16xf32>,
    %swap3A_369 = vector.shape_cast %swap3A_368 : vector<1x16xf32> to vector<16xf32>
    %swap3A_370 = vector.shape_cast %broadcast_in_dim3A_11 : vector<16xf32> to vector<1x16xf32>
    tpu.vector_store %arg11[%swap3A_366, %swap3A_367], %swap3A_370 {strides = array<i32>} : memref<8x128xf32, #tpu.memory_space<vmem>>, vector<1x16xf32>,
    %swap3A_371 = arith.constant 7 : i32
    %swap3A_372 = arith.index_cast %swap3A_371 : i32 to index
    %swap3A_373 = arith.constant 64 : index
    %swap3A_374 = tpu.vector_load %arg11[%swap3A_372, %swap3A_373] {strides = array<i32>} : memref<8x128xf32, #tpu.memory_space<vmem>>, vector<1x16xf32>,
    %swap3A_375 = vector.shape_cast %swap3A_374 : vector<1x16xf32> to vector<16xf32>
    %swap3A_376 = vector.shape_cast %broadcast_in_dim3A_11 : vector<16xf32> to vector<1x16xf32>
    tpu.vector_store %arg11[%swap3A_372, %swap3A_373], %swap3A_376 {strides = array<i32>} : memref<8x128xf32, #tpu.memory_space<vmem>>, vector<1x16xf32>,
    %swap3A_377 = arith.constant 7 : i32
    %swap3A_378 = arith.index_cast %swap3A_377 : i32 to index
    %swap3A_379 = arith.constant 80 : index
    %swap3A_380 = tpu.vector_load %arg11[%swap3A_378, %swap3A_379] {strides = array<i32>} : memref<8x128xf32, #tpu.memory_space<vmem>>, vector<1x16xf32>,
    %swap3A_381 = vector.shape_cast %swap3A_380 : vector<1x16xf32> to vector<16xf32>
    %swap3A_382 = vector.shape_cast %broadcast_in_dim3A_11 : vector<16xf32> to vector<1x16xf32>
    tpu.vector_store %arg11[%swap3A_378, %swap3A_379], %swap3A_382 {strides = array<i32>} : memref<8x128xf32, #tpu.memory_space<vmem>>, vector<1x16xf32>,
    %swap3A_383 = arith.constant 7 : i32
    %swap3A_384 = arith.index_cast %swap3A_383 : i32 to index
    %swap3A_385 = arith.constant 96 : index
    %swap3A_386 = tpu.vector_load %arg11[%swap3A_384, %swap3A_385] {strides = array<i32>} : memref<8x128xf32, #tpu.memory_space<vmem>>, vector<1x16xf32>,
    %swap3A_387 = vector.shape_cast %swap3A_386 : vector<1x16xf32> to vector<16xf32>
    %swap3A_388 = vector.shape_cast %broadcast_in_dim3A_11 : vector<16xf32> to vector<1x16xf32>
    tpu.vector_store %arg11[%swap3A_384, %swap3A_385], %swap3A_388 {strides = array<i32>} : memref<8x128xf32, #tpu.memory_space<vmem>>, vector<1x16xf32>,
    %swap3A_389 = arith.constant 7 : i32
    %swap3A_390 = arith.index_cast %swap3A_389 : i32 to index
    %swap3A_391 = arith.constant 112 : index
    %swap3A_392 = tpu.vector_load %arg11[%swap3A_390, %swap3A_391] {strides = array<i32>} : memref<8x128xf32, #tpu.memory_space<vmem>>, vector<1x16xf32>,
    %swap3A_393 = vector.shape_cast %swap3A_392 : vector<1x16xf32> to vector<16xf32>
    %swap3A_394 = vector.shape_cast %broadcast_in_dim3A_11 : vector<16xf32> to vector<1x16xf32>
    tpu.vector_store %arg11[%swap3A_390, %swap3A_391], %swap3A_394 {strides = array<i32>} : memref<8x128xf32, #tpu.memory_space<vmem>>, vector<1x16xf32>,
    %scan3A = arith.constant 0 : i32
    %scan3A_395 = arith.constant 0 : i32
    %scan3A_396 = arith.constant 80 : i32
    %scan3A_397 = arith.addi %scan3A_395, %scan3A_396 : i32
    %scan3A_398 = arith.constant 1 : i32
    %scan3A_399 = scf.for %scan3A_416 = %scan3A_395 to %scan3A_397 step %scan3A_398 iter_args(%scan3A_417 = %scan3A) -> (i32)  : i32 {
      %mul3A_418 = arith.constant 8 : i32
      %mul3A_419 = arith.muli %scan3A_416, %mul3A_418 : i32
      %add3A_420 = arith.addi %mul3A_0, %mul3A_419 : i32
      "tpu.region"() ({
        %run_scoped3A = tpu.sem_alloc : memref<!tpu.dma_semaphore, #tpu.memory_space<semaphore_mem>>
        %dma_start3A = arith.constant 0 : i32
        %dma_start3A_422 = tpu.memref_slice %arg12[%add3A_420, %dma_start3A] : memref<10240x128xf32, #tpu.memory_space<vmem_shared>> -> memref<8x128xf32, #tpu.memory_space<vmem_shared>>
        %dma_start3A_423 = arith.constant 0 : i32
        %dma_start3A_424 = tpu.memref_slice %arg12[%add3A_420, %dma_start3A_423] : memref<10240x128xf32, #tpu.memory_space<vmem_shared>> -> memref<8x128xf32, #tpu.memory_space<vmem_shared>>
        tpu.enqueue_dma source(%arg11 : memref<8x128xf32, #tpu.memory_space<vmem>>) target(%dma_start3A_424 : memref<8x128xf32, #tpu.memory_space<vmem_shared>>) target_semaphore(%run_scoped3A : memref<!tpu.dma_semaphore, #tpu.memory_space<semaphore_mem>>)
        %dma_wait3A = arith.constant 0 : i32
        %dma_wait3A_425 = tpu.memref_slice %arg12[%add3A_420, %dma_wait3A] : memref<10240x128xf32, #tpu.memory_space<vmem_shared>> -> memref<8x128xf32, #tpu.memory_space<vmem_shared>>
        %dma_wait3A_426 = arith.constant 0 : i32
        %dma_wait3A_427 = tpu.memref_slice %arg12[%add3A_420, %dma_wait3A_426] : memref<10240x128xf32, #tpu.memory_space<vmem_shared>> -> memref<8x128xf32, #tpu.memory_space<vmem_shared>>
        tpu.wait_dma2 semaphore(%run_scoped3A : memref<!tpu.dma_semaphore, #tpu.memory_space<semaphore_mem>>) src(%arg11 : memref<8x128xf32, #tpu.memory_space<vmem>>) dst(%dma_wait3A_427 : memref<8x128xf32, #tpu.memory_space<vmem_shared>>)
        tpu.yield
      }) : () -> ()
      %scan3A_421 = arith.constant 0 : i32
      scf.yield %scan3A_421 : i32
    }
    %scan3A_400 = arith.constant 80 : i32
    %barrier3A = arith.constant 0 : index
    tpu.barrier barrier_id(%barrier3A)
    %while3A = arith.constant 0 : i32
    %while3A_401 = arith.constant 0 : i32
    %while3A_402 = arith.subi %select_n3A_10, %while3A : i32
    %while3A_403 = arith.addi %while3A, %while3A_402 : i32
    %while3A_404 = arith.constant 1 : i32
    %while3A_405 = arith.divsi %while3A_402, %while3A_404 : i32
    %while3A_406 = arith.muli %while3A_405, %while3A_404 : i32
    %while3A_407 = arith.addi %while3A, %while3A_406 : i32
    %while3A_408 = arith.constant 1 : i32
    %while3A_409 = scf.for %while3A_416 = %while3A to %while3A_407 step %while3A_408 iter_args(%while3A_417 = %while3A_401) -> (i32)  : i32 {
      %mul3A_418 = arith.constant 8 : i32
      %mul3A_419 = arith.muli %while3A_416, %mul3A_418 : i32
      %add3A_420 = arith.addi %select_n3A, %mul3A_419 : i32
      "tpu.region"() ({
        %run_scoped3A_539 = tpu.sem_alloc : memref<!tpu.dma_semaphore, #tpu.memory_space<semaphore_mem>>
        %dma_start3A_540 = arith.constant 0 : i32
        %dma_start3A_541 = tpu.memref_slice %arg3[%add3A_420, %dma_start3A_540] : memref<2560x128xi32, #tpu.memory_space<hbm>> -> memref<8x128xi32, #tpu.memory_space<hbm>>
        %dma_start3A_542 = arith.constant 0 : i32
        %dma_start3A_543 = tpu.memref_slice %arg3[%add3A_420, %dma_start3A_542] : memref<2560x128xi32, #tpu.memory_space<hbm>> -> memref<8x128xi32, #tpu.memory_space<hbm>>
        tpu.enqueue_dma source(%dma_start3A_543 : memref<8x128xi32, #tpu.memory_space<hbm>>) target(%arg7 : memref<8x128xi32, #tpu.memory_space<vmem>>) target_semaphore(%run_scoped3A_539 : memref<!tpu.dma_semaphore, #tpu.memory_space<semaphore_mem>>)
        %dma_wait3A_544 = arith.constant 0 : i32
        %dma_wait3A_545 = tpu.memref_slice %arg3[%add3A_420, %dma_wait3A_544] : memref<2560x128xi32, #tpu.memory_space<hbm>> -> memref<8x128xi32, #tpu.memory_space<hbm>>
        %dma_wait3A_546 = arith.constant 0 : i32
        %dma_wait3A_547 = tpu.memref_slice %arg3[%add3A_420, %dma_wait3A_546] : memref<2560x128xi32, #tpu.memory_space<hbm>> -> memref<8x128xi32, #tpu.memory_space<hbm>>
        tpu.wait_dma2 semaphore(%run_scoped3A_539 : memref<!tpu.dma_semaphore, #tpu.memory_space<semaphore_mem>>) src(%dma_wait3A_547 : memref<8x128xi32, #tpu.memory_space<hbm>>) dst(%arg7 : memref<8x128xi32, #tpu.memory_space<vmem>>)
        tpu.yield
      }) : () -> ()
      "tpu.region"() ({
        %run_scoped3A_539 = tpu.sem_alloc : memref<!tpu.dma_semaphore, #tpu.memory_space<semaphore_mem>>
        %dma_start3A_540 = arith.constant 0 : i32
        %dma_start3A_541 = tpu.memref_slice %arg4[%add3A_420, %dma_start3A_540] : memref<2560x128xi32, #tpu.memory_space<hbm>> -> memref<8x128xi32, #tpu.memory_space<hbm>>
        %dma_start3A_542 = arith.constant 0 : i32
        %dma_start3A_543 = tpu.memref_slice %arg4[%add3A_420, %dma_start3A_542] : memref<2560x128xi32, #tpu.memory_space<hbm>> -> memref<8x128xi32, #tpu.memory_space<hbm>>
        tpu.enqueue_dma source(%dma_start3A_543 : memref<8x128xi32, #tpu.memory_space<hbm>>) target(%arg8 : memref<8x128xi32, #tpu.memory_space<vmem>>) target_semaphore(%run_scoped3A_539 : memref<!tpu.dma_semaphore, #tpu.memory_space<semaphore_mem>>)
        %dma_wait3A_544 = arith.constant 0 : i32
        %dma_wait3A_545 = tpu.memref_slice %arg4[%add3A_420, %dma_wait3A_544] : memref<2560x128xi32, #tpu.memory_space<hbm>> -> memref<8x128xi32, #tpu.memory_space<hbm>>
        %dma_wait3A_546 = arith.constant 0 : i32
        %dma_wait3A_547 = tpu.memref_slice %arg4[%add3A_420, %dma_wait3A_546] : memref<2560x128xi32, #tpu.memory_space<hbm>> -> memref<8x128xi32, #tpu.memory_space<hbm>>
        tpu.wait_dma2 semaphore(%run_scoped3A_539 : memref<!tpu.dma_semaphore, #tpu.memory_space<semaphore_mem>>) src(%dma_wait3A_547 : memref<8x128xi32, #tpu.memory_space<hbm>>) dst(%arg8 : memref<8x128xi32, #tpu.memory_space<vmem>>)
        tpu.yield
      }) : () -> ()
      %dma_start3A = arith.constant 0 : i32
      %dma_start3A_421 = arith.constant 0 : i32
      %dma_start3A_422 = tpu.memref_slice %arg7[%dma_start3A, %dma_start3A_421] : memref<8x128xi32, #tpu.memory_space<vmem>> -> memref<1x128xi32, #tpu.memory_space<vmem>>
      %dma_start3A_423 = tpu.memref_squeeze %dma_start3A_422 : memref<1x128xi32, #tpu.memory_space<vmem>> -> memref<128xi32, #tpu.memory_space<vmem>>
      %dma_start3A_424 = arith.constant 0 : i32
      %dma_start3A_425 = arith.constant 0 : i32
      %dma_start3A_426 = tpu.memref_slice %arg2[%dma_start3A_424, %dma_start3A_425] : memref<10000x128xf32, #tpu.memory_space<hbm>> -> memref<10000x128xf32, #tpu.memory_space<hbm>>
      tpu.enqueue_indirect_dma source(%dma_start3A_426 : memref<10000x128xf32, #tpu.memory_space<hbm>>) target(%arg9 : memref<128x128xf32, #tpu.memory_space<vmem>>) offsets(%dma_start3A_423 : memref<128xi32, #tpu.memory_space<vmem>>) semaphore(%arg13 : memref<!tpu.dma_semaphore, #tpu.memory_space<semaphore_mem>>)
      %dma_start3A_427 = arith.constant 1 : i32
      %dma_start3A_428 = arith.constant 0 : i32
      %dma_start3A_429 = tpu.memref_slice %arg7[%dma_start3A_427, %dma_start3A_428] : memref<8x128xi32, #tpu.memory_space<vmem>> -> memref<1x128xi32, #tpu.memory_space<vmem>>
      %dma_start3A_430 = tpu.memref_squeeze %dma_start3A_429 : memref<1x128xi32, #tpu.memory_space<vmem>> -> memref<128xi32, #tpu.memory_space<vmem>>
      %dma_start3A_431 = arith.constant 0 : i32
      %dma_start3A_432 = arith.constant 0 : i32
      %dma_start3A_433 = tpu.memref_slice %arg2[%dma_start3A_431, %dma_start3A_432] : memref<10000x128xf32, #tpu.memory_space<hbm>> -> memref<10000x128xf32, #tpu.memory_space<hbm>>
      tpu.enqueue_indirect_dma source(%dma_start3A_433 : memref<10000x128xf32, #tpu.memory_space<hbm>>) target(%arg10 : memref<128x128xf32, #tpu.memory_space<vmem>>) offsets(%dma_start3A_430 : memref<128xi32, #tpu.memory_space<vmem>>) semaphore(%arg14 : memref<!tpu.dma_semaphore, #tpu.memory_space<semaphore_mem>>)
      %dma_wait3A = arith.constant 0 : i32
      %dma_wait3A_434 = arith.constant 0 : i32
      %dma_wait3A_435 = tpu.memref_slice %arg7[%dma_wait3A, %dma_wait3A_434] : memref<8x128xi32, #tpu.memory_space<vmem>> -> memref<1x128xi32, #tpu.memory_space<vmem>>
      %dma_wait3A_436 = tpu.memref_squeeze %dma_wait3A_435 : memref<1x128xi32, #tpu.memory_space<vmem>> -> memref<128xi32, #tpu.memory_space<vmem>>
      %dma_wait3A_437 = arith.constant 0 : i32
      %dma_wait3A_438 = arith.constant 0 : i32
      %dma_wait3A_439 = tpu.memref_slice %arg2[%dma_wait3A_437, %dma_wait3A_438] : memref<10000x128xf32, #tpu.memory_space<hbm>> -> memref<10000x128xf32, #tpu.memory_space<hbm>>
      tpu.wait_indirect_dma semaphore(%arg13 : memref<!tpu.dma_semaphore, #tpu.memory_space<semaphore_mem>>) src(%dma_wait3A_439 : memref<10000x128xf32, #tpu.memory_space<hbm>>) dst(%arg9 : memref<128x128xf32, #tpu.memory_space<vmem>>)
      %run_scoped3A = arith.constant 0 : i32
      "tpu.region"() ({
        %run_scoped3A_539 = tpu.sem_alloc : memref<!tpu.dma_semaphore, #tpu.memory_space<semaphore_mem>>
        %dma_start3A_540 = arith.constant 0 : i32
        %dma_start3A_541 = tpu.memref_slice %arg8[%run_scoped3A, %dma_start3A_540] : memref<8x128xi32, #tpu.memory_space<vmem>> -> memref<1x128xi32, #tpu.memory_space<vmem>>
        %dma_start3A_542 = tpu.memref_squeeze %dma_start3A_541 : memref<1x128xi32, #tpu.memory_space<vmem>> -> memref<128xi32, #tpu.memory_space<vmem>>
        %dma_start3A_543 = arith.constant 0 : i32
        %dma_start3A_544 = arith.constant 0 : i32
        %dma_start3A_545 = tpu.memref_slice %arg12[%dma_start3A_543, %dma_start3A_544] : memref<10240x128xf32, #tpu.memory_space<vmem_shared>> -> memref<10240x128xf32, #tpu.memory_space<vmem_shared>>
        tpu.enqueue_indirect_dma source(%arg9 : memref<128x128xf32, #tpu.memory_space<vmem>>) target(%dma_start3A_545 : memref<10240x128xf32, #tpu.memory_space<vmem_shared>>) offsets(%dma_start3A_542 : memref<128xi32, #tpu.memory_space<vmem>>) semaphore(%run_scoped3A_539 : memref<!tpu.dma_semaphore, #tpu.memory_space<semaphore_mem>>) {add = true}
        %dma_wait3A_546 = arith.constant 0 : i32
        %dma_wait3A_547 = tpu.memref_slice %arg8[%run_scoped3A, %dma_wait3A_546] : memref<8x128xi32, #tpu.memory_space<vmem>> -> memref<1x128xi32, #tpu.memory_space<vmem>>
        %dma_wait3A_548 = tpu.memref_squeeze %dma_wait3A_547 : memref<1x128xi32, #tpu.memory_space<vmem>> -> memref<128xi32, #tpu.memory_space<vmem>>
        %dma_wait3A_549 = arith.constant 0 : i32
        %dma_wait3A_550 = arith.constant 0 : i32
        %dma_wait3A_551 = tpu.memref_slice %arg12[%dma_wait3A_549, %dma_wait3A_550] : memref<10240x128xf32, #tpu.memory_space<vmem_shared>> -> memref<10240x128xf32, #tpu.memory_space<vmem_shared>>
        tpu.wait_indirect_dma semaphore(%run_scoped3A_539 : memref<!tpu.dma_semaphore, #tpu.memory_space<semaphore_mem>>) src(%arg9 : memref<128x128xf32, #tpu.memory_space<vmem>>) dst(%dma_wait3A_551 : memref<10240x128xf32, #tpu.memory_space<vmem_shared>>)
        tpu.yield
      }) : () -> ()
      %dma_start3A_440 = arith.constant 2 : i32
      %dma_start3A_441 = arith.constant 0 : i32
      %dma_start3A_442 = tpu.memref_slice %arg7[%dma_start3A_440, %dma_start3A_441] : memref<8x128xi32, #tpu.memory_space<vmem>> -> memref<1x128xi32, #tpu.memory_space<vmem>>
      %dma_start3A_443 = tpu.memref_squeeze %dma_start3A_442 : memref<1x128xi32, #tpu.memory_space<vmem>> -> memref<128xi32, #tpu.memory_space<vmem>>
      %dma_start3A_444 = arith.constant 0 : i32
      %dma_start3A_445 = arith.constant 0 : i32
      %dma_start3A_446 = tpu.memref_slice %arg2[%dma_start3A_444, %dma_start3A_445] : memref<10000x128xf32, #tpu.memory_space<hbm>> -> memref<10000x128xf32, #tpu.memory_space<hbm>>
      tpu.enqueue_indirect_dma source(%dma_start3A_446 : memref<10000x128xf32, #tpu.memory_space<hbm>>) target(%arg9 : memref<128x128xf32, #tpu.memory_space<vmem>>) offsets(%dma_start3A_443 : memref<128xi32, #tpu.memory_space<vmem>>) semaphore(%arg13 : memref<!tpu.dma_semaphore, #tpu.memory_space<semaphore_mem>>)
      %dma_wait3A_447 = arith.constant 1 : i32
      %dma_wait3A_448 = arith.constant 0 : i32
      %dma_wait3A_449 = tpu.memref_slice %arg7[%dma_wait3A_447, %dma_wait3A_448] : memref<8x128xi32, #tpu.memory_space<vmem>> -> memref<1x128xi32, #tpu.memory_space<vmem>>
      %dma_wait3A_450 = tpu.memref_squeeze %dma_wait3A_449 : memref<1x128xi32, #tpu.memory_space<vmem>> -> memref<128xi32, #tpu.memory_space<vmem>>
      %dma_wait3A_451 = arith.constant 0 : i32
      %dma_wait3A_452 = arith.constant 0 : i32
      %dma_wait3A_453 = tpu.memref_slice %arg2[%dma_wait3A_451, %dma_wait3A_452] : memref<10000x128xf32, #tpu.memory_space<hbm>> -> memref<10000x128xf32, #tpu.memory_space<hbm>>
      tpu.wait_indirect_dma semaphore(%arg14 : memref<!tpu.dma_semaphore, #tpu.memory_space<semaphore_mem>>) src(%dma_wait3A_453 : memref<10000x128xf32, #tpu.memory_space<hbm>>) dst(%arg10 : memref<128x128xf32, #tpu.memory_space<vmem>>)
      %run_scoped3A_454 = arith.constant 1 : i32
      "tpu.region"() ({
        %run_scoped3A_539 = tpu.sem_alloc : memref<!tpu.dma_semaphore, #tpu.memory_space<semaphore_mem>>
        %dma_start3A_540 = arith.constant 0 : i32
        %dma_start3A_541 = tpu.memref_slice %arg8[%run_scoped3A_454, %dma_start3A_540] : memref<8x128xi32, #tpu.memory_space<vmem>> -> memref<1x128xi32, #tpu.memory_space<vmem>>
        %dma_start3A_542 = tpu.memref_squeeze %dma_start3A_541 : memref<1x128xi32, #tpu.memory_space<vmem>> -> memref<128xi32, #tpu.memory_space<vmem>>
        %dma_start3A_543 = arith.constant 0 : i32
        %dma_start3A_544 = arith.constant 0 : i32
        %dma_start3A_545 = tpu.memref_slice %arg12[%dma_start3A_543, %dma_start3A_544] : memref<10240x128xf32, #tpu.memory_space<vmem_shared>> -> memref<10240x128xf32, #tpu.memory_space<vmem_shared>>
        tpu.enqueue_indirect_dma source(%arg10 : memref<128x128xf32, #tpu.memory_space<vmem>>) target(%dma_start3A_545 : memref<10240x128xf32, #tpu.memory_space<vmem_shared>>) offsets(%dma_start3A_542 : memref<128xi32, #tpu.memory_space<vmem>>) semaphore(%run_scoped3A_539 : memref<!tpu.dma_semaphore, #tpu.memory_space<semaphore_mem>>) {add = true}
        %dma_wait3A_546 = arith.constant 0 : i32
        %dma_wait3A_547 = tpu.memref_slice %arg8[%run_scoped3A_454, %dma_wait3A_546] : memref<8x128xi32, #tpu.memory_space<vmem>> -> memref<1x128xi32, #tpu.memory_space<vmem>>
        %dma_wait3A_548 = tpu.memref_squeeze %dma_wait3A_547 : memref<1x128xi32, #tpu.memory_space<vmem>> -> memref<128xi32, #tpu.memory_space<vmem>>
        %dma_wait3A_549 = arith.constant 0 : i32
        %dma_wait3A_550 = arith.constant 0 : i32
        %dma_wait3A_551 = tpu.memref_slice %arg12[%dma_wait3A_549, %dma_wait3A_550] : memref<10240x128xf32, #tpu.memory_space<vmem_shared>> -> memref<10240x128xf32, #tpu.memory_space<vmem_shared>>
        tpu.wait_indirect_dma semaphore(%run_scoped3A_539 : memref<!tpu.dma_semaphore, #tpu.memory_space<semaphore_mem>>) src(%arg10 : memref<128x128xf32, #tpu.memory_space<vmem>>) dst(%dma_wait3A_551 : memref<10240x128xf32, #tpu.memory_space<vmem_shared>>)
        tpu.yield
      }) : () -> ()
      %dma_start3A_455 = arith.constant 3 : i32
      %dma_start3A_456 = arith.constant 0 : i32
      %dma_start3A_457 = tpu.memref_slice %arg7[%dma_start3A_455, %dma_start3A_456] : memref<8x128xi32, #tpu.memory_space<vmem>> -> memref<1x128xi32, #tpu.memory_space<vmem>>
      %dma_start3A_458 = tpu.memref_squeeze %dma_start3A_457 : memref<1x128xi32, #tpu.memory_space<vmem>> -> memref<128xi32, #tpu.memory_space<vmem>>
      %dma_start3A_459 = arith.constant 0 : i32
      %dma_start3A_460 = arith.constant 0 : i32
      %dma_start3A_461 = tpu.memref_slice %arg2[%dma_start3A_459, %dma_start3A_460] : memref<10000x128xf32, #tpu.memory_space<hbm>> -> memref<10000x128xf32, #tpu.memory_space<hbm>>
      tpu.enqueue_indirect_dma source(%dma_start3A_461 : memref<10000x128xf32, #tpu.memory_space<hbm>>) target(%arg10 : memref<128x128xf32, #tpu.memory_space<vmem>>) offsets(%dma_start3A_458 : memref<128xi32, #tpu.memory_space<vmem>>) semaphore(%arg14 : memref<!tpu.dma_semaphore, #tpu.memory_space<semaphore_mem>>)
      %dma_wait3A_462 = arith.constant 2 : i32
      %dma_wait3A_463 = arith.constant 0 : i32
      %dma_wait3A_464 = tpu.memref_slice %arg7[%dma_wait3A_462, %dma_wait3A_463] : memref<8x128xi32, #tpu.memory_space<vmem>> -> memref<1x128xi32, #tpu.memory_space<vmem>>
      %dma_wait3A_465 = tpu.memref_squeeze %dma_wait3A_464 : memref<1x128xi32, #tpu.memory_space<vmem>> -> memref<128xi32, #tpu.memory_space<vmem>>
      %dma_wait3A_466 = arith.constant 0 : i32
      %dma_wait3A_467 = arith.constant 0 : i32
      %dma_wait3A_468 = tpu.memref_slice %arg2[%dma_wait3A_466, %dma_wait3A_467] : memref<10000x128xf32, #tpu.memory_space<hbm>> -> memref<10000x128xf32, #tpu.memory_space<hbm>>
      tpu.wait_indirect_dma semaphore(%arg13 : memref<!tpu.dma_semaphore, #tpu.memory_space<semaphore_mem>>) src(%dma_wait3A_468 : memref<10000x128xf32, #tpu.memory_space<hbm>>) dst(%arg9 : memref<128x128xf32, #tpu.memory_space<vmem>>)
      %run_scoped3A_469 = arith.constant 2 : i32
      "tpu.region"() ({
        %run_scoped3A_539 = tpu.sem_alloc : memref<!tpu.dma_semaphore, #tpu.memory_space<semaphore_mem>>
        %dma_start3A_540 = arith.constant 0 : i32
        %dma_start3A_541 = tpu.memref_slice %arg8[%run_scoped3A_469, %dma_start3A_540] : memref<8x128xi32, #tpu.memory_space<vmem>> -> memref<1x128xi32, #tpu.memory_space<vmem>>
        %dma_start3A_542 = tpu.memref_squeeze %dma_start3A_541 : memref<1x128xi32, #tpu.memory_space<vmem>> -> memref<128xi32, #tpu.memory_space<vmem>>
        %dma_start3A_543 = arith.constant 0 : i32
        %dma_start3A_544 = arith.constant 0 : i32
        %dma_start3A_545 = tpu.memref_slice %arg12[%dma_start3A_543, %dma_start3A_544] : memref<10240x128xf32, #tpu.memory_space<vmem_shared>> -> memref<10240x128xf32, #tpu.memory_space<vmem_shared>>
        tpu.enqueue_indirect_dma source(%arg9 : memref<128x128xf32, #tpu.memory_space<vmem>>) target(%dma_start3A_545 : memref<10240x128xf32, #tpu.memory_space<vmem_shared>>) offsets(%dma_start3A_542 : memref<128xi32, #tpu.memory_space<vmem>>) semaphore(%run_scoped3A_539 : memref<!tpu.dma_semaphore, #tpu.memory_space<semaphore_mem>>) {add = true}
        %dma_wait3A_546 = arith.constant 0 : i32
        %dma_wait3A_547 = tpu.memref_slice %arg8[%run_scoped3A_469, %dma_wait3A_546] : memref<8x128xi32, #tpu.memory_space<vmem>> -> memref<1x128xi32, #tpu.memory_space<vmem>>
        %dma_wait3A_548 = tpu.memref_squeeze %dma_wait3A_547 : memref<1x128xi32, #tpu.memory_space<vmem>> -> memref<128xi32, #tpu.memory_space<vmem>>
        %dma_wait3A_549 = arith.constant 0 : i32
        %dma_wait3A_550 = arith.constant 0 : i32
        %dma_wait3A_551 = tpu.memref_slice %arg12[%dma_wait3A_549, %dma_wait3A_550] : memref<10240x128xf32, #tpu.memory_space<vmem_shared>> -> memref<10240x128xf32, #tpu.memory_space<vmem_shared>>
        tpu.wait_indirect_dma semaphore(%run_scoped3A_539 : memref<!tpu.dma_semaphore, #tpu.memory_space<semaphore_mem>>) src(%arg9 : memref<128x128xf32, #tpu.memory_space<vmem>>) dst(%dma_wait3A_551 : memref<10240x128xf32, #tpu.memory_space<vmem_shared>>)
        tpu.yield
      }) : () -> ()
      %dma_start3A_470 = arith.constant 4 : i32
      %dma_start3A_471 = arith.constant 0 : i32
      %dma_start3A_472 = tpu.memref_slice %arg7[%dma_start3A_470, %dma_start3A_471] : memref<8x128xi32, #tpu.memory_space<vmem>> -> memref<1x128xi32, #tpu.memory_space<vmem>>
      %dma_start3A_473 = tpu.memref_squeeze %dma_start3A_472 : memref<1x128xi32, #tpu.memory_space<vmem>> -> memref<128xi32, #tpu.memory_space<vmem>>
      %dma_start3A_474 = arith.constant 0 : i32
      %dma_start3A_475 = arith.constant 0 : i32
      %dma_start3A_476 = tpu.memref_slice %arg2[%dma_start3A_474, %dma_start3A_475] : memref<10000x128xf32, #tpu.memory_space<hbm>> -> memref<10000x128xf32, #tpu.memory_space<hbm>>
      tpu.enqueue_indirect_dma source(%dma_start3A_476 : memref<10000x128xf32, #tpu.memory_space<hbm>>) target(%arg9 : memref<128x128xf32, #tpu.memory_space<vmem>>) offsets(%dma_start3A_473 : memref<128xi32, #tpu.memory_space<vmem>>) semaphore(%arg13 : memref<!tpu.dma_semaphore, #tpu.memory_space<semaphore_mem>>)
      %dma_wait3A_477 = arith.constant 3 : i32
      %dma_wait3A_478 = arith.constant 0 : i32
      %dma_wait3A_479 = tpu.memref_slice %arg7[%dma_wait3A_477, %dma_wait3A_478] : memref<8x128xi32, #tpu.memory_space<vmem>> -> memref<1x128xi32, #tpu.memory_space<vmem>>
      %dma_wait3A_480 = tpu.memref_squeeze %dma_wait3A_479 : memref<1x128xi32, #tpu.memory_space<vmem>> -> memref<128xi32, #tpu.memory_space<vmem>>
      %dma_wait3A_481 = arith.constant 0 : i32
      %dma_wait3A_482 = arith.constant 0 : i32
      %dma_wait3A_483 = tpu.memref_slice %arg2[%dma_wait3A_481, %dma_wait3A_482] : memref<10000x128xf32, #tpu.memory_space<hbm>> -> memref<10000x128xf32, #tpu.memory_space<hbm>>
      tpu.wait_indirect_dma semaphore(%arg14 : memref<!tpu.dma_semaphore, #tpu.memory_space<semaphore_mem>>) src(%dma_wait3A_483 : memref<10000x128xf32, #tpu.memory_space<hbm>>) dst(%arg10 : memref<128x128xf32, #tpu.memory_space<vmem>>)
      %run_scoped3A_484 = arith.constant 3 : i32
      "tpu.region"() ({
        %run_scoped3A_539 = tpu.sem_alloc : memref<!tpu.dma_semaphore, #tpu.memory_space<semaphore_mem>>
        %dma_start3A_540 = arith.constant 0 : i32
        %dma_start3A_541 = tpu.memref_slice %arg8[%run_scoped3A_484, %dma_start3A_540] : memref<8x128xi32, #tpu.memory_space<vmem>> -> memref<1x128xi32, #tpu.memory_space<vmem>>
        %dma_start3A_542 = tpu.memref_squeeze %dma_start3A_541 : memref<1x128xi32, #tpu.memory_space<vmem>> -> memref<128xi32, #tpu.memory_space<vmem>>
        %dma_start3A_543 = arith.constant 0 : i32
        %dma_start3A_544 = arith.constant 0 : i32
        %dma_start3A_545 = tpu.memref_slice %arg12[%dma_start3A_543, %dma_start3A_544] : memref<10240x128xf32, #tpu.memory_space<vmem_shared>> -> memref<10240x128xf32, #tpu.memory_space<vmem_shared>>
        tpu.enqueue_indirect_dma source(%arg10 : memref<128x128xf32, #tpu.memory_space<vmem>>) target(%dma_start3A_545 : memref<10240x128xf32, #tpu.memory_space<vmem_shared>>) offsets(%dma_start3A_542 : memref<128xi32, #tpu.memory_space<vmem>>) semaphore(%run_scoped3A_539 : memref<!tpu.dma_semaphore, #tpu.memory_space<semaphore_mem>>) {add = true}
        %dma_wait3A_546 = arith.constant 0 : i32
        %dma_wait3A_547 = tpu.memref_slice %arg8[%run_scoped3A_484, %dma_wait3A_546] : memref<8x128xi32, #tpu.memory_space<vmem>> -> memref<1x128xi32, #tpu.memory_space<vmem>>
        %dma_wait3A_548 = tpu.memref_squeeze %dma_wait3A_547 : memref<1x128xi32, #tpu.memory_space<vmem>> -> memref<128xi32, #tpu.memory_space<vmem>>
        %dma_wait3A_549 = arith.constant 0 : i32
        %dma_wait3A_550 = arith.constant 0 : i32
        %dma_wait3A_551 = tpu.memref_slice %arg12[%dma_wait3A_549, %dma_wait3A_550] : memref<10240x128xf32, #tpu.memory_space<vmem_shared>> -> memref<10240x128xf32, #tpu.memory_space<vmem_shared>>
        tpu.wait_indirect_dma semaphore(%run_scoped3A_539 : memref<!tpu.dma_semaphore, #tpu.memory_space<semaphore_mem>>) src(%arg10 : memref<128x128xf32, #tpu.memory_space<vmem>>) dst(%dma_wait3A_551 : memref<10240x128xf32, #tpu.memory_space<vmem_shared>>)
        tpu.yield
      }) : () -> ()
      %dma_start3A_485 = arith.constant 5 : i32
      %dma_start3A_486 = arith.constant 0 : i32
      %dma_start3A_487 = tpu.memref_slice %arg7[%dma_start3A_485, %dma_start3A_486] : memref<8x128xi32, #tpu.memory_space<vmem>> -> memref<1x128xi32, #tpu.memory_space<vmem>>
      %dma_start3A_488 = tpu.memref_squeeze %dma_start3A_487 : memref<1x128xi32, #tpu.memory_space<vmem>> -> memref<128xi32, #tpu.memory_space<vmem>>
      %dma_start3A_489 = arith.constant 0 : i32
      %dma_start3A_490 = arith.constant 0 : i32
      %dma_start3A_491 = tpu.memref_slice %arg2[%dma_start3A_489, %dma_start3A_490] : memref<10000x128xf32, #tpu.memory_space<hbm>> -> memref<10000x128xf32, #tpu.memory_space<hbm>>
      tpu.enqueue_indirect_dma source(%dma_start3A_491 : memref<10000x128xf32, #tpu.memory_space<hbm>>) target(%arg10 : memref<128x128xf32, #tpu.memory_space<vmem>>) offsets(%dma_start3A_488 : memref<128xi32, #tpu.memory_space<vmem>>) semaphore(%arg14 : memref<!tpu.dma_semaphore, #tpu.memory_space<semaphore_mem>>)
      %dma_wait3A_492 = arith.constant 4 : i32
      %dma_wait3A_493 = arith.constant 0 : i32
      %dma_wait3A_494 = tpu.memref_slice %arg7[%dma_wait3A_492, %dma_wait3A_493] : memref<8x128xi32, #tpu.memory_space<vmem>> -> memref<1x128xi32, #tpu.memory_space<vmem>>
      %dma_wait3A_495 = tpu.memref_squeeze %dma_wait3A_494 : memref<1x128xi32, #tpu.memory_space<vmem>> -> memref<128xi32, #tpu.memory_space<vmem>>
      %dma_wait3A_496 = arith.constant 0 : i32
      %dma_wait3A_497 = arith.constant 0 : i32
      %dma_wait3A_498 = tpu.memref_slice %arg2[%dma_wait3A_496, %dma_wait3A_497] : memref<10000x128xf32, #tpu.memory_space<hbm>> -> memref<10000x128xf32, #tpu.memory_space<hbm>>
      tpu.wait_indirect_dma semaphore(%arg13 : memref<!tpu.dma_semaphore, #tpu.memory_space<semaphore_mem>>) src(%dma_wait3A_498 : memref<10000x128xf32, #tpu.memory_space<hbm>>) dst(%arg9 : memref<128x128xf32, #tpu.memory_space<vmem>>)
      %run_scoped3A_499 = arith.constant 4 : i32
      "tpu.region"() ({
        %run_scoped3A_539 = tpu.sem_alloc : memref<!tpu.dma_semaphore, #tpu.memory_space<semaphore_mem>>
        %dma_start3A_540 = arith.constant 0 : i32
        %dma_start3A_541 = tpu.memref_slice %arg8[%run_scoped3A_499, %dma_start3A_540] : memref<8x128xi32, #tpu.memory_space<vmem>> -> memref<1x128xi32, #tpu.memory_space<vmem>>
        %dma_start3A_542 = tpu.memref_squeeze %dma_start3A_541 : memref<1x128xi32, #tpu.memory_space<vmem>> -> memref<128xi32, #tpu.memory_space<vmem>>
        %dma_start3A_543 = arith.constant 0 : i32
        %dma_start3A_544 = arith.constant 0 : i32
        %dma_start3A_545 = tpu.memref_slice %arg12[%dma_start3A_543, %dma_start3A_544] : memref<10240x128xf32, #tpu.memory_space<vmem_shared>> -> memref<10240x128xf32, #tpu.memory_space<vmem_shared>>
        tpu.enqueue_indirect_dma source(%arg9 : memref<128x128xf32, #tpu.memory_space<vmem>>) target(%dma_start3A_545 : memref<10240x128xf32, #tpu.memory_space<vmem_shared>>) offsets(%dma_start3A_542 : memref<128xi32, #tpu.memory_space<vmem>>) semaphore(%run_scoped3A_539 : memref<!tpu.dma_semaphore, #tpu.memory_space<semaphore_mem>>) {add = true}
        %dma_wait3A_546 = arith.constant 0 : i32
        %dma_wait3A_547 = tpu.memref_slice %arg8[%run_scoped3A_499, %dma_wait3A_546] : memref<8x128xi32, #tpu.memory_space<vmem>> -> memref<1x128xi32, #tpu.memory_space<vmem>>
        %dma_wait3A_548 = tpu.memref_squeeze %dma_wait3A_547 : memref<1x128xi32, #tpu.memory_space<vmem>> -> memref<128xi32, #tpu.memory_space<vmem>>
        %dma_wait3A_549 = arith.constant 0 : i32
        %dma_wait3A_550 = arith.constant 0 : i32
        %dma_wait3A_551 = tpu.memref_slice %arg12[%dma_wait3A_549, %dma_wait3A_550] : memref<10240x128xf32, #tpu.memory_space<vmem_shared>> -> memref<10240x128xf32, #tpu.memory_space<vmem_shared>>
        tpu.wait_indirect_dma semaphore(%run_scoped3A_539 : memref<!tpu.dma_semaphore, #tpu.memory_space<semaphore_mem>>) src(%arg9 : memref<128x128xf32, #tpu.memory_space<vmem>>) dst(%dma_wait3A_551 : memref<10240x128xf32, #tpu.memory_space<vmem_shared>>)
        tpu.yield
      }) : () -> ()
      %dma_start3A_500 = arith.constant 6 : i32
      %dma_start3A_501 = arith.constant 0 : i32
      %dma_start3A_502 = tpu.memref_slice %arg7[%dma_start3A_500, %dma_start3A_501] : memref<8x128xi32, #tpu.memory_space<vmem>> -> memref<1x128xi32, #tpu.memory_space<vmem>>
      %dma_start3A_503 = tpu.memref_squeeze %dma_start3A_502 : memref<1x128xi32, #tpu.memory_space<vmem>> -> memref<128xi32, #tpu.memory_space<vmem>>
      %dma_start3A_504 = arith.constant 0 : i32
      %dma_start3A_505 = arith.constant 0 : i32
      %dma_start3A_506 = tpu.memref_slice %arg2[%dma_start3A_504, %dma_start3A_505] : memref<10000x128xf32, #tpu.memory_space<hbm>> -> memref<10000x128xf32, #tpu.memory_space<hbm>>
      tpu.enqueue_indirect_dma source(%dma_start3A_506 : memref<10000x128xf32, #tpu.memory_space<hbm>>) target(%arg9 : memref<128x128xf32, #tpu.memory_space<vmem>>) offsets(%dma_start3A_503 : memref<128xi32, #tpu.memory_space<vmem>>) semaphore(%arg13 : memref<!tpu.dma_semaphore, #tpu.memory_space<semaphore_mem>>)
      %dma_wait3A_507 = arith.constant 5 : i32
      %dma_wait3A_508 = arith.constant 0 : i32
      %dma_wait3A_509 = tpu.memref_slice %arg7[%dma_wait3A_507, %dma_wait3A_508] : memref<8x128xi32, #tpu.memory_space<vmem>> -> memref<1x128xi32, #tpu.memory_space<vmem>>
      %dma_wait3A_510 = tpu.memref_squeeze %dma_wait3A_509 : memref<1x128xi32, #tpu.memory_space<vmem>> -> memref<128xi32, #tpu.memory_space<vmem>>
      %dma_wait3A_511 = arith.constant 0 : i32
      %dma_wait3A_512 = arith.constant 0 : i32
      %dma_wait3A_513 = tpu.memref_slice %arg2[%dma_wait3A_511, %dma_wait3A_512] : memref<10000x128xf32, #tpu.memory_space<hbm>> -> memref<10000x128xf32, #tpu.memory_space<hbm>>
      tpu.wait_indirect_dma semaphore(%arg14 : memref<!tpu.dma_semaphore, #tpu.memory_space<semaphore_mem>>) src(%dma_wait3A_513 : memref<10000x128xf32, #tpu.memory_space<hbm>>) dst(%arg10 : memref<128x128xf32, #tpu.memory_space<vmem>>)
      %run_scoped3A_514 = arith.constant 5 : i32
      "tpu.region"() ({
        %run_scoped3A_539 = tpu.sem_alloc : memref<!tpu.dma_semaphore, #tpu.memory_space<semaphore_mem>>
        %dma_start3A_540 = arith.constant 0 : i32
        %dma_start3A_541 = tpu.memref_slice %arg8[%run_scoped3A_514, %dma_start3A_540] : memref<8x128xi32, #tpu.memory_space<vmem>> -> memref<1x128xi32, #tpu.memory_space<vmem>>
        %dma_start3A_542 = tpu.memref_squeeze %dma_start3A_541 : memref<1x128xi32, #tpu.memory_space<vmem>> -> memref<128xi32, #tpu.memory_space<vmem>>
        %dma_start3A_543 = arith.constant 0 : i32
        %dma_start3A_544 = arith.constant 0 : i32
        %dma_start3A_545 = tpu.memref_slice %arg12[%dma_start3A_543, %dma_start3A_544] : memref<10240x128xf32, #tpu.memory_space<vmem_shared>> -> memref<10240x128xf32, #tpu.memory_space<vmem_shared>>
        tpu.enqueue_indirect_dma source(%arg10 : memref<128x128xf32, #tpu.memory_space<vmem>>) target(%dma_start3A_545 : memref<10240x128xf32, #tpu.memory_space<vmem_shared>>) offsets(%dma_start3A_542 : memref<128xi32, #tpu.memory_space<vmem>>) semaphore(%run_scoped3A_539 : memref<!tpu.dma_semaphore, #tpu.memory_space<semaphore_mem>>) {add = true}
        %dma_wait3A_546 = arith.constant 0 : i32
        %dma_wait3A_547 = tpu.memref_slice %arg8[%run_scoped3A_514, %dma_wait3A_546] : memref<8x128xi32, #tpu.memory_space<vmem>> -> memref<1x128xi32, #tpu.memory_space<vmem>>
        %dma_wait3A_548 = tpu.memref_squeeze %dma_wait3A_547 : memref<1x128xi32, #tpu.memory_space<vmem>> -> memref<128xi32, #tpu.memory_space<vmem>>
        %dma_wait3A_549 = arith.constant 0 : i32
        %dma_wait3A_550 = arith.constant 0 : i32
        %dma_wait3A_551 = tpu.memref_slice %arg12[%dma_wait3A_549, %dma_wait3A_550] : memref<10240x128xf32, #tpu.memory_space<vmem_shared>> -> memref<10240x128xf32, #tpu.memory_space<vmem_shared>>
        tpu.wait_indirect_dma semaphore(%run_scoped3A_539 : memref<!tpu.dma_semaphore, #tpu.memory_space<semaphore_mem>>) src(%arg10 : memref<128x128xf32, #tpu.memory_space<vmem>>) dst(%dma_wait3A_551 : memref<10240x128xf32, #tpu.memory_space<vmem_shared>>)
        tpu.yield
      }) : () -> ()
      %dma_start3A_515 = arith.constant 7 : i32
      %dma_start3A_516 = arith.constant 0 : i32
      %dma_start3A_517 = tpu.memref_slice %arg7[%dma_start3A_515, %dma_start3A_516] : memref<8x128xi32, #tpu.memory_space<vmem>> -> memref<1x128xi32, #tpu.memory_space<vmem>>
      %dma_start3A_518 = tpu.memref_squeeze %dma_start3A_517 : memref<1x128xi32, #tpu.memory_space<vmem>> -> memref<128xi32, #tpu.memory_space<vmem>>
      %dma_start3A_519 = arith.constant 0 : i32
      %dma_start3A_520 = arith.constant 0 : i32
      %dma_start3A_521 = tpu.memref_slice %arg2[%dma_start3A_519, %dma_start3A_520] : memref<10000x128xf32, #tpu.memory_space<hbm>> -> memref<10000x128xf32, #tpu.memory_space<hbm>>
      tpu.enqueue_indirect_dma source(%dma_start3A_521 : memref<10000x128xf32, #tpu.memory_space<hbm>>) target(%arg10 : memref<128x128xf32, #tpu.memory_space<vmem>>) offsets(%dma_start3A_518 : memref<128xi32, #tpu.memory_space<vmem>>) semaphore(%arg14 : memref<!tpu.dma_semaphore, #tpu.memory_space<semaphore_mem>>)
      %dma_wait3A_522 = arith.constant 6 : i32
      %dma_wait3A_523 = arith.constant 0 : i32
      %dma_wait3A_524 = tpu.memref_slice %arg7[%dma_wait3A_522, %dma_wait3A_523] : memref<8x128xi32, #tpu.memory_space<vmem>> -> memref<1x128xi32, #tpu.memory_space<vmem>>
      %dma_wait3A_525 = tpu.memref_squeeze %dma_wait3A_524 : memref<1x128xi32, #tpu.memory_space<vmem>> -> memref<128xi32, #tpu.memory_space<vmem>>
      %dma_wait3A_526 = arith.constant 0 : i32
      %dma_wait3A_527 = arith.constant 0 : i32
      %dma_wait3A_528 = tpu.memref_slice %arg2[%dma_wait3A_526, %dma_wait3A_527] : memref<10000x128xf32, #tpu.memory_space<hbm>> -> memref<10000x128xf32, #tpu.memory_space<hbm>>
      tpu.wait_indirect_dma semaphore(%arg13 : memref<!tpu.dma_semaphore, #tpu.memory_space<semaphore_mem>>) src(%dma_wait3A_528 : memref<10000x128xf32, #tpu.memory_space<hbm>>) dst(%arg9 : memref<128x128xf32, #tpu.memory_space<vmem>>)
      %run_scoped3A_529 = arith.constant 6 : i32
      "tpu.region"() ({
        %run_scoped3A_539 = tpu.sem_alloc : memref<!tpu.dma_semaphore, #tpu.memory_space<semaphore_mem>>
        %dma_start3A_540 = arith.constant 0 : i32
        %dma_start3A_541 = tpu.memref_slice %arg8[%run_scoped3A_529, %dma_start3A_540] : memref<8x128xi32, #tpu.memory_space<vmem>> -> memref<1x128xi32, #tpu.memory_space<vmem>>
        %dma_start3A_542 = tpu.memref_squeeze %dma_start3A_541 : memref<1x128xi32, #tpu.memory_space<vmem>> -> memref<128xi32, #tpu.memory_space<vmem>>
        %dma_start3A_543 = arith.constant 0 : i32
        %dma_start3A_544 = arith.constant 0 : i32
        %dma_start3A_545 = tpu.memref_slice %arg12[%dma_start3A_543, %dma_start3A_544] : memref<10240x128xf32, #tpu.memory_space<vmem_shared>> -> memref<10240x128xf32, #tpu.memory_space<vmem_shared>>
        tpu.enqueue_indirect_dma source(%arg9 : memref<128x128xf32, #tpu.memory_space<vmem>>) target(%dma_start3A_545 : memref<10240x128xf32, #tpu.memory_space<vmem_shared>>) offsets(%dma_start3A_542 : memref<128xi32, #tpu.memory_space<vmem>>) semaphore(%run_scoped3A_539 : memref<!tpu.dma_semaphore, #tpu.memory_space<semaphore_mem>>) {add = true}
        %dma_wait3A_546 = arith.constant 0 : i32
        %dma_wait3A_547 = tpu.memref_slice %arg8[%run_scoped3A_529, %dma_wait3A_546] : memref<8x128xi32, #tpu.memory_space<vmem>> -> memref<1x128xi32, #tpu.memory_space<vmem>>
        %dma_wait3A_548 = tpu.memref_squeeze %dma_wait3A_547 : memref<1x128xi32, #tpu.memory_space<vmem>> -> memref<128xi32, #tpu.memory_space<vmem>>
        %dma_wait3A_549 = arith.constant 0 : i32
        %dma_wait3A_550 = arith.constant 0 : i32
        %dma_wait3A_551 = tpu.memref_slice %arg12[%dma_wait3A_549, %dma_wait3A_550] : memref<10240x128xf32, #tpu.memory_space<vmem_shared>> -> memref<10240x128xf32, #tpu.memory_space<vmem_shared>>
        tpu.wait_indirect_dma semaphore(%run_scoped3A_539 : memref<!tpu.dma_semaphore, #tpu.memory_space<semaphore_mem>>) src(%arg9 : memref<128x128xf32, #tpu.memory_space<vmem>>) dst(%dma_wait3A_551 : memref<10240x128xf32, #tpu.memory_space<vmem_shared>>)
        tpu.yield
      }) : () -> ()
      %dma_wait3A_530 = arith.constant 7 : i32
      %dma_wait3A_531 = arith.constant 0 : i32
      %dma_wait3A_532 = tpu.memref_slice %arg7[%dma_wait3A_530, %dma_wait3A_531] : memref<8x128xi32, #tpu.memory_space<vmem>> -> memref<1x128xi32, #tpu.memory_space<vmem>>
      %dma_wait3A_533 = tpu.memref_squeeze %dma_wait3A_532 : memref<1x128xi32, #tpu.memory_space<vmem>> -> memref<128xi32, #tpu.memory_space<vmem>>
      %dma_wait3A_534 = arith.constant 0 : i32
      %dma_wait3A_535 = arith.constant 0 : i32
      %dma_wait3A_536 = tpu.memref_slice %arg2[%dma_wait3A_534, %dma_wait3A_535] : memref<10000x128xf32, #tpu.memory_space<hbm>> -> memref<10000x128xf32, #tpu.memory_space<hbm>>
      tpu.wait_indirect_dma semaphore(%arg14 : memref<!tpu.dma_semaphore, #tpu.memory_space<semaphore_mem>>) src(%dma_wait3A_536 : memref<10000x128xf32, #tpu.memory_space<hbm>>) dst(%arg10 : memref<128x128xf32, #tpu.memory_space<vmem>>)
      %run_scoped3A_537 = arith.constant 7 : i32
      "tpu.region"() ({
        %run_scoped3A_539 = tpu.sem_alloc : memref<!tpu.dma_semaphore, #tpu.memory_space<semaphore_mem>>
        %dma_start3A_540 = arith.constant 0 : i32
        %dma_start3A_541 = tpu.memref_slice %arg8[%run_scoped3A_537, %dma_start3A_540] : memref<8x128xi32, #tpu.memory_space<vmem>> -> memref<1x128xi32, #tpu.memory_space<vmem>>
        %dma_start3A_542 = tpu.memref_squeeze %dma_start3A_541 : memref<1x128xi32, #tpu.memory_space<vmem>> -> memref<128xi32, #tpu.memory_space<vmem>>
        %dma_start3A_543 = arith.constant 0 : i32
        %dma_start3A_544 = arith.constant 0 : i32
        %dma_start3A_545 = tpu.memref_slice %arg12[%dma_start3A_543, %dma_start3A_544] : memref<10240x128xf32, #tpu.memory_space<vmem_shared>> -> memref<10240x128xf32, #tpu.memory_space<vmem_shared>>
        tpu.enqueue_indirect_dma source(%arg10 : memref<128x128xf32, #tpu.memory_space<vmem>>) target(%dma_start3A_545 : memref<10240x128xf32, #tpu.memory_space<vmem_shared>>) offsets(%dma_start3A_542 : memref<128xi32, #tpu.memory_space<vmem>>) semaphore(%run_scoped3A_539 : memref<!tpu.dma_semaphore, #tpu.memory_space<semaphore_mem>>) {add = true}
        %dma_wait3A_546 = arith.constant 0 : i32
        %dma_wait3A_547 = tpu.memref_slice %arg8[%run_scoped3A_537, %dma_wait3A_546] : memref<8x128xi32, #tpu.memory_space<vmem>> -> memref<1x128xi32, #tpu.memory_space<vmem>>
        %dma_wait3A_548 = tpu.memref_squeeze %dma_wait3A_547 : memref<1x128xi32, #tpu.memory_space<vmem>> -> memref<128xi32, #tpu.memory_space<vmem>>
        %dma_wait3A_549 = arith.constant 0 : i32
        %dma_wait3A_550 = arith.constant 0 : i32
        %dma_wait3A_551 = tpu.memref_slice %arg12[%dma_wait3A_549, %dma_wait3A_550] : memref<10240x128xf32, #tpu.memory_space<vmem_shared>> -> memref<10240x128xf32, #tpu.memory_space<vmem_shared>>
        tpu.wait_indirect_dma semaphore(%run_scoped3A_539 : memref<!tpu.dma_semaphore, #tpu.memory_space<semaphore_mem>>) src(%arg10 : memref<128x128xf32, #tpu.memory_space<vmem>>) dst(%dma_wait3A_551 : memref<10240x128xf32, #tpu.memory_space<vmem_shared>>)
        tpu.yield
      }) : () -> ()
      %while3A_538 = arith.constant 0 : i32
      scf.yield %while3A_538 : i32
    }
    %while3A_410 = arith.constant 1 : i32
    %while3A_411 = scf.for %while3A_416 = %while3A_407 to %while3A_403 step %while3A_410 iter_args(%while3A_417 = %while3A_409) -> (i32)  : i32 {
      %mul3A_418 = arith.constant 8 : i32
      %mul3A_419 = arith.muli %while3A_416, %mul3A_418 : i32
      %add3A_420 = arith.addi %select_n3A, %mul3A_419 : i32
      "tpu.region"() ({
        %run_scoped3A_539 = tpu.sem_alloc : memref<!tpu.dma_semaphore, #tpu.memory_space<semaphore_mem>>
        %dma_start3A_540 = arith.constant 0 : i32
        %dma_start3A_541 = tpu.memref_slice %arg3[%add3A_420, %dma_start3A_540] : memref<2560x128xi32, #tpu.memory_space<hbm>> -> memref<8x128xi32, #tpu.memory_space<hbm>>
        %dma_start3A_542 = arith.constant 0 : i32
        %dma_start3A_543 = tpu.memref_slice %arg3[%add3A_420, %dma_start3A_542] : memref<2560x128xi32, #tpu.memory_space<hbm>> -> memref<8x128xi32, #tpu.memory_space<hbm>>
        tpu.enqueue_dma source(%dma_start3A_543 : memref<8x128xi32, #tpu.memory_space<hbm>>) target(%arg7 : memref<8x128xi32, #tpu.memory_space<vmem>>) target_semaphore(%run_scoped3A_539 : memref<!tpu.dma_semaphore, #tpu.memory_space<semaphore_mem>>)
        %dma_wait3A_544 = arith.constant 0 : i32
        %dma_wait3A_545 = tpu.memref_slice %arg3[%add3A_420, %dma_wait3A_544] : memref<2560x128xi32, #tpu.memory_space<hbm>> -> memref<8x128xi32, #tpu.memory_space<hbm>>
        %dma_wait3A_546 = arith.constant 0 : i32
        %dma_wait3A_547 = tpu.memref_slice %arg3[%add3A_420, %dma_wait3A_546] : memref<2560x128xi32, #tpu.memory_space<hbm>> -> memref<8x128xi32, #tpu.memory_space<hbm>>
        tpu.wait_dma2 semaphore(%run_scoped3A_539 : memref<!tpu.dma_semaphore, #tpu.memory_space<semaphore_mem>>) src(%dma_wait3A_547 : memref<8x128xi32, #tpu.memory_space<hbm>>) dst(%arg7 : memref<8x128xi32, #tpu.memory_space<vmem>>)
        tpu.yield
      }) : () -> ()
      "tpu.region"() ({
        %run_scoped3A_539 = tpu.sem_alloc : memref<!tpu.dma_semaphore, #tpu.memory_space<semaphore_mem>>
        %dma_start3A_540 = arith.constant 0 : i32
        %dma_start3A_541 = tpu.memref_slice %arg4[%add3A_420, %dma_start3A_540] : memref<2560x128xi32, #tpu.memory_space<hbm>> -> memref<8x128xi32, #tpu.memory_space<hbm>>
        %dma_start3A_542 = arith.constant 0 : i32
        %dma_start3A_543 = tpu.memref_slice %arg4[%add3A_420, %dma_start3A_542] : memref<2560x128xi32, #tpu.memory_space<hbm>> -> memref<8x128xi32, #tpu.memory_space<hbm>>
        tpu.enqueue_dma source(%dma_start3A_543 : memref<8x128xi32, #tpu.memory_space<hbm>>) target(%arg8 : memref<8x128xi32, #tpu.memory_space<vmem>>) target_semaphore(%run_scoped3A_539 : memref<!tpu.dma_semaphore, #tpu.memory_space<semaphore_mem>>)
        %dma_wait3A_544 = arith.constant 0 : i32
        %dma_wait3A_545 = tpu.memref_slice %arg4[%add3A_420, %dma_wait3A_544] : memref<2560x128xi32, #tpu.memory_space<hbm>> -> memref<8x128xi32, #tpu.memory_space<hbm>>
        %dma_wait3A_546 = arith.constant 0 : i32
        %dma_wait3A_547 = tpu.memref_slice %arg4[%add3A_420, %dma_wait3A_546] : memref<2560x128xi32, #tpu.memory_space<hbm>> -> memref<8x128xi32, #tpu.memory_space<hbm>>
        tpu.wait_dma2 semaphore(%run_scoped3A_539 : memref<!tpu.dma_semaphore, #tpu.memory_space<semaphore_mem>>) src(%dma_wait3A_547 : memref<8x128xi32, #tpu.memory_space<hbm>>) dst(%arg8 : memref<8x128xi32, #tpu.memory_space<vmem>>)
        tpu.yield
      }) : () -> ()
      %dma_start3A = arith.constant 0 : i32
      %dma_start3A_421 = arith.constant 0 : i32
      %dma_start3A_422 = tpu.memref_slice %arg7[%dma_start3A, %dma_start3A_421] : memref<8x128xi32, #tpu.memory_space<vmem>> -> memref<1x128xi32, #tpu.memory_space<vmem>>
      %dma_start3A_423 = tpu.memref_squeeze %dma_start3A_422 : memref<1x128xi32, #tpu.memory_space<vmem>> -> memref<128xi32, #tpu.memory_space<vmem>>
      %dma_start3A_424 = arith.constant 0 : i32
      %dma_start3A_425 = arith.constant 0 : i32
      %dma_start3A_426 = tpu.memref_slice %arg2[%dma_start3A_424, %dma_start3A_425] : memref<10000x128xf32, #tpu.memory_space<hbm>> -> memref<10000x128xf32, #tpu.memory_space<hbm>>
      tpu.enqueue_indirect_dma source(%dma_start3A_426 : memref<10000x128xf32, #tpu.memory_space<hbm>>) target(%arg9 : memref<128x128xf32, #tpu.memory_space<vmem>>) offsets(%dma_start3A_423 : memref<128xi32, #tpu.memory_space<vmem>>) semaphore(%arg13 : memref<!tpu.dma_semaphore, #tpu.memory_space<semaphore_mem>>)
      %dma_start3A_427 = arith.constant 1 : i32
      %dma_start3A_428 = arith.constant 0 : i32
      %dma_start3A_429 = tpu.memref_slice %arg7[%dma_start3A_427, %dma_start3A_428] : memref<8x128xi32, #tpu.memory_space<vmem>> -> memref<1x128xi32, #tpu.memory_space<vmem>>
      %dma_start3A_430 = tpu.memref_squeeze %dma_start3A_429 : memref<1x128xi32, #tpu.memory_space<vmem>> -> memref<128xi32, #tpu.memory_space<vmem>>
      %dma_start3A_431 = arith.constant 0 : i32
      %dma_start3A_432 = arith.constant 0 : i32
      %dma_start3A_433 = tpu.memref_slice %arg2[%dma_start3A_431, %dma_start3A_432] : memref<10000x128xf32, #tpu.memory_space<hbm>> -> memref<10000x128xf32, #tpu.memory_space<hbm>>
      tpu.enqueue_indirect_dma source(%dma_start3A_433 : memref<10000x128xf32, #tpu.memory_space<hbm>>) target(%arg10 : memref<128x128xf32, #tpu.memory_space<vmem>>) offsets(%dma_start3A_430 : memref<128xi32, #tpu.memory_space<vmem>>) semaphore(%arg14 : memref<!tpu.dma_semaphore, #tpu.memory_space<semaphore_mem>>)
      %dma_wait3A = arith.constant 0 : i32
      %dma_wait3A_434 = arith.constant 0 : i32
      %dma_wait3A_435 = tpu.memref_slice %arg7[%dma_wait3A, %dma_wait3A_434] : memref<8x128xi32, #tpu.memory_space<vmem>> -> memref<1x128xi32, #tpu.memory_space<vmem>>
      %dma_wait3A_436 = tpu.memref_squeeze %dma_wait3A_435 : memref<1x128xi32, #tpu.memory_space<vmem>> -> memref<128xi32, #tpu.memory_space<vmem>>
      %dma_wait3A_437 = arith.constant 0 : i32
      %dma_wait3A_438 = arith.constant 0 : i32
      %dma_wait3A_439 = tpu.memref_slice %arg2[%dma_wait3A_437, %dma_wait3A_438] : memref<10000x128xf32, #tpu.memory_space<hbm>> -> memref<10000x128xf32, #tpu.memory_space<hbm>>
      tpu.wait_indirect_dma semaphore(%arg13 : memref<!tpu.dma_semaphore, #tpu.memory_space<semaphore_mem>>) src(%dma_wait3A_439 : memref<10000x128xf32, #tpu.memory_space<hbm>>) dst(%arg9 : memref<128x128xf32, #tpu.memory_space<vmem>>)
      %run_scoped3A = arith.constant 0 : i32
      "tpu.region"() ({
        %run_scoped3A_539 = tpu.sem_alloc : memref<!tpu.dma_semaphore, #tpu.memory_space<semaphore_mem>>
        %dma_start3A_540 = arith.constant 0 : i32
        %dma_start3A_541 = tpu.memref_slice %arg8[%run_scoped3A, %dma_start3A_540] : memref<8x128xi32, #tpu.memory_space<vmem>> -> memref<1x128xi32, #tpu.memory_space<vmem>>
        %dma_start3A_542 = tpu.memref_squeeze %dma_start3A_541 : memref<1x128xi32, #tpu.memory_space<vmem>> -> memref<128xi32, #tpu.memory_space<vmem>>
        %dma_start3A_543 = arith.constant 0 : i32
        %dma_start3A_544 = arith.constant 0 : i32
        %dma_start3A_545 = tpu.memref_slice %arg12[%dma_start3A_543, %dma_start3A_544] : memref<10240x128xf32, #tpu.memory_space<vmem_shared>> -> memref<10240x128xf32, #tpu.memory_space<vmem_shared>>
        tpu.enqueue_indirect_dma source(%arg9 : memref<128x128xf32, #tpu.memory_space<vmem>>) target(%dma_start3A_545 : memref<10240x128xf32, #tpu.memory_space<vmem_shared>>) offsets(%dma_start3A_542 : memref<128xi32, #tpu.memory_space<vmem>>) semaphore(%run_scoped3A_539 : memref<!tpu.dma_semaphore, #tpu.memory_space<semaphore_mem>>) {add = true}
        %dma_wait3A_546 = arith.constant 0 : i32
        %dma_wait3A_547 = tpu.memref_slice %arg8[%run_scoped3A, %dma_wait3A_546] : memref<8x128xi32, #tpu.memory_space<vmem>> -> memref<1x128xi32, #tpu.memory_space<vmem>>
        %dma_wait3A_548 = tpu.memref_squeeze %dma_wait3A_547 : memref<1x128xi32, #tpu.memory_space<vmem>> -> memref<128xi32, #tpu.memory_space<vmem>>
        %dma_wait3A_549 = arith.constant 0 : i32
        %dma_wait3A_550 = arith.constant 0 : i32
        %dma_wait3A_551 = tpu.memref_slice %arg12[%dma_wait3A_549, %dma_wait3A_550] : memref<10240x128xf32, #tpu.memory_space<vmem_shared>> -> memref<10240x128xf32, #tpu.memory_space<vmem_shared>>
        tpu.wait_indirect_dma semaphore(%run_scoped3A_539 : memref<!tpu.dma_semaphore, #tpu.memory_space<semaphore_mem>>) src(%arg9 : memref<128x128xf32, #tpu.memory_space<vmem>>) dst(%dma_wait3A_551 : memref<10240x128xf32, #tpu.memory_space<vmem_shared>>)
        tpu.yield
      }) : () -> ()
      %dma_start3A_440 = arith.constant 2 : i32
      %dma_start3A_441 = arith.constant 0 : i32
      %dma_start3A_442 = tpu.memref_slice %arg7[%dma_start3A_440, %dma_start3A_441] : memref<8x128xi32, #tpu.memory_space<vmem>> -> memref<1x128xi32, #tpu.memory_space<vmem>>
      %dma_start3A_443 = tpu.memref_squeeze %dma_start3A_442 : memref<1x128xi32, #tpu.memory_space<vmem>> -> memref<128xi32, #tpu.memory_space<vmem>>
      %dma_start3A_444 = arith.constant 0 : i32
      %dma_start3A_445 = arith.constant 0 : i32
      %dma_start3A_446 = tpu.memref_slice %arg2[%dma_start3A_444, %dma_start3A_445] : memref<10000x128xf32, #tpu.memory_space<hbm>> -> memref<10000x128xf32, #tpu.memory_space<hbm>>
      tpu.enqueue_indirect_dma source(%dma_start3A_446 : memref<10000x128xf32, #tpu.memory_space<hbm>>) target(%arg9 : memref<128x128xf32, #tpu.memory_space<vmem>>) offsets(%dma_start3A_443 : memref<128xi32, #tpu.memory_space<vmem>>) semaphore(%arg13 : memref<!tpu.dma_semaphore, #tpu.memory_space<semaphore_mem>>)
      %dma_wait3A_447 = arith.constant 1 : i32
      %dma_wait3A_448 = arith.constant 0 : i32
      %dma_wait3A_449 = tpu.memref_slice %arg7[%dma_wait3A_447, %dma_wait3A_448] : memref<8x128xi32, #tpu.memory_space<vmem>> -> memref<1x128xi32, #tpu.memory_space<vmem>>
      %dma_wait3A_450 = tpu.memref_squeeze %dma_wait3A_449 : memref<1x128xi32, #tpu.memory_space<vmem>> -> memref<128xi32, #tpu.memory_space<vmem>>
      %dma_wait3A_451 = arith.constant 0 : i32
      %dma_wait3A_452 = arith.constant 0 : i32
      %dma_wait3A_453 = tpu.memref_slice %arg2[%dma_wait3A_451, %dma_wait3A_452] : memref<10000x128xf32, #tpu.memory_space<hbm>> -> memref<10000x128xf32, #tpu.memory_space<hbm>>
      tpu.wait_indirect_dma semaphore(%arg14 : memref<!tpu.dma_semaphore, #tpu.memory_space<semaphore_mem>>) src(%dma_wait3A_453 : memref<10000x128xf32, #tpu.memory_space<hbm>>) dst(%arg10 : memref<128x128xf32, #tpu.memory_space<vmem>>)
      %run_scoped3A_454 = arith.constant 1 : i32
      "tpu.region"() ({
        %run_scoped3A_539 = tpu.sem_alloc : memref<!tpu.dma_semaphore, #tpu.memory_space<semaphore_mem>>
        %dma_start3A_540 = arith.constant 0 : i32
        %dma_start3A_541 = tpu.memref_slice %arg8[%run_scoped3A_454, %dma_start3A_540] : memref<8x128xi32, #tpu.memory_space<vmem>> -> memref<1x128xi32, #tpu.memory_space<vmem>>
        %dma_start3A_542 = tpu.memref_squeeze %dma_start3A_541 : memref<1x128xi32, #tpu.memory_space<vmem>> -> memref<128xi32, #tpu.memory_space<vmem>>
        %dma_start3A_543 = arith.constant 0 : i32
        %dma_start3A_544 = arith.constant 0 : i32
        %dma_start3A_545 = tpu.memref_slice %arg12[%dma_start3A_543, %dma_start3A_544] : memref<10240x128xf32, #tpu.memory_space<vmem_shared>> -> memref<10240x128xf32, #tpu.memory_space<vmem_shared>>
        tpu.enqueue_indirect_dma source(%arg10 : memref<128x128xf32, #tpu.memory_space<vmem>>) target(%dma_start3A_545 : memref<10240x128xf32, #tpu.memory_space<vmem_shared>>) offsets(%dma_start3A_542 : memref<128xi32, #tpu.memory_space<vmem>>) semaphore(%run_scoped3A_539 : memref<!tpu.dma_semaphore, #tpu.memory_space<semaphore_mem>>) {add = true}
        %dma_wait3A_546 = arith.constant 0 : i32
        %dma_wait3A_547 = tpu.memref_slice %arg8[%run_scoped3A_454, %dma_wait3A_546] : memref<8x128xi32, #tpu.memory_space<vmem>> -> memref<1x128xi32, #tpu.memory_space<vmem>>
        %dma_wait3A_548 = tpu.memref_squeeze %dma_wait3A_547 : memref<1x128xi32, #tpu.memory_space<vmem>> -> memref<128xi32, #tpu.memory_space<vmem>>
        %dma_wait3A_549 = arith.constant 0 : i32
        %dma_wait3A_550 = arith.constant 0 : i32
        %dma_wait3A_551 = tpu.memref_slice %arg12[%dma_wait3A_549, %dma_wait3A_550] : memref<10240x128xf32, #tpu.memory_space<vmem_shared>> -> memref<10240x128xf32, #tpu.memory_space<vmem_shared>>
        tpu.wait_indirect_dma semaphore(%run_scoped3A_539 : memref<!tpu.dma_semaphore, #tpu.memory_space<semaphore_mem>>) src(%arg10 : memref<128x128xf32, #tpu.memory_space<vmem>>) dst(%dma_wait3A_551 : memref<10240x128xf32, #tpu.memory_space<vmem_shared>>)
        tpu.yield
      }) : () -> ()
      %dma_start3A_455 = arith.constant 3 : i32
      %dma_start3A_456 = arith.constant 0 : i32
      %dma_start3A_457 = tpu.memref_slice %arg7[%dma_start3A_455, %dma_start3A_456] : memref<8x128xi32, #tpu.memory_space<vmem>> -> memref<1x128xi32, #tpu.memory_space<vmem>>
      %dma_start3A_458 = tpu.memref_squeeze %dma_start3A_457 : memref<1x128xi32, #tpu.memory_space<vmem>> -> memref<128xi32, #tpu.memory_space<vmem>>
      %dma_start3A_459 = arith.constant 0 : i32
      %dma_start3A_460 = arith.constant 0 : i32
      %dma_start3A_461 = tpu.memref_slice %arg2[%dma_start3A_459, %dma_start3A_460] : memref<10000x128xf32, #tpu.memory_space<hbm>> -> memref<10000x128xf32, #tpu.memory_space<hbm>>
      tpu.enqueue_indirect_dma source(%dma_start3A_461 : memref<10000x128xf32, #tpu.memory_space<hbm>>) target(%arg10 : memref<128x128xf32, #tpu.memory_space<vmem>>) offsets(%dma_start3A_458 : memref<128xi32, #tpu.memory_space<vmem>>) semaphore(%arg14 : memref<!tpu.dma_semaphore, #tpu.memory_space<semaphore_mem>>)
      %dma_wait3A_462 = arith.constant 2 : i32
      %dma_wait3A_463 = arith.constant 0 : i32
      %dma_wait3A_464 = tpu.memref_slice %arg7[%dma_wait3A_462, %dma_wait3A_463] : memref<8x128xi32, #tpu.memory_space<vmem>> -> memref<1x128xi32, #tpu.memory_space<vmem>>
      %dma_wait3A_465 = tpu.memref_squeeze %dma_wait3A_464 : memref<1x128xi32, #tpu.memory_space<vmem>> -> memref<128xi32, #tpu.memory_space<vmem>>
      %dma_wait3A_466 = arith.constant 0 : i32
      %dma_wait3A_467 = arith.constant 0 : i32
      %dma_wait3A_468 = tpu.memref_slice %arg2[%dma_wait3A_466, %dma_wait3A_467] : memref<10000x128xf32, #tpu.memory_space<hbm>> -> memref<10000x128xf32, #tpu.memory_space<hbm>>
      tpu.wait_indirect_dma semaphore(%arg13 : memref<!tpu.dma_semaphore, #tpu.memory_space<semaphore_mem>>) src(%dma_wait3A_468 : memref<10000x128xf32, #tpu.memory_space<hbm>>) dst(%arg9 : memref<128x128xf32, #tpu.memory_space<vmem>>)
      %run_scoped3A_469 = arith.constant 2 : i32
      "tpu.region"() ({
        %run_scoped3A_539 = tpu.sem_alloc : memref<!tpu.dma_semaphore, #tpu.memory_space<semaphore_mem>>
        %dma_start3A_540 = arith.constant 0 : i32
        %dma_start3A_541 = tpu.memref_slice %arg8[%run_scoped3A_469, %dma_start3A_540] : memref<8x128xi32, #tpu.memory_space<vmem>> -> memref<1x128xi32, #tpu.memory_space<vmem>>
        %dma_start3A_542 = tpu.memref_squeeze %dma_start3A_541 : memref<1x128xi32, #tpu.memory_space<vmem>> -> memref<128xi32, #tpu.memory_space<vmem>>
        %dma_start3A_543 = arith.constant 0 : i32
        %dma_start3A_544 = arith.constant 0 : i32
        %dma_start3A_545 = tpu.memref_slice %arg12[%dma_start3A_543, %dma_start3A_544] : memref<10240x128xf32, #tpu.memory_space<vmem_shared>> -> memref<10240x128xf32, #tpu.memory_space<vmem_shared>>
        tpu.enqueue_indirect_dma source(%arg9 : memref<128x128xf32, #tpu.memory_space<vmem>>) target(%dma_start3A_545 : memref<10240x128xf32, #tpu.memory_space<vmem_shared>>) offsets(%dma_start3A_542 : memref<128xi32, #tpu.memory_space<vmem>>) semaphore(%run_scoped3A_539 : memref<!tpu.dma_semaphore, #tpu.memory_space<semaphore_mem>>) {add = true}
        %dma_wait3A_546 = arith.constant 0 : i32
        %dma_wait3A_547 = tpu.memref_slice %arg8[%run_scoped3A_469, %dma_wait3A_546] : memref<8x128xi32, #tpu.memory_space<vmem>> -> memref<1x128xi32, #tpu.memory_space<vmem>>
        %dma_wait3A_548 = tpu.memref_squeeze %dma_wait3A_547 : memref<1x128xi32, #tpu.memory_space<vmem>> -> memref<128xi32, #tpu.memory_space<vmem>>
        %dma_wait3A_549 = arith.constant 0 : i32
        %dma_wait3A_550 = arith.constant 0 : i32
        %dma_wait3A_551 = tpu.memref_slice %arg12[%dma_wait3A_549, %dma_wait3A_550] : memref<10240x128xf32, #tpu.memory_space<vmem_shared>> -> memref<10240x128xf32, #tpu.memory_space<vmem_shared>>
        tpu.wait_indirect_dma semaphore(%run_scoped3A_539 : memref<!tpu.dma_semaphore, #tpu.memory_space<semaphore_mem>>) src(%arg9 : memref<128x128xf32, #tpu.memory_space<vmem>>) dst(%dma_wait3A_551 : memref<10240x128xf32, #tpu.memory_space<vmem_shared>>)
        tpu.yield
      }) : () -> ()
      %dma_start3A_470 = arith.constant 4 : i32
      %dma_start3A_471 = arith.constant 0 : i32
      %dma_start3A_472 = tpu.memref_slice %arg7[%dma_start3A_470, %dma_start3A_471] : memref<8x128xi32, #tpu.memory_space<vmem>> -> memref<1x128xi32, #tpu.memory_space<vmem>>
      %dma_start3A_473 = tpu.memref_squeeze %dma_start3A_472 : memref<1x128xi32, #tpu.memory_space<vmem>> -> memref<128xi32, #tpu.memory_space<vmem>>
      %dma_start3A_474 = arith.constant 0 : i32
      %dma_start3A_475 = arith.constant 0 : i32
      %dma_start3A_476 = tpu.memref_slice %arg2[%dma_start3A_474, %dma_start3A_475] : memref<10000x128xf32, #tpu.memory_space<hbm>> -> memref<10000x128xf32, #tpu.memory_space<hbm>>
      tpu.enqueue_indirect_dma source(%dma_start3A_476 : memref<10000x128xf32, #tpu.memory_space<hbm>>) target(%arg9 : memref<128x128xf32, #tpu.memory_space<vmem>>) offsets(%dma_start3A_473 : memref<128xi32, #tpu.memory_space<vmem>>) semaphore(%arg13 : memref<!tpu.dma_semaphore, #tpu.memory_space<semaphore_mem>>)
      %dma_wait3A_477 = arith.constant 3 : i32
      %dma_wait3A_478 = arith.constant 0 : i32
      %dma_wait3A_479 = tpu.memref_slice %arg7[%dma_wait3A_477, %dma_wait3A_478] : memref<8x128xi32, #tpu.memory_space<vmem>> -> memref<1x128xi32, #tpu.memory_space<vmem>>
      %dma_wait3A_480 = tpu.memref_squeeze %dma_wait3A_479 : memref<1x128xi32, #tpu.memory_space<vmem>> -> memref<128xi32, #tpu.memory_space<vmem>>
      %dma_wait3A_481 = arith.constant 0 : i32
      %dma_wait3A_482 = arith.constant 0 : i32
      %dma_wait3A_483 = tpu.memref_slice %arg2[%dma_wait3A_481, %dma_wait3A_482] : memref<10000x128xf32, #tpu.memory_space<hbm>> -> memref<10000x128xf32, #tpu.memory_space<hbm>>
      tpu.wait_indirect_dma semaphore(%arg14 : memref<!tpu.dma_semaphore, #tpu.memory_space<semaphore_mem>>) src(%dma_wait3A_483 : memref<10000x128xf32, #tpu.memory_space<hbm>>) dst(%arg10 : memref<128x128xf32, #tpu.memory_space<vmem>>)
      %run_scoped3A_484 = arith.constant 3 : i32
      "tpu.region"() ({
        %run_scoped3A_539 = tpu.sem_alloc : memref<!tpu.dma_semaphore, #tpu.memory_space<semaphore_mem>>
        %dma_start3A_540 = arith.constant 0 : i32
        %dma_start3A_541 = tpu.memref_slice %arg8[%run_scoped3A_484, %dma_start3A_540] : memref<8x128xi32, #tpu.memory_space<vmem>> -> memref<1x128xi32, #tpu.memory_space<vmem>>
        %dma_start3A_542 = tpu.memref_squeeze %dma_start3A_541 : memref<1x128xi32, #tpu.memory_space<vmem>> -> memref<128xi32, #tpu.memory_space<vmem>>
        %dma_start3A_543 = arith.constant 0 : i32
        %dma_start3A_544 = arith.constant 0 : i32
        %dma_start3A_545 = tpu.memref_slice %arg12[%dma_start3A_543, %dma_start3A_544] : memref<10240x128xf32, #tpu.memory_space<vmem_shared>> -> memref<10240x128xf32, #tpu.memory_space<vmem_shared>>
        tpu.enqueue_indirect_dma source(%arg10 : memref<128x128xf32, #tpu.memory_space<vmem>>) target(%dma_start3A_545 : memref<10240x128xf32, #tpu.memory_space<vmem_shared>>) offsets(%dma_start3A_542 : memref<128xi32, #tpu.memory_space<vmem>>) semaphore(%run_scoped3A_539 : memref<!tpu.dma_semaphore, #tpu.memory_space<semaphore_mem>>) {add = true}
        %dma_wait3A_546 = arith.constant 0 : i32
        %dma_wait3A_547 = tpu.memref_slice %arg8[%run_scoped3A_484, %dma_wait3A_546] : memref<8x128xi32, #tpu.memory_space<vmem>> -> memref<1x128xi32, #tpu.memory_space<vmem>>
        %dma_wait3A_548 = tpu.memref_squeeze %dma_wait3A_547 : memref<1x128xi32, #tpu.memory_space<vmem>> -> memref<128xi32, #tpu.memory_space<vmem>>
        %dma_wait3A_549 = arith.constant 0 : i32
        %dma_wait3A_550 = arith.constant 0 : i32
        %dma_wait3A_551 = tpu.memref_slice %arg12[%dma_wait3A_549, %dma_wait3A_550] : memref<10240x128xf32, #tpu.memory_space<vmem_shared>> -> memref<10240x128xf32, #tpu.memory_space<vmem_shared>>
        tpu.wait_indirect_dma semaphore(%run_scoped3A_539 : memref<!tpu.dma_semaphore, #tpu.memory_space<semaphore_mem>>) src(%arg10 : memref<128x128xf32, #tpu.memory_space<vmem>>) dst(%dma_wait3A_551 : memref<10240x128xf32, #tpu.memory_space<vmem_shared>>)
        tpu.yield
      }) : () -> ()
      %dma_start3A_485 = arith.constant 5 : i32
      %dma_start3A_486 = arith.constant 0 : i32
      %dma_start3A_487 = tpu.memref_slice %arg7[%dma_start3A_485, %dma_start3A_486] : memref<8x128xi32, #tpu.memory_space<vmem>> -> memref<1x128xi32, #tpu.memory_space<vmem>>
      %dma_start3A_488 = tpu.memref_squeeze %dma_start3A_487 : memref<1x128xi32, #tpu.memory_space<vmem>> -> memref<128xi32, #tpu.memory_space<vmem>>
      %dma_start3A_489 = arith.constant 0 : i32
      %dma_start3A_490 = arith.constant 0 : i32
      %dma_start3A_491 = tpu.memref_slice %arg2[%dma_start3A_489, %dma_start3A_490] : memref<10000x128xf32, #tpu.memory_space<hbm>> -> memref<10000x128xf32, #tpu.memory_space<hbm>>
      tpu.enqueue_indirect_dma source(%dma_start3A_491 : memref<10000x128xf32, #tpu.memory_space<hbm>>) target(%arg10 : memref<128x128xf32, #tpu.memory_space<vmem>>) offsets(%dma_start3A_488 : memref<128xi32, #tpu.memory_space<vmem>>) semaphore(%arg14 : memref<!tpu.dma_semaphore, #tpu.memory_space<semaphore_mem>>)
      %dma_wait3A_492 = arith.constant 4 : i32
      %dma_wait3A_493 = arith.constant 0 : i32
      %dma_wait3A_494 = tpu.memref_slice %arg7[%dma_wait3A_492, %dma_wait3A_493] : memref<8x128xi32, #tpu.memory_space<vmem>> -> memref<1x128xi32, #tpu.memory_space<vmem>>
      %dma_wait3A_495 = tpu.memref_squeeze %dma_wait3A_494 : memref<1x128xi32, #tpu.memory_space<vmem>> -> memref<128xi32, #tpu.memory_space<vmem>>
      %dma_wait3A_496 = arith.constant 0 : i32
      %dma_wait3A_497 = arith.constant 0 : i32
      %dma_wait3A_498 = tpu.memref_slice %arg2[%dma_wait3A_496, %dma_wait3A_497] : memref<10000x128xf32, #tpu.memory_space<hbm>> -> memref<10000x128xf32, #tpu.memory_space<hbm>>
      tpu.wait_indirect_dma semaphore(%arg13 : memref<!tpu.dma_semaphore, #tpu.memory_space<semaphore_mem>>) src(%dma_wait3A_498 : memref<10000x128xf32, #tpu.memory_space<hbm>>) dst(%arg9 : memref<128x128xf32, #tpu.memory_space<vmem>>)
      %run_scoped3A_499 = arith.constant 4 : i32
      "tpu.region"() ({
        %run_scoped3A_539 = tpu.sem_alloc : memref<!tpu.dma_semaphore, #tpu.memory_space<semaphore_mem>>
        %dma_start3A_540 = arith.constant 0 : i32
        %dma_start3A_541 = tpu.memref_slice %arg8[%run_scoped3A_499, %dma_start3A_540] : memref<8x128xi32, #tpu.memory_space<vmem>> -> memref<1x128xi32, #tpu.memory_space<vmem>>
        %dma_start3A_542 = tpu.memref_squeeze %dma_start3A_541 : memref<1x128xi32, #tpu.memory_space<vmem>> -> memref<128xi32, #tpu.memory_space<vmem>>
        %dma_start3A_543 = arith.constant 0 : i32
        %dma_start3A_544 = arith.constant 0 : i32
        %dma_start3A_545 = tpu.memref_slice %arg12[%dma_start3A_543, %dma_start3A_544] : memref<10240x128xf32, #tpu.memory_space<vmem_shared>> -> memref<10240x128xf32, #tpu.memory_space<vmem_shared>>
        tpu.enqueue_indirect_dma source(%arg9 : memref<128x128xf32, #tpu.memory_space<vmem>>) target(%dma_start3A_545 : memref<10240x128xf32, #tpu.memory_space<vmem_shared>>) offsets(%dma_start3A_542 : memref<128xi32, #tpu.memory_space<vmem>>) semaphore(%run_scoped3A_539 : memref<!tpu.dma_semaphore, #tpu.memory_space<semaphore_mem>>) {add = true}
        %dma_wait3A_546 = arith.constant 0 : i32
        %dma_wait3A_547 = tpu.memref_slice %arg8[%run_scoped3A_499, %dma_wait3A_546] : memref<8x128xi32, #tpu.memory_space<vmem>> -> memref<1x128xi32, #tpu.memory_space<vmem>>
        %dma_wait3A_548 = tpu.memref_squeeze %dma_wait3A_547 : memref<1x128xi32, #tpu.memory_space<vmem>> -> memref<128xi32, #tpu.memory_space<vmem>>
        %dma_wait3A_549 = arith.constant 0 : i32
        %dma_wait3A_550 = arith.constant 0 : i32
        %dma_wait3A_551 = tpu.memref_slice %arg12[%dma_wait3A_549, %dma_wait3A_550] : memref<10240x128xf32, #tpu.memory_space<vmem_shared>> -> memref<10240x128xf32, #tpu.memory_space<vmem_shared>>
        tpu.wait_indirect_dma semaphore(%run_scoped3A_539 : memref<!tpu.dma_semaphore, #tpu.memory_space<semaphore_mem>>) src(%arg9 : memref<128x128xf32, #tpu.memory_space<vmem>>) dst(%dma_wait3A_551 : memref<10240x128xf32, #tpu.memory_space<vmem_shared>>)
        tpu.yield
      }) : () -> ()
      %dma_start3A_500 = arith.constant 6 : i32
      %dma_start3A_501 = arith.constant 0 : i32
      %dma_start3A_502 = tpu.memref_slice %arg7[%dma_start3A_500, %dma_start3A_501] : memref<8x128xi32, #tpu.memory_space<vmem>> -> memref<1x128xi32, #tpu.memory_space<vmem>>
      %dma_start3A_503 = tpu.memref_squeeze %dma_start3A_502 : memref<1x128xi32, #tpu.memory_space<vmem>> -> memref<128xi32, #tpu.memory_space<vmem>>
      %dma_start3A_504 = arith.constant 0 : i32
      %dma_start3A_505 = arith.constant 0 : i32
      %dma_start3A_506 = tpu.memref_slice %arg2[%dma_start3A_504, %dma_start3A_505] : memref<10000x128xf32, #tpu.memory_space<hbm>> -> memref<10000x128xf32, #tpu.memory_space<hbm>>
      tpu.enqueue_indirect_dma source(%dma_start3A_506 : memref<10000x128xf32, #tpu.memory_space<hbm>>) target(%arg9 : memref<128x128xf32, #tpu.memory_space<vmem>>) offsets(%dma_start3A_503 : memref<128xi32, #tpu.memory_space<vmem>>) semaphore(%arg13 : memref<!tpu.dma_semaphore, #tpu.memory_space<semaphore_mem>>)
      %dma_wait3A_507 = arith.constant 5 : i32
      %dma_wait3A_508 = arith.constant 0 : i32
      %dma_wait3A_509 = tpu.memref_slice %arg7[%dma_wait3A_507, %dma_wait3A_508] : memref<8x128xi32, #tpu.memory_space<vmem>> -> memref<1x128xi32, #tpu.memory_space<vmem>>
      %dma_wait3A_510 = tpu.memref_squeeze %dma_wait3A_509 : memref<1x128xi32, #tpu.memory_space<vmem>> -> memref<128xi32, #tpu.memory_space<vmem>>
      %dma_wait3A_511 = arith.constant 0 : i32
      %dma_wait3A_512 = arith.constant 0 : i32
      %dma_wait3A_513 = tpu.memref_slice %arg2[%dma_wait3A_511, %dma_wait3A_512] : memref<10000x128xf32, #tpu.memory_space<hbm>> -> memref<10000x128xf32, #tpu.memory_space<hbm>>
      tpu.wait_indirect_dma semaphore(%arg14 : memref<!tpu.dma_semaphore, #tpu.memory_space<semaphore_mem>>) src(%dma_wait3A_513 : memref<10000x128xf32, #tpu.memory_space<hbm>>) dst(%arg10 : memref<128x128xf32, #tpu.memory_space<vmem>>)
      %run_scoped3A_514 = arith.constant 5 : i32
      "tpu.region"() ({
        %run_scoped3A_539 = tpu.sem_alloc : memref<!tpu.dma_semaphore, #tpu.memory_space<semaphore_mem>>
        %dma_start3A_540 = arith.constant 0 : i32
        %dma_start3A_541 = tpu.memref_slice %arg8[%run_scoped3A_514, %dma_start3A_540] : memref<8x128xi32, #tpu.memory_space<vmem>> -> memref<1x128xi32, #tpu.memory_space<vmem>>
        %dma_start3A_542 = tpu.memref_squeeze %dma_start3A_541 : memref<1x128xi32, #tpu.memory_space<vmem>> -> memref<128xi32, #tpu.memory_space<vmem>>
        %dma_start3A_543 = arith.constant 0 : i32
        %dma_start3A_544 = arith.constant 0 : i32
        %dma_start3A_545 = tpu.memref_slice %arg12[%dma_start3A_543, %dma_start3A_544] : memref<10240x128xf32, #tpu.memory_space<vmem_shared>> -> memref<10240x128xf32, #tpu.memory_space<vmem_shared>>
        tpu.enqueue_indirect_dma source(%arg10 : memref<128x128xf32, #tpu.memory_space<vmem>>) target(%dma_start3A_545 : memref<10240x128xf32, #tpu.memory_space<vmem_shared>>) offsets(%dma_start3A_542 : memref<128xi32, #tpu.memory_space<vmem>>) semaphore(%run_scoped3A_539 : memref<!tpu.dma_semaphore, #tpu.memory_space<semaphore_mem>>) {add = true}
        %dma_wait3A_546 = arith.constant 0 : i32
        %dma_wait3A_547 = tpu.memref_slice %arg8[%run_scoped3A_514, %dma_wait3A_546] : memref<8x128xi32, #tpu.memory_space<vmem>> -> memref<1x128xi32, #tpu.memory_space<vmem>>
        %dma_wait3A_548 = tpu.memref_squeeze %dma_wait3A_547 : memref<1x128xi32, #tpu.memory_space<vmem>> -> memref<128xi32, #tpu.memory_space<vmem>>
        %dma_wait3A_549 = arith.constant 0 : i32
        %dma_wait3A_550 = arith.constant 0 : i32
        %dma_wait3A_551 = tpu.memref_slice %arg12[%dma_wait3A_549, %dma_wait3A_550] : memref<10240x128xf32, #tpu.memory_space<vmem_shared>> -> memref<10240x128xf32, #tpu.memory_space<vmem_shared>>
        tpu.wait_indirect_dma semaphore(%run_scoped3A_539 : memref<!tpu.dma_semaphore, #tpu.memory_space<semaphore_mem>>) src(%arg10 : memref<128x128xf32, #tpu.memory_space<vmem>>) dst(%dma_wait3A_551 : memref<10240x128xf32, #tpu.memory_space<vmem_shared>>)
        tpu.yield
      }) : () -> ()
      %dma_start3A_515 = arith.constant 7 : i32
      %dma_start3A_516 = arith.constant 0 : i32
      %dma_start3A_517 = tpu.memref_slice %arg7[%dma_start3A_515, %dma_start3A_516] : memref<8x128xi32, #tpu.memory_space<vmem>> -> memref<1x128xi32, #tpu.memory_space<vmem>>
      %dma_start3A_518 = tpu.memref_squeeze %dma_start3A_517 : memref<1x128xi32, #tpu.memory_space<vmem>> -> memref<128xi32, #tpu.memory_space<vmem>>
      %dma_start3A_519 = arith.constant 0 : i32
      %dma_start3A_520 = arith.constant 0 : i32
      %dma_start3A_521 = tpu.memref_slice %arg2[%dma_start3A_519, %dma_start3A_520] : memref<10000x128xf32, #tpu.memory_space<hbm>> -> memref<10000x128xf32, #tpu.memory_space<hbm>>
      tpu.enqueue_indirect_dma source(%dma_start3A_521 : memref<10000x128xf32, #tpu.memory_space<hbm>>) target(%arg10 : memref<128x128xf32, #tpu.memory_space<vmem>>) offsets(%dma_start3A_518 : memref<128xi32, #tpu.memory_space<vmem>>) semaphore(%arg14 : memref<!tpu.dma_semaphore, #tpu.memory_space<semaphore_mem>>)
      %dma_wait3A_522 = arith.constant 6 : i32
      %dma_wait3A_523 = arith.constant 0 : i32
      %dma_wait3A_524 = tpu.memref_slice %arg7[%dma_wait3A_522, %dma_wait3A_523] : memref<8x128xi32, #tpu.memory_space<vmem>> -> memref<1x128xi32, #tpu.memory_space<vmem>>
      %dma_wait3A_525 = tpu.memref_squeeze %dma_wait3A_524 : memref<1x128xi32, #tpu.memory_space<vmem>> -> memref<128xi32, #tpu.memory_space<vmem>>
      %dma_wait3A_526 = arith.constant 0 : i32
      %dma_wait3A_527 = arith.constant 0 : i32
      %dma_wait3A_528 = tpu.memref_slice %arg2[%dma_wait3A_526, %dma_wait3A_527] : memref<10000x128xf32, #tpu.memory_space<hbm>> -> memref<10000x128xf32, #tpu.memory_space<hbm>>
      tpu.wait_indirect_dma semaphore(%arg13 : memref<!tpu.dma_semaphore, #tpu.memory_space<semaphore_mem>>) src(%dma_wait3A_528 : memref<10000x128xf32, #tpu.memory_space<hbm>>) dst(%arg9 : memref<128x128xf32, #tpu.memory_space<vmem>>)
      %run_scoped3A_529 = arith.constant 6 : i32
      "tpu.region"() ({
        %run_scoped3A_539 = tpu.sem_alloc : memref<!tpu.dma_semaphore, #tpu.memory_space<semaphore_mem>>
        %dma_start3A_540 = arith.constant 0 : i32
        %dma_start3A_541 = tpu.memref_slice %arg8[%run_scoped3A_529, %dma_start3A_540] : memref<8x128xi32, #tpu.memory_space<vmem>> -> memref<1x128xi32, #tpu.memory_space<vmem>>
        %dma_start3A_542 = tpu.memref_squeeze %dma_start3A_541 : memref<1x128xi32, #tpu.memory_space<vmem>> -> memref<128xi32, #tpu.memory_space<vmem>>
        %dma_start3A_543 = arith.constant 0 : i32
        %dma_start3A_544 = arith.constant 0 : i32
        %dma_start3A_545 = tpu.memref_slice %arg12[%dma_start3A_543, %dma_start3A_544] : memref<10240x128xf32, #tpu.memory_space<vmem_shared>> -> memref<10240x128xf32, #tpu.memory_space<vmem_shared>>
        tpu.enqueue_indirect_dma source(%arg9 : memref<128x128xf32, #tpu.memory_space<vmem>>) target(%dma_start3A_545 : memref<10240x128xf32, #tpu.memory_space<vmem_shared>>) offsets(%dma_start3A_542 : memref<128xi32, #tpu.memory_space<vmem>>) semaphore(%run_scoped3A_539 : memref<!tpu.dma_semaphore, #tpu.memory_space<semaphore_mem>>) {add = true}
        %dma_wait3A_546 = arith.constant 0 : i32
        %dma_wait3A_547 = tpu.memref_slice %arg8[%run_scoped3A_529, %dma_wait3A_546] : memref<8x128xi32, #tpu.memory_space<vmem>> -> memref<1x128xi32, #tpu.memory_space<vmem>>
        %dma_wait3A_548 = tpu.memref_squeeze %dma_wait3A_547 : memref<1x128xi32, #tpu.memory_space<vmem>> -> memref<128xi32, #tpu.memory_space<vmem>>
        %dma_wait3A_549 = arith.constant 0 : i32
        %dma_wait3A_550 = arith.constant 0 : i32
        %dma_wait3A_551 = tpu.memref_slice %arg12[%dma_wait3A_549, %dma_wait3A_550] : memref<10240x128xf32, #tpu.memory_space<vmem_shared>> -> memref<10240x128xf32, #tpu.memory_space<vmem_shared>>
        tpu.wait_indirect_dma semaphore(%run_scoped3A_539 : memref<!tpu.dma_semaphore, #tpu.memory_space<semaphore_mem>>) src(%arg9 : memref<128x128xf32, #tpu.memory_space<vmem>>) dst(%dma_wait3A_551 : memref<10240x128xf32, #tpu.memory_space<vmem_shared>>)
        tpu.yield
      }) : () -> ()
      %dma_wait3A_530 = arith.constant 7 : i32
      %dma_wait3A_531 = arith.constant 0 : i32
      %dma_wait3A_532 = tpu.memref_slice %arg7[%dma_wait3A_530, %dma_wait3A_531] : memref<8x128xi32, #tpu.memory_space<vmem>> -> memref<1x128xi32, #tpu.memory_space<vmem>>
      %dma_wait3A_533 = tpu.memref_squeeze %dma_wait3A_532 : memref<1x128xi32, #tpu.memory_space<vmem>> -> memref<128xi32, #tpu.memory_space<vmem>>
      %dma_wait3A_534 = arith.constant 0 : i32
      %dma_wait3A_535 = arith.constant 0 : i32
      %dma_wait3A_536 = tpu.memref_slice %arg2[%dma_wait3A_534, %dma_wait3A_535] : memref<10000x128xf32, #tpu.memory_space<hbm>> -> memref<10000x128xf32, #tpu.memory_space<hbm>>
      tpu.wait_indirect_dma semaphore(%arg14 : memref<!tpu.dma_semaphore, #tpu.memory_space<semaphore_mem>>) src(%dma_wait3A_536 : memref<10000x128xf32, #tpu.memory_space<hbm>>) dst(%arg10 : memref<128x128xf32, #tpu.memory_space<vmem>>)
      %run_scoped3A_537 = arith.constant 7 : i32
      "tpu.region"() ({
        %run_scoped3A_539 = tpu.sem_alloc : memref<!tpu.dma_semaphore, #tpu.memory_space<semaphore_mem>>
        %dma_start3A_540 = arith.constant 0 : i32
        %dma_start3A_541 = tpu.memref_slice %arg8[%run_scoped3A_537, %dma_start3A_540] : memref<8x128xi32, #tpu.memory_space<vmem>> -> memref<1x128xi32, #tpu.memory_space<vmem>>
        %dma_start3A_542 = tpu.memref_squeeze %dma_start3A_541 : memref<1x128xi32, #tpu.memory_space<vmem>> -> memref<128xi32, #tpu.memory_space<vmem>>
        %dma_start3A_543 = arith.constant 0 : i32
        %dma_start3A_544 = arith.constant 0 : i32
        %dma_start3A_545 = tpu.memref_slice %arg12[%dma_start3A_543, %dma_start3A_544] : memref<10240x128xf32, #tpu.memory_space<vmem_shared>> -> memref<10240x128xf32, #tpu.memory_space<vmem_shared>>
        tpu.enqueue_indirect_dma source(%arg10 : memref<128x128xf32, #tpu.memory_space<vmem>>) target(%dma_start3A_545 : memref<10240x128xf32, #tpu.memory_space<vmem_shared>>) offsets(%dma_start3A_542 : memref<128xi32, #tpu.memory_space<vmem>>) semaphore(%run_scoped3A_539 : memref<!tpu.dma_semaphore, #tpu.memory_space<semaphore_mem>>) {add = true}
        %dma_wait3A_546 = arith.constant 0 : i32
        %dma_wait3A_547 = tpu.memref_slice %arg8[%run_scoped3A_537, %dma_wait3A_546] : memref<8x128xi32, #tpu.memory_space<vmem>> -> memref<1x128xi32, #tpu.memory_space<vmem>>
        %dma_wait3A_548 = tpu.memref_squeeze %dma_wait3A_547 : memref<1x128xi32, #tpu.memory_space<vmem>> -> memref<128xi32, #tpu.memory_space<vmem>>
        %dma_wait3A_549 = arith.constant 0 : i32
        %dma_wait3A_550 = arith.constant 0 : i32
        %dma_wait3A_551 = tpu.memref_slice %arg12[%dma_wait3A_549, %dma_wait3A_550] : memref<10240x128xf32, #tpu.memory_space<vmem_shared>> -> memref<10240x128xf32, #tpu.memory_space<vmem_shared>>
        tpu.wait_indirect_dma semaphore(%run_scoped3A_539 : memref<!tpu.dma_semaphore, #tpu.memory_space<semaphore_mem>>) src(%arg10 : memref<128x128xf32, #tpu.memory_space<vmem>>) dst(%dma_wait3A_551 : memref<10240x128xf32, #tpu.memory_space<vmem_shared>>)
        tpu.yield
      }) : () -> ()
      %while3A_538 = arith.constant 0 : i32
      scf.yield %while3A_538 : i32
    }
    %barrier3A_412 = arith.constant 0 : index
    tpu.barrier barrier_id(%barrier3A_412)
    "tpu.region"() ({
      %run_scoped3A = tpu.sem_alloc : memref<!tpu.dma_semaphore, #tpu.memory_space<semaphore_mem>>
      %dma_start3A = arith.constant 0 : i32
      %dma_start3A_416 = tpu.memref_slice %arg5[%arg0, %mul3A_0, %dma_start3A] : memref<2x10240x128xf32, #tpu.memory_space<hbm>> -> memref<1x640x128xf32, #tpu.memory_space<hbm>>
      %dma_start3A_417 = tpu.memref_squeeze %dma_start3A_416 : memref<1x640x128xf32, #tpu.memory_space<hbm>> -> memref<640x128xf32, #tpu.memory_space<hbm>>
      %dma_start3A_418 = arith.constant 0 : i32
      %dma_start3A_419 = tpu.memref_slice %arg12[%mul3A_0, %dma_start3A_418] : memref<10240x128xf32, #tpu.memory_space<vmem_shared>> -> memref<640x128xf32, #tpu.memory_space<vmem_shared>>
      tpu.enqueue_dma source(%dma_start3A_419 : memref<640x128xf32, #tpu.memory_space<vmem_shared>>) target(%dma_start3A_417 : memref<640x128xf32, #tpu.memory_space<hbm>>) target_semaphore(%run_scoped3A : memref<!tpu.dma_semaphore, #tpu.memory_space<semaphore_mem>>)
      %dma_wait3A = arith.constant 0 : i32
      %dma_wait3A_420 = tpu.memref_slice %arg5[%arg0, %mul3A_0, %dma_wait3A] : memref<2x10240x128xf32, #tpu.memory_space<hbm>> -> memref<1x640x128xf32, #tpu.memory_space<hbm>>
      %dma_wait3A_421 = tpu.memref_squeeze %dma_wait3A_420 : memref<1x640x128xf32, #tpu.memory_space<hbm>> -> memref<640x128xf32, #tpu.memory_space<hbm>>
      %dma_wait3A_422 = arith.constant 0 : i32
      %dma_wait3A_423 = tpu.memref_slice %arg12[%mul3A_0, %dma_wait3A_422] : memref<10240x128xf32, #tpu.memory_space<vmem_shared>> -> memref<640x128xf32, #tpu.memory_space<vmem_shared>>
      tpu.wait_dma2 semaphore(%run_scoped3A : memref<!tpu.dma_semaphore, #tpu.memory_space<semaphore_mem>>) src(%dma_wait3A_423 : memref<640x128xf32, #tpu.memory_space<vmem_shared>>) dst(%dma_wait3A_421 : memref<640x128xf32, #tpu.memory_space<hbm>>)
      tpu.yield
    }) : () -> ()
    %eq3A_413 = arith.constant 0 : i32
    %eq3A_414 = arith.cmpi eq, %arg0, %eq3A_413 : i32
    %convert_element_type3A = arith.extui %eq3A_414 : i1 to i32
    %cond3A = arith.constant 0 : i32
    %cond3A_415 = arith.cmpi ne, %convert_element_type3A, %cond3A : i32
    scf.if %cond3A_415 {
      %barrier3A_416 = arith.constant 0 : index
      tpu.barrier barrier_id(%barrier3A_416)
      %scan3A_417 = arith.constant 0 : i32
      %scan3A_418 = arith.constant 0 : i32
      %scan3A_419 = arith.constant 80 : i32
      %scan3A_420 = arith.addi %scan3A_418, %scan3A_419 : i32
      %scan3A_421 = arith.constant 1 : i32
      %scan3A_422 = scf.for %scan3A_442 = %scan3A_418 to %scan3A_420 step %scan3A_421 iter_args(%scan3A_443 = %scan3A_417) -> (i32)  : i32 {
        %mul3A_444 = arith.constant 8 : i32
        %mul3A_445 = arith.muli %scan3A_442, %mul3A_444 : i32
        %add3A_446 = arith.addi %mul3A_0, %mul3A_445 : i32
        "tpu.region"() ({
          %run_scoped3A = tpu.sem_alloc : memref<!tpu.dma_semaphore, #tpu.memory_space<semaphore_mem>>
          %dma_start3A = arith.constant 0 : i32
          %dma_start3A_448 = tpu.memref_slice %arg12[%add3A_446, %dma_start3A] : memref<10240x128xf32, #tpu.memory_space<vmem_shared>> -> memref<8x128xf32, #tpu.memory_space<vmem_shared>>
          %dma_start3A_449 = arith.constant 0 : i32
          %dma_start3A_450 = tpu.memref_slice %arg12[%add3A_446, %dma_start3A_449] : memref<10240x128xf32, #tpu.memory_space<vmem_shared>> -> memref<8x128xf32, #tpu.memory_space<vmem_shared>>
          tpu.enqueue_dma source(%arg11 : memref<8x128xf32, #tpu.memory_space<vmem>>) target(%dma_start3A_450 : memref<8x128xf32, #tpu.memory_space<vmem_shared>>) target_semaphore(%run_scoped3A : memref<!tpu.dma_semaphore, #tpu.memory_space<semaphore_mem>>)
          %dma_wait3A = arith.constant 0 : i32
          %dma_wait3A_451 = tpu.memref_slice %arg12[%add3A_446, %dma_wait3A] : memref<10240x128xf32, #tpu.memory_space<vmem_shared>> -> memref<8x128xf32, #tpu.memory_space<vmem_shared>>
          %dma_wait3A_452 = arith.constant 0 : i32
          %dma_wait3A_453 = tpu.memref_slice %arg12[%add3A_446, %dma_wait3A_452] : memref<10240x128xf32, #tpu.memory_space<vmem_shared>> -> memref<8x128xf32, #tpu.memory_space<vmem_shared>>
          tpu.wait_dma2 semaphore(%run_scoped3A : memref<!tpu.dma_semaphore, #tpu.memory_space<semaphore_mem>>) src(%arg11 : memref<8x128xf32, #tpu.memory_space<vmem>>) dst(%dma_wait3A_453 : memref<8x128xf32, #tpu.memory_space<vmem_shared>>)
          tpu.yield
        }) : () -> ()
        %scan3A_447 = arith.constant 0 : i32
        scf.yield %scan3A_447 : i32
      }
      %scan3A_423 = arith.constant 80 : i32
      %broadcast_in_dim3A_424 = arith.constant 1.000000e+00 : f32
      %broadcast_in_dim3A_425 = vector.broadcast %broadcast_in_dim3A_424 : f32 to vector<16xf32>
      %scan3A_426 = arith.constant 0 : i32
      %scan3A_427 = arith.constant 0 : i32
      %scan3A_428 = arith.constant 128 : i32
      %scan3A_429 = arith.addi %scan3A_427, %scan3A_428 : i32
      %scan3A_430 = arith.constant 1 : i32
      %scan3A_431 = scf.for %scan3A_442 = %scan3A_427 to %scan3A_429 step %scan3A_430 iter_args(%scan3A_443 = %scan3A_426) -> (i32)  : i32 {
        %swap3A_444 = arith.index_cast %scan3A_442 : i32 to index
        %swap3A_445 = arith.constant 0 : index
        %swap3A_446 = tpu.vector_load %arg9[%swap3A_444, %swap3A_445] {strides = array<i32>} : memref<128x128xf32, #tpu.memory_space<vmem>>, vector<1x16xf32>,
        %swap3A_447 = vector.shape_cast %swap3A_446 : vector<1x16xf32> to vector<16xf32>
        %swap3A_448 = vector.shape_cast %broadcast_in_dim3A_425 : vector<16xf32> to vector<1x16xf32>
        tpu.vector_store %arg9[%swap3A_444, %swap3A_445], %swap3A_448 {strides = array<i32>} : memref<128x128xf32, #tpu.memory_space<vmem>>, vector<1x16xf32>,
        %swap3A_449 = arith.index_cast %scan3A_442 : i32 to index
        %swap3A_450 = arith.constant 16 : index
        %swap3A_451 = tpu.vector_load %arg9[%swap3A_449, %swap3A_450] {strides = array<i32>} : memref<128x128xf32, #tpu.memory_space<vmem>>, vector<1x16xf32>,
        %swap3A_452 = vector.shape_cast %swap3A_451 : vector<1x16xf32> to vector<16xf32>
        %swap3A_453 = vector.shape_cast %broadcast_in_dim3A_425 : vector<16xf32> to vector<1x16xf32>
        tpu.vector_store %arg9[%swap3A_449, %swap3A_450], %swap3A_453 {strides = array<i32>} : memref<128x128xf32, #tpu.memory_space<vmem>>, vector<1x16xf32>,
        %swap3A_454 = arith.index_cast %scan3A_442 : i32 to index
        %swap3A_455 = arith.constant 32 : index
        %swap3A_456 = tpu.vector_load %arg9[%swap3A_454, %swap3A_455] {strides = array<i32>} : memref<128x128xf32, #tpu.memory_space<vmem>>, vector<1x16xf32>,
        %swap3A_457 = vector.shape_cast %swap3A_456 : vector<1x16xf32> to vector<16xf32>
        %swap3A_458 = vector.shape_cast %broadcast_in_dim3A_425 : vector<16xf32> to vector<1x16xf32>
        tpu.vector_store %arg9[%swap3A_454, %swap3A_455], %swap3A_458 {strides = array<i32>} : memref<128x128xf32, #tpu.memory_space<vmem>>, vector<1x16xf32>,
        %swap3A_459 = arith.index_cast %scan3A_442 : i32 to index
        %swap3A_460 = arith.constant 48 : index
        %swap3A_461 = tpu.vector_load %arg9[%swap3A_459, %swap3A_460] {strides = array<i32>} : memref<128x128xf32, #tpu.memory_space<vmem>>, vector<1x16xf32>,
        %swap3A_462 = vector.shape_cast %swap3A_461 : vector<1x16xf32> to vector<16xf32>
        %swap3A_463 = vector.shape_cast %broadcast_in_dim3A_425 : vector<16xf32> to vector<1x16xf32>
        tpu.vector_store %arg9[%swap3A_459, %swap3A_460], %swap3A_463 {strides = array<i32>} : memref<128x128xf32, #tpu.memory_space<vmem>>, vector<1x16xf32>,
        %swap3A_464 = arith.index_cast %scan3A_442 : i32 to index
        %swap3A_465 = arith.constant 64 : index
        %swap3A_466 = tpu.vector_load %arg9[%swap3A_464, %swap3A_465] {strides = array<i32>} : memref<128x128xf32, #tpu.memory_space<vmem>>, vector<1x16xf32>,
        %swap3A_467 = vector.shape_cast %swap3A_466 : vector<1x16xf32> to vector<16xf32>
        %swap3A_468 = vector.shape_cast %broadcast_in_dim3A_425 : vector<16xf32> to vector<1x16xf32>
        tpu.vector_store %arg9[%swap3A_464, %swap3A_465], %swap3A_468 {strides = array<i32>} : memref<128x128xf32, #tpu.memory_space<vmem>>, vector<1x16xf32>,
        %swap3A_469 = arith.index_cast %scan3A_442 : i32 to index
        %swap3A_470 = arith.constant 80 : index
        %swap3A_471 = tpu.vector_load %arg9[%swap3A_469, %swap3A_470] {strides = array<i32>} : memref<128x128xf32, #tpu.memory_space<vmem>>, vector<1x16xf32>,
        %swap3A_472 = vector.shape_cast %swap3A_471 : vector<1x16xf32> to vector<16xf32>
        %swap3A_473 = vector.shape_cast %broadcast_in_dim3A_425 : vector<16xf32> to vector<1x16xf32>
        tpu.vector_store %arg9[%swap3A_469, %swap3A_470], %swap3A_473 {strides = array<i32>} : memref<128x128xf32, #tpu.memory_space<vmem>>, vector<1x16xf32>,
        %swap3A_474 = arith.index_cast %scan3A_442 : i32 to index
        %swap3A_475 = arith.constant 96 : index
        %swap3A_476 = tpu.vector_load %arg9[%swap3A_474, %swap3A_475] {strides = array<i32>} : memref<128x128xf32, #tpu.memory_space<vmem>>, vector<1x16xf32>,
        %swap3A_477 = vector.shape_cast %swap3A_476 : vector<1x16xf32> to vector<16xf32>
        %swap3A_478 = vector.shape_cast %broadcast_in_dim3A_425 : vector<16xf32> to vector<1x16xf32>
        tpu.vector_store %arg9[%swap3A_474, %swap3A_475], %swap3A_478 {strides = array<i32>} : memref<128x128xf32, #tpu.memory_space<vmem>>, vector<1x16xf32>,
        %swap3A_479 = arith.index_cast %scan3A_442 : i32 to index
        %swap3A_480 = arith.constant 112 : index
        %swap3A_481 = tpu.vector_load %arg9[%swap3A_479, %swap3A_480] {strides = array<i32>} : memref<128x128xf32, #tpu.memory_space<vmem>>, vector<1x16xf32>,
        %swap3A_482 = vector.shape_cast %swap3A_481 : vector<1x16xf32> to vector<16xf32>
        %swap3A_483 = vector.shape_cast %broadcast_in_dim3A_425 : vector<16xf32> to vector<1x16xf32>
        tpu.vector_store %arg9[%swap3A_479, %swap3A_480], %swap3A_483 {strides = array<i32>} : memref<128x128xf32, #tpu.memory_space<vmem>>, vector<1x16xf32>,
        %scan3A_484 = arith.constant 0 : i32
        scf.yield %scan3A_484 : i32
      }
      %scan3A_432 = arith.constant 128 : i32
      %barrier3A_433 = arith.constant 0 : index
      tpu.barrier barrier_id(%barrier3A_433)
      %scan3A_434 = arith.constant 0 : i32
      %scan3A_435 = arith.constant 0 : i32
      %scan3A_436 = arith.constant 20 : i32
      %scan3A_437 = arith.addi %scan3A_435, %scan3A_436 : i32
      %scan3A_438 = arith.constant 1 : i32
      %scan3A_439 = scf.for %scan3A_442 = %scan3A_435 to %scan3A_437 step %scan3A_438 iter_args(%scan3A_443 = %scan3A_434) -> (i32)  : i32 {
        %mul3A_444 = arith.constant 160 : i32
        %mul3A_445 = arith.muli %arg1, %mul3A_444 : i32
        %mul3A_446 = arith.constant 8 : i32
        %mul3A_447 = arith.muli %scan3A_442, %mul3A_446 : i32
        %add3A_448 = arith.addi %mul3A_445, %mul3A_447 : i32
        "tpu.region"() ({
          %run_scoped3A_457 = tpu.sem_alloc : memref<!tpu.dma_semaphore, #tpu.memory_space<semaphore_mem>>
          %dma_start3A = arith.constant 0 : i32
          %dma_start3A_458 = tpu.memref_slice %arg4[%add3A_448, %dma_start3A] : memref<2560x128xi32, #tpu.memory_space<hbm>> -> memref<8x128xi32, #tpu.memory_space<hbm>>
          %dma_start3A_459 = arith.constant 0 : i32
          %dma_start3A_460 = tpu.memref_slice %arg4[%add3A_448, %dma_start3A_459] : memref<2560x128xi32, #tpu.memory_space<hbm>> -> memref<8x128xi32, #tpu.memory_space<hbm>>
          tpu.enqueue_dma source(%dma_start3A_460 : memref<8x128xi32, #tpu.memory_space<hbm>>) target(%arg8 : memref<8x128xi32, #tpu.memory_space<vmem>>) target_semaphore(%run_scoped3A_457 : memref<!tpu.dma_semaphore, #tpu.memory_space<semaphore_mem>>)
          %dma_wait3A = arith.constant 0 : i32
          %dma_wait3A_461 = tpu.memref_slice %arg4[%add3A_448, %dma_wait3A] : memref<2560x128xi32, #tpu.memory_space<hbm>> -> memref<8x128xi32, #tpu.memory_space<hbm>>
          %dma_wait3A_462 = arith.constant 0 : i32
          %dma_wait3A_463 = tpu.memref_slice %arg4[%add3A_448, %dma_wait3A_462] : memref<2560x128xi32, #tpu.memory_space<hbm>> -> memref<8x128xi32, #tpu.memory_space<hbm>>
          tpu.wait_dma2 semaphore(%run_scoped3A_457 : memref<!tpu.dma_semaphore, #tpu.memory_space<semaphore_mem>>) src(%dma_wait3A_463 : memref<8x128xi32, #tpu.memory_space<hbm>>) dst(%arg8 : memref<8x128xi32, #tpu.memory_space<vmem>>)
          tpu.yield
        }) : () -> ()
        %run_scoped3A = arith.constant 0 : i32
        "tpu.region"() ({
          %run_scoped3A_457 = tpu.sem_alloc : memref<!tpu.dma_semaphore, #tpu.memory_space<semaphore_mem>>
          %dma_start3A = arith.constant 0 : i32
          %dma_start3A_458 = tpu.memref_slice %arg8[%run_scoped3A, %dma_start3A] : memref<8x128xi32, #tpu.memory_space<vmem>> -> memref<1x128xi32, #tpu.memory_space<vmem>>
          %dma_start3A_459 = tpu.memref_squeeze %dma_start3A_458 : memref<1x128xi32, #tpu.memory_space<vmem>> -> memref<128xi32, #tpu.memory_space<vmem>>
          %dma_start3A_460 = arith.constant 0 : i32
          %dma_start3A_461 = arith.constant 0 : i32
          %dma_start3A_462 = tpu.memref_slice %arg12[%dma_start3A_460, %dma_start3A_461] : memref<10240x128xf32, #tpu.memory_space<vmem_shared>> -> memref<10240x128xf32, #tpu.memory_space<vmem_shared>>
          tpu.enqueue_indirect_dma source(%arg9 : memref<128x128xf32, #tpu.memory_space<vmem>>) target(%dma_start3A_462 : memref<10240x128xf32, #tpu.memory_space<vmem_shared>>) offsets(%dma_start3A_459 : memref<128xi32, #tpu.memory_space<vmem>>) semaphore(%run_scoped3A_457 : memref<!tpu.dma_semaphore, #tpu.memory_space<semaphore_mem>>) {add = true}
          %dma_wait3A = arith.constant 0 : i32
          %dma_wait3A_463 = tpu.memref_slice %arg8[%run_scoped3A, %dma_wait3A] : memref<8x128xi32, #tpu.memory_space<vmem>> -> memref<1x128xi32, #tpu.memory_space<vmem>>
          %dma_wait3A_464 = tpu.memref_squeeze %dma_wait3A_463 : memref<1x128xi32, #tpu.memory_space<vmem>> -> memref<128xi32, #tpu.memory_space<vmem>>
          %dma_wait3A_465 = arith.constant 0 : i32
          %dma_wait3A_466 = arith.constant 0 : i32
          %dma_wait3A_467 = tpu.memref_slice %arg12[%dma_wait3A_465, %dma_wait3A_466] : memref<10240x128xf32, #tpu.memory_space<vmem_shared>> -> memref<10240x128xf32, #tpu.memory_space<vmem_shared>>
          tpu.wait_indirect_dma semaphore(%run_scoped3A_457 : memref<!tpu.dma_semaphore, #tpu.memory_space<semaphore_mem>>) src(%arg9 : memref<128x128xf32, #tpu.memory_space<vmem>>) dst(%dma_wait3A_467 : memref<10240x128xf32, #tpu.memory_space<vmem_shared>>)
          tpu.yield
        }) : () -> ()
        %run_scoped3A_449 = arith.constant 1 : i32
        "tpu.region"() ({
          %run_scoped3A_457 = tpu.sem_alloc : memref<!tpu.dma_semaphore, #tpu.memory_space<semaphore_mem>>
          %dma_start3A = arith.constant 0 : i32
          %dma_start3A_458 = tpu.memref_slice %arg8[%run_scoped3A_449, %dma_start3A] : memref<8x128xi32, #tpu.memory_space<vmem>> -> memref<1x128xi32, #tpu.memory_space<vmem>>
          %dma_start3A_459 = tpu.memref_squeeze %dma_start3A_458 : memref<1x128xi32, #tpu.memory_space<vmem>> -> memref<128xi32, #tpu.memory_space<vmem>>
          %dma_start3A_460 = arith.constant 0 : i32
          %dma_start3A_461 = arith.constant 0 : i32
          %dma_start3A_462 = tpu.memref_slice %arg12[%dma_start3A_460, %dma_start3A_461] : memref<10240x128xf32, #tpu.memory_space<vmem_shared>> -> memref<10240x128xf32, #tpu.memory_space<vmem_shared>>
          tpu.enqueue_indirect_dma source(%arg9 : memref<128x128xf32, #tpu.memory_space<vmem>>) target(%dma_start3A_462 : memref<10240x128xf32, #tpu.memory_space<vmem_shared>>) offsets(%dma_start3A_459 : memref<128xi32, #tpu.memory_space<vmem>>) semaphore(%run_scoped3A_457 : memref<!tpu.dma_semaphore, #tpu.memory_space<semaphore_mem>>) {add = true}
          %dma_wait3A = arith.constant 0 : i32
          %dma_wait3A_463 = tpu.memref_slice %arg8[%run_scoped3A_449, %dma_wait3A] : memref<8x128xi32, #tpu.memory_space<vmem>> -> memref<1x128xi32, #tpu.memory_space<vmem>>
          %dma_wait3A_464 = tpu.memref_squeeze %dma_wait3A_463 : memref<1x128xi32, #tpu.memory_space<vmem>> -> memref<128xi32, #tpu.memory_space<vmem>>
          %dma_wait3A_465 = arith.constant 0 : i32
          %dma_wait3A_466 = arith.constant 0 : i32
          %dma_wait3A_467 = tpu.memref_slice %arg12[%dma_wait3A_465, %dma_wait3A_466] : memref<10240x128xf32, #tpu.memory_space<vmem_shared>> -> memref<10240x128xf32, #tpu.memory_space<vmem_shared>>
          tpu.wait_indirect_dma semaphore(%run_scoped3A_457 : memref<!tpu.dma_semaphore, #tpu.memory_space<semaphore_mem>>) src(%arg9 : memref<128x128xf32, #tpu.memory_space<vmem>>) dst(%dma_wait3A_467 : memref<10240x128xf32, #tpu.memory_space<vmem_shared>>)
          tpu.yield
        }) : () -> ()
        %run_scoped3A_450 = arith.constant 2 : i32
        "tpu.region"() ({
          %run_scoped3A_457 = tpu.sem_alloc : memref<!tpu.dma_semaphore, #tpu.memory_space<semaphore_mem>>
          %dma_start3A = arith.constant 0 : i32
          %dma_start3A_458 = tpu.memref_slice %arg8[%run_scoped3A_450, %dma_start3A] : memref<8x128xi32, #tpu.memory_space<vmem>> -> memref<1x128xi32, #tpu.memory_space<vmem>>
          %dma_start3A_459 = tpu.memref_squeeze %dma_start3A_458 : memref<1x128xi32, #tpu.memory_space<vmem>> -> memref<128xi32, #tpu.memory_space<vmem>>
          %dma_start3A_460 = arith.constant 0 : i32
          %dma_start3A_461 = arith.constant 0 : i32
          %dma_start3A_462 = tpu.memref_slice %arg12[%dma_start3A_460, %dma_start3A_461] : memref<10240x128xf32, #tpu.memory_space<vmem_shared>> -> memref<10240x128xf32, #tpu.memory_space<vmem_shared>>
          tpu.enqueue_indirect_dma source(%arg9 : memref<128x128xf32, #tpu.memory_space<vmem>>) target(%dma_start3A_462 : memref<10240x128xf32, #tpu.memory_space<vmem_shared>>) offsets(%dma_start3A_459 : memref<128xi32, #tpu.memory_space<vmem>>) semaphore(%run_scoped3A_457 : memref<!tpu.dma_semaphore, #tpu.memory_space<semaphore_mem>>) {add = true}
          %dma_wait3A = arith.constant 0 : i32
          %dma_wait3A_463 = tpu.memref_slice %arg8[%run_scoped3A_450, %dma_wait3A] : memref<8x128xi32, #tpu.memory_space<vmem>> -> memref<1x128xi32, #tpu.memory_space<vmem>>
          %dma_wait3A_464 = tpu.memref_squeeze %dma_wait3A_463 : memref<1x128xi32, #tpu.memory_space<vmem>> -> memref<128xi32, #tpu.memory_space<vmem>>
          %dma_wait3A_465 = arith.constant 0 : i32
          %dma_wait3A_466 = arith.constant 0 : i32
          %dma_wait3A_467 = tpu.memref_slice %arg12[%dma_wait3A_465, %dma_wait3A_466] : memref<10240x128xf32, #tpu.memory_space<vmem_shared>> -> memref<10240x128xf32, #tpu.memory_space<vmem_shared>>
          tpu.wait_indirect_dma semaphore(%run_scoped3A_457 : memref<!tpu.dma_semaphore, #tpu.memory_space<semaphore_mem>>) src(%arg9 : memref<128x128xf32, #tpu.memory_space<vmem>>) dst(%dma_wait3A_467 : memref<10240x128xf32, #tpu.memory_space<vmem_shared>>)
          tpu.yield
        }) : () -> ()
        %run_scoped3A_451 = arith.constant 3 : i32
        "tpu.region"() ({
          %run_scoped3A_457 = tpu.sem_alloc : memref<!tpu.dma_semaphore, #tpu.memory_space<semaphore_mem>>
          %dma_start3A = arith.constant 0 : i32
          %dma_start3A_458 = tpu.memref_slice %arg8[%run_scoped3A_451, %dma_start3A] : memref<8x128xi32, #tpu.memory_space<vmem>> -> memref<1x128xi32, #tpu.memory_space<vmem>>
          %dma_start3A_459 = tpu.memref_squeeze %dma_start3A_458 : memref<1x128xi32, #tpu.memory_space<vmem>> -> memref<128xi32, #tpu.memory_space<vmem>>
          %dma_start3A_460 = arith.constant 0 : i32
          %dma_start3A_461 = arith.constant 0 : i32
          %dma_start3A_462 = tpu.memref_slice %arg12[%dma_start3A_460, %dma_start3A_461] : memref<10240x128xf32, #tpu.memory_space<vmem_shared>> -> memref<10240x128xf32, #tpu.memory_space<vmem_shared>>
          tpu.enqueue_indirect_dma source(%arg9 : memref<128x128xf32, #tpu.memory_space<vmem>>) target(%dma_start3A_462 : memref<10240x128xf32, #tpu.memory_space<vmem_shared>>) offsets(%dma_start3A_459 : memref<128xi32, #tpu.memory_space<vmem>>) semaphore(%run_scoped3A_457 : memref<!tpu.dma_semaphore, #tpu.memory_space<semaphore_mem>>) {add = true}
          %dma_wait3A = arith.constant 0 : i32
          %dma_wait3A_463 = tpu.memref_slice %arg8[%run_scoped3A_451, %dma_wait3A] : memref<8x128xi32, #tpu.memory_space<vmem>> -> memref<1x128xi32, #tpu.memory_space<vmem>>
          %dma_wait3A_464 = tpu.memref_squeeze %dma_wait3A_463 : memref<1x128xi32, #tpu.memory_space<vmem>> -> memref<128xi32, #tpu.memory_space<vmem>>
          %dma_wait3A_465 = arith.constant 0 : i32
          %dma_wait3A_466 = arith.constant 0 : i32
          %dma_wait3A_467 = tpu.memref_slice %arg12[%dma_wait3A_465, %dma_wait3A_466] : memref<10240x128xf32, #tpu.memory_space<vmem_shared>> -> memref<10240x128xf32, #tpu.memory_space<vmem_shared>>
          tpu.wait_indirect_dma semaphore(%run_scoped3A_457 : memref<!tpu.dma_semaphore, #tpu.memory_space<semaphore_mem>>) src(%arg9 : memref<128x128xf32, #tpu.memory_space<vmem>>) dst(%dma_wait3A_467 : memref<10240x128xf32, #tpu.memory_space<vmem_shared>>)
          tpu.yield
        }) : () -> ()
        %run_scoped3A_452 = arith.constant 4 : i32
        "tpu.region"() ({
          %run_scoped3A_457 = tpu.sem_alloc : memref<!tpu.dma_semaphore, #tpu.memory_space<semaphore_mem>>
          %dma_start3A = arith.constant 0 : i32
          %dma_start3A_458 = tpu.memref_slice %arg8[%run_scoped3A_452, %dma_start3A] : memref<8x128xi32, #tpu.memory_space<vmem>> -> memref<1x128xi32, #tpu.memory_space<vmem>>
          %dma_start3A_459 = tpu.memref_squeeze %dma_start3A_458 : memref<1x128xi32, #tpu.memory_space<vmem>> -> memref<128xi32, #tpu.memory_space<vmem>>
          %dma_start3A_460 = arith.constant 0 : i32
          %dma_start3A_461 = arith.constant 0 : i32
          %dma_start3A_462 = tpu.memref_slice %arg12[%dma_start3A_460, %dma_start3A_461] : memref<10240x128xf32, #tpu.memory_space<vmem_shared>> -> memref<10240x128xf32, #tpu.memory_space<vmem_shared>>
          tpu.enqueue_indirect_dma source(%arg9 : memref<128x128xf32, #tpu.memory_space<vmem>>) target(%dma_start3A_462 : memref<10240x128xf32, #tpu.memory_space<vmem_shared>>) offsets(%dma_start3A_459 : memref<128xi32, #tpu.memory_space<vmem>>) semaphore(%run_scoped3A_457 : memref<!tpu.dma_semaphore, #tpu.memory_space<semaphore_mem>>) {add = true}
          %dma_wait3A = arith.constant 0 : i32
          %dma_wait3A_463 = tpu.memref_slice %arg8[%run_scoped3A_452, %dma_wait3A] : memref<8x128xi32, #tpu.memory_space<vmem>> -> memref<1x128xi32, #tpu.memory_space<vmem>>
          %dma_wait3A_464 = tpu.memref_squeeze %dma_wait3A_463 : memref<1x128xi32, #tpu.memory_space<vmem>> -> memref<128xi32, #tpu.memory_space<vmem>>
          %dma_wait3A_465 = arith.constant 0 : i32
          %dma_wait3A_466 = arith.constant 0 : i32
          %dma_wait3A_467 = tpu.memref_slice %arg12[%dma_wait3A_465, %dma_wait3A_466] : memref<10240x128xf32, #tpu.memory_space<vmem_shared>> -> memref<10240x128xf32, #tpu.memory_space<vmem_shared>>
          tpu.wait_indirect_dma semaphore(%run_scoped3A_457 : memref<!tpu.dma_semaphore, #tpu.memory_space<semaphore_mem>>) src(%arg9 : memref<128x128xf32, #tpu.memory_space<vmem>>) dst(%dma_wait3A_467 : memref<10240x128xf32, #tpu.memory_space<vmem_shared>>)
          tpu.yield
        }) : () -> ()
        %run_scoped3A_453 = arith.constant 5 : i32
        "tpu.region"() ({
          %run_scoped3A_457 = tpu.sem_alloc : memref<!tpu.dma_semaphore, #tpu.memory_space<semaphore_mem>>
          %dma_start3A = arith.constant 0 : i32
          %dma_start3A_458 = tpu.memref_slice %arg8[%run_scoped3A_453, %dma_start3A] : memref<8x128xi32, #tpu.memory_space<vmem>> -> memref<1x128xi32, #tpu.memory_space<vmem>>
          %dma_start3A_459 = tpu.memref_squeeze %dma_start3A_458 : memref<1x128xi32, #tpu.memory_space<vmem>> -> memref<128xi32, #tpu.memory_space<vmem>>
          %dma_start3A_460 = arith.constant 0 : i32
          %dma_start3A_461 = arith.constant 0 : i32
          %dma_start3A_462 = tpu.memref_slice %arg12[%dma_start3A_460, %dma_start3A_461] : memref<10240x128xf32, #tpu.memory_space<vmem_shared>> -> memref<10240x128xf32, #tpu.memory_space<vmem_shared>>
          tpu.enqueue_indirect_dma source(%arg9 : memref<128x128xf32, #tpu.memory_space<vmem>>) target(%dma_start3A_462 : memref<10240x128xf32, #tpu.memory_space<vmem_shared>>) offsets(%dma_start3A_459 : memref<128xi32, #tpu.memory_space<vmem>>) semaphore(%run_scoped3A_457 : memref<!tpu.dma_semaphore, #tpu.memory_space<semaphore_mem>>) {add = true}
          %dma_wait3A = arith.constant 0 : i32
          %dma_wait3A_463 = tpu.memref_slice %arg8[%run_scoped3A_453, %dma_wait3A] : memref<8x128xi32, #tpu.memory_space<vmem>> -> memref<1x128xi32, #tpu.memory_space<vmem>>
          %dma_wait3A_464 = tpu.memref_squeeze %dma_wait3A_463 : memref<1x128xi32, #tpu.memory_space<vmem>> -> memref<128xi32, #tpu.memory_space<vmem>>
          %dma_wait3A_465 = arith.constant 0 : i32
          %dma_wait3A_466 = arith.constant 0 : i32
          %dma_wait3A_467 = tpu.memref_slice %arg12[%dma_wait3A_465, %dma_wait3A_466] : memref<10240x128xf32, #tpu.memory_space<vmem_shared>> -> memref<10240x128xf32, #tpu.memory_space<vmem_shared>>
          tpu.wait_indirect_dma semaphore(%run_scoped3A_457 : memref<!tpu.dma_semaphore, #tpu.memory_space<semaphore_mem>>) src(%arg9 : memref<128x128xf32, #tpu.memory_space<vmem>>) dst(%dma_wait3A_467 : memref<10240x128xf32, #tpu.memory_space<vmem_shared>>)
          tpu.yield
        }) : () -> ()
        %run_scoped3A_454 = arith.constant 6 : i32
        "tpu.region"() ({
          %run_scoped3A_457 = tpu.sem_alloc : memref<!tpu.dma_semaphore, #tpu.memory_space<semaphore_mem>>
          %dma_start3A = arith.constant 0 : i32
          %dma_start3A_458 = tpu.memref_slice %arg8[%run_scoped3A_454, %dma_start3A] : memref<8x128xi32, #tpu.memory_space<vmem>> -> memref<1x128xi32, #tpu.memory_space<vmem>>
          %dma_start3A_459 = tpu.memref_squeeze %dma_start3A_458 : memref<1x128xi32, #tpu.memory_space<vmem>> -> memref<128xi32, #tpu.memory_space<vmem>>
          %dma_start3A_460 = arith.constant 0 : i32
          %dma_start3A_461 = arith.constant 0 : i32
          %dma_start3A_462 = tpu.memref_slice %arg12[%dma_start3A_460, %dma_start3A_461] : memref<10240x128xf32, #tpu.memory_space<vmem_shared>> -> memref<10240x128xf32, #tpu.memory_space<vmem_shared>>
          tpu.enqueue_indirect_dma source(%arg9 : memref<128x128xf32, #tpu.memory_space<vmem>>) target(%dma_start3A_462 : memref<10240x128xf32, #tpu.memory_space<vmem_shared>>) offsets(%dma_start3A_459 : memref<128xi32, #tpu.memory_space<vmem>>) semaphore(%run_scoped3A_457 : memref<!tpu.dma_semaphore, #tpu.memory_space<semaphore_mem>>) {add = true}
          %dma_wait3A = arith.constant 0 : i32
          %dma_wait3A_463 = tpu.memref_slice %arg8[%run_scoped3A_454, %dma_wait3A] : memref<8x128xi32, #tpu.memory_space<vmem>> -> memref<1x128xi32, #tpu.memory_space<vmem>>
          %dma_wait3A_464 = tpu.memref_squeeze %dma_wait3A_463 : memref<1x128xi32, #tpu.memory_space<vmem>> -> memref<128xi32, #tpu.memory_space<vmem>>
          %dma_wait3A_465 = arith.constant 0 : i32
          %dma_wait3A_466 = arith.constant 0 : i32
          %dma_wait3A_467 = tpu.memref_slice %arg12[%dma_wait3A_465, %dma_wait3A_466] : memref<10240x128xf32, #tpu.memory_space<vmem_shared>> -> memref<10240x128xf32, #tpu.memory_space<vmem_shared>>
          tpu.wait_indirect_dma semaphore(%run_scoped3A_457 : memref<!tpu.dma_semaphore, #tpu.memory_space<semaphore_mem>>) src(%arg9 : memref<128x128xf32, #tpu.memory_space<vmem>>) dst(%dma_wait3A_467 : memref<10240x128xf32, #tpu.memory_space<vmem_shared>>)
          tpu.yield
        }) : () -> ()
        %run_scoped3A_455 = arith.constant 7 : i32
        "tpu.region"() ({
          %run_scoped3A_457 = tpu.sem_alloc : memref<!tpu.dma_semaphore, #tpu.memory_space<semaphore_mem>>
          %dma_start3A = arith.constant 0 : i32
          %dma_start3A_458 = tpu.memref_slice %arg8[%run_scoped3A_455, %dma_start3A] : memref<8x128xi32, #tpu.memory_space<vmem>> -> memref<1x128xi32, #tpu.memory_space<vmem>>
          %dma_start3A_459 = tpu.memref_squeeze %dma_start3A_458 : memref<1x128xi32, #tpu.memory_space<vmem>> -> memref<128xi32, #tpu.memory_space<vmem>>
          %dma_start3A_460 = arith.constant 0 : i32
          %dma_start3A_461 = arith.constant 0 : i32
          %dma_start3A_462 = tpu.memref_slice %arg12[%dma_start3A_460, %dma_start3A_461] : memref<10240x128xf32, #tpu.memory_space<vmem_shared>> -> memref<10240x128xf32, #tpu.memory_space<vmem_shared>>
          tpu.enqueue_indirect_dma source(%arg9 : memref<128x128xf32, #tpu.memory_space<vmem>>) target(%dma_start3A_462 : memref<10240x128xf32, #tpu.memory_space<vmem_shared>>) offsets(%dma_start3A_459 : memref<128xi32, #tpu.memory_space<vmem>>) semaphore(%run_scoped3A_457 : memref<!tpu.dma_semaphore, #tpu.memory_space<semaphore_mem>>) {add = true}
          %dma_wait3A = arith.constant 0 : i32
          %dma_wait3A_463 = tpu.memref_slice %arg8[%run_scoped3A_455, %dma_wait3A] : memref<8x128xi32, #tpu.memory_space<vmem>> -> memref<1x128xi32, #tpu.memory_space<vmem>>
          %dma_wait3A_464 = tpu.memref_squeeze %dma_wait3A_463 : memref<1x128xi32, #tpu.memory_space<vmem>> -> memref<128xi32, #tpu.memory_space<vmem>>
          %dma_wait3A_465 = arith.constant 0 : i32
          %dma_wait3A_466 = arith.constant 0 : i32
          %dma_wait3A_467 = tpu.memref_slice %arg12[%dma_wait3A_465, %dma_wait3A_466] : memref<10240x128xf32, #tpu.memory_space<vmem_shared>> -> memref<10240x128xf32, #tpu.memory_space<vmem_shared>>
          tpu.wait_indirect_dma semaphore(%run_scoped3A_457 : memref<!tpu.dma_semaphore, #tpu.memory_space<semaphore_mem>>) src(%arg9 : memref<128x128xf32, #tpu.memory_space<vmem>>) dst(%dma_wait3A_467 : memref<10240x128xf32, #tpu.memory_space<vmem_shared>>)
          tpu.yield
        }) : () -> ()
        %scan3A_456 = arith.constant 0 : i32
        scf.yield %scan3A_456 : i32
      }
      %scan3A_440 = arith.constant 20 : i32
      %barrier3A_441 = arith.constant 0 : index
      tpu.barrier barrier_id(%barrier3A_441)
      "tpu.region"() ({
        %run_scoped3A = tpu.sem_alloc : memref<!tpu.dma_semaphore, #tpu.memory_space<semaphore_mem>>
        %dma_start3A = arith.constant 0 : i32
        %dma_start3A_442 = tpu.memref_slice %arg6[%mul3A_0, %dma_start3A] : memref<10240x128xf32, #tpu.memory_space<hbm>> -> memref<640x128xf32, #tpu.memory_space<hbm>>
        %dma_start3A_443 = arith.constant 0 : i32
        %dma_start3A_444 = tpu.memref_slice %arg12[%mul3A_0, %dma_start3A_443] : memref<10240x128xf32, #tpu.memory_space<vmem_shared>> -> memref<640x128xf32, #tpu.memory_space<vmem_shared>>
        tpu.enqueue_dma source(%dma_start3A_444 : memref<640x128xf32, #tpu.memory_space<vmem_shared>>) target(%dma_start3A_442 : memref<640x128xf32, #tpu.memory_space<hbm>>) target_semaphore(%run_scoped3A : memref<!tpu.dma_semaphore, #tpu.memory_space<semaphore_mem>>)
        %dma_wait3A = arith.constant 0 : i32
        %dma_wait3A_445 = tpu.memref_slice %arg6[%mul3A_0, %dma_wait3A] : memref<10240x128xf32, #tpu.memory_space<hbm>> -> memref<640x128xf32, #tpu.memory_space<hbm>>
        %dma_wait3A_446 = arith.constant 0 : i32
        %dma_wait3A_447 = tpu.memref_slice %arg12[%mul3A_0, %dma_wait3A_446] : memref<10240x128xf32, #tpu.memory_space<vmem_shared>> -> memref<640x128xf32, #tpu.memory_space<vmem_shared>>
        tpu.wait_dma2 semaphore(%run_scoped3A : memref<!tpu.dma_semaphore, #tpu.memory_space<semaphore_mem>>) src(%dma_wait3A_447 : memref<640x128xf32, #tpu.memory_space<vmem_shared>>) dst(%dma_wait3A_445 : memref<640x128xf32, #tpu.memory_space<hbm>>)
        tpu.yield
      }) : () -> ()
    } else {
    }
    return
  }
}

#map = affine_map<(d0, d1) -> (0, 0)>
#map1 = affine_map<(d0, d1) -> (0, 0, 0)>
module attributes {stable_mosaic.version = 14 : i64} {
  func.func @body(%arg0: i32, %arg1: i32, %arg2: memref<10000x128xf32, #tpu.memory_space<hbm>>, %arg3: memref<2560x128xi32, #tpu.memory_space<hbm>>, %arg4: memref<2560x128xi32, #tpu.memory_space<hbm>>, %arg5: memref<2x10240x128xf32, #tpu.memory_space<hbm>>, %arg6: memref<8x128xi32, #tpu.memory_space<vmem>>, %arg7: memref<8x128xi32, #tpu.memory_space<vmem>>, %arg8: memref<128x128xf32, #tpu.memory_space<vmem>>, %arg9: memref<128x128xf32, #tpu.memory_space<vmem>>, %arg10: memref<8x128xf32, #tpu.memory_space<vmem>>, %arg11: memref<10240x128xf32, #tpu.memory_space<vmem_shared>>, %arg12: memref<!tpu.dma_semaphore, #tpu.memory_space<semaphore_mem>>, %arg13: memref<!tpu.dma_semaphore, #tpu.memory_space<semaphore_mem>>) attributes {dimension_semantics = [#tpu.dimension_semantics<core_parallel>, #tpu.dimension_semantics<subcore_parallel>], iteration_bounds = array<i64: 2, 16>, scalar_prefetch = 0 : i64, scratch_operands = 8 : i64, tpu.core_type = #tpu.core_type<sc_vector_subcore>, window_params = [{transform_indices = #map}, {transform_indices = #map}, {transform_indices = #map}, {transform_indices = #map1}]} {
    %mul3A = arith.constant 640 : i32
    %mul3A_0 = arith.muli %arg1, %mul3A : i32
    %eq3A = arith.constant 0 : i32
    %eq3A_1 = arith.cmpi eq, %arg0, %eq3A : i32
    %mul3A_2 = arith.constant 136 : i32
    %mul3A_3 = arith.muli %arg1, %mul3A_2 : i32
    %mul3A_4 = arith.constant 24 : i32
    %mul3A_5 = arith.muli %arg1, %mul3A_4 : i32
    %add3A = arith.constant 2176 : i32
    %add3A_6 = arith.addi %add3A, %mul3A_5 : i32
    %select_n3A = arith.select %eq3A_1, %mul3A_3, %add3A_6 : i32
    %eq3A_7 = arith.constant 0 : i32
    %eq3A_8 = arith.cmpi eq, %arg0, %eq3A_7 : i32
    %jit3A = arith.constant 17 : i32
    %jit3A_9 = arith.constant 3 : i32
    %select_n3A_10 = arith.select %eq3A_8, %jit3A, %jit3A_9 : i32
    %broadcast_in_dim3A = arith.constant 0.000000e+00 : f32
    %broadcast_in_dim3A_11 = vector.broadcast %broadcast_in_dim3A : f32 to vector<16xf32>
    %swap3A = arith.constant 0 : i32
    %swap3A_12 = arith.index_cast %swap3A : i32 to index
    %swap3A_13 = arith.constant 0 : index
    %swap3A_14 = tpu.vector_load %arg10[%swap3A_12, %swap3A_13] {strides = array<i32>} : memref<8x128xf32, #tpu.memory_space<vmem>>, vector<1x16xf32>,
    %swap3A_15 = vector.shape_cast %swap3A_14 : vector<1x16xf32> to vector<16xf32>
    %swap3A_16 = vector.shape_cast %broadcast_in_dim3A_11 : vector<16xf32> to vector<1x16xf32>
    tpu.vector_store %arg10[%swap3A_12, %swap3A_13], %swap3A_16 {strides = array<i32>} : memref<8x128xf32, #tpu.memory_space<vmem>>, vector<1x16xf32>,
    %swap3A_17 = arith.constant 0 : i32
    %swap3A_18 = arith.index_cast %swap3A_17 : i32 to index
    %swap3A_19 = arith.constant 16 : index
    %swap3A_20 = tpu.vector_load %arg10[%swap3A_18, %swap3A_19] {strides = array<i32>} : memref<8x128xf32, #tpu.memory_space<vmem>>, vector<1x16xf32>,
    %swap3A_21 = vector.shape_cast %swap3A_20 : vector<1x16xf32> to vector<16xf32>
    %swap3A_22 = vector.shape_cast %broadcast_in_dim3A_11 : vector<16xf32> to vector<1x16xf32>
    tpu.vector_store %arg10[%swap3A_18, %swap3A_19], %swap3A_22 {strides = array<i32>} : memref<8x128xf32, #tpu.memory_space<vmem>>, vector<1x16xf32>,
    %swap3A_23 = arith.constant 0 : i32
    %swap3A_24 = arith.index_cast %swap3A_23 : i32 to index
    %swap3A_25 = arith.constant 32 : index
    %swap3A_26 = tpu.vector_load %arg10[%swap3A_24, %swap3A_25] {strides = array<i32>} : memref<8x128xf32, #tpu.memory_space<vmem>>, vector<1x16xf32>,
    %swap3A_27 = vector.shape_cast %swap3A_26 : vector<1x16xf32> to vector<16xf32>
    %swap3A_28 = vector.shape_cast %broadcast_in_dim3A_11 : vector<16xf32> to vector<1x16xf32>
    tpu.vector_store %arg10[%swap3A_24, %swap3A_25], %swap3A_28 {strides = array<i32>} : memref<8x128xf32, #tpu.memory_space<vmem>>, vector<1x16xf32>,
    %swap3A_29 = arith.constant 0 : i32
    %swap3A_30 = arith.index_cast %swap3A_29 : i32 to index
    %swap3A_31 = arith.constant 48 : index
    %swap3A_32 = tpu.vector_load %arg10[%swap3A_30, %swap3A_31] {strides = array<i32>} : memref<8x128xf32, #tpu.memory_space<vmem>>, vector<1x16xf32>,
    %swap3A_33 = vector.shape_cast %swap3A_32 : vector<1x16xf32> to vector<16xf32>
    %swap3A_34 = vector.shape_cast %broadcast_in_dim3A_11 : vector<16xf32> to vector<1x16xf32>
    tpu.vector_store %arg10[%swap3A_30, %swap3A_31], %swap3A_34 {strides = array<i32>} : memref<8x128xf32, #tpu.memory_space<vmem>>, vector<1x16xf32>,
    %swap3A_35 = arith.constant 0 : i32
    %swap3A_36 = arith.index_cast %swap3A_35 : i32 to index
    %swap3A_37 = arith.constant 64 : index
    %swap3A_38 = tpu.vector_load %arg10[%swap3A_36, %swap3A_37] {strides = array<i32>} : memref<8x128xf32, #tpu.memory_space<vmem>>, vector<1x16xf32>,
    %swap3A_39 = vector.shape_cast %swap3A_38 : vector<1x16xf32> to vector<16xf32>
    %swap3A_40 = vector.shape_cast %broadcast_in_dim3A_11 : vector<16xf32> to vector<1x16xf32>
    tpu.vector_store %arg10[%swap3A_36, %swap3A_37], %swap3A_40 {strides = array<i32>} : memref<8x128xf32, #tpu.memory_space<vmem>>, vector<1x16xf32>,
    %swap3A_41 = arith.constant 0 : i32
    %swap3A_42 = arith.index_cast %swap3A_41 : i32 to index
    %swap3A_43 = arith.constant 80 : index
    %swap3A_44 = tpu.vector_load %arg10[%swap3A_42, %swap3A_43] {strides = array<i32>} : memref<8x128xf32, #tpu.memory_space<vmem>>, vector<1x16xf32>,
    %swap3A_45 = vector.shape_cast %swap3A_44 : vector<1x16xf32> to vector<16xf32>
    %swap3A_46 = vector.shape_cast %broadcast_in_dim3A_11 : vector<16xf32> to vector<1x16xf32>
    tpu.vector_store %arg10[%swap3A_42, %swap3A_43], %swap3A_46 {strides = array<i32>} : memref<8x128xf32, #tpu.memory_space<vmem>>, vector<1x16xf32>,
    %swap3A_47 = arith.constant 0 : i32
    %swap3A_48 = arith.index_cast %swap3A_47 : i32 to index
    %swap3A_49 = arith.constant 96 : index
    %swap3A_50 = tpu.vector_load %arg10[%swap3A_48, %swap3A_49] {strides = array<i32>} : memref<8x128xf32, #tpu.memory_space<vmem>>, vector<1x16xf32>,
    %swap3A_51 = vector.shape_cast %swap3A_50 : vector<1x16xf32> to vector<16xf32>
    %swap3A_52 = vector.shape_cast %broadcast_in_dim3A_11 : vector<16xf32> to vector<1x16xf32>
    tpu.vector_store %arg10[%swap3A_48, %swap3A_49], %swap3A_52 {strides = array<i32>} : memref<8x128xf32, #tpu.memory_space<vmem>>, vector<1x16xf32>,
    %swap3A_53 = arith.constant 0 : i32
    %swap3A_54 = arith.index_cast %swap3A_53 : i32 to index
    %swap3A_55 = arith.constant 112 : index
    %swap3A_56 = tpu.vector_load %arg10[%swap3A_54, %swap3A_55] {strides = array<i32>} : memref<8x128xf32, #tpu.memory_space<vmem>>, vector<1x16xf32>,
    %swap3A_57 = vector.shape_cast %swap3A_56 : vector<1x16xf32> to vector<16xf32>
    %swap3A_58 = vector.shape_cast %broadcast_in_dim3A_11 : vector<16xf32> to vector<1x16xf32>
    tpu.vector_store %arg10[%swap3A_54, %swap3A_55], %swap3A_58 {strides = array<i32>} : memref<8x128xf32, #tpu.memory_space<vmem>>, vector<1x16xf32>,
    %swap3A_59 = arith.constant 1 : i32
    %swap3A_60 = arith.index_cast %swap3A_59 : i32 to index
    %swap3A_61 = arith.constant 0 : index
    %swap3A_62 = tpu.vector_load %arg10[%swap3A_60, %swap3A_61] {strides = array<i32>} : memref<8x128xf32, #tpu.memory_space<vmem>>, vector<1x16xf32>,
    %swap3A_63 = vector.shape_cast %swap3A_62 : vector<1x16xf32> to vector<16xf32>
    %swap3A_64 = vector.shape_cast %broadcast_in_dim3A_11 : vector<16xf32> to vector<1x16xf32>
    tpu.vector_store %arg10[%swap3A_60, %swap3A_61], %swap3A_64 {strides = array<i32>} : memref<8x128xf32, #tpu.memory_space<vmem>>, vector<1x16xf32>,
    %swap3A_65 = arith.constant 1 : i32
    %swap3A_66 = arith.index_cast %swap3A_65 : i32 to index
    %swap3A_67 = arith.constant 16 : index
    %swap3A_68 = tpu.vector_load %arg10[%swap3A_66, %swap3A_67] {strides = array<i32>} : memref<8x128xf32, #tpu.memory_space<vmem>>, vector<1x16xf32>,
    %swap3A_69 = vector.shape_cast %swap3A_68 : vector<1x16xf32> to vector<16xf32>
    %swap3A_70 = vector.shape_cast %broadcast_in_dim3A_11 : vector<16xf32> to vector<1x16xf32>
    tpu.vector_store %arg10[%swap3A_66, %swap3A_67], %swap3A_70 {strides = array<i32>} : memref<8x128xf32, #tpu.memory_space<vmem>>, vector<1x16xf32>,
    %swap3A_71 = arith.constant 1 : i32
    %swap3A_72 = arith.index_cast %swap3A_71 : i32 to index
    %swap3A_73 = arith.constant 32 : index
    %swap3A_74 = tpu.vector_load %arg10[%swap3A_72, %swap3A_73] {strides = array<i32>} : memref<8x128xf32, #tpu.memory_space<vmem>>, vector<1x16xf32>,
    %swap3A_75 = vector.shape_cast %swap3A_74 : vector<1x16xf32> to vector<16xf32>
    %swap3A_76 = vector.shape_cast %broadcast_in_dim3A_11 : vector<16xf32> to vector<1x16xf32>
    tpu.vector_store %arg10[%swap3A_72, %swap3A_73], %swap3A_76 {strides = array<i32>} : memref<8x128xf32, #tpu.memory_space<vmem>>, vector<1x16xf32>,
    %swap3A_77 = arith.constant 1 : i32
    %swap3A_78 = arith.index_cast %swap3A_77 : i32 to index
    %swap3A_79 = arith.constant 48 : index
    %swap3A_80 = tpu.vector_load %arg10[%swap3A_78, %swap3A_79] {strides = array<i32>} : memref<8x128xf32, #tpu.memory_space<vmem>>, vector<1x16xf32>,
    %swap3A_81 = vector.shape_cast %swap3A_80 : vector<1x16xf32> to vector<16xf32>
    %swap3A_82 = vector.shape_cast %broadcast_in_dim3A_11 : vector<16xf32> to vector<1x16xf32>
    tpu.vector_store %arg10[%swap3A_78, %swap3A_79], %swap3A_82 {strides = array<i32>} : memref<8x128xf32, #tpu.memory_space<vmem>>, vector<1x16xf32>,
    %swap3A_83 = arith.constant 1 : i32
    %swap3A_84 = arith.index_cast %swap3A_83 : i32 to index
    %swap3A_85 = arith.constant 64 : index
    %swap3A_86 = tpu.vector_load %arg10[%swap3A_84, %swap3A_85] {strides = array<i32>} : memref<8x128xf32, #tpu.memory_space<vmem>>, vector<1x16xf32>,
    %swap3A_87 = vector.shape_cast %swap3A_86 : vector<1x16xf32> to vector<16xf32>
    %swap3A_88 = vector.shape_cast %broadcast_in_dim3A_11 : vector<16xf32> to vector<1x16xf32>
    tpu.vector_store %arg10[%swap3A_84, %swap3A_85], %swap3A_88 {strides = array<i32>} : memref<8x128xf32, #tpu.memory_space<vmem>>, vector<1x16xf32>,
    %swap3A_89 = arith.constant 1 : i32
    %swap3A_90 = arith.index_cast %swap3A_89 : i32 to index
    %swap3A_91 = arith.constant 80 : index
    %swap3A_92 = tpu.vector_load %arg10[%swap3A_90, %swap3A_91] {strides = array<i32>} : memref<8x128xf32, #tpu.memory_space<vmem>>, vector<1x16xf32>,
    %swap3A_93 = vector.shape_cast %swap3A_92 : vector<1x16xf32> to vector<16xf32>
    %swap3A_94 = vector.shape_cast %broadcast_in_dim3A_11 : vector<16xf32> to vector<1x16xf32>
    tpu.vector_store %arg10[%swap3A_90, %swap3A_91], %swap3A_94 {strides = array<i32>} : memref<8x128xf32, #tpu.memory_space<vmem>>, vector<1x16xf32>,
    %swap3A_95 = arith.constant 1 : i32
    %swap3A_96 = arith.index_cast %swap3A_95 : i32 to index
    %swap3A_97 = arith.constant 96 : index
    %swap3A_98 = tpu.vector_load %arg10[%swap3A_96, %swap3A_97] {strides = array<i32>} : memref<8x128xf32, #tpu.memory_space<vmem>>, vector<1x16xf32>,
    %swap3A_99 = vector.shape_cast %swap3A_98 : vector<1x16xf32> to vector<16xf32>
    %swap3A_100 = vector.shape_cast %broadcast_in_dim3A_11 : vector<16xf32> to vector<1x16xf32>
    tpu.vector_store %arg10[%swap3A_96, %swap3A_97], %swap3A_100 {strides = array<i32>} : memref<8x128xf32, #tpu.memory_space<vmem>>, vector<1x16xf32>,
    %swap3A_101 = arith.constant 1 : i32
    %swap3A_102 = arith.index_cast %swap3A_101 : i32 to index
    %swap3A_103 = arith.constant 112 : index
    %swap3A_104 = tpu.vector_load %arg10[%swap3A_102, %swap3A_103] {strides = array<i32>} : memref<8x128xf32, #tpu.memory_space<vmem>>, vector<1x16xf32>,
    %swap3A_105 = vector.shape_cast %swap3A_104 : vector<1x16xf32> to vector<16xf32>
    %swap3A_106 = vector.shape_cast %broadcast_in_dim3A_11 : vector<16xf32> to vector<1x16xf32>
    tpu.vector_store %arg10[%swap3A_102, %swap3A_103], %swap3A_106 {strides = array<i32>} : memref<8x128xf32, #tpu.memory_space<vmem>>, vector<1x16xf32>,
    %swap3A_107 = arith.constant 2 : i32
    %swap3A_108 = arith.index_cast %swap3A_107 : i32 to index
    %swap3A_109 = arith.constant 0 : index
    %swap3A_110 = tpu.vector_load %arg10[%swap3A_108, %swap3A_109] {strides = array<i32>} : memref<8x128xf32, #tpu.memory_space<vmem>>, vector<1x16xf32>,
    %swap3A_111 = vector.shape_cast %swap3A_110 : vector<1x16xf32> to vector<16xf32>
    %swap3A_112 = vector.shape_cast %broadcast_in_dim3A_11 : vector<16xf32> to vector<1x16xf32>
    tpu.vector_store %arg10[%swap3A_108, %swap3A_109], %swap3A_112 {strides = array<i32>} : memref<8x128xf32, #tpu.memory_space<vmem>>, vector<1x16xf32>,
    %swap3A_113 = arith.constant 2 : i32
    %swap3A_114 = arith.index_cast %swap3A_113 : i32 to index
    %swap3A_115 = arith.constant 16 : index
    %swap3A_116 = tpu.vector_load %arg10[%swap3A_114, %swap3A_115] {strides = array<i32>} : memref<8x128xf32, #tpu.memory_space<vmem>>, vector<1x16xf32>,
    %swap3A_117 = vector.shape_cast %swap3A_116 : vector<1x16xf32> to vector<16xf32>
    %swap3A_118 = vector.shape_cast %broadcast_in_dim3A_11 : vector<16xf32> to vector<1x16xf32>
    tpu.vector_store %arg10[%swap3A_114, %swap3A_115], %swap3A_118 {strides = array<i32>} : memref<8x128xf32, #tpu.memory_space<vmem>>, vector<1x16xf32>,
    %swap3A_119 = arith.constant 2 : i32
    %swap3A_120 = arith.index_cast %swap3A_119 : i32 to index
    %swap3A_121 = arith.constant 32 : index
    %swap3A_122 = tpu.vector_load %arg10[%swap3A_120, %swap3A_121] {strides = array<i32>} : memref<8x128xf32, #tpu.memory_space<vmem>>, vector<1x16xf32>,
    %swap3A_123 = vector.shape_cast %swap3A_122 : vector<1x16xf32> to vector<16xf32>
    %swap3A_124 = vector.shape_cast %broadcast_in_dim3A_11 : vector<16xf32> to vector<1x16xf32>
    tpu.vector_store %arg10[%swap3A_120, %swap3A_121], %swap3A_124 {strides = array<i32>} : memref<8x128xf32, #tpu.memory_space<vmem>>, vector<1x16xf32>,
    %swap3A_125 = arith.constant 2 : i32
    %swap3A_126 = arith.index_cast %swap3A_125 : i32 to index
    %swap3A_127 = arith.constant 48 : index
    %swap3A_128 = tpu.vector_load %arg10[%swap3A_126, %swap3A_127] {strides = array<i32>} : memref<8x128xf32, #tpu.memory_space<vmem>>, vector<1x16xf32>,
    %swap3A_129 = vector.shape_cast %swap3A_128 : vector<1x16xf32> to vector<16xf32>
    %swap3A_130 = vector.shape_cast %broadcast_in_dim3A_11 : vector<16xf32> to vector<1x16xf32>
    tpu.vector_store %arg10[%swap3A_126, %swap3A_127], %swap3A_130 {strides = array<i32>} : memref<8x128xf32, #tpu.memory_space<vmem>>, vector<1x16xf32>,
    %swap3A_131 = arith.constant 2 : i32
    %swap3A_132 = arith.index_cast %swap3A_131 : i32 to index
    %swap3A_133 = arith.constant 64 : index
    %swap3A_134 = tpu.vector_load %arg10[%swap3A_132, %swap3A_133] {strides = array<i32>} : memref<8x128xf32, #tpu.memory_space<vmem>>, vector<1x16xf32>,
    %swap3A_135 = vector.shape_cast %swap3A_134 : vector<1x16xf32> to vector<16xf32>
    %swap3A_136 = vector.shape_cast %broadcast_in_dim3A_11 : vector<16xf32> to vector<1x16xf32>
    tpu.vector_store %arg10[%swap3A_132, %swap3A_133], %swap3A_136 {strides = array<i32>} : memref<8x128xf32, #tpu.memory_space<vmem>>, vector<1x16xf32>,
    %swap3A_137 = arith.constant 2 : i32
    %swap3A_138 = arith.index_cast %swap3A_137 : i32 to index
    %swap3A_139 = arith.constant 80 : index
    %swap3A_140 = tpu.vector_load %arg10[%swap3A_138, %swap3A_139] {strides = array<i32>} : memref<8x128xf32, #tpu.memory_space<vmem>>, vector<1x16xf32>,
    %swap3A_141 = vector.shape_cast %swap3A_140 : vector<1x16xf32> to vector<16xf32>
    %swap3A_142 = vector.shape_cast %broadcast_in_dim3A_11 : vector<16xf32> to vector<1x16xf32>
    tpu.vector_store %arg10[%swap3A_138, %swap3A_139], %swap3A_142 {strides = array<i32>} : memref<8x128xf32, #tpu.memory_space<vmem>>, vector<1x16xf32>,
    %swap3A_143 = arith.constant 2 : i32
    %swap3A_144 = arith.index_cast %swap3A_143 : i32 to index
    %swap3A_145 = arith.constant 96 : index
    %swap3A_146 = tpu.vector_load %arg10[%swap3A_144, %swap3A_145] {strides = array<i32>} : memref<8x128xf32, #tpu.memory_space<vmem>>, vector<1x16xf32>,
    %swap3A_147 = vector.shape_cast %swap3A_146 : vector<1x16xf32> to vector<16xf32>
    %swap3A_148 = vector.shape_cast %broadcast_in_dim3A_11 : vector<16xf32> to vector<1x16xf32>
    tpu.vector_store %arg10[%swap3A_144, %swap3A_145], %swap3A_148 {strides = array<i32>} : memref<8x128xf32, #tpu.memory_space<vmem>>, vector<1x16xf32>,
    %swap3A_149 = arith.constant 2 : i32
    %swap3A_150 = arith.index_cast %swap3A_149 : i32 to index
    %swap3A_151 = arith.constant 112 : index
    %swap3A_152 = tpu.vector_load %arg10[%swap3A_150, %swap3A_151] {strides = array<i32>} : memref<8x128xf32, #tpu.memory_space<vmem>>, vector<1x16xf32>,
    %swap3A_153 = vector.shape_cast %swap3A_152 : vector<1x16xf32> to vector<16xf32>
    %swap3A_154 = vector.shape_cast %broadcast_in_dim3A_11 : vector<16xf32> to vector<1x16xf32>
    tpu.vector_store %arg10[%swap3A_150, %swap3A_151], %swap3A_154 {strides = array<i32>} : memref<8x128xf32, #tpu.memory_space<vmem>>, vector<1x16xf32>,
    %swap3A_155 = arith.constant 3 : i32
    %swap3A_156 = arith.index_cast %swap3A_155 : i32 to index
    %swap3A_157 = arith.constant 0 : index
    %swap3A_158 = tpu.vector_load %arg10[%swap3A_156, %swap3A_157] {strides = array<i32>} : memref<8x128xf32, #tpu.memory_space<vmem>>, vector<1x16xf32>,
    %swap3A_159 = vector.shape_cast %swap3A_158 : vector<1x16xf32> to vector<16xf32>
    %swap3A_160 = vector.shape_cast %broadcast_in_dim3A_11 : vector<16xf32> to vector<1x16xf32>
    tpu.vector_store %arg10[%swap3A_156, %swap3A_157], %swap3A_160 {strides = array<i32>} : memref<8x128xf32, #tpu.memory_space<vmem>>, vector<1x16xf32>,
    %swap3A_161 = arith.constant 3 : i32
    %swap3A_162 = arith.index_cast %swap3A_161 : i32 to index
    %swap3A_163 = arith.constant 16 : index
    %swap3A_164 = tpu.vector_load %arg10[%swap3A_162, %swap3A_163] {strides = array<i32>} : memref<8x128xf32, #tpu.memory_space<vmem>>, vector<1x16xf32>,
    %swap3A_165 = vector.shape_cast %swap3A_164 : vector<1x16xf32> to vector<16xf32>
    %swap3A_166 = vector.shape_cast %broadcast_in_dim3A_11 : vector<16xf32> to vector<1x16xf32>
    tpu.vector_store %arg10[%swap3A_162, %swap3A_163], %swap3A_166 {strides = array<i32>} : memref<8x128xf32, #tpu.memory_space<vmem>>, vector<1x16xf32>,
    %swap3A_167 = arith.constant 3 : i32
    %swap3A_168 = arith.index_cast %swap3A_167 : i32 to index
    %swap3A_169 = arith.constant 32 : index
    %swap3A_170 = tpu.vector_load %arg10[%swap3A_168, %swap3A_169] {strides = array<i32>} : memref<8x128xf32, #tpu.memory_space<vmem>>, vector<1x16xf32>,
    %swap3A_171 = vector.shape_cast %swap3A_170 : vector<1x16xf32> to vector<16xf32>
    %swap3A_172 = vector.shape_cast %broadcast_in_dim3A_11 : vector<16xf32> to vector<1x16xf32>
    tpu.vector_store %arg10[%swap3A_168, %swap3A_169], %swap3A_172 {strides = array<i32>} : memref<8x128xf32, #tpu.memory_space<vmem>>, vector<1x16xf32>,
    %swap3A_173 = arith.constant 3 : i32
    %swap3A_174 = arith.index_cast %swap3A_173 : i32 to index
    %swap3A_175 = arith.constant 48 : index
    %swap3A_176 = tpu.vector_load %arg10[%swap3A_174, %swap3A_175] {strides = array<i32>} : memref<8x128xf32, #tpu.memory_space<vmem>>, vector<1x16xf32>,
    %swap3A_177 = vector.shape_cast %swap3A_176 : vector<1x16xf32> to vector<16xf32>
    %swap3A_178 = vector.shape_cast %broadcast_in_dim3A_11 : vector<16xf32> to vector<1x16xf32>
    tpu.vector_store %arg10[%swap3A_174, %swap3A_175], %swap3A_178 {strides = array<i32>} : memref<8x128xf32, #tpu.memory_space<vmem>>, vector<1x16xf32>,
    %swap3A_179 = arith.constant 3 : i32
    %swap3A_180 = arith.index_cast %swap3A_179 : i32 to index
    %swap3A_181 = arith.constant 64 : index
    %swap3A_182 = tpu.vector_load %arg10[%swap3A_180, %swap3A_181] {strides = array<i32>} : memref<8x128xf32, #tpu.memory_space<vmem>>, vector<1x16xf32>,
    %swap3A_183 = vector.shape_cast %swap3A_182 : vector<1x16xf32> to vector<16xf32>
    %swap3A_184 = vector.shape_cast %broadcast_in_dim3A_11 : vector<16xf32> to vector<1x16xf32>
    tpu.vector_store %arg10[%swap3A_180, %swap3A_181], %swap3A_184 {strides = array<i32>} : memref<8x128xf32, #tpu.memory_space<vmem>>, vector<1x16xf32>,
    %swap3A_185 = arith.constant 3 : i32
    %swap3A_186 = arith.index_cast %swap3A_185 : i32 to index
    %swap3A_187 = arith.constant 80 : index
    %swap3A_188 = tpu.vector_load %arg10[%swap3A_186, %swap3A_187] {strides = array<i32>} : memref<8x128xf32, #tpu.memory_space<vmem>>, vector<1x16xf32>,
    %swap3A_189 = vector.shape_cast %swap3A_188 : vector<1x16xf32> to vector<16xf32>
    %swap3A_190 = vector.shape_cast %broadcast_in_dim3A_11 : vector<16xf32> to vector<1x16xf32>
    tpu.vector_store %arg10[%swap3A_186, %swap3A_187], %swap3A_190 {strides = array<i32>} : memref<8x128xf32, #tpu.memory_space<vmem>>, vector<1x16xf32>,
    %swap3A_191 = arith.constant 3 : i32
    %swap3A_192 = arith.index_cast %swap3A_191 : i32 to index
    %swap3A_193 = arith.constant 96 : index
    %swap3A_194 = tpu.vector_load %arg10[%swap3A_192, %swap3A_193] {strides = array<i32>} : memref<8x128xf32, #tpu.memory_space<vmem>>, vector<1x16xf32>,
    %swap3A_195 = vector.shape_cast %swap3A_194 : vector<1x16xf32> to vector<16xf32>
    %swap3A_196 = vector.shape_cast %broadcast_in_dim3A_11 : vector<16xf32> to vector<1x16xf32>
    tpu.vector_store %arg10[%swap3A_192, %swap3A_193], %swap3A_196 {strides = array<i32>} : memref<8x128xf32, #tpu.memory_space<vmem>>, vector<1x16xf32>,
    %swap3A_197 = arith.constant 3 : i32
    %swap3A_198 = arith.index_cast %swap3A_197 : i32 to index
    %swap3A_199 = arith.constant 112 : index
    %swap3A_200 = tpu.vector_load %arg10[%swap3A_198, %swap3A_199] {strides = array<i32>} : memref<8x128xf32, #tpu.memory_space<vmem>>, vector<1x16xf32>,
    %swap3A_201 = vector.shape_cast %swap3A_200 : vector<1x16xf32> to vector<16xf32>
    %swap3A_202 = vector.shape_cast %broadcast_in_dim3A_11 : vector<16xf32> to vector<1x16xf32>
    tpu.vector_store %arg10[%swap3A_198, %swap3A_199], %swap3A_202 {strides = array<i32>} : memref<8x128xf32, #tpu.memory_space<vmem>>, vector<1x16xf32>,
    %swap3A_203 = arith.constant 4 : i32
    %swap3A_204 = arith.index_cast %swap3A_203 : i32 to index
    %swap3A_205 = arith.constant 0 : index
    %swap3A_206 = tpu.vector_load %arg10[%swap3A_204, %swap3A_205] {strides = array<i32>} : memref<8x128xf32, #tpu.memory_space<vmem>>, vector<1x16xf32>,
    %swap3A_207 = vector.shape_cast %swap3A_206 : vector<1x16xf32> to vector<16xf32>
    %swap3A_208 = vector.shape_cast %broadcast_in_dim3A_11 : vector<16xf32> to vector<1x16xf32>
    tpu.vector_store %arg10[%swap3A_204, %swap3A_205], %swap3A_208 {strides = array<i32>} : memref<8x128xf32, #tpu.memory_space<vmem>>, vector<1x16xf32>,
    %swap3A_209 = arith.constant 4 : i32
    %swap3A_210 = arith.index_cast %swap3A_209 : i32 to index
    %swap3A_211 = arith.constant 16 : index
    %swap3A_212 = tpu.vector_load %arg10[%swap3A_210, %swap3A_211] {strides = array<i32>} : memref<8x128xf32, #tpu.memory_space<vmem>>, vector<1x16xf32>,
    %swap3A_213 = vector.shape_cast %swap3A_212 : vector<1x16xf32> to vector<16xf32>
    %swap3A_214 = vector.shape_cast %broadcast_in_dim3A_11 : vector<16xf32> to vector<1x16xf32>
    tpu.vector_store %arg10[%swap3A_210, %swap3A_211], %swap3A_214 {strides = array<i32>} : memref<8x128xf32, #tpu.memory_space<vmem>>, vector<1x16xf32>,
    %swap3A_215 = arith.constant 4 : i32
    %swap3A_216 = arith.index_cast %swap3A_215 : i32 to index
    %swap3A_217 = arith.constant 32 : index
    %swap3A_218 = tpu.vector_load %arg10[%swap3A_216, %swap3A_217] {strides = array<i32>} : memref<8x128xf32, #tpu.memory_space<vmem>>, vector<1x16xf32>,
    %swap3A_219 = vector.shape_cast %swap3A_218 : vector<1x16xf32> to vector<16xf32>
    %swap3A_220 = vector.shape_cast %broadcast_in_dim3A_11 : vector<16xf32> to vector<1x16xf32>
    tpu.vector_store %arg10[%swap3A_216, %swap3A_217], %swap3A_220 {strides = array<i32>} : memref<8x128xf32, #tpu.memory_space<vmem>>, vector<1x16xf32>,
    %swap3A_221 = arith.constant 4 : i32
    %swap3A_222 = arith.index_cast %swap3A_221 : i32 to index
    %swap3A_223 = arith.constant 48 : index
    %swap3A_224 = tpu.vector_load %arg10[%swap3A_222, %swap3A_223] {strides = array<i32>} : memref<8x128xf32, #tpu.memory_space<vmem>>, vector<1x16xf32>,
    %swap3A_225 = vector.shape_cast %swap3A_224 : vector<1x16xf32> to vector<16xf32>
    %swap3A_226 = vector.shape_cast %broadcast_in_dim3A_11 : vector<16xf32> to vector<1x16xf32>
    tpu.vector_store %arg10[%swap3A_222, %swap3A_223], %swap3A_226 {strides = array<i32>} : memref<8x128xf32, #tpu.memory_space<vmem>>, vector<1x16xf32>,
    %swap3A_227 = arith.constant 4 : i32
    %swap3A_228 = arith.index_cast %swap3A_227 : i32 to index
    %swap3A_229 = arith.constant 64 : index
    %swap3A_230 = tpu.vector_load %arg10[%swap3A_228, %swap3A_229] {strides = array<i32>} : memref<8x128xf32, #tpu.memory_space<vmem>>, vector<1x16xf32>,
    %swap3A_231 = vector.shape_cast %swap3A_230 : vector<1x16xf32> to vector<16xf32>
    %swap3A_232 = vector.shape_cast %broadcast_in_dim3A_11 : vector<16xf32> to vector<1x16xf32>
    tpu.vector_store %arg10[%swap3A_228, %swap3A_229], %swap3A_232 {strides = array<i32>} : memref<8x128xf32, #tpu.memory_space<vmem>>, vector<1x16xf32>,
    %swap3A_233 = arith.constant 4 : i32
    %swap3A_234 = arith.index_cast %swap3A_233 : i32 to index
    %swap3A_235 = arith.constant 80 : index
    %swap3A_236 = tpu.vector_load %arg10[%swap3A_234, %swap3A_235] {strides = array<i32>} : memref<8x128xf32, #tpu.memory_space<vmem>>, vector<1x16xf32>,
    %swap3A_237 = vector.shape_cast %swap3A_236 : vector<1x16xf32> to vector<16xf32>
    %swap3A_238 = vector.shape_cast %broadcast_in_dim3A_11 : vector<16xf32> to vector<1x16xf32>
    tpu.vector_store %arg10[%swap3A_234, %swap3A_235], %swap3A_238 {strides = array<i32>} : memref<8x128xf32, #tpu.memory_space<vmem>>, vector<1x16xf32>,
    %swap3A_239 = arith.constant 4 : i32
    %swap3A_240 = arith.index_cast %swap3A_239 : i32 to index
    %swap3A_241 = arith.constant 96 : index
    %swap3A_242 = tpu.vector_load %arg10[%swap3A_240, %swap3A_241] {strides = array<i32>} : memref<8x128xf32, #tpu.memory_space<vmem>>, vector<1x16xf32>,
    %swap3A_243 = vector.shape_cast %swap3A_242 : vector<1x16xf32> to vector<16xf32>
    %swap3A_244 = vector.shape_cast %broadcast_in_dim3A_11 : vector<16xf32> to vector<1x16xf32>
    tpu.vector_store %arg10[%swap3A_240, %swap3A_241], %swap3A_244 {strides = array<i32>} : memref<8x128xf32, #tpu.memory_space<vmem>>, vector<1x16xf32>,
    %swap3A_245 = arith.constant 4 : i32
    %swap3A_246 = arith.index_cast %swap3A_245 : i32 to index
    %swap3A_247 = arith.constant 112 : index
    %swap3A_248 = tpu.vector_load %arg10[%swap3A_246, %swap3A_247] {strides = array<i32>} : memref<8x128xf32, #tpu.memory_space<vmem>>, vector<1x16xf32>,
    %swap3A_249 = vector.shape_cast %swap3A_248 : vector<1x16xf32> to vector<16xf32>
    %swap3A_250 = vector.shape_cast %broadcast_in_dim3A_11 : vector<16xf32> to vector<1x16xf32>
    tpu.vector_store %arg10[%swap3A_246, %swap3A_247], %swap3A_250 {strides = array<i32>} : memref<8x128xf32, #tpu.memory_space<vmem>>, vector<1x16xf32>,
    %swap3A_251 = arith.constant 5 : i32
    %swap3A_252 = arith.index_cast %swap3A_251 : i32 to index
    %swap3A_253 = arith.constant 0 : index
    %swap3A_254 = tpu.vector_load %arg10[%swap3A_252, %swap3A_253] {strides = array<i32>} : memref<8x128xf32, #tpu.memory_space<vmem>>, vector<1x16xf32>,
    %swap3A_255 = vector.shape_cast %swap3A_254 : vector<1x16xf32> to vector<16xf32>
    %swap3A_256 = vector.shape_cast %broadcast_in_dim3A_11 : vector<16xf32> to vector<1x16xf32>
    tpu.vector_store %arg10[%swap3A_252, %swap3A_253], %swap3A_256 {strides = array<i32>} : memref<8x128xf32, #tpu.memory_space<vmem>>, vector<1x16xf32>,
    %swap3A_257 = arith.constant 5 : i32
    %swap3A_258 = arith.index_cast %swap3A_257 : i32 to index
    %swap3A_259 = arith.constant 16 : index
    %swap3A_260 = tpu.vector_load %arg10[%swap3A_258, %swap3A_259] {strides = array<i32>} : memref<8x128xf32, #tpu.memory_space<vmem>>, vector<1x16xf32>,
    %swap3A_261 = vector.shape_cast %swap3A_260 : vector<1x16xf32> to vector<16xf32>
    %swap3A_262 = vector.shape_cast %broadcast_in_dim3A_11 : vector<16xf32> to vector<1x16xf32>
    tpu.vector_store %arg10[%swap3A_258, %swap3A_259], %swap3A_262 {strides = array<i32>} : memref<8x128xf32, #tpu.memory_space<vmem>>, vector<1x16xf32>,
    %swap3A_263 = arith.constant 5 : i32
    %swap3A_264 = arith.index_cast %swap3A_263 : i32 to index
    %swap3A_265 = arith.constant 32 : index
    %swap3A_266 = tpu.vector_load %arg10[%swap3A_264, %swap3A_265] {strides = array<i32>} : memref<8x128xf32, #tpu.memory_space<vmem>>, vector<1x16xf32>,
    %swap3A_267 = vector.shape_cast %swap3A_266 : vector<1x16xf32> to vector<16xf32>
    %swap3A_268 = vector.shape_cast %broadcast_in_dim3A_11 : vector<16xf32> to vector<1x16xf32>
    tpu.vector_store %arg10[%swap3A_264, %swap3A_265], %swap3A_268 {strides = array<i32>} : memref<8x128xf32, #tpu.memory_space<vmem>>, vector<1x16xf32>,
    %swap3A_269 = arith.constant 5 : i32
    %swap3A_270 = arith.index_cast %swap3A_269 : i32 to index
    %swap3A_271 = arith.constant 48 : index
    %swap3A_272 = tpu.vector_load %arg10[%swap3A_270, %swap3A_271] {strides = array<i32>} : memref<8x128xf32, #tpu.memory_space<vmem>>, vector<1x16xf32>,
    %swap3A_273 = vector.shape_cast %swap3A_272 : vector<1x16xf32> to vector<16xf32>
    %swap3A_274 = vector.shape_cast %broadcast_in_dim3A_11 : vector<16xf32> to vector<1x16xf32>
    tpu.vector_store %arg10[%swap3A_270, %swap3A_271], %swap3A_274 {strides = array<i32>} : memref<8x128xf32, #tpu.memory_space<vmem>>, vector<1x16xf32>,
    %swap3A_275 = arith.constant 5 : i32
    %swap3A_276 = arith.index_cast %swap3A_275 : i32 to index
    %swap3A_277 = arith.constant 64 : index
    %swap3A_278 = tpu.vector_load %arg10[%swap3A_276, %swap3A_277] {strides = array<i32>} : memref<8x128xf32, #tpu.memory_space<vmem>>, vector<1x16xf32>,
    %swap3A_279 = vector.shape_cast %swap3A_278 : vector<1x16xf32> to vector<16xf32>
    %swap3A_280 = vector.shape_cast %broadcast_in_dim3A_11 : vector<16xf32> to vector<1x16xf32>
    tpu.vector_store %arg10[%swap3A_276, %swap3A_277], %swap3A_280 {strides = array<i32>} : memref<8x128xf32, #tpu.memory_space<vmem>>, vector<1x16xf32>,
    %swap3A_281 = arith.constant 5 : i32
    %swap3A_282 = arith.index_cast %swap3A_281 : i32 to index
    %swap3A_283 = arith.constant 80 : index
    %swap3A_284 = tpu.vector_load %arg10[%swap3A_282, %swap3A_283] {strides = array<i32>} : memref<8x128xf32, #tpu.memory_space<vmem>>, vector<1x16xf32>,
    %swap3A_285 = vector.shape_cast %swap3A_284 : vector<1x16xf32> to vector<16xf32>
    %swap3A_286 = vector.shape_cast %broadcast_in_dim3A_11 : vector<16xf32> to vector<1x16xf32>
    tpu.vector_store %arg10[%swap3A_282, %swap3A_283], %swap3A_286 {strides = array<i32>} : memref<8x128xf32, #tpu.memory_space<vmem>>, vector<1x16xf32>,
    %swap3A_287 = arith.constant 5 : i32
    %swap3A_288 = arith.index_cast %swap3A_287 : i32 to index
    %swap3A_289 = arith.constant 96 : index
    %swap3A_290 = tpu.vector_load %arg10[%swap3A_288, %swap3A_289] {strides = array<i32>} : memref<8x128xf32, #tpu.memory_space<vmem>>, vector<1x16xf32>,
    %swap3A_291 = vector.shape_cast %swap3A_290 : vector<1x16xf32> to vector<16xf32>
    %swap3A_292 = vector.shape_cast %broadcast_in_dim3A_11 : vector<16xf32> to vector<1x16xf32>
    tpu.vector_store %arg10[%swap3A_288, %swap3A_289], %swap3A_292 {strides = array<i32>} : memref<8x128xf32, #tpu.memory_space<vmem>>, vector<1x16xf32>,
    %swap3A_293 = arith.constant 5 : i32
    %swap3A_294 = arith.index_cast %swap3A_293 : i32 to index
    %swap3A_295 = arith.constant 112 : index
    %swap3A_296 = tpu.vector_load %arg10[%swap3A_294, %swap3A_295] {strides = array<i32>} : memref<8x128xf32, #tpu.memory_space<vmem>>, vector<1x16xf32>,
    %swap3A_297 = vector.shape_cast %swap3A_296 : vector<1x16xf32> to vector<16xf32>
    %swap3A_298 = vector.shape_cast %broadcast_in_dim3A_11 : vector<16xf32> to vector<1x16xf32>
    tpu.vector_store %arg10[%swap3A_294, %swap3A_295], %swap3A_298 {strides = array<i32>} : memref<8x128xf32, #tpu.memory_space<vmem>>, vector<1x16xf32>,
    %swap3A_299 = arith.constant 6 : i32
    %swap3A_300 = arith.index_cast %swap3A_299 : i32 to index
    %swap3A_301 = arith.constant 0 : index
    %swap3A_302 = tpu.vector_load %arg10[%swap3A_300, %swap3A_301] {strides = array<i32>} : memref<8x128xf32, #tpu.memory_space<vmem>>, vector<1x16xf32>,
    %swap3A_303 = vector.shape_cast %swap3A_302 : vector<1x16xf32> to vector<16xf32>
    %swap3A_304 = vector.shape_cast %broadcast_in_dim3A_11 : vector<16xf32> to vector<1x16xf32>
    tpu.vector_store %arg10[%swap3A_300, %swap3A_301], %swap3A_304 {strides = array<i32>} : memref<8x128xf32, #tpu.memory_space<vmem>>, vector<1x16xf32>,
    %swap3A_305 = arith.constant 6 : i32
    %swap3A_306 = arith.index_cast %swap3A_305 : i32 to index
    %swap3A_307 = arith.constant 16 : index
    %swap3A_308 = tpu.vector_load %arg10[%swap3A_306, %swap3A_307] {strides = array<i32>} : memref<8x128xf32, #tpu.memory_space<vmem>>, vector<1x16xf32>,
    %swap3A_309 = vector.shape_cast %swap3A_308 : vector<1x16xf32> to vector<16xf32>
    %swap3A_310 = vector.shape_cast %broadcast_in_dim3A_11 : vector<16xf32> to vector<1x16xf32>
    tpu.vector_store %arg10[%swap3A_306, %swap3A_307], %swap3A_310 {strides = array<i32>} : memref<8x128xf32, #tpu.memory_space<vmem>>, vector<1x16xf32>,
    %swap3A_311 = arith.constant 6 : i32
    %swap3A_312 = arith.index_cast %swap3A_311 : i32 to index
    %swap3A_313 = arith.constant 32 : index
    %swap3A_314 = tpu.vector_load %arg10[%swap3A_312, %swap3A_313] {strides = array<i32>} : memref<8x128xf32, #tpu.memory_space<vmem>>, vector<1x16xf32>,
    %swap3A_315 = vector.shape_cast %swap3A_314 : vector<1x16xf32> to vector<16xf32>
    %swap3A_316 = vector.shape_cast %broadcast_in_dim3A_11 : vector<16xf32> to vector<1x16xf32>
    tpu.vector_store %arg10[%swap3A_312, %swap3A_313], %swap3A_316 {strides = array<i32>} : memref<8x128xf32, #tpu.memory_space<vmem>>, vector<1x16xf32>,
    %swap3A_317 = arith.constant 6 : i32
    %swap3A_318 = arith.index_cast %swap3A_317 : i32 to index
    %swap3A_319 = arith.constant 48 : index
    %swap3A_320 = tpu.vector_load %arg10[%swap3A_318, %swap3A_319] {strides = array<i32>} : memref<8x128xf32, #tpu.memory_space<vmem>>, vector<1x16xf32>,
    %swap3A_321 = vector.shape_cast %swap3A_320 : vector<1x16xf32> to vector<16xf32>
    %swap3A_322 = vector.shape_cast %broadcast_in_dim3A_11 : vector<16xf32> to vector<1x16xf32>
    tpu.vector_store %arg10[%swap3A_318, %swap3A_319], %swap3A_322 {strides = array<i32>} : memref<8x128xf32, #tpu.memory_space<vmem>>, vector<1x16xf32>,
    %swap3A_323 = arith.constant 6 : i32
    %swap3A_324 = arith.index_cast %swap3A_323 : i32 to index
    %swap3A_325 = arith.constant 64 : index
    %swap3A_326 = tpu.vector_load %arg10[%swap3A_324, %swap3A_325] {strides = array<i32>} : memref<8x128xf32, #tpu.memory_space<vmem>>, vector<1x16xf32>,
    %swap3A_327 = vector.shape_cast %swap3A_326 : vector<1x16xf32> to vector<16xf32>
    %swap3A_328 = vector.shape_cast %broadcast_in_dim3A_11 : vector<16xf32> to vector<1x16xf32>
    tpu.vector_store %arg10[%swap3A_324, %swap3A_325], %swap3A_328 {strides = array<i32>} : memref<8x128xf32, #tpu.memory_space<vmem>>, vector<1x16xf32>,
    %swap3A_329 = arith.constant 6 : i32
    %swap3A_330 = arith.index_cast %swap3A_329 : i32 to index
    %swap3A_331 = arith.constant 80 : index
    %swap3A_332 = tpu.vector_load %arg10[%swap3A_330, %swap3A_331] {strides = array<i32>} : memref<8x128xf32, #tpu.memory_space<vmem>>, vector<1x16xf32>,
    %swap3A_333 = vector.shape_cast %swap3A_332 : vector<1x16xf32> to vector<16xf32>
    %swap3A_334 = vector.shape_cast %broadcast_in_dim3A_11 : vector<16xf32> to vector<1x16xf32>
    tpu.vector_store %arg10[%swap3A_330, %swap3A_331], %swap3A_334 {strides = array<i32>} : memref<8x128xf32, #tpu.memory_space<vmem>>, vector<1x16xf32>,
    %swap3A_335 = arith.constant 6 : i32
    %swap3A_336 = arith.index_cast %swap3A_335 : i32 to index
    %swap3A_337 = arith.constant 96 : index
    %swap3A_338 = tpu.vector_load %arg10[%swap3A_336, %swap3A_337] {strides = array<i32>} : memref<8x128xf32, #tpu.memory_space<vmem>>, vector<1x16xf32>,
    %swap3A_339 = vector.shape_cast %swap3A_338 : vector<1x16xf32> to vector<16xf32>
    %swap3A_340 = vector.shape_cast %broadcast_in_dim3A_11 : vector<16xf32> to vector<1x16xf32>
    tpu.vector_store %arg10[%swap3A_336, %swap3A_337], %swap3A_340 {strides = array<i32>} : memref<8x128xf32, #tpu.memory_space<vmem>>, vector<1x16xf32>,
    %swap3A_341 = arith.constant 6 : i32
    %swap3A_342 = arith.index_cast %swap3A_341 : i32 to index
    %swap3A_343 = arith.constant 112 : index
    %swap3A_344 = tpu.vector_load %arg10[%swap3A_342, %swap3A_343] {strides = array<i32>} : memref<8x128xf32, #tpu.memory_space<vmem>>, vector<1x16xf32>,
    %swap3A_345 = vector.shape_cast %swap3A_344 : vector<1x16xf32> to vector<16xf32>
    %swap3A_346 = vector.shape_cast %broadcast_in_dim3A_11 : vector<16xf32> to vector<1x16xf32>
    tpu.vector_store %arg10[%swap3A_342, %swap3A_343], %swap3A_346 {strides = array<i32>} : memref<8x128xf32, #tpu.memory_space<vmem>>, vector<1x16xf32>,
    %swap3A_347 = arith.constant 7 : i32
    %swap3A_348 = arith.index_cast %swap3A_347 : i32 to index
    %swap3A_349 = arith.constant 0 : index
    %swap3A_350 = tpu.vector_load %arg10[%swap3A_348, %swap3A_349] {strides = array<i32>} : memref<8x128xf32, #tpu.memory_space<vmem>>, vector<1x16xf32>,
    %swap3A_351 = vector.shape_cast %swap3A_350 : vector<1x16xf32> to vector<16xf32>
    %swap3A_352 = vector.shape_cast %broadcast_in_dim3A_11 : vector<16xf32> to vector<1x16xf32>
    tpu.vector_store %arg10[%swap3A_348, %swap3A_349], %swap3A_352 {strides = array<i32>} : memref<8x128xf32, #tpu.memory_space<vmem>>, vector<1x16xf32>,
    %swap3A_353 = arith.constant 7 : i32
    %swap3A_354 = arith.index_cast %swap3A_353 : i32 to index
    %swap3A_355 = arith.constant 16 : index
    %swap3A_356 = tpu.vector_load %arg10[%swap3A_354, %swap3A_355] {strides = array<i32>} : memref<8x128xf32, #tpu.memory_space<vmem>>, vector<1x16xf32>,
    %swap3A_357 = vector.shape_cast %swap3A_356 : vector<1x16xf32> to vector<16xf32>
    %swap3A_358 = vector.shape_cast %broadcast_in_dim3A_11 : vector<16xf32> to vector<1x16xf32>
    tpu.vector_store %arg10[%swap3A_354, %swap3A_355], %swap3A_358 {strides = array<i32>} : memref<8x128xf32, #tpu.memory_space<vmem>>, vector<1x16xf32>,
    %swap3A_359 = arith.constant 7 : i32
    %swap3A_360 = arith.index_cast %swap3A_359 : i32 to index
    %swap3A_361 = arith.constant 32 : index
    %swap3A_362 = tpu.vector_load %arg10[%swap3A_360, %swap3A_361] {strides = array<i32>} : memref<8x128xf32, #tpu.memory_space<vmem>>, vector<1x16xf32>,
    %swap3A_363 = vector.shape_cast %swap3A_362 : vector<1x16xf32> to vector<16xf32>
    %swap3A_364 = vector.shape_cast %broadcast_in_dim3A_11 : vector<16xf32> to vector<1x16xf32>
    tpu.vector_store %arg10[%swap3A_360, %swap3A_361], %swap3A_364 {strides = array<i32>} : memref<8x128xf32, #tpu.memory_space<vmem>>, vector<1x16xf32>,
    %swap3A_365 = arith.constant 7 : i32
    %swap3A_366 = arith.index_cast %swap3A_365 : i32 to index
    %swap3A_367 = arith.constant 48 : index
    %swap3A_368 = tpu.vector_load %arg10[%swap3A_366, %swap3A_367] {strides = array<i32>} : memref<8x128xf32, #tpu.memory_space<vmem>>, vector<1x16xf32>,
    %swap3A_369 = vector.shape_cast %swap3A_368 : vector<1x16xf32> to vector<16xf32>
    %swap3A_370 = vector.shape_cast %broadcast_in_dim3A_11 : vector<16xf32> to vector<1x16xf32>
    tpu.vector_store %arg10[%swap3A_366, %swap3A_367], %swap3A_370 {strides = array<i32>} : memref<8x128xf32, #tpu.memory_space<vmem>>, vector<1x16xf32>,
    %swap3A_371 = arith.constant 7 : i32
    %swap3A_372 = arith.index_cast %swap3A_371 : i32 to index
    %swap3A_373 = arith.constant 64 : index
    %swap3A_374 = tpu.vector_load %arg10[%swap3A_372, %swap3A_373] {strides = array<i32>} : memref<8x128xf32, #tpu.memory_space<vmem>>, vector<1x16xf32>,
    %swap3A_375 = vector.shape_cast %swap3A_374 : vector<1x16xf32> to vector<16xf32>
    %swap3A_376 = vector.shape_cast %broadcast_in_dim3A_11 : vector<16xf32> to vector<1x16xf32>
    tpu.vector_store %arg10[%swap3A_372, %swap3A_373], %swap3A_376 {strides = array<i32>} : memref<8x128xf32, #tpu.memory_space<vmem>>, vector<1x16xf32>,
    %swap3A_377 = arith.constant 7 : i32
    %swap3A_378 = arith.index_cast %swap3A_377 : i32 to index
    %swap3A_379 = arith.constant 80 : index
    %swap3A_380 = tpu.vector_load %arg10[%swap3A_378, %swap3A_379] {strides = array<i32>} : memref<8x128xf32, #tpu.memory_space<vmem>>, vector<1x16xf32>,
    %swap3A_381 = vector.shape_cast %swap3A_380 : vector<1x16xf32> to vector<16xf32>
    %swap3A_382 = vector.shape_cast %broadcast_in_dim3A_11 : vector<16xf32> to vector<1x16xf32>
    tpu.vector_store %arg10[%swap3A_378, %swap3A_379], %swap3A_382 {strides = array<i32>} : memref<8x128xf32, #tpu.memory_space<vmem>>, vector<1x16xf32>,
    %swap3A_383 = arith.constant 7 : i32
    %swap3A_384 = arith.index_cast %swap3A_383 : i32 to index
    %swap3A_385 = arith.constant 96 : index
    %swap3A_386 = tpu.vector_load %arg10[%swap3A_384, %swap3A_385] {strides = array<i32>} : memref<8x128xf32, #tpu.memory_space<vmem>>, vector<1x16xf32>,
    %swap3A_387 = vector.shape_cast %swap3A_386 : vector<1x16xf32> to vector<16xf32>
    %swap3A_388 = vector.shape_cast %broadcast_in_dim3A_11 : vector<16xf32> to vector<1x16xf32>
    tpu.vector_store %arg10[%swap3A_384, %swap3A_385], %swap3A_388 {strides = array<i32>} : memref<8x128xf32, #tpu.memory_space<vmem>>, vector<1x16xf32>,
    %swap3A_389 = arith.constant 7 : i32
    %swap3A_390 = arith.index_cast %swap3A_389 : i32 to index
    %swap3A_391 = arith.constant 112 : index
    %swap3A_392 = tpu.vector_load %arg10[%swap3A_390, %swap3A_391] {strides = array<i32>} : memref<8x128xf32, #tpu.memory_space<vmem>>, vector<1x16xf32>,
    %swap3A_393 = vector.shape_cast %swap3A_392 : vector<1x16xf32> to vector<16xf32>
    %swap3A_394 = vector.shape_cast %broadcast_in_dim3A_11 : vector<16xf32> to vector<1x16xf32>
    tpu.vector_store %arg10[%swap3A_390, %swap3A_391], %swap3A_394 {strides = array<i32>} : memref<8x128xf32, #tpu.memory_space<vmem>>, vector<1x16xf32>,
    %scan3A = arith.constant 0 : i32
    %scan3A_395 = arith.constant 0 : i32
    %scan3A_396 = arith.constant 80 : i32
    %scan3A_397 = arith.addi %scan3A_395, %scan3A_396 : i32
    %scan3A_398 = arith.constant 1 : i32
    %scan3A_399 = scf.for %scan3A_413 = %scan3A_395 to %scan3A_397 step %scan3A_398 iter_args(%scan3A_414 = %scan3A) -> (i32)  : i32 {
      %mul3A_415 = arith.constant 8 : i32
      %mul3A_416 = arith.muli %scan3A_413, %mul3A_415 : i32
      %add3A_417 = arith.addi %mul3A_0, %mul3A_416 : i32
      "tpu.region"() ({
        %run_scoped3A = tpu.sem_alloc : memref<!tpu.dma_semaphore, #tpu.memory_space<semaphore_mem>>
        %dma_start3A = arith.constant 0 : i32
        %dma_start3A_419 = tpu.memref_slice %arg11[%add3A_417, %dma_start3A] : memref<10240x128xf32, #tpu.memory_space<vmem_shared>> -> memref<8x128xf32, #tpu.memory_space<vmem_shared>>
        %dma_start3A_420 = arith.constant 0 : i32
        %dma_start3A_421 = tpu.memref_slice %arg11[%add3A_417, %dma_start3A_420] : memref<10240x128xf32, #tpu.memory_space<vmem_shared>> -> memref<8x128xf32, #tpu.memory_space<vmem_shared>>
        tpu.enqueue_dma source(%arg10 : memref<8x128xf32, #tpu.memory_space<vmem>>) target(%dma_start3A_421 : memref<8x128xf32, #tpu.memory_space<vmem_shared>>) target_semaphore(%run_scoped3A : memref<!tpu.dma_semaphore, #tpu.memory_space<semaphore_mem>>)
        %dma_wait3A = arith.constant 0 : i32
        %dma_wait3A_422 = tpu.memref_slice %arg11[%add3A_417, %dma_wait3A] : memref<10240x128xf32, #tpu.memory_space<vmem_shared>> -> memref<8x128xf32, #tpu.memory_space<vmem_shared>>
        %dma_wait3A_423 = arith.constant 0 : i32
        %dma_wait3A_424 = tpu.memref_slice %arg11[%add3A_417, %dma_wait3A_423] : memref<10240x128xf32, #tpu.memory_space<vmem_shared>> -> memref<8x128xf32, #tpu.memory_space<vmem_shared>>
        tpu.wait_dma2 semaphore(%run_scoped3A : memref<!tpu.dma_semaphore, #tpu.memory_space<semaphore_mem>>) src(%arg10 : memref<8x128xf32, #tpu.memory_space<vmem>>) dst(%dma_wait3A_424 : memref<8x128xf32, #tpu.memory_space<vmem_shared>>)
        tpu.yield
      }) : () -> ()
      %scan3A_418 = arith.constant 0 : i32
      scf.yield %scan3A_418 : i32
    }
    %scan3A_400 = arith.constant 80 : i32
    %barrier3A = arith.constant 0 : index
    tpu.barrier barrier_id(%barrier3A)
    %while3A = arith.constant 0 : i32
    %while3A_401 = arith.constant 0 : i32
    %while3A_402 = arith.subi %select_n3A_10, %while3A : i32
    %while3A_403 = arith.addi %while3A, %while3A_402 : i32
    %while3A_404 = arith.constant 1 : i32
    %while3A_405 = arith.divsi %while3A_402, %while3A_404 : i32
    %while3A_406 = arith.muli %while3A_405, %while3A_404 : i32
    %while3A_407 = arith.addi %while3A, %while3A_406 : i32
    %while3A_408 = arith.constant 1 : i32
    %while3A_409 = scf.for %while3A_413 = %while3A to %while3A_407 step %while3A_408 iter_args(%while3A_414 = %while3A_401) -> (i32)  : i32 {
      %mul3A_415 = arith.constant 8 : i32
      %mul3A_416 = arith.muli %while3A_413, %mul3A_415 : i32
      %add3A_417 = arith.addi %select_n3A, %mul3A_416 : i32
      "tpu.region"() ({
        %run_scoped3A_536 = tpu.sem_alloc : memref<!tpu.dma_semaphore, #tpu.memory_space<semaphore_mem>>
        %dma_start3A_537 = arith.constant 0 : i32
        %dma_start3A_538 = tpu.memref_slice %arg3[%add3A_417, %dma_start3A_537] : memref<2560x128xi32, #tpu.memory_space<hbm>> -> memref<8x128xi32, #tpu.memory_space<hbm>>
        %dma_start3A_539 = arith.constant 0 : i32
        %dma_start3A_540 = tpu.memref_slice %arg3[%add3A_417, %dma_start3A_539] : memref<2560x128xi32, #tpu.memory_space<hbm>> -> memref<8x128xi32, #tpu.memory_space<hbm>>
        tpu.enqueue_dma source(%dma_start3A_540 : memref<8x128xi32, #tpu.memory_space<hbm>>) target(%arg6 : memref<8x128xi32, #tpu.memory_space<vmem>>) target_semaphore(%run_scoped3A_536 : memref<!tpu.dma_semaphore, #tpu.memory_space<semaphore_mem>>)
        %dma_wait3A_541 = arith.constant 0 : i32
        %dma_wait3A_542 = tpu.memref_slice %arg3[%add3A_417, %dma_wait3A_541] : memref<2560x128xi32, #tpu.memory_space<hbm>> -> memref<8x128xi32, #tpu.memory_space<hbm>>
        %dma_wait3A_543 = arith.constant 0 : i32
        %dma_wait3A_544 = tpu.memref_slice %arg3[%add3A_417, %dma_wait3A_543] : memref<2560x128xi32, #tpu.memory_space<hbm>> -> memref<8x128xi32, #tpu.memory_space<hbm>>
        tpu.wait_dma2 semaphore(%run_scoped3A_536 : memref<!tpu.dma_semaphore, #tpu.memory_space<semaphore_mem>>) src(%dma_wait3A_544 : memref<8x128xi32, #tpu.memory_space<hbm>>) dst(%arg6 : memref<8x128xi32, #tpu.memory_space<vmem>>)
        tpu.yield
      }) : () -> ()
      "tpu.region"() ({
        %run_scoped3A_536 = tpu.sem_alloc : memref<!tpu.dma_semaphore, #tpu.memory_space<semaphore_mem>>
        %dma_start3A_537 = arith.constant 0 : i32
        %dma_start3A_538 = tpu.memref_slice %arg4[%add3A_417, %dma_start3A_537] : memref<2560x128xi32, #tpu.memory_space<hbm>> -> memref<8x128xi32, #tpu.memory_space<hbm>>
        %dma_start3A_539 = arith.constant 0 : i32
        %dma_start3A_540 = tpu.memref_slice %arg4[%add3A_417, %dma_start3A_539] : memref<2560x128xi32, #tpu.memory_space<hbm>> -> memref<8x128xi32, #tpu.memory_space<hbm>>
        tpu.enqueue_dma source(%dma_start3A_540 : memref<8x128xi32, #tpu.memory_space<hbm>>) target(%arg7 : memref<8x128xi32, #tpu.memory_space<vmem>>) target_semaphore(%run_scoped3A_536 : memref<!tpu.dma_semaphore, #tpu.memory_space<semaphore_mem>>)
        %dma_wait3A_541 = arith.constant 0 : i32
        %dma_wait3A_542 = tpu.memref_slice %arg4[%add3A_417, %dma_wait3A_541] : memref<2560x128xi32, #tpu.memory_space<hbm>> -> memref<8x128xi32, #tpu.memory_space<hbm>>
        %dma_wait3A_543 = arith.constant 0 : i32
        %dma_wait3A_544 = tpu.memref_slice %arg4[%add3A_417, %dma_wait3A_543] : memref<2560x128xi32, #tpu.memory_space<hbm>> -> memref<8x128xi32, #tpu.memory_space<hbm>>
        tpu.wait_dma2 semaphore(%run_scoped3A_536 : memref<!tpu.dma_semaphore, #tpu.memory_space<semaphore_mem>>) src(%dma_wait3A_544 : memref<8x128xi32, #tpu.memory_space<hbm>>) dst(%arg7 : memref<8x128xi32, #tpu.memory_space<vmem>>)
        tpu.yield
      }) : () -> ()
      %dma_start3A = arith.constant 0 : i32
      %dma_start3A_418 = arith.constant 0 : i32
      %dma_start3A_419 = tpu.memref_slice %arg6[%dma_start3A, %dma_start3A_418] : memref<8x128xi32, #tpu.memory_space<vmem>> -> memref<1x128xi32, #tpu.memory_space<vmem>>
      %dma_start3A_420 = tpu.memref_squeeze %dma_start3A_419 : memref<1x128xi32, #tpu.memory_space<vmem>> -> memref<128xi32, #tpu.memory_space<vmem>>
      %dma_start3A_421 = arith.constant 0 : i32
      %dma_start3A_422 = arith.constant 0 : i32
      %dma_start3A_423 = tpu.memref_slice %arg2[%dma_start3A_421, %dma_start3A_422] : memref<10000x128xf32, #tpu.memory_space<hbm>> -> memref<10000x128xf32, #tpu.memory_space<hbm>>
      tpu.enqueue_indirect_dma source(%dma_start3A_423 : memref<10000x128xf32, #tpu.memory_space<hbm>>) target(%arg8 : memref<128x128xf32, #tpu.memory_space<vmem>>) offsets(%dma_start3A_420 : memref<128xi32, #tpu.memory_space<vmem>>) semaphore(%arg12 : memref<!tpu.dma_semaphore, #tpu.memory_space<semaphore_mem>>)
      %dma_start3A_424 = arith.constant 1 : i32
      %dma_start3A_425 = arith.constant 0 : i32
      %dma_start3A_426 = tpu.memref_slice %arg6[%dma_start3A_424, %dma_start3A_425] : memref<8x128xi32, #tpu.memory_space<vmem>> -> memref<1x128xi32, #tpu.memory_space<vmem>>
      %dma_start3A_427 = tpu.memref_squeeze %dma_start3A_426 : memref<1x128xi32, #tpu.memory_space<vmem>> -> memref<128xi32, #tpu.memory_space<vmem>>
      %dma_start3A_428 = arith.constant 0 : i32
      %dma_start3A_429 = arith.constant 0 : i32
      %dma_start3A_430 = tpu.memref_slice %arg2[%dma_start3A_428, %dma_start3A_429] : memref<10000x128xf32, #tpu.memory_space<hbm>> -> memref<10000x128xf32, #tpu.memory_space<hbm>>
      tpu.enqueue_indirect_dma source(%dma_start3A_430 : memref<10000x128xf32, #tpu.memory_space<hbm>>) target(%arg9 : memref<128x128xf32, #tpu.memory_space<vmem>>) offsets(%dma_start3A_427 : memref<128xi32, #tpu.memory_space<vmem>>) semaphore(%arg13 : memref<!tpu.dma_semaphore, #tpu.memory_space<semaphore_mem>>)
      %dma_wait3A = arith.constant 0 : i32
      %dma_wait3A_431 = arith.constant 0 : i32
      %dma_wait3A_432 = tpu.memref_slice %arg6[%dma_wait3A, %dma_wait3A_431] : memref<8x128xi32, #tpu.memory_space<vmem>> -> memref<1x128xi32, #tpu.memory_space<vmem>>
      %dma_wait3A_433 = tpu.memref_squeeze %dma_wait3A_432 : memref<1x128xi32, #tpu.memory_space<vmem>> -> memref<128xi32, #tpu.memory_space<vmem>>
      %dma_wait3A_434 = arith.constant 0 : i32
      %dma_wait3A_435 = arith.constant 0 : i32
      %dma_wait3A_436 = tpu.memref_slice %arg2[%dma_wait3A_434, %dma_wait3A_435] : memref<10000x128xf32, #tpu.memory_space<hbm>> -> memref<10000x128xf32, #tpu.memory_space<hbm>>
      tpu.wait_indirect_dma semaphore(%arg12 : memref<!tpu.dma_semaphore, #tpu.memory_space<semaphore_mem>>) src(%dma_wait3A_436 : memref<10000x128xf32, #tpu.memory_space<hbm>>) dst(%arg8 : memref<128x128xf32, #tpu.memory_space<vmem>>)
      %run_scoped3A = arith.constant 0 : i32
      "tpu.region"() ({
        %run_scoped3A_536 = tpu.sem_alloc : memref<!tpu.dma_semaphore, #tpu.memory_space<semaphore_mem>>
        %dma_start3A_537 = arith.constant 0 : i32
        %dma_start3A_538 = tpu.memref_slice %arg7[%run_scoped3A, %dma_start3A_537] : memref<8x128xi32, #tpu.memory_space<vmem>> -> memref<1x128xi32, #tpu.memory_space<vmem>>
        %dma_start3A_539 = tpu.memref_squeeze %dma_start3A_538 : memref<1x128xi32, #tpu.memory_space<vmem>> -> memref<128xi32, #tpu.memory_space<vmem>>
        %dma_start3A_540 = arith.constant 0 : i32
        %dma_start3A_541 = arith.constant 0 : i32
        %dma_start3A_542 = tpu.memref_slice %arg11[%dma_start3A_540, %dma_start3A_541] : memref<10240x128xf32, #tpu.memory_space<vmem_shared>> -> memref<10240x128xf32, #tpu.memory_space<vmem_shared>>
        tpu.enqueue_indirect_dma source(%arg8 : memref<128x128xf32, #tpu.memory_space<vmem>>) target(%dma_start3A_542 : memref<10240x128xf32, #tpu.memory_space<vmem_shared>>) offsets(%dma_start3A_539 : memref<128xi32, #tpu.memory_space<vmem>>) semaphore(%run_scoped3A_536 : memref<!tpu.dma_semaphore, #tpu.memory_space<semaphore_mem>>) {add = true}
        %dma_wait3A_543 = arith.constant 0 : i32
        %dma_wait3A_544 = tpu.memref_slice %arg7[%run_scoped3A, %dma_wait3A_543] : memref<8x128xi32, #tpu.memory_space<vmem>> -> memref<1x128xi32, #tpu.memory_space<vmem>>
        %dma_wait3A_545 = tpu.memref_squeeze %dma_wait3A_544 : memref<1x128xi32, #tpu.memory_space<vmem>> -> memref<128xi32, #tpu.memory_space<vmem>>
        %dma_wait3A_546 = arith.constant 0 : i32
        %dma_wait3A_547 = arith.constant 0 : i32
        %dma_wait3A_548 = tpu.memref_slice %arg11[%dma_wait3A_546, %dma_wait3A_547] : memref<10240x128xf32, #tpu.memory_space<vmem_shared>> -> memref<10240x128xf32, #tpu.memory_space<vmem_shared>>
        tpu.wait_indirect_dma semaphore(%run_scoped3A_536 : memref<!tpu.dma_semaphore, #tpu.memory_space<semaphore_mem>>) src(%arg8 : memref<128x128xf32, #tpu.memory_space<vmem>>) dst(%dma_wait3A_548 : memref<10240x128xf32, #tpu.memory_space<vmem_shared>>)
        tpu.yield
      }) : () -> ()
      %dma_start3A_437 = arith.constant 2 : i32
      %dma_start3A_438 = arith.constant 0 : i32
      %dma_start3A_439 = tpu.memref_slice %arg6[%dma_start3A_437, %dma_start3A_438] : memref<8x128xi32, #tpu.memory_space<vmem>> -> memref<1x128xi32, #tpu.memory_space<vmem>>
      %dma_start3A_440 = tpu.memref_squeeze %dma_start3A_439 : memref<1x128xi32, #tpu.memory_space<vmem>> -> memref<128xi32, #tpu.memory_space<vmem>>
      %dma_start3A_441 = arith.constant 0 : i32
      %dma_start3A_442 = arith.constant 0 : i32
      %dma_start3A_443 = tpu.memref_slice %arg2[%dma_start3A_441, %dma_start3A_442] : memref<10000x128xf32, #tpu.memory_space<hbm>> -> memref<10000x128xf32, #tpu.memory_space<hbm>>
      tpu.enqueue_indirect_dma source(%dma_start3A_443 : memref<10000x128xf32, #tpu.memory_space<hbm>>) target(%arg8 : memref<128x128xf32, #tpu.memory_space<vmem>>) offsets(%dma_start3A_440 : memref<128xi32, #tpu.memory_space<vmem>>) semaphore(%arg12 : memref<!tpu.dma_semaphore, #tpu.memory_space<semaphore_mem>>)
      %dma_wait3A_444 = arith.constant 1 : i32
      %dma_wait3A_445 = arith.constant 0 : i32
      %dma_wait3A_446 = tpu.memref_slice %arg6[%dma_wait3A_444, %dma_wait3A_445] : memref<8x128xi32, #tpu.memory_space<vmem>> -> memref<1x128xi32, #tpu.memory_space<vmem>>
      %dma_wait3A_447 = tpu.memref_squeeze %dma_wait3A_446 : memref<1x128xi32, #tpu.memory_space<vmem>> -> memref<128xi32, #tpu.memory_space<vmem>>
      %dma_wait3A_448 = arith.constant 0 : i32
      %dma_wait3A_449 = arith.constant 0 : i32
      %dma_wait3A_450 = tpu.memref_slice %arg2[%dma_wait3A_448, %dma_wait3A_449] : memref<10000x128xf32, #tpu.memory_space<hbm>> -> memref<10000x128xf32, #tpu.memory_space<hbm>>
      tpu.wait_indirect_dma semaphore(%arg13 : memref<!tpu.dma_semaphore, #tpu.memory_space<semaphore_mem>>) src(%dma_wait3A_450 : memref<10000x128xf32, #tpu.memory_space<hbm>>) dst(%arg9 : memref<128x128xf32, #tpu.memory_space<vmem>>)
      %run_scoped3A_451 = arith.constant 1 : i32
      "tpu.region"() ({
        %run_scoped3A_536 = tpu.sem_alloc : memref<!tpu.dma_semaphore, #tpu.memory_space<semaphore_mem>>
        %dma_start3A_537 = arith.constant 0 : i32
        %dma_start3A_538 = tpu.memref_slice %arg7[%run_scoped3A_451, %dma_start3A_537] : memref<8x128xi32, #tpu.memory_space<vmem>> -> memref<1x128xi32, #tpu.memory_space<vmem>>
        %dma_start3A_539 = tpu.memref_squeeze %dma_start3A_538 : memref<1x128xi32, #tpu.memory_space<vmem>> -> memref<128xi32, #tpu.memory_space<vmem>>
        %dma_start3A_540 = arith.constant 0 : i32
        %dma_start3A_541 = arith.constant 0 : i32
        %dma_start3A_542 = tpu.memref_slice %arg11[%dma_start3A_540, %dma_start3A_541] : memref<10240x128xf32, #tpu.memory_space<vmem_shared>> -> memref<10240x128xf32, #tpu.memory_space<vmem_shared>>
        tpu.enqueue_indirect_dma source(%arg9 : memref<128x128xf32, #tpu.memory_space<vmem>>) target(%dma_start3A_542 : memref<10240x128xf32, #tpu.memory_space<vmem_shared>>) offsets(%dma_start3A_539 : memref<128xi32, #tpu.memory_space<vmem>>) semaphore(%run_scoped3A_536 : memref<!tpu.dma_semaphore, #tpu.memory_space<semaphore_mem>>) {add = true}
        %dma_wait3A_543 = arith.constant 0 : i32
        %dma_wait3A_544 = tpu.memref_slice %arg7[%run_scoped3A_451, %dma_wait3A_543] : memref<8x128xi32, #tpu.memory_space<vmem>> -> memref<1x128xi32, #tpu.memory_space<vmem>>
        %dma_wait3A_545 = tpu.memref_squeeze %dma_wait3A_544 : memref<1x128xi32, #tpu.memory_space<vmem>> -> memref<128xi32, #tpu.memory_space<vmem>>
        %dma_wait3A_546 = arith.constant 0 : i32
        %dma_wait3A_547 = arith.constant 0 : i32
        %dma_wait3A_548 = tpu.memref_slice %arg11[%dma_wait3A_546, %dma_wait3A_547] : memref<10240x128xf32, #tpu.memory_space<vmem_shared>> -> memref<10240x128xf32, #tpu.memory_space<vmem_shared>>
        tpu.wait_indirect_dma semaphore(%run_scoped3A_536 : memref<!tpu.dma_semaphore, #tpu.memory_space<semaphore_mem>>) src(%arg9 : memref<128x128xf32, #tpu.memory_space<vmem>>) dst(%dma_wait3A_548 : memref<10240x128xf32, #tpu.memory_space<vmem_shared>>)
        tpu.yield
      }) : () -> ()
      %dma_start3A_452 = arith.constant 3 : i32
      %dma_start3A_453 = arith.constant 0 : i32
      %dma_start3A_454 = tpu.memref_slice %arg6[%dma_start3A_452, %dma_start3A_453] : memref<8x128xi32, #tpu.memory_space<vmem>> -> memref<1x128xi32, #tpu.memory_space<vmem>>
      %dma_start3A_455 = tpu.memref_squeeze %dma_start3A_454 : memref<1x128xi32, #tpu.memory_space<vmem>> -> memref<128xi32, #tpu.memory_space<vmem>>
      %dma_start3A_456 = arith.constant 0 : i32
      %dma_start3A_457 = arith.constant 0 : i32
      %dma_start3A_458 = tpu.memref_slice %arg2[%dma_start3A_456, %dma_start3A_457] : memref<10000x128xf32, #tpu.memory_space<hbm>> -> memref<10000x128xf32, #tpu.memory_space<hbm>>
      tpu.enqueue_indirect_dma source(%dma_start3A_458 : memref<10000x128xf32, #tpu.memory_space<hbm>>) target(%arg9 : memref<128x128xf32, #tpu.memory_space<vmem>>) offsets(%dma_start3A_455 : memref<128xi32, #tpu.memory_space<vmem>>) semaphore(%arg13 : memref<!tpu.dma_semaphore, #tpu.memory_space<semaphore_mem>>)
      %dma_wait3A_459 = arith.constant 2 : i32
      %dma_wait3A_460 = arith.constant 0 : i32
      %dma_wait3A_461 = tpu.memref_slice %arg6[%dma_wait3A_459, %dma_wait3A_460] : memref<8x128xi32, #tpu.memory_space<vmem>> -> memref<1x128xi32, #tpu.memory_space<vmem>>
      %dma_wait3A_462 = tpu.memref_squeeze %dma_wait3A_461 : memref<1x128xi32, #tpu.memory_space<vmem>> -> memref<128xi32, #tpu.memory_space<vmem>>
      %dma_wait3A_463 = arith.constant 0 : i32
      %dma_wait3A_464 = arith.constant 0 : i32
      %dma_wait3A_465 = tpu.memref_slice %arg2[%dma_wait3A_463, %dma_wait3A_464] : memref<10000x128xf32, #tpu.memory_space<hbm>> -> memref<10000x128xf32, #tpu.memory_space<hbm>>
      tpu.wait_indirect_dma semaphore(%arg12 : memref<!tpu.dma_semaphore, #tpu.memory_space<semaphore_mem>>) src(%dma_wait3A_465 : memref<10000x128xf32, #tpu.memory_space<hbm>>) dst(%arg8 : memref<128x128xf32, #tpu.memory_space<vmem>>)
      %run_scoped3A_466 = arith.constant 2 : i32
      "tpu.region"() ({
        %run_scoped3A_536 = tpu.sem_alloc : memref<!tpu.dma_semaphore, #tpu.memory_space<semaphore_mem>>
        %dma_start3A_537 = arith.constant 0 : i32
        %dma_start3A_538 = tpu.memref_slice %arg7[%run_scoped3A_466, %dma_start3A_537] : memref<8x128xi32, #tpu.memory_space<vmem>> -> memref<1x128xi32, #tpu.memory_space<vmem>>
        %dma_start3A_539 = tpu.memref_squeeze %dma_start3A_538 : memref<1x128xi32, #tpu.memory_space<vmem>> -> memref<128xi32, #tpu.memory_space<vmem>>
        %dma_start3A_540 = arith.constant 0 : i32
        %dma_start3A_541 = arith.constant 0 : i32
        %dma_start3A_542 = tpu.memref_slice %arg11[%dma_start3A_540, %dma_start3A_541] : memref<10240x128xf32, #tpu.memory_space<vmem_shared>> -> memref<10240x128xf32, #tpu.memory_space<vmem_shared>>
        tpu.enqueue_indirect_dma source(%arg8 : memref<128x128xf32, #tpu.memory_space<vmem>>) target(%dma_start3A_542 : memref<10240x128xf32, #tpu.memory_space<vmem_shared>>) offsets(%dma_start3A_539 : memref<128xi32, #tpu.memory_space<vmem>>) semaphore(%run_scoped3A_536 : memref<!tpu.dma_semaphore, #tpu.memory_space<semaphore_mem>>) {add = true}
        %dma_wait3A_543 = arith.constant 0 : i32
        %dma_wait3A_544 = tpu.memref_slice %arg7[%run_scoped3A_466, %dma_wait3A_543] : memref<8x128xi32, #tpu.memory_space<vmem>> -> memref<1x128xi32, #tpu.memory_space<vmem>>
        %dma_wait3A_545 = tpu.memref_squeeze %dma_wait3A_544 : memref<1x128xi32, #tpu.memory_space<vmem>> -> memref<128xi32, #tpu.memory_space<vmem>>
        %dma_wait3A_546 = arith.constant 0 : i32
        %dma_wait3A_547 = arith.constant 0 : i32
        %dma_wait3A_548 = tpu.memref_slice %arg11[%dma_wait3A_546, %dma_wait3A_547] : memref<10240x128xf32, #tpu.memory_space<vmem_shared>> -> memref<10240x128xf32, #tpu.memory_space<vmem_shared>>
        tpu.wait_indirect_dma semaphore(%run_scoped3A_536 : memref<!tpu.dma_semaphore, #tpu.memory_space<semaphore_mem>>) src(%arg8 : memref<128x128xf32, #tpu.memory_space<vmem>>) dst(%dma_wait3A_548 : memref<10240x128xf32, #tpu.memory_space<vmem_shared>>)
        tpu.yield
      }) : () -> ()
      %dma_start3A_467 = arith.constant 4 : i32
      %dma_start3A_468 = arith.constant 0 : i32
      %dma_start3A_469 = tpu.memref_slice %arg6[%dma_start3A_467, %dma_start3A_468] : memref<8x128xi32, #tpu.memory_space<vmem>> -> memref<1x128xi32, #tpu.memory_space<vmem>>
      %dma_start3A_470 = tpu.memref_squeeze %dma_start3A_469 : memref<1x128xi32, #tpu.memory_space<vmem>> -> memref<128xi32, #tpu.memory_space<vmem>>
      %dma_start3A_471 = arith.constant 0 : i32
      %dma_start3A_472 = arith.constant 0 : i32
      %dma_start3A_473 = tpu.memref_slice %arg2[%dma_start3A_471, %dma_start3A_472] : memref<10000x128xf32, #tpu.memory_space<hbm>> -> memref<10000x128xf32, #tpu.memory_space<hbm>>
      tpu.enqueue_indirect_dma source(%dma_start3A_473 : memref<10000x128xf32, #tpu.memory_space<hbm>>) target(%arg8 : memref<128x128xf32, #tpu.memory_space<vmem>>) offsets(%dma_start3A_470 : memref<128xi32, #tpu.memory_space<vmem>>) semaphore(%arg12 : memref<!tpu.dma_semaphore, #tpu.memory_space<semaphore_mem>>)
      %dma_wait3A_474 = arith.constant 3 : i32
      %dma_wait3A_475 = arith.constant 0 : i32
      %dma_wait3A_476 = tpu.memref_slice %arg6[%dma_wait3A_474, %dma_wait3A_475] : memref<8x128xi32, #tpu.memory_space<vmem>> -> memref<1x128xi32, #tpu.memory_space<vmem>>
      %dma_wait3A_477 = tpu.memref_squeeze %dma_wait3A_476 : memref<1x128xi32, #tpu.memory_space<vmem>> -> memref<128xi32, #tpu.memory_space<vmem>>
      %dma_wait3A_478 = arith.constant 0 : i32
      %dma_wait3A_479 = arith.constant 0 : i32
      %dma_wait3A_480 = tpu.memref_slice %arg2[%dma_wait3A_478, %dma_wait3A_479] : memref<10000x128xf32, #tpu.memory_space<hbm>> -> memref<10000x128xf32, #tpu.memory_space<hbm>>
      tpu.wait_indirect_dma semaphore(%arg13 : memref<!tpu.dma_semaphore, #tpu.memory_space<semaphore_mem>>) src(%dma_wait3A_480 : memref<10000x128xf32, #tpu.memory_space<hbm>>) dst(%arg9 : memref<128x128xf32, #tpu.memory_space<vmem>>)
      %run_scoped3A_481 = arith.constant 3 : i32
      "tpu.region"() ({
        %run_scoped3A_536 = tpu.sem_alloc : memref<!tpu.dma_semaphore, #tpu.memory_space<semaphore_mem>>
        %dma_start3A_537 = arith.constant 0 : i32
        %dma_start3A_538 = tpu.memref_slice %arg7[%run_scoped3A_481, %dma_start3A_537] : memref<8x128xi32, #tpu.memory_space<vmem>> -> memref<1x128xi32, #tpu.memory_space<vmem>>
        %dma_start3A_539 = tpu.memref_squeeze %dma_start3A_538 : memref<1x128xi32, #tpu.memory_space<vmem>> -> memref<128xi32, #tpu.memory_space<vmem>>
        %dma_start3A_540 = arith.constant 0 : i32
        %dma_start3A_541 = arith.constant 0 : i32
        %dma_start3A_542 = tpu.memref_slice %arg11[%dma_start3A_540, %dma_start3A_541] : memref<10240x128xf32, #tpu.memory_space<vmem_shared>> -> memref<10240x128xf32, #tpu.memory_space<vmem_shared>>
        tpu.enqueue_indirect_dma source(%arg9 : memref<128x128xf32, #tpu.memory_space<vmem>>) target(%dma_start3A_542 : memref<10240x128xf32, #tpu.memory_space<vmem_shared>>) offsets(%dma_start3A_539 : memref<128xi32, #tpu.memory_space<vmem>>) semaphore(%run_scoped3A_536 : memref<!tpu.dma_semaphore, #tpu.memory_space<semaphore_mem>>) {add = true}
        %dma_wait3A_543 = arith.constant 0 : i32
        %dma_wait3A_544 = tpu.memref_slice %arg7[%run_scoped3A_481, %dma_wait3A_543] : memref<8x128xi32, #tpu.memory_space<vmem>> -> memref<1x128xi32, #tpu.memory_space<vmem>>
        %dma_wait3A_545 = tpu.memref_squeeze %dma_wait3A_544 : memref<1x128xi32, #tpu.memory_space<vmem>> -> memref<128xi32, #tpu.memory_space<vmem>>
        %dma_wait3A_546 = arith.constant 0 : i32
        %dma_wait3A_547 = arith.constant 0 : i32
        %dma_wait3A_548 = tpu.memref_slice %arg11[%dma_wait3A_546, %dma_wait3A_547] : memref<10240x128xf32, #tpu.memory_space<vmem_shared>> -> memref<10240x128xf32, #tpu.memory_space<vmem_shared>>
        tpu.wait_indirect_dma semaphore(%run_scoped3A_536 : memref<!tpu.dma_semaphore, #tpu.memory_space<semaphore_mem>>) src(%arg9 : memref<128x128xf32, #tpu.memory_space<vmem>>) dst(%dma_wait3A_548 : memref<10240x128xf32, #tpu.memory_space<vmem_shared>>)
        tpu.yield
      }) : () -> ()
      %dma_start3A_482 = arith.constant 5 : i32
      %dma_start3A_483 = arith.constant 0 : i32
      %dma_start3A_484 = tpu.memref_slice %arg6[%dma_start3A_482, %dma_start3A_483] : memref<8x128xi32, #tpu.memory_space<vmem>> -> memref<1x128xi32, #tpu.memory_space<vmem>>
      %dma_start3A_485 = tpu.memref_squeeze %dma_start3A_484 : memref<1x128xi32, #tpu.memory_space<vmem>> -> memref<128xi32, #tpu.memory_space<vmem>>
      %dma_start3A_486 = arith.constant 0 : i32
      %dma_start3A_487 = arith.constant 0 : i32
      %dma_start3A_488 = tpu.memref_slice %arg2[%dma_start3A_486, %dma_start3A_487] : memref<10000x128xf32, #tpu.memory_space<hbm>> -> memref<10000x128xf32, #tpu.memory_space<hbm>>
      tpu.enqueue_indirect_dma source(%dma_start3A_488 : memref<10000x128xf32, #tpu.memory_space<hbm>>) target(%arg9 : memref<128x128xf32, #tpu.memory_space<vmem>>) offsets(%dma_start3A_485 : memref<128xi32, #tpu.memory_space<vmem>>) semaphore(%arg13 : memref<!tpu.dma_semaphore, #tpu.memory_space<semaphore_mem>>)
      %dma_wait3A_489 = arith.constant 4 : i32
      %dma_wait3A_490 = arith.constant 0 : i32
      %dma_wait3A_491 = tpu.memref_slice %arg6[%dma_wait3A_489, %dma_wait3A_490] : memref<8x128xi32, #tpu.memory_space<vmem>> -> memref<1x128xi32, #tpu.memory_space<vmem>>
      %dma_wait3A_492 = tpu.memref_squeeze %dma_wait3A_491 : memref<1x128xi32, #tpu.memory_space<vmem>> -> memref<128xi32, #tpu.memory_space<vmem>>
      %dma_wait3A_493 = arith.constant 0 : i32
      %dma_wait3A_494 = arith.constant 0 : i32
      %dma_wait3A_495 = tpu.memref_slice %arg2[%dma_wait3A_493, %dma_wait3A_494] : memref<10000x128xf32, #tpu.memory_space<hbm>> -> memref<10000x128xf32, #tpu.memory_space<hbm>>
      tpu.wait_indirect_dma semaphore(%arg12 : memref<!tpu.dma_semaphore, #tpu.memory_space<semaphore_mem>>) src(%dma_wait3A_495 : memref<10000x128xf32, #tpu.memory_space<hbm>>) dst(%arg8 : memref<128x128xf32, #tpu.memory_space<vmem>>)
      %run_scoped3A_496 = arith.constant 4 : i32
      "tpu.region"() ({
        %run_scoped3A_536 = tpu.sem_alloc : memref<!tpu.dma_semaphore, #tpu.memory_space<semaphore_mem>>
        %dma_start3A_537 = arith.constant 0 : i32
        %dma_start3A_538 = tpu.memref_slice %arg7[%run_scoped3A_496, %dma_start3A_537] : memref<8x128xi32, #tpu.memory_space<vmem>> -> memref<1x128xi32, #tpu.memory_space<vmem>>
        %dma_start3A_539 = tpu.memref_squeeze %dma_start3A_538 : memref<1x128xi32, #tpu.memory_space<vmem>> -> memref<128xi32, #tpu.memory_space<vmem>>
        %dma_start3A_540 = arith.constant 0 : i32
        %dma_start3A_541 = arith.constant 0 : i32
        %dma_start3A_542 = tpu.memref_slice %arg11[%dma_start3A_540, %dma_start3A_541] : memref<10240x128xf32, #tpu.memory_space<vmem_shared>> -> memref<10240x128xf32, #tpu.memory_space<vmem_shared>>
        tpu.enqueue_indirect_dma source(%arg8 : memref<128x128xf32, #tpu.memory_space<vmem>>) target(%dma_start3A_542 : memref<10240x128xf32, #tpu.memory_space<vmem_shared>>) offsets(%dma_start3A_539 : memref<128xi32, #tpu.memory_space<vmem>>) semaphore(%run_scoped3A_536 : memref<!tpu.dma_semaphore, #tpu.memory_space<semaphore_mem>>) {add = true}
        %dma_wait3A_543 = arith.constant 0 : i32
        %dma_wait3A_544 = tpu.memref_slice %arg7[%run_scoped3A_496, %dma_wait3A_543] : memref<8x128xi32, #tpu.memory_space<vmem>> -> memref<1x128xi32, #tpu.memory_space<vmem>>
        %dma_wait3A_545 = tpu.memref_squeeze %dma_wait3A_544 : memref<1x128xi32, #tpu.memory_space<vmem>> -> memref<128xi32, #tpu.memory_space<vmem>>
        %dma_wait3A_546 = arith.constant 0 : i32
        %dma_wait3A_547 = arith.constant 0 : i32
        %dma_wait3A_548 = tpu.memref_slice %arg11[%dma_wait3A_546, %dma_wait3A_547] : memref<10240x128xf32, #tpu.memory_space<vmem_shared>> -> memref<10240x128xf32, #tpu.memory_space<vmem_shared>>
        tpu.wait_indirect_dma semaphore(%run_scoped3A_536 : memref<!tpu.dma_semaphore, #tpu.memory_space<semaphore_mem>>) src(%arg8 : memref<128x128xf32, #tpu.memory_space<vmem>>) dst(%dma_wait3A_548 : memref<10240x128xf32, #tpu.memory_space<vmem_shared>>)
        tpu.yield
      }) : () -> ()
      %dma_start3A_497 = arith.constant 6 : i32
      %dma_start3A_498 = arith.constant 0 : i32
      %dma_start3A_499 = tpu.memref_slice %arg6[%dma_start3A_497, %dma_start3A_498] : memref<8x128xi32, #tpu.memory_space<vmem>> -> memref<1x128xi32, #tpu.memory_space<vmem>>
      %dma_start3A_500 = tpu.memref_squeeze %dma_start3A_499 : memref<1x128xi32, #tpu.memory_space<vmem>> -> memref<128xi32, #tpu.memory_space<vmem>>
      %dma_start3A_501 = arith.constant 0 : i32
      %dma_start3A_502 = arith.constant 0 : i32
      %dma_start3A_503 = tpu.memref_slice %arg2[%dma_start3A_501, %dma_start3A_502] : memref<10000x128xf32, #tpu.memory_space<hbm>> -> memref<10000x128xf32, #tpu.memory_space<hbm>>
      tpu.enqueue_indirect_dma source(%dma_start3A_503 : memref<10000x128xf32, #tpu.memory_space<hbm>>) target(%arg8 : memref<128x128xf32, #tpu.memory_space<vmem>>) offsets(%dma_start3A_500 : memref<128xi32, #tpu.memory_space<vmem>>) semaphore(%arg12 : memref<!tpu.dma_semaphore, #tpu.memory_space<semaphore_mem>>)
      %dma_wait3A_504 = arith.constant 5 : i32
      %dma_wait3A_505 = arith.constant 0 : i32
      %dma_wait3A_506 = tpu.memref_slice %arg6[%dma_wait3A_504, %dma_wait3A_505] : memref<8x128xi32, #tpu.memory_space<vmem>> -> memref<1x128xi32, #tpu.memory_space<vmem>>
      %dma_wait3A_507 = tpu.memref_squeeze %dma_wait3A_506 : memref<1x128xi32, #tpu.memory_space<vmem>> -> memref<128xi32, #tpu.memory_space<vmem>>
      %dma_wait3A_508 = arith.constant 0 : i32
      %dma_wait3A_509 = arith.constant 0 : i32
      %dma_wait3A_510 = tpu.memref_slice %arg2[%dma_wait3A_508, %dma_wait3A_509] : memref<10000x128xf32, #tpu.memory_space<hbm>> -> memref<10000x128xf32, #tpu.memory_space<hbm>>
      tpu.wait_indirect_dma semaphore(%arg13 : memref<!tpu.dma_semaphore, #tpu.memory_space<semaphore_mem>>) src(%dma_wait3A_510 : memref<10000x128xf32, #tpu.memory_space<hbm>>) dst(%arg9 : memref<128x128xf32, #tpu.memory_space<vmem>>)
      %run_scoped3A_511 = arith.constant 5 : i32
      "tpu.region"() ({
        %run_scoped3A_536 = tpu.sem_alloc : memref<!tpu.dma_semaphore, #tpu.memory_space<semaphore_mem>>
        %dma_start3A_537 = arith.constant 0 : i32
        %dma_start3A_538 = tpu.memref_slice %arg7[%run_scoped3A_511, %dma_start3A_537] : memref<8x128xi32, #tpu.memory_space<vmem>> -> memref<1x128xi32, #tpu.memory_space<vmem>>
        %dma_start3A_539 = tpu.memref_squeeze %dma_start3A_538 : memref<1x128xi32, #tpu.memory_space<vmem>> -> memref<128xi32, #tpu.memory_space<vmem>>
        %dma_start3A_540 = arith.constant 0 : i32
        %dma_start3A_541 = arith.constant 0 : i32
        %dma_start3A_542 = tpu.memref_slice %arg11[%dma_start3A_540, %dma_start3A_541] : memref<10240x128xf32, #tpu.memory_space<vmem_shared>> -> memref<10240x128xf32, #tpu.memory_space<vmem_shared>>
        tpu.enqueue_indirect_dma source(%arg9 : memref<128x128xf32, #tpu.memory_space<vmem>>) target(%dma_start3A_542 : memref<10240x128xf32, #tpu.memory_space<vmem_shared>>) offsets(%dma_start3A_539 : memref<128xi32, #tpu.memory_space<vmem>>) semaphore(%run_scoped3A_536 : memref<!tpu.dma_semaphore, #tpu.memory_space<semaphore_mem>>) {add = true}
        %dma_wait3A_543 = arith.constant 0 : i32
        %dma_wait3A_544 = tpu.memref_slice %arg7[%run_scoped3A_511, %dma_wait3A_543] : memref<8x128xi32, #tpu.memory_space<vmem>> -> memref<1x128xi32, #tpu.memory_space<vmem>>
        %dma_wait3A_545 = tpu.memref_squeeze %dma_wait3A_544 : memref<1x128xi32, #tpu.memory_space<vmem>> -> memref<128xi32, #tpu.memory_space<vmem>>
        %dma_wait3A_546 = arith.constant 0 : i32
        %dma_wait3A_547 = arith.constant 0 : i32
        %dma_wait3A_548 = tpu.memref_slice %arg11[%dma_wait3A_546, %dma_wait3A_547] : memref<10240x128xf32, #tpu.memory_space<vmem_shared>> -> memref<10240x128xf32, #tpu.memory_space<vmem_shared>>
        tpu.wait_indirect_dma semaphore(%run_scoped3A_536 : memref<!tpu.dma_semaphore, #tpu.memory_space<semaphore_mem>>) src(%arg9 : memref<128x128xf32, #tpu.memory_space<vmem>>) dst(%dma_wait3A_548 : memref<10240x128xf32, #tpu.memory_space<vmem_shared>>)
        tpu.yield
      }) : () -> ()
      %dma_start3A_512 = arith.constant 7 : i32
      %dma_start3A_513 = arith.constant 0 : i32
      %dma_start3A_514 = tpu.memref_slice %arg6[%dma_start3A_512, %dma_start3A_513] : memref<8x128xi32, #tpu.memory_space<vmem>> -> memref<1x128xi32, #tpu.memory_space<vmem>>
      %dma_start3A_515 = tpu.memref_squeeze %dma_start3A_514 : memref<1x128xi32, #tpu.memory_space<vmem>> -> memref<128xi32, #tpu.memory_space<vmem>>
      %dma_start3A_516 = arith.constant 0 : i32
      %dma_start3A_517 = arith.constant 0 : i32
      %dma_start3A_518 = tpu.memref_slice %arg2[%dma_start3A_516, %dma_start3A_517] : memref<10000x128xf32, #tpu.memory_space<hbm>> -> memref<10000x128xf32, #tpu.memory_space<hbm>>
      tpu.enqueue_indirect_dma source(%dma_start3A_518 : memref<10000x128xf32, #tpu.memory_space<hbm>>) target(%arg9 : memref<128x128xf32, #tpu.memory_space<vmem>>) offsets(%dma_start3A_515 : memref<128xi32, #tpu.memory_space<vmem>>) semaphore(%arg13 : memref<!tpu.dma_semaphore, #tpu.memory_space<semaphore_mem>>)
      %dma_wait3A_519 = arith.constant 6 : i32
      %dma_wait3A_520 = arith.constant 0 : i32
      %dma_wait3A_521 = tpu.memref_slice %arg6[%dma_wait3A_519, %dma_wait3A_520] : memref<8x128xi32, #tpu.memory_space<vmem>> -> memref<1x128xi32, #tpu.memory_space<vmem>>
      %dma_wait3A_522 = tpu.memref_squeeze %dma_wait3A_521 : memref<1x128xi32, #tpu.memory_space<vmem>> -> memref<128xi32, #tpu.memory_space<vmem>>
      %dma_wait3A_523 = arith.constant 0 : i32
      %dma_wait3A_524 = arith.constant 0 : i32
      %dma_wait3A_525 = tpu.memref_slice %arg2[%dma_wait3A_523, %dma_wait3A_524] : memref<10000x128xf32, #tpu.memory_space<hbm>> -> memref<10000x128xf32, #tpu.memory_space<hbm>>
      tpu.wait_indirect_dma semaphore(%arg12 : memref<!tpu.dma_semaphore, #tpu.memory_space<semaphore_mem>>) src(%dma_wait3A_525 : memref<10000x128xf32, #tpu.memory_space<hbm>>) dst(%arg8 : memref<128x128xf32, #tpu.memory_space<vmem>>)
      %run_scoped3A_526 = arith.constant 6 : i32
      "tpu.region"() ({
        %run_scoped3A_536 = tpu.sem_alloc : memref<!tpu.dma_semaphore, #tpu.memory_space<semaphore_mem>>
        %dma_start3A_537 = arith.constant 0 : i32
        %dma_start3A_538 = tpu.memref_slice %arg7[%run_scoped3A_526, %dma_start3A_537] : memref<8x128xi32, #tpu.memory_space<vmem>> -> memref<1x128xi32, #tpu.memory_space<vmem>>
        %dma_start3A_539 = tpu.memref_squeeze %dma_start3A_538 : memref<1x128xi32, #tpu.memory_space<vmem>> -> memref<128xi32, #tpu.memory_space<vmem>>
        %dma_start3A_540 = arith.constant 0 : i32
        %dma_start3A_541 = arith.constant 0 : i32
        %dma_start3A_542 = tpu.memref_slice %arg11[%dma_start3A_540, %dma_start3A_541] : memref<10240x128xf32, #tpu.memory_space<vmem_shared>> -> memref<10240x128xf32, #tpu.memory_space<vmem_shared>>
        tpu.enqueue_indirect_dma source(%arg8 : memref<128x128xf32, #tpu.memory_space<vmem>>) target(%dma_start3A_542 : memref<10240x128xf32, #tpu.memory_space<vmem_shared>>) offsets(%dma_start3A_539 : memref<128xi32, #tpu.memory_space<vmem>>) semaphore(%run_scoped3A_536 : memref<!tpu.dma_semaphore, #tpu.memory_space<semaphore_mem>>) {add = true}
        %dma_wait3A_543 = arith.constant 0 : i32
        %dma_wait3A_544 = tpu.memref_slice %arg7[%run_scoped3A_526, %dma_wait3A_543] : memref<8x128xi32, #tpu.memory_space<vmem>> -> memref<1x128xi32, #tpu.memory_space<vmem>>
        %dma_wait3A_545 = tpu.memref_squeeze %dma_wait3A_544 : memref<1x128xi32, #tpu.memory_space<vmem>> -> memref<128xi32, #tpu.memory_space<vmem>>
        %dma_wait3A_546 = arith.constant 0 : i32
        %dma_wait3A_547 = arith.constant 0 : i32
        %dma_wait3A_548 = tpu.memref_slice %arg11[%dma_wait3A_546, %dma_wait3A_547] : memref<10240x128xf32, #tpu.memory_space<vmem_shared>> -> memref<10240x128xf32, #tpu.memory_space<vmem_shared>>
        tpu.wait_indirect_dma semaphore(%run_scoped3A_536 : memref<!tpu.dma_semaphore, #tpu.memory_space<semaphore_mem>>) src(%arg8 : memref<128x128xf32, #tpu.memory_space<vmem>>) dst(%dma_wait3A_548 : memref<10240x128xf32, #tpu.memory_space<vmem_shared>>)
        tpu.yield
      }) : () -> ()
      %dma_wait3A_527 = arith.constant 7 : i32
      %dma_wait3A_528 = arith.constant 0 : i32
      %dma_wait3A_529 = tpu.memref_slice %arg6[%dma_wait3A_527, %dma_wait3A_528] : memref<8x128xi32, #tpu.memory_space<vmem>> -> memref<1x128xi32, #tpu.memory_space<vmem>>
      %dma_wait3A_530 = tpu.memref_squeeze %dma_wait3A_529 : memref<1x128xi32, #tpu.memory_space<vmem>> -> memref<128xi32, #tpu.memory_space<vmem>>
      %dma_wait3A_531 = arith.constant 0 : i32
      %dma_wait3A_532 = arith.constant 0 : i32
      %dma_wait3A_533 = tpu.memref_slice %arg2[%dma_wait3A_531, %dma_wait3A_532] : memref<10000x128xf32, #tpu.memory_space<hbm>> -> memref<10000x128xf32, #tpu.memory_space<hbm>>
      tpu.wait_indirect_dma semaphore(%arg13 : memref<!tpu.dma_semaphore, #tpu.memory_space<semaphore_mem>>) src(%dma_wait3A_533 : memref<10000x128xf32, #tpu.memory_space<hbm>>) dst(%arg9 : memref<128x128xf32, #tpu.memory_space<vmem>>)
      %run_scoped3A_534 = arith.constant 7 : i32
      "tpu.region"() ({
        %run_scoped3A_536 = tpu.sem_alloc : memref<!tpu.dma_semaphore, #tpu.memory_space<semaphore_mem>>
        %dma_start3A_537 = arith.constant 0 : i32
        %dma_start3A_538 = tpu.memref_slice %arg7[%run_scoped3A_534, %dma_start3A_537] : memref<8x128xi32, #tpu.memory_space<vmem>> -> memref<1x128xi32, #tpu.memory_space<vmem>>
        %dma_start3A_539 = tpu.memref_squeeze %dma_start3A_538 : memref<1x128xi32, #tpu.memory_space<vmem>> -> memref<128xi32, #tpu.memory_space<vmem>>
        %dma_start3A_540 = arith.constant 0 : i32
        %dma_start3A_541 = arith.constant 0 : i32
        %dma_start3A_542 = tpu.memref_slice %arg11[%dma_start3A_540, %dma_start3A_541] : memref<10240x128xf32, #tpu.memory_space<vmem_shared>> -> memref<10240x128xf32, #tpu.memory_space<vmem_shared>>
        tpu.enqueue_indirect_dma source(%arg9 : memref<128x128xf32, #tpu.memory_space<vmem>>) target(%dma_start3A_542 : memref<10240x128xf32, #tpu.memory_space<vmem_shared>>) offsets(%dma_start3A_539 : memref<128xi32, #tpu.memory_space<vmem>>) semaphore(%run_scoped3A_536 : memref<!tpu.dma_semaphore, #tpu.memory_space<semaphore_mem>>) {add = true}
        %dma_wait3A_543 = arith.constant 0 : i32
        %dma_wait3A_544 = tpu.memref_slice %arg7[%run_scoped3A_534, %dma_wait3A_543] : memref<8x128xi32, #tpu.memory_space<vmem>> -> memref<1x128xi32, #tpu.memory_space<vmem>>
        %dma_wait3A_545 = tpu.memref_squeeze %dma_wait3A_544 : memref<1x128xi32, #tpu.memory_space<vmem>> -> memref<128xi32, #tpu.memory_space<vmem>>
        %dma_wait3A_546 = arith.constant 0 : i32
        %dma_wait3A_547 = arith.constant 0 : i32
        %dma_wait3A_548 = tpu.memref_slice %arg11[%dma_wait3A_546, %dma_wait3A_547] : memref<10240x128xf32, #tpu.memory_space<vmem_shared>> -> memref<10240x128xf32, #tpu.memory_space<vmem_shared>>
        tpu.wait_indirect_dma semaphore(%run_scoped3A_536 : memref<!tpu.dma_semaphore, #tpu.memory_space<semaphore_mem>>) src(%arg9 : memref<128x128xf32, #tpu.memory_space<vmem>>) dst(%dma_wait3A_548 : memref<10240x128xf32, #tpu.memory_space<vmem_shared>>)
        tpu.yield
      }) : () -> ()
      %while3A_535 = arith.constant 0 : i32
      scf.yield %while3A_535 : i32
    }
    %while3A_410 = arith.constant 1 : i32
    %while3A_411 = scf.for %while3A_413 = %while3A_407 to %while3A_403 step %while3A_410 iter_args(%while3A_414 = %while3A_409) -> (i32)  : i32 {
      %mul3A_415 = arith.constant 8 : i32
      %mul3A_416 = arith.muli %while3A_413, %mul3A_415 : i32
      %add3A_417 = arith.addi %select_n3A, %mul3A_416 : i32
      "tpu.region"() ({
        %run_scoped3A_536 = tpu.sem_alloc : memref<!tpu.dma_semaphore, #tpu.memory_space<semaphore_mem>>
        %dma_start3A_537 = arith.constant 0 : i32
        %dma_start3A_538 = tpu.memref_slice %arg3[%add3A_417, %dma_start3A_537] : memref<2560x128xi32, #tpu.memory_space<hbm>> -> memref<8x128xi32, #tpu.memory_space<hbm>>
        %dma_start3A_539 = arith.constant 0 : i32
        %dma_start3A_540 = tpu.memref_slice %arg3[%add3A_417, %dma_start3A_539] : memref<2560x128xi32, #tpu.memory_space<hbm>> -> memref<8x128xi32, #tpu.memory_space<hbm>>
        tpu.enqueue_dma source(%dma_start3A_540 : memref<8x128xi32, #tpu.memory_space<hbm>>) target(%arg6 : memref<8x128xi32, #tpu.memory_space<vmem>>) target_semaphore(%run_scoped3A_536 : memref<!tpu.dma_semaphore, #tpu.memory_space<semaphore_mem>>)
        %dma_wait3A_541 = arith.constant 0 : i32
        %dma_wait3A_542 = tpu.memref_slice %arg3[%add3A_417, %dma_wait3A_541] : memref<2560x128xi32, #tpu.memory_space<hbm>> -> memref<8x128xi32, #tpu.memory_space<hbm>>
        %dma_wait3A_543 = arith.constant 0 : i32
        %dma_wait3A_544 = tpu.memref_slice %arg3[%add3A_417, %dma_wait3A_543] : memref<2560x128xi32, #tpu.memory_space<hbm>> -> memref<8x128xi32, #tpu.memory_space<hbm>>
        tpu.wait_dma2 semaphore(%run_scoped3A_536 : memref<!tpu.dma_semaphore, #tpu.memory_space<semaphore_mem>>) src(%dma_wait3A_544 : memref<8x128xi32, #tpu.memory_space<hbm>>) dst(%arg6 : memref<8x128xi32, #tpu.memory_space<vmem>>)
        tpu.yield
      }) : () -> ()
      "tpu.region"() ({
        %run_scoped3A_536 = tpu.sem_alloc : memref<!tpu.dma_semaphore, #tpu.memory_space<semaphore_mem>>
        %dma_start3A_537 = arith.constant 0 : i32
        %dma_start3A_538 = tpu.memref_slice %arg4[%add3A_417, %dma_start3A_537] : memref<2560x128xi32, #tpu.memory_space<hbm>> -> memref<8x128xi32, #tpu.memory_space<hbm>>
        %dma_start3A_539 = arith.constant 0 : i32
        %dma_start3A_540 = tpu.memref_slice %arg4[%add3A_417, %dma_start3A_539] : memref<2560x128xi32, #tpu.memory_space<hbm>> -> memref<8x128xi32, #tpu.memory_space<hbm>>
        tpu.enqueue_dma source(%dma_start3A_540 : memref<8x128xi32, #tpu.memory_space<hbm>>) target(%arg7 : memref<8x128xi32, #tpu.memory_space<vmem>>) target_semaphore(%run_scoped3A_536 : memref<!tpu.dma_semaphore, #tpu.memory_space<semaphore_mem>>)
        %dma_wait3A_541 = arith.constant 0 : i32
        %dma_wait3A_542 = tpu.memref_slice %arg4[%add3A_417, %dma_wait3A_541] : memref<2560x128xi32, #tpu.memory_space<hbm>> -> memref<8x128xi32, #tpu.memory_space<hbm>>
        %dma_wait3A_543 = arith.constant 0 : i32
        %dma_wait3A_544 = tpu.memref_slice %arg4[%add3A_417, %dma_wait3A_543] : memref<2560x128xi32, #tpu.memory_space<hbm>> -> memref<8x128xi32, #tpu.memory_space<hbm>>
        tpu.wait_dma2 semaphore(%run_scoped3A_536 : memref<!tpu.dma_semaphore, #tpu.memory_space<semaphore_mem>>) src(%dma_wait3A_544 : memref<8x128xi32, #tpu.memory_space<hbm>>) dst(%arg7 : memref<8x128xi32, #tpu.memory_space<vmem>>)
        tpu.yield
      }) : () -> ()
      %dma_start3A = arith.constant 0 : i32
      %dma_start3A_418 = arith.constant 0 : i32
      %dma_start3A_419 = tpu.memref_slice %arg6[%dma_start3A, %dma_start3A_418] : memref<8x128xi32, #tpu.memory_space<vmem>> -> memref<1x128xi32, #tpu.memory_space<vmem>>
      %dma_start3A_420 = tpu.memref_squeeze %dma_start3A_419 : memref<1x128xi32, #tpu.memory_space<vmem>> -> memref<128xi32, #tpu.memory_space<vmem>>
      %dma_start3A_421 = arith.constant 0 : i32
      %dma_start3A_422 = arith.constant 0 : i32
      %dma_start3A_423 = tpu.memref_slice %arg2[%dma_start3A_421, %dma_start3A_422] : memref<10000x128xf32, #tpu.memory_space<hbm>> -> memref<10000x128xf32, #tpu.memory_space<hbm>>
      tpu.enqueue_indirect_dma source(%dma_start3A_423 : memref<10000x128xf32, #tpu.memory_space<hbm>>) target(%arg8 : memref<128x128xf32, #tpu.memory_space<vmem>>) offsets(%dma_start3A_420 : memref<128xi32, #tpu.memory_space<vmem>>) semaphore(%arg12 : memref<!tpu.dma_semaphore, #tpu.memory_space<semaphore_mem>>)
      %dma_start3A_424 = arith.constant 1 : i32
      %dma_start3A_425 = arith.constant 0 : i32
      %dma_start3A_426 = tpu.memref_slice %arg6[%dma_start3A_424, %dma_start3A_425] : memref<8x128xi32, #tpu.memory_space<vmem>> -> memref<1x128xi32, #tpu.memory_space<vmem>>
      %dma_start3A_427 = tpu.memref_squeeze %dma_start3A_426 : memref<1x128xi32, #tpu.memory_space<vmem>> -> memref<128xi32, #tpu.memory_space<vmem>>
      %dma_start3A_428 = arith.constant 0 : i32
      %dma_start3A_429 = arith.constant 0 : i32
      %dma_start3A_430 = tpu.memref_slice %arg2[%dma_start3A_428, %dma_start3A_429] : memref<10000x128xf32, #tpu.memory_space<hbm>> -> memref<10000x128xf32, #tpu.memory_space<hbm>>
      tpu.enqueue_indirect_dma source(%dma_start3A_430 : memref<10000x128xf32, #tpu.memory_space<hbm>>) target(%arg9 : memref<128x128xf32, #tpu.memory_space<vmem>>) offsets(%dma_start3A_427 : memref<128xi32, #tpu.memory_space<vmem>>) semaphore(%arg13 : memref<!tpu.dma_semaphore, #tpu.memory_space<semaphore_mem>>)
      %dma_wait3A = arith.constant 0 : i32
      %dma_wait3A_431 = arith.constant 0 : i32
      %dma_wait3A_432 = tpu.memref_slice %arg6[%dma_wait3A, %dma_wait3A_431] : memref<8x128xi32, #tpu.memory_space<vmem>> -> memref<1x128xi32, #tpu.memory_space<vmem>>
      %dma_wait3A_433 = tpu.memref_squeeze %dma_wait3A_432 : memref<1x128xi32, #tpu.memory_space<vmem>> -> memref<128xi32, #tpu.memory_space<vmem>>
      %dma_wait3A_434 = arith.constant 0 : i32
      %dma_wait3A_435 = arith.constant 0 : i32
      %dma_wait3A_436 = tpu.memref_slice %arg2[%dma_wait3A_434, %dma_wait3A_435] : memref<10000x128xf32, #tpu.memory_space<hbm>> -> memref<10000x128xf32, #tpu.memory_space<hbm>>
      tpu.wait_indirect_dma semaphore(%arg12 : memref<!tpu.dma_semaphore, #tpu.memory_space<semaphore_mem>>) src(%dma_wait3A_436 : memref<10000x128xf32, #tpu.memory_space<hbm>>) dst(%arg8 : memref<128x128xf32, #tpu.memory_space<vmem>>)
      %run_scoped3A = arith.constant 0 : i32
      "tpu.region"() ({
        %run_scoped3A_536 = tpu.sem_alloc : memref<!tpu.dma_semaphore, #tpu.memory_space<semaphore_mem>>
        %dma_start3A_537 = arith.constant 0 : i32
        %dma_start3A_538 = tpu.memref_slice %arg7[%run_scoped3A, %dma_start3A_537] : memref<8x128xi32, #tpu.memory_space<vmem>> -> memref<1x128xi32, #tpu.memory_space<vmem>>
        %dma_start3A_539 = tpu.memref_squeeze %dma_start3A_538 : memref<1x128xi32, #tpu.memory_space<vmem>> -> memref<128xi32, #tpu.memory_space<vmem>>
        %dma_start3A_540 = arith.constant 0 : i32
        %dma_start3A_541 = arith.constant 0 : i32
        %dma_start3A_542 = tpu.memref_slice %arg11[%dma_start3A_540, %dma_start3A_541] : memref<10240x128xf32, #tpu.memory_space<vmem_shared>> -> memref<10240x128xf32, #tpu.memory_space<vmem_shared>>
        tpu.enqueue_indirect_dma source(%arg8 : memref<128x128xf32, #tpu.memory_space<vmem>>) target(%dma_start3A_542 : memref<10240x128xf32, #tpu.memory_space<vmem_shared>>) offsets(%dma_start3A_539 : memref<128xi32, #tpu.memory_space<vmem>>) semaphore(%run_scoped3A_536 : memref<!tpu.dma_semaphore, #tpu.memory_space<semaphore_mem>>) {add = true}
        %dma_wait3A_543 = arith.constant 0 : i32
        %dma_wait3A_544 = tpu.memref_slice %arg7[%run_scoped3A, %dma_wait3A_543] : memref<8x128xi32, #tpu.memory_space<vmem>> -> memref<1x128xi32, #tpu.memory_space<vmem>>
        %dma_wait3A_545 = tpu.memref_squeeze %dma_wait3A_544 : memref<1x128xi32, #tpu.memory_space<vmem>> -> memref<128xi32, #tpu.memory_space<vmem>>
        %dma_wait3A_546 = arith.constant 0 : i32
        %dma_wait3A_547 = arith.constant 0 : i32
        %dma_wait3A_548 = tpu.memref_slice %arg11[%dma_wait3A_546, %dma_wait3A_547] : memref<10240x128xf32, #tpu.memory_space<vmem_shared>> -> memref<10240x128xf32, #tpu.memory_space<vmem_shared>>
        tpu.wait_indirect_dma semaphore(%run_scoped3A_536 : memref<!tpu.dma_semaphore, #tpu.memory_space<semaphore_mem>>) src(%arg8 : memref<128x128xf32, #tpu.memory_space<vmem>>) dst(%dma_wait3A_548 : memref<10240x128xf32, #tpu.memory_space<vmem_shared>>)
        tpu.yield
      }) : () -> ()
      %dma_start3A_437 = arith.constant 2 : i32
      %dma_start3A_438 = arith.constant 0 : i32
      %dma_start3A_439 = tpu.memref_slice %arg6[%dma_start3A_437, %dma_start3A_438] : memref<8x128xi32, #tpu.memory_space<vmem>> -> memref<1x128xi32, #tpu.memory_space<vmem>>
      %dma_start3A_440 = tpu.memref_squeeze %dma_start3A_439 : memref<1x128xi32, #tpu.memory_space<vmem>> -> memref<128xi32, #tpu.memory_space<vmem>>
      %dma_start3A_441 = arith.constant 0 : i32
      %dma_start3A_442 = arith.constant 0 : i32
      %dma_start3A_443 = tpu.memref_slice %arg2[%dma_start3A_441, %dma_start3A_442] : memref<10000x128xf32, #tpu.memory_space<hbm>> -> memref<10000x128xf32, #tpu.memory_space<hbm>>
      tpu.enqueue_indirect_dma source(%dma_start3A_443 : memref<10000x128xf32, #tpu.memory_space<hbm>>) target(%arg8 : memref<128x128xf32, #tpu.memory_space<vmem>>) offsets(%dma_start3A_440 : memref<128xi32, #tpu.memory_space<vmem>>) semaphore(%arg12 : memref<!tpu.dma_semaphore, #tpu.memory_space<semaphore_mem>>)
      %dma_wait3A_444 = arith.constant 1 : i32
      %dma_wait3A_445 = arith.constant 0 : i32
      %dma_wait3A_446 = tpu.memref_slice %arg6[%dma_wait3A_444, %dma_wait3A_445] : memref<8x128xi32, #tpu.memory_space<vmem>> -> memref<1x128xi32, #tpu.memory_space<vmem>>
      %dma_wait3A_447 = tpu.memref_squeeze %dma_wait3A_446 : memref<1x128xi32, #tpu.memory_space<vmem>> -> memref<128xi32, #tpu.memory_space<vmem>>
      %dma_wait3A_448 = arith.constant 0 : i32
      %dma_wait3A_449 = arith.constant 0 : i32
      %dma_wait3A_450 = tpu.memref_slice %arg2[%dma_wait3A_448, %dma_wait3A_449] : memref<10000x128xf32, #tpu.memory_space<hbm>> -> memref<10000x128xf32, #tpu.memory_space<hbm>>
      tpu.wait_indirect_dma semaphore(%arg13 : memref<!tpu.dma_semaphore, #tpu.memory_space<semaphore_mem>>) src(%dma_wait3A_450 : memref<10000x128xf32, #tpu.memory_space<hbm>>) dst(%arg9 : memref<128x128xf32, #tpu.memory_space<vmem>>)
      %run_scoped3A_451 = arith.constant 1 : i32
      "tpu.region"() ({
        %run_scoped3A_536 = tpu.sem_alloc : memref<!tpu.dma_semaphore, #tpu.memory_space<semaphore_mem>>
        %dma_start3A_537 = arith.constant 0 : i32
        %dma_start3A_538 = tpu.memref_slice %arg7[%run_scoped3A_451, %dma_start3A_537] : memref<8x128xi32, #tpu.memory_space<vmem>> -> memref<1x128xi32, #tpu.memory_space<vmem>>
        %dma_start3A_539 = tpu.memref_squeeze %dma_start3A_538 : memref<1x128xi32, #tpu.memory_space<vmem>> -> memref<128xi32, #tpu.memory_space<vmem>>
        %dma_start3A_540 = arith.constant 0 : i32
        %dma_start3A_541 = arith.constant 0 : i32
        %dma_start3A_542 = tpu.memref_slice %arg11[%dma_start3A_540, %dma_start3A_541] : memref<10240x128xf32, #tpu.memory_space<vmem_shared>> -> memref<10240x128xf32, #tpu.memory_space<vmem_shared>>
        tpu.enqueue_indirect_dma source(%arg9 : memref<128x128xf32, #tpu.memory_space<vmem>>) target(%dma_start3A_542 : memref<10240x128xf32, #tpu.memory_space<vmem_shared>>) offsets(%dma_start3A_539 : memref<128xi32, #tpu.memory_space<vmem>>) semaphore(%run_scoped3A_536 : memref<!tpu.dma_semaphore, #tpu.memory_space<semaphore_mem>>) {add = true}
        %dma_wait3A_543 = arith.constant 0 : i32
        %dma_wait3A_544 = tpu.memref_slice %arg7[%run_scoped3A_451, %dma_wait3A_543] : memref<8x128xi32, #tpu.memory_space<vmem>> -> memref<1x128xi32, #tpu.memory_space<vmem>>
        %dma_wait3A_545 = tpu.memref_squeeze %dma_wait3A_544 : memref<1x128xi32, #tpu.memory_space<vmem>> -> memref<128xi32, #tpu.memory_space<vmem>>
        %dma_wait3A_546 = arith.constant 0 : i32
        %dma_wait3A_547 = arith.constant 0 : i32
        %dma_wait3A_548 = tpu.memref_slice %arg11[%dma_wait3A_546, %dma_wait3A_547] : memref<10240x128xf32, #tpu.memory_space<vmem_shared>> -> memref<10240x128xf32, #tpu.memory_space<vmem_shared>>
        tpu.wait_indirect_dma semaphore(%run_scoped3A_536 : memref<!tpu.dma_semaphore, #tpu.memory_space<semaphore_mem>>) src(%arg9 : memref<128x128xf32, #tpu.memory_space<vmem>>) dst(%dma_wait3A_548 : memref<10240x128xf32, #tpu.memory_space<vmem_shared>>)
        tpu.yield
      }) : () -> ()
      %dma_start3A_452 = arith.constant 3 : i32
      %dma_start3A_453 = arith.constant 0 : i32
      %dma_start3A_454 = tpu.memref_slice %arg6[%dma_start3A_452, %dma_start3A_453] : memref<8x128xi32, #tpu.memory_space<vmem>> -> memref<1x128xi32, #tpu.memory_space<vmem>>
      %dma_start3A_455 = tpu.memref_squeeze %dma_start3A_454 : memref<1x128xi32, #tpu.memory_space<vmem>> -> memref<128xi32, #tpu.memory_space<vmem>>
      %dma_start3A_456 = arith.constant 0 : i32
      %dma_start3A_457 = arith.constant 0 : i32
      %dma_start3A_458 = tpu.memref_slice %arg2[%dma_start3A_456, %dma_start3A_457] : memref<10000x128xf32, #tpu.memory_space<hbm>> -> memref<10000x128xf32, #tpu.memory_space<hbm>>
      tpu.enqueue_indirect_dma source(%dma_start3A_458 : memref<10000x128xf32, #tpu.memory_space<hbm>>) target(%arg9 : memref<128x128xf32, #tpu.memory_space<vmem>>) offsets(%dma_start3A_455 : memref<128xi32, #tpu.memory_space<vmem>>) semaphore(%arg13 : memref<!tpu.dma_semaphore, #tpu.memory_space<semaphore_mem>>)
      %dma_wait3A_459 = arith.constant 2 : i32
      %dma_wait3A_460 = arith.constant 0 : i32
      %dma_wait3A_461 = tpu.memref_slice %arg6[%dma_wait3A_459, %dma_wait3A_460] : memref<8x128xi32, #tpu.memory_space<vmem>> -> memref<1x128xi32, #tpu.memory_space<vmem>>
      %dma_wait3A_462 = tpu.memref_squeeze %dma_wait3A_461 : memref<1x128xi32, #tpu.memory_space<vmem>> -> memref<128xi32, #tpu.memory_space<vmem>>
      %dma_wait3A_463 = arith.constant 0 : i32
      %dma_wait3A_464 = arith.constant 0 : i32
      %dma_wait3A_465 = tpu.memref_slice %arg2[%dma_wait3A_463, %dma_wait3A_464] : memref<10000x128xf32, #tpu.memory_space<hbm>> -> memref<10000x128xf32, #tpu.memory_space<hbm>>
      tpu.wait_indirect_dma semaphore(%arg12 : memref<!tpu.dma_semaphore, #tpu.memory_space<semaphore_mem>>) src(%dma_wait3A_465 : memref<10000x128xf32, #tpu.memory_space<hbm>>) dst(%arg8 : memref<128x128xf32, #tpu.memory_space<vmem>>)
      %run_scoped3A_466 = arith.constant 2 : i32
      "tpu.region"() ({
        %run_scoped3A_536 = tpu.sem_alloc : memref<!tpu.dma_semaphore, #tpu.memory_space<semaphore_mem>>
        %dma_start3A_537 = arith.constant 0 : i32
        %dma_start3A_538 = tpu.memref_slice %arg7[%run_scoped3A_466, %dma_start3A_537] : memref<8x128xi32, #tpu.memory_space<vmem>> -> memref<1x128xi32, #tpu.memory_space<vmem>>
        %dma_start3A_539 = tpu.memref_squeeze %dma_start3A_538 : memref<1x128xi32, #tpu.memory_space<vmem>> -> memref<128xi32, #tpu.memory_space<vmem>>
        %dma_start3A_540 = arith.constant 0 : i32
        %dma_start3A_541 = arith.constant 0 : i32
        %dma_start3A_542 = tpu.memref_slice %arg11[%dma_start3A_540, %dma_start3A_541] : memref<10240x128xf32, #tpu.memory_space<vmem_shared>> -> memref<10240x128xf32, #tpu.memory_space<vmem_shared>>
        tpu.enqueue_indirect_dma source(%arg8 : memref<128x128xf32, #tpu.memory_space<vmem>>) target(%dma_start3A_542 : memref<10240x128xf32, #tpu.memory_space<vmem_shared>>) offsets(%dma_start3A_539 : memref<128xi32, #tpu.memory_space<vmem>>) semaphore(%run_scoped3A_536 : memref<!tpu.dma_semaphore, #tpu.memory_space<semaphore_mem>>) {add = true}
        %dma_wait3A_543 = arith.constant 0 : i32
        %dma_wait3A_544 = tpu.memref_slice %arg7[%run_scoped3A_466, %dma_wait3A_543] : memref<8x128xi32, #tpu.memory_space<vmem>> -> memref<1x128xi32, #tpu.memory_space<vmem>>
        %dma_wait3A_545 = tpu.memref_squeeze %dma_wait3A_544 : memref<1x128xi32, #tpu.memory_space<vmem>> -> memref<128xi32, #tpu.memory_space<vmem>>
        %dma_wait3A_546 = arith.constant 0 : i32
        %dma_wait3A_547 = arith.constant 0 : i32
        %dma_wait3A_548 = tpu.memref_slice %arg11[%dma_wait3A_546, %dma_wait3A_547] : memref<10240x128xf32, #tpu.memory_space<vmem_shared>> -> memref<10240x128xf32, #tpu.memory_space<vmem_shared>>
        tpu.wait_indirect_dma semaphore(%run_scoped3A_536 : memref<!tpu.dma_semaphore, #tpu.memory_space<semaphore_mem>>) src(%arg8 : memref<128x128xf32, #tpu.memory_space<vmem>>) dst(%dma_wait3A_548 : memref<10240x128xf32, #tpu.memory_space<vmem_shared>>)
        tpu.yield
      }) : () -> ()
      %dma_start3A_467 = arith.constant 4 : i32
      %dma_start3A_468 = arith.constant 0 : i32
      %dma_start3A_469 = tpu.memref_slice %arg6[%dma_start3A_467, %dma_start3A_468] : memref<8x128xi32, #tpu.memory_space<vmem>> -> memref<1x128xi32, #tpu.memory_space<vmem>>
      %dma_start3A_470 = tpu.memref_squeeze %dma_start3A_469 : memref<1x128xi32, #tpu.memory_space<vmem>> -> memref<128xi32, #tpu.memory_space<vmem>>
      %dma_start3A_471 = arith.constant 0 : i32
      %dma_start3A_472 = arith.constant 0 : i32
      %dma_start3A_473 = tpu.memref_slice %arg2[%dma_start3A_471, %dma_start3A_472] : memref<10000x128xf32, #tpu.memory_space<hbm>> -> memref<10000x128xf32, #tpu.memory_space<hbm>>
      tpu.enqueue_indirect_dma source(%dma_start3A_473 : memref<10000x128xf32, #tpu.memory_space<hbm>>) target(%arg8 : memref<128x128xf32, #tpu.memory_space<vmem>>) offsets(%dma_start3A_470 : memref<128xi32, #tpu.memory_space<vmem>>) semaphore(%arg12 : memref<!tpu.dma_semaphore, #tpu.memory_space<semaphore_mem>>)
      %dma_wait3A_474 = arith.constant 3 : i32
      %dma_wait3A_475 = arith.constant 0 : i32
      %dma_wait3A_476 = tpu.memref_slice %arg6[%dma_wait3A_474, %dma_wait3A_475] : memref<8x128xi32, #tpu.memory_space<vmem>> -> memref<1x128xi32, #tpu.memory_space<vmem>>
      %dma_wait3A_477 = tpu.memref_squeeze %dma_wait3A_476 : memref<1x128xi32, #tpu.memory_space<vmem>> -> memref<128xi32, #tpu.memory_space<vmem>>
      %dma_wait3A_478 = arith.constant 0 : i32
      %dma_wait3A_479 = arith.constant 0 : i32
      %dma_wait3A_480 = tpu.memref_slice %arg2[%dma_wait3A_478, %dma_wait3A_479] : memref<10000x128xf32, #tpu.memory_space<hbm>> -> memref<10000x128xf32, #tpu.memory_space<hbm>>
      tpu.wait_indirect_dma semaphore(%arg13 : memref<!tpu.dma_semaphore, #tpu.memory_space<semaphore_mem>>) src(%dma_wait3A_480 : memref<10000x128xf32, #tpu.memory_space<hbm>>) dst(%arg9 : memref<128x128xf32, #tpu.memory_space<vmem>>)
      %run_scoped3A_481 = arith.constant 3 : i32
      "tpu.region"() ({
        %run_scoped3A_536 = tpu.sem_alloc : memref<!tpu.dma_semaphore, #tpu.memory_space<semaphore_mem>>
        %dma_start3A_537 = arith.constant 0 : i32
        %dma_start3A_538 = tpu.memref_slice %arg7[%run_scoped3A_481, %dma_start3A_537] : memref<8x128xi32, #tpu.memory_space<vmem>> -> memref<1x128xi32, #tpu.memory_space<vmem>>
        %dma_start3A_539 = tpu.memref_squeeze %dma_start3A_538 : memref<1x128xi32, #tpu.memory_space<vmem>> -> memref<128xi32, #tpu.memory_space<vmem>>
        %dma_start3A_540 = arith.constant 0 : i32
        %dma_start3A_541 = arith.constant 0 : i32
        %dma_start3A_542 = tpu.memref_slice %arg11[%dma_start3A_540, %dma_start3A_541] : memref<10240x128xf32, #tpu.memory_space<vmem_shared>> -> memref<10240x128xf32, #tpu.memory_space<vmem_shared>>
        tpu.enqueue_indirect_dma source(%arg9 : memref<128x128xf32, #tpu.memory_space<vmem>>) target(%dma_start3A_542 : memref<10240x128xf32, #tpu.memory_space<vmem_shared>>) offsets(%dma_start3A_539 : memref<128xi32, #tpu.memory_space<vmem>>) semaphore(%run_scoped3A_536 : memref<!tpu.dma_semaphore, #tpu.memory_space<semaphore_mem>>) {add = true}
        %dma_wait3A_543 = arith.constant 0 : i32
        %dma_wait3A_544 = tpu.memref_slice %arg7[%run_scoped3A_481, %dma_wait3A_543] : memref<8x128xi32, #tpu.memory_space<vmem>> -> memref<1x128xi32, #tpu.memory_space<vmem>>
        %dma_wait3A_545 = tpu.memref_squeeze %dma_wait3A_544 : memref<1x128xi32, #tpu.memory_space<vmem>> -> memref<128xi32, #tpu.memory_space<vmem>>
        %dma_wait3A_546 = arith.constant 0 : i32
        %dma_wait3A_547 = arith.constant 0 : i32
        %dma_wait3A_548 = tpu.memref_slice %arg11[%dma_wait3A_546, %dma_wait3A_547] : memref<10240x128xf32, #tpu.memory_space<vmem_shared>> -> memref<10240x128xf32, #tpu.memory_space<vmem_shared>>
        tpu.wait_indirect_dma semaphore(%run_scoped3A_536 : memref<!tpu.dma_semaphore, #tpu.memory_space<semaphore_mem>>) src(%arg9 : memref<128x128xf32, #tpu.memory_space<vmem>>) dst(%dma_wait3A_548 : memref<10240x128xf32, #tpu.memory_space<vmem_shared>>)
        tpu.yield
      }) : () -> ()
      %dma_start3A_482 = arith.constant 5 : i32
      %dma_start3A_483 = arith.constant 0 : i32
      %dma_start3A_484 = tpu.memref_slice %arg6[%dma_start3A_482, %dma_start3A_483] : memref<8x128xi32, #tpu.memory_space<vmem>> -> memref<1x128xi32, #tpu.memory_space<vmem>>
      %dma_start3A_485 = tpu.memref_squeeze %dma_start3A_484 : memref<1x128xi32, #tpu.memory_space<vmem>> -> memref<128xi32, #tpu.memory_space<vmem>>
      %dma_start3A_486 = arith.constant 0 : i32
      %dma_start3A_487 = arith.constant 0 : i32
      %dma_start3A_488 = tpu.memref_slice %arg2[%dma_start3A_486, %dma_start3A_487] : memref<10000x128xf32, #tpu.memory_space<hbm>> -> memref<10000x128xf32, #tpu.memory_space<hbm>>
      tpu.enqueue_indirect_dma source(%dma_start3A_488 : memref<10000x128xf32, #tpu.memory_space<hbm>>) target(%arg9 : memref<128x128xf32, #tpu.memory_space<vmem>>) offsets(%dma_start3A_485 : memref<128xi32, #tpu.memory_space<vmem>>) semaphore(%arg13 : memref<!tpu.dma_semaphore, #tpu.memory_space<semaphore_mem>>)
      %dma_wait3A_489 = arith.constant 4 : i32
      %dma_wait3A_490 = arith.constant 0 : i32
      %dma_wait3A_491 = tpu.memref_slice %arg6[%dma_wait3A_489, %dma_wait3A_490] : memref<8x128xi32, #tpu.memory_space<vmem>> -> memref<1x128xi32, #tpu.memory_space<vmem>>
      %dma_wait3A_492 = tpu.memref_squeeze %dma_wait3A_491 : memref<1x128xi32, #tpu.memory_space<vmem>> -> memref<128xi32, #tpu.memory_space<vmem>>
      %dma_wait3A_493 = arith.constant 0 : i32
      %dma_wait3A_494 = arith.constant 0 : i32
      %dma_wait3A_495 = tpu.memref_slice %arg2[%dma_wait3A_493, %dma_wait3A_494] : memref<10000x128xf32, #tpu.memory_space<hbm>> -> memref<10000x128xf32, #tpu.memory_space<hbm>>
      tpu.wait_indirect_dma semaphore(%arg12 : memref<!tpu.dma_semaphore, #tpu.memory_space<semaphore_mem>>) src(%dma_wait3A_495 : memref<10000x128xf32, #tpu.memory_space<hbm>>) dst(%arg8 : memref<128x128xf32, #tpu.memory_space<vmem>>)
      %run_scoped3A_496 = arith.constant 4 : i32
      "tpu.region"() ({
        %run_scoped3A_536 = tpu.sem_alloc : memref<!tpu.dma_semaphore, #tpu.memory_space<semaphore_mem>>
        %dma_start3A_537 = arith.constant 0 : i32
        %dma_start3A_538 = tpu.memref_slice %arg7[%run_scoped3A_496, %dma_start3A_537] : memref<8x128xi32, #tpu.memory_space<vmem>> -> memref<1x128xi32, #tpu.memory_space<vmem>>
        %dma_start3A_539 = tpu.memref_squeeze %dma_start3A_538 : memref<1x128xi32, #tpu.memory_space<vmem>> -> memref<128xi32, #tpu.memory_space<vmem>>
        %dma_start3A_540 = arith.constant 0 : i32
        %dma_start3A_541 = arith.constant 0 : i32
        %dma_start3A_542 = tpu.memref_slice %arg11[%dma_start3A_540, %dma_start3A_541] : memref<10240x128xf32, #tpu.memory_space<vmem_shared>> -> memref<10240x128xf32, #tpu.memory_space<vmem_shared>>
        tpu.enqueue_indirect_dma source(%arg8 : memref<128x128xf32, #tpu.memory_space<vmem>>) target(%dma_start3A_542 : memref<10240x128xf32, #tpu.memory_space<vmem_shared>>) offsets(%dma_start3A_539 : memref<128xi32, #tpu.memory_space<vmem>>) semaphore(%run_scoped3A_536 : memref<!tpu.dma_semaphore, #tpu.memory_space<semaphore_mem>>) {add = true}
        %dma_wait3A_543 = arith.constant 0 : i32
        %dma_wait3A_544 = tpu.memref_slice %arg7[%run_scoped3A_496, %dma_wait3A_543] : memref<8x128xi32, #tpu.memory_space<vmem>> -> memref<1x128xi32, #tpu.memory_space<vmem>>
        %dma_wait3A_545 = tpu.memref_squeeze %dma_wait3A_544 : memref<1x128xi32, #tpu.memory_space<vmem>> -> memref<128xi32, #tpu.memory_space<vmem>>
        %dma_wait3A_546 = arith.constant 0 : i32
        %dma_wait3A_547 = arith.constant 0 : i32
        %dma_wait3A_548 = tpu.memref_slice %arg11[%dma_wait3A_546, %dma_wait3A_547] : memref<10240x128xf32, #tpu.memory_space<vmem_shared>> -> memref<10240x128xf32, #tpu.memory_space<vmem_shared>>
        tpu.wait_indirect_dma semaphore(%run_scoped3A_536 : memref<!tpu.dma_semaphore, #tpu.memory_space<semaphore_mem>>) src(%arg8 : memref<128x128xf32, #tpu.memory_space<vmem>>) dst(%dma_wait3A_548 : memref<10240x128xf32, #tpu.memory_space<vmem_shared>>)
        tpu.yield
      }) : () -> ()
      %dma_start3A_497 = arith.constant 6 : i32
      %dma_start3A_498 = arith.constant 0 : i32
      %dma_start3A_499 = tpu.memref_slice %arg6[%dma_start3A_497, %dma_start3A_498] : memref<8x128xi32, #tpu.memory_space<vmem>> -> memref<1x128xi32, #tpu.memory_space<vmem>>
      %dma_start3A_500 = tpu.memref_squeeze %dma_start3A_499 : memref<1x128xi32, #tpu.memory_space<vmem>> -> memref<128xi32, #tpu.memory_space<vmem>>
      %dma_start3A_501 = arith.constant 0 : i32
      %dma_start3A_502 = arith.constant 0 : i32
      %dma_start3A_503 = tpu.memref_slice %arg2[%dma_start3A_501, %dma_start3A_502] : memref<10000x128xf32, #tpu.memory_space<hbm>> -> memref<10000x128xf32, #tpu.memory_space<hbm>>
      tpu.enqueue_indirect_dma source(%dma_start3A_503 : memref<10000x128xf32, #tpu.memory_space<hbm>>) target(%arg8 : memref<128x128xf32, #tpu.memory_space<vmem>>) offsets(%dma_start3A_500 : memref<128xi32, #tpu.memory_space<vmem>>) semaphore(%arg12 : memref<!tpu.dma_semaphore, #tpu.memory_space<semaphore_mem>>)
      %dma_wait3A_504 = arith.constant 5 : i32
      %dma_wait3A_505 = arith.constant 0 : i32
      %dma_wait3A_506 = tpu.memref_slice %arg6[%dma_wait3A_504, %dma_wait3A_505] : memref<8x128xi32, #tpu.memory_space<vmem>> -> memref<1x128xi32, #tpu.memory_space<vmem>>
      %dma_wait3A_507 = tpu.memref_squeeze %dma_wait3A_506 : memref<1x128xi32, #tpu.memory_space<vmem>> -> memref<128xi32, #tpu.memory_space<vmem>>
      %dma_wait3A_508 = arith.constant 0 : i32
      %dma_wait3A_509 = arith.constant 0 : i32
      %dma_wait3A_510 = tpu.memref_slice %arg2[%dma_wait3A_508, %dma_wait3A_509] : memref<10000x128xf32, #tpu.memory_space<hbm>> -> memref<10000x128xf32, #tpu.memory_space<hbm>>
      tpu.wait_indirect_dma semaphore(%arg13 : memref<!tpu.dma_semaphore, #tpu.memory_space<semaphore_mem>>) src(%dma_wait3A_510 : memref<10000x128xf32, #tpu.memory_space<hbm>>) dst(%arg9 : memref<128x128xf32, #tpu.memory_space<vmem>>)
      %run_scoped3A_511 = arith.constant 5 : i32
      "tpu.region"() ({
        %run_scoped3A_536 = tpu.sem_alloc : memref<!tpu.dma_semaphore, #tpu.memory_space<semaphore_mem>>
        %dma_start3A_537 = arith.constant 0 : i32
        %dma_start3A_538 = tpu.memref_slice %arg7[%run_scoped3A_511, %dma_start3A_537] : memref<8x128xi32, #tpu.memory_space<vmem>> -> memref<1x128xi32, #tpu.memory_space<vmem>>
        %dma_start3A_539 = tpu.memref_squeeze %dma_start3A_538 : memref<1x128xi32, #tpu.memory_space<vmem>> -> memref<128xi32, #tpu.memory_space<vmem>>
        %dma_start3A_540 = arith.constant 0 : i32
        %dma_start3A_541 = arith.constant 0 : i32
        %dma_start3A_542 = tpu.memref_slice %arg11[%dma_start3A_540, %dma_start3A_541] : memref<10240x128xf32, #tpu.memory_space<vmem_shared>> -> memref<10240x128xf32, #tpu.memory_space<vmem_shared>>
        tpu.enqueue_indirect_dma source(%arg9 : memref<128x128xf32, #tpu.memory_space<vmem>>) target(%dma_start3A_542 : memref<10240x128xf32, #tpu.memory_space<vmem_shared>>) offsets(%dma_start3A_539 : memref<128xi32, #tpu.memory_space<vmem>>) semaphore(%run_scoped3A_536 : memref<!tpu.dma_semaphore, #tpu.memory_space<semaphore_mem>>) {add = true}
        %dma_wait3A_543 = arith.constant 0 : i32
        %dma_wait3A_544 = tpu.memref_slice %arg7[%run_scoped3A_511, %dma_wait3A_543] : memref<8x128xi32, #tpu.memory_space<vmem>> -> memref<1x128xi32, #tpu.memory_space<vmem>>
        %dma_wait3A_545 = tpu.memref_squeeze %dma_wait3A_544 : memref<1x128xi32, #tpu.memory_space<vmem>> -> memref<128xi32, #tpu.memory_space<vmem>>
        %dma_wait3A_546 = arith.constant 0 : i32
        %dma_wait3A_547 = arith.constant 0 : i32
        %dma_wait3A_548 = tpu.memref_slice %arg11[%dma_wait3A_546, %dma_wait3A_547] : memref<10240x128xf32, #tpu.memory_space<vmem_shared>> -> memref<10240x128xf32, #tpu.memory_space<vmem_shared>>
        tpu.wait_indirect_dma semaphore(%run_scoped3A_536 : memref<!tpu.dma_semaphore, #tpu.memory_space<semaphore_mem>>) src(%arg9 : memref<128x128xf32, #tpu.memory_space<vmem>>) dst(%dma_wait3A_548 : memref<10240x128xf32, #tpu.memory_space<vmem_shared>>)
        tpu.yield
      }) : () -> ()
      %dma_start3A_512 = arith.constant 7 : i32
      %dma_start3A_513 = arith.constant 0 : i32
      %dma_start3A_514 = tpu.memref_slice %arg6[%dma_start3A_512, %dma_start3A_513] : memref<8x128xi32, #tpu.memory_space<vmem>> -> memref<1x128xi32, #tpu.memory_space<vmem>>
      %dma_start3A_515 = tpu.memref_squeeze %dma_start3A_514 : memref<1x128xi32, #tpu.memory_space<vmem>> -> memref<128xi32, #tpu.memory_space<vmem>>
      %dma_start3A_516 = arith.constant 0 : i32
      %dma_start3A_517 = arith.constant 0 : i32
      %dma_start3A_518 = tpu.memref_slice %arg2[%dma_start3A_516, %dma_start3A_517] : memref<10000x128xf32, #tpu.memory_space<hbm>> -> memref<10000x128xf32, #tpu.memory_space<hbm>>
      tpu.enqueue_indirect_dma source(%dma_start3A_518 : memref<10000x128xf32, #tpu.memory_space<hbm>>) target(%arg9 : memref<128x128xf32, #tpu.memory_space<vmem>>) offsets(%dma_start3A_515 : memref<128xi32, #tpu.memory_space<vmem>>) semaphore(%arg13 : memref<!tpu.dma_semaphore, #tpu.memory_space<semaphore_mem>>)
      %dma_wait3A_519 = arith.constant 6 : i32
      %dma_wait3A_520 = arith.constant 0 : i32
      %dma_wait3A_521 = tpu.memref_slice %arg6[%dma_wait3A_519, %dma_wait3A_520] : memref<8x128xi32, #tpu.memory_space<vmem>> -> memref<1x128xi32, #tpu.memory_space<vmem>>
      %dma_wait3A_522 = tpu.memref_squeeze %dma_wait3A_521 : memref<1x128xi32, #tpu.memory_space<vmem>> -> memref<128xi32, #tpu.memory_space<vmem>>
      %dma_wait3A_523 = arith.constant 0 : i32
      %dma_wait3A_524 = arith.constant 0 : i32
      %dma_wait3A_525 = tpu.memref_slice %arg2[%dma_wait3A_523, %dma_wait3A_524] : memref<10000x128xf32, #tpu.memory_space<hbm>> -> memref<10000x128xf32, #tpu.memory_space<hbm>>
      tpu.wait_indirect_dma semaphore(%arg12 : memref<!tpu.dma_semaphore, #tpu.memory_space<semaphore_mem>>) src(%dma_wait3A_525 : memref<10000x128xf32, #tpu.memory_space<hbm>>) dst(%arg8 : memref<128x128xf32, #tpu.memory_space<vmem>>)
      %run_scoped3A_526 = arith.constant 6 : i32
      "tpu.region"() ({
        %run_scoped3A_536 = tpu.sem_alloc : memref<!tpu.dma_semaphore, #tpu.memory_space<semaphore_mem>>
        %dma_start3A_537 = arith.constant 0 : i32
        %dma_start3A_538 = tpu.memref_slice %arg7[%run_scoped3A_526, %dma_start3A_537] : memref<8x128xi32, #tpu.memory_space<vmem>> -> memref<1x128xi32, #tpu.memory_space<vmem>>
        %dma_start3A_539 = tpu.memref_squeeze %dma_start3A_538 : memref<1x128xi32, #tpu.memory_space<vmem>> -> memref<128xi32, #tpu.memory_space<vmem>>
        %dma_start3A_540 = arith.constant 0 : i32
        %dma_start3A_541 = arith.constant 0 : i32
        %dma_start3A_542 = tpu.memref_slice %arg11[%dma_start3A_540, %dma_start3A_541] : memref<10240x128xf32, #tpu.memory_space<vmem_shared>> -> memref<10240x128xf32, #tpu.memory_space<vmem_shared>>
        tpu.enqueue_indirect_dma source(%arg8 : memref<128x128xf32, #tpu.memory_space<vmem>>) target(%dma_start3A_542 : memref<10240x128xf32, #tpu.memory_space<vmem_shared>>) offsets(%dma_start3A_539 : memref<128xi32, #tpu.memory_space<vmem>>) semaphore(%run_scoped3A_536 : memref<!tpu.dma_semaphore, #tpu.memory_space<semaphore_mem>>) {add = true}
        %dma_wait3A_543 = arith.constant 0 : i32
        %dma_wait3A_544 = tpu.memref_slice %arg7[%run_scoped3A_526, %dma_wait3A_543] : memref<8x128xi32, #tpu.memory_space<vmem>> -> memref<1x128xi32, #tpu.memory_space<vmem>>
        %dma_wait3A_545 = tpu.memref_squeeze %dma_wait3A_544 : memref<1x128xi32, #tpu.memory_space<vmem>> -> memref<128xi32, #tpu.memory_space<vmem>>
        %dma_wait3A_546 = arith.constant 0 : i32
        %dma_wait3A_547 = arith.constant 0 : i32
        %dma_wait3A_548 = tpu.memref_slice %arg11[%dma_wait3A_546, %dma_wait3A_547] : memref<10240x128xf32, #tpu.memory_space<vmem_shared>> -> memref<10240x128xf32, #tpu.memory_space<vmem_shared>>
        tpu.wait_indirect_dma semaphore(%run_scoped3A_536 : memref<!tpu.dma_semaphore, #tpu.memory_space<semaphore_mem>>) src(%arg8 : memref<128x128xf32, #tpu.memory_space<vmem>>) dst(%dma_wait3A_548 : memref<10240x128xf32, #tpu.memory_space<vmem_shared>>)
        tpu.yield
      }) : () -> ()
      %dma_wait3A_527 = arith.constant 7 : i32
      %dma_wait3A_528 = arith.constant 0 : i32
      %dma_wait3A_529 = tpu.memref_slice %arg6[%dma_wait3A_527, %dma_wait3A_528] : memref<8x128xi32, #tpu.memory_space<vmem>> -> memref<1x128xi32, #tpu.memory_space<vmem>>
      %dma_wait3A_530 = tpu.memref_squeeze %dma_wait3A_529 : memref<1x128xi32, #tpu.memory_space<vmem>> -> memref<128xi32, #tpu.memory_space<vmem>>
      %dma_wait3A_531 = arith.constant 0 : i32
      %dma_wait3A_532 = arith.constant 0 : i32
      %dma_wait3A_533 = tpu.memref_slice %arg2[%dma_wait3A_531, %dma_wait3A_532] : memref<10000x128xf32, #tpu.memory_space<hbm>> -> memref<10000x128xf32, #tpu.memory_space<hbm>>
      tpu.wait_indirect_dma semaphore(%arg13 : memref<!tpu.dma_semaphore, #tpu.memory_space<semaphore_mem>>) src(%dma_wait3A_533 : memref<10000x128xf32, #tpu.memory_space<hbm>>) dst(%arg9 : memref<128x128xf32, #tpu.memory_space<vmem>>)
      %run_scoped3A_534 = arith.constant 7 : i32
      "tpu.region"() ({
        %run_scoped3A_536 = tpu.sem_alloc : memref<!tpu.dma_semaphore, #tpu.memory_space<semaphore_mem>>
        %dma_start3A_537 = arith.constant 0 : i32
        %dma_start3A_538 = tpu.memref_slice %arg7[%run_scoped3A_534, %dma_start3A_537] : memref<8x128xi32, #tpu.memory_space<vmem>> -> memref<1x128xi32, #tpu.memory_space<vmem>>
        %dma_start3A_539 = tpu.memref_squeeze %dma_start3A_538 : memref<1x128xi32, #tpu.memory_space<vmem>> -> memref<128xi32, #tpu.memory_space<vmem>>
        %dma_start3A_540 = arith.constant 0 : i32
        %dma_start3A_541 = arith.constant 0 : i32
        %dma_start3A_542 = tpu.memref_slice %arg11[%dma_start3A_540, %dma_start3A_541] : memref<10240x128xf32, #tpu.memory_space<vmem_shared>> -> memref<10240x128xf32, #tpu.memory_space<vmem_shared>>
        tpu.enqueue_indirect_dma source(%arg9 : memref<128x128xf32, #tpu.memory_space<vmem>>) target(%dma_start3A_542 : memref<10240x128xf32, #tpu.memory_space<vmem_shared>>) offsets(%dma_start3A_539 : memref<128xi32, #tpu.memory_space<vmem>>) semaphore(%run_scoped3A_536 : memref<!tpu.dma_semaphore, #tpu.memory_space<semaphore_mem>>) {add = true}
        %dma_wait3A_543 = arith.constant 0 : i32
        %dma_wait3A_544 = tpu.memref_slice %arg7[%run_scoped3A_534, %dma_wait3A_543] : memref<8x128xi32, #tpu.memory_space<vmem>> -> memref<1x128xi32, #tpu.memory_space<vmem>>
        %dma_wait3A_545 = tpu.memref_squeeze %dma_wait3A_544 : memref<1x128xi32, #tpu.memory_space<vmem>> -> memref<128xi32, #tpu.memory_space<vmem>>
        %dma_wait3A_546 = arith.constant 0 : i32
        %dma_wait3A_547 = arith.constant 0 : i32
        %dma_wait3A_548 = tpu.memref_slice %arg11[%dma_wait3A_546, %dma_wait3A_547] : memref<10240x128xf32, #tpu.memory_space<vmem_shared>> -> memref<10240x128xf32, #tpu.memory_space<vmem_shared>>
        tpu.wait_indirect_dma semaphore(%run_scoped3A_536 : memref<!tpu.dma_semaphore, #tpu.memory_space<semaphore_mem>>) src(%arg9 : memref<128x128xf32, #tpu.memory_space<vmem>>) dst(%dma_wait3A_548 : memref<10240x128xf32, #tpu.memory_space<vmem_shared>>)
        tpu.yield
      }) : () -> ()
      %while3A_535 = arith.constant 0 : i32
      scf.yield %while3A_535 : i32
    }
    %barrier3A_412 = arith.constant 0 : index
    tpu.barrier barrier_id(%barrier3A_412)
    "tpu.region"() ({
      %run_scoped3A = tpu.sem_alloc : memref<!tpu.dma_semaphore, #tpu.memory_space<semaphore_mem>>
      %dma_start3A = arith.constant 0 : i32
      %dma_start3A_413 = tpu.memref_slice %arg5[%arg0, %mul3A_0, %dma_start3A] : memref<2x10240x128xf32, #tpu.memory_space<hbm>> -> memref<1x640x128xf32, #tpu.memory_space<hbm>>
      %dma_start3A_414 = tpu.memref_squeeze %dma_start3A_413 : memref<1x640x128xf32, #tpu.memory_space<hbm>> -> memref<640x128xf32, #tpu.memory_space<hbm>>
      %dma_start3A_415 = arith.constant 0 : i32
      %dma_start3A_416 = tpu.memref_slice %arg11[%mul3A_0, %dma_start3A_415] : memref<10240x128xf32, #tpu.memory_space<vmem_shared>> -> memref<640x128xf32, #tpu.memory_space<vmem_shared>>
      tpu.enqueue_dma source(%dma_start3A_416 : memref<640x128xf32, #tpu.memory_space<vmem_shared>>) target(%dma_start3A_414 : memref<640x128xf32, #tpu.memory_space<hbm>>) target_semaphore(%run_scoped3A : memref<!tpu.dma_semaphore, #tpu.memory_space<semaphore_mem>>)
      %dma_wait3A = arith.constant 0 : i32
      %dma_wait3A_417 = tpu.memref_slice %arg5[%arg0, %mul3A_0, %dma_wait3A] : memref<2x10240x128xf32, #tpu.memory_space<hbm>> -> memref<1x640x128xf32, #tpu.memory_space<hbm>>
      %dma_wait3A_418 = tpu.memref_squeeze %dma_wait3A_417 : memref<1x640x128xf32, #tpu.memory_space<hbm>> -> memref<640x128xf32, #tpu.memory_space<hbm>>
      %dma_wait3A_419 = arith.constant 0 : i32
      %dma_wait3A_420 = tpu.memref_slice %arg11[%mul3A_0, %dma_wait3A_419] : memref<10240x128xf32, #tpu.memory_space<vmem_shared>> -> memref<640x128xf32, #tpu.memory_space<vmem_shared>>
      tpu.wait_dma2 semaphore(%run_scoped3A : memref<!tpu.dma_semaphore, #tpu.memory_space<semaphore_mem>>) src(%dma_wait3A_420 : memref<640x128xf32, #tpu.memory_space<vmem_shared>>) dst(%dma_wait3A_418 : memref<640x128xf32, #tpu.memory_space<hbm>>)
      tpu.yield
    }) : () -> ()
    return
  }
}

module attributes {stable_mosaic.version = 14 : i64} {
  func.func @_tc_layer_body(%arg0: memref<2x10240x128xf32, #tpu.memory_space<vmem>>, %arg1: memref<10000x1xf32, #tpu.memory_space<vmem>>, %arg2: memref<10000x128xf32, #tpu.memory_space<vmem>>, %arg3: memref<128x128xf32, #tpu.memory_space<vmem>>, %arg4: memref<1x128xf32, #tpu.memory_space<vmem>>, %arg5: memref<128x128xf32, #tpu.memory_space<vmem>>, %arg6: memref<1x128xf32, #tpu.memory_space<vmem>>, %arg7: memref<1x128xf32, #tpu.memory_space<vmem>>, %arg8: memref<10000x128xf32, #tpu.memory_space<vmem>>) attributes {dimension_semantics = [], scalar_prefetch = 0 : i64, scratch_operands = 0 : i64, tpu.core_type = #tpu.core_type<tc>} {
    %get3A = arith.constant 0 : index
    %get3A_0 = arith.constant 0 : index
    %get3A_1 = arith.constant 0 : index
    %get3A_2 = vector.load %arg0[%get3A, %get3A_0, %get3A_1] : memref<2x10240x128xf32, #tpu.memory_space<vmem>>, vector<1x10000x128xf32>
    %get3A_3 = vector.shape_cast %get3A_2 : vector<1x10000x128xf32> to vector<10000x128xf32>
    %get3A_4 = arith.constant 1 : index
    %get3A_5 = arith.constant 0 : index
    %get3A_6 = arith.constant 0 : index
    %get3A_7 = vector.load %arg0[%get3A_4, %get3A_5, %get3A_6] : memref<2x10240x128xf32, #tpu.memory_space<vmem>>, vector<1x10000x128xf32>
    %get3A_8 = vector.shape_cast %get3A_7 : vector<1x10000x128xf32> to vector<10000x128xf32>
    %add3A = arith.addf %get3A_3, %get3A_8 : vector<10000x128xf32>
    %get3A_9 = arith.constant 0 : index
    %get3A_10 = arith.constant 0 : index
    %get3A_11 = vector.load %arg1[%get3A_9, %get3A_10] : memref<10000x1xf32, #tpu.memory_space<vmem>>, vector<10000x1xf32>
    %max3A = arith.constant 1.000000e+00 : f32
    %max3A_12 = vector.broadcast %max3A : f32 to vector<10000x1xf32>
    %max3A_13 = arith.maximumf %get3A_11, %max3A_12 : vector<10000x1xf32>
    %div3A = vector.broadcast %max3A_13 : vector<10000x1xf32> to vector<10000x128xf32>
    %div3A_14 = arith.divf %add3A, %div3A : vector<10000x128xf32>
    %get3A_15 = arith.constant 0 : index
    %get3A_16 = arith.constant 0 : index
    %get3A_17 = vector.load %arg2[%get3A_15, %get3A_16] : memref<10000x128xf32, #tpu.memory_space<vmem>>, vector<10000x128xf32>
    %get3A_18 = arith.constant 0 : index
    %get3A_19 = arith.constant 0 : index
    %get3A_20 = vector.load %arg3[%get3A_18, %get3A_19] : memref<128x128xf32, #tpu.memory_space<vmem>>, vector<128x128xf32>
    %dot_general3A = arith.constant dense<0.000000e+00> : vector<10000x128xf32>
    %dot_general3A_21 = tpu.matmul %div3A_14, %get3A_20, %dot_general3A {dimension_numbers = #tpu.dot_dimension_numbers<[1], [1], [0], [0], [0, 0, 1, 0], [], []>, transpose_lhs_hint = false} : vector<10000x128xf32>, vector<128x128xf32>, vector<10000x128xf32> -> vector<10000x128xf32>
    %get3A_22 = arith.constant 0 : index
    %get3A_23 = arith.constant 0 : index
    %get3A_24 = vector.load %arg4[%get3A_22, %get3A_23] : memref<1x128xf32, #tpu.memory_space<vmem>>, vector<1x128xf32>
    %add3A_25 = vector.broadcast %get3A_24 : vector<1x128xf32> to vector<10000x128xf32>
    %add3A_26 = arith.addf %dot_general3A_21, %add3A_25 : vector<10000x128xf32>
    %get3A_27 = arith.constant 0 : index
    %get3A_28 = arith.constant 0 : index
    %get3A_29 = vector.load %arg5[%get3A_27, %get3A_28] : memref<128x128xf32, #tpu.memory_space<vmem>>, vector<128x128xf32>
    %dot_general3A_30 = arith.constant dense<0.000000e+00> : vector<10000x128xf32>
    %dot_general3A_31 = tpu.matmul %get3A_17, %get3A_29, %dot_general3A_30 {dimension_numbers = #tpu.dot_dimension_numbers<[1], [1], [0], [0], [0, 0, 1, 0], [], []>, transpose_lhs_hint = false} : vector<10000x128xf32>, vector<128x128xf32>, vector<10000x128xf32> -> vector<10000x128xf32>
    %add3A_32 = arith.addf %add3A_26, %dot_general3A_31 : vector<10000x128xf32>
    %reduce_sum3A = arith.constant dense<0.000000e+00> : vector<128xf32>
    %reduce_sum3A_33 = vector.multi_reduction <add>, %add3A_32, %reduce_sum3A [0] : vector<10000x128xf32> to vector<128xf32>
    %broadcast_in_dim3A = vector.shape_cast %reduce_sum3A_33 : vector<128xf32> to vector<1x128xf32>
    %div3A_34 = arith.constant 1.000000e+04 : f32
    %div3A_35 = vector.broadcast %div3A_34 : f32 to vector<1x128xf32>
    %div3A_36 = arith.divf %broadcast_in_dim3A, %div3A_35 : vector<1x128xf32>
    %sub3A = vector.broadcast %div3A_36 : vector<1x128xf32> to vector<10000x128xf32>
    %sub3A_37 = arith.subf %add3A_32, %sub3A : vector<10000x128xf32>
    %mul3A = arith.mulf %sub3A_37, %sub3A_37 : vector<10000x128xf32>
    %reduce_sum3A_38 = arith.constant dense<0.000000e+00> : vector<128xf32>
    %reduce_sum3A_39 = vector.multi_reduction <add>, %mul3A, %reduce_sum3A_38 [0] : vector<10000x128xf32> to vector<128xf32>
    %broadcast_in_dim3A_40 = vector.shape_cast %reduce_sum3A_39 : vector<128xf32> to vector<1x128xf32>
    %div3A_41 = arith.constant 1.000000e+04 : f32
    %div3A_42 = vector.broadcast %div3A_41 : f32 to vector<1x128xf32>
    %div3A_43 = arith.divf %broadcast_in_dim3A_40, %div3A_42 : vector<1x128xf32>
    %get3A_44 = arith.constant 0 : index
    %get3A_45 = arith.constant 0 : index
    %get3A_46 = vector.load %arg6[%get3A_44, %get3A_45] : memref<1x128xf32, #tpu.memory_space<vmem>>, vector<1x128xf32>
    %mul3A_47 = vector.broadcast %get3A_46 : vector<1x128xf32> to vector<10000x128xf32>
    %mul3A_48 = arith.mulf %mul3A_47, %sub3A_37 : vector<10000x128xf32>
    %add3A_49 = arith.constant 9.99999974E-6 : f32
    %add3A_50 = vector.broadcast %add3A_49 : f32 to vector<1x128xf32>
    %add3A_51 = arith.addf %div3A_43, %add3A_50 : vector<1x128xf32>
    %rsqrt3A = math.rsqrt %add3A_51 : vector<1x128xf32>
    %mul3A_52 = vector.broadcast %rsqrt3A : vector<1x128xf32> to vector<10000x128xf32>
    %mul3A_53 = arith.mulf %mul3A_48, %mul3A_52 : vector<10000x128xf32>
    %get3A_54 = arith.constant 0 : index
    %get3A_55 = arith.constant 0 : index
    %get3A_56 = vector.load %arg7[%get3A_54, %get3A_55] : memref<1x128xf32, #tpu.memory_space<vmem>>, vector<1x128xf32>
    %add3A_57 = vector.broadcast %get3A_56 : vector<1x128xf32> to vector<10000x128xf32>
    %add3A_58 = arith.addf %mul3A_53, %add3A_57 : vector<10000x128xf32>
    %max3A_59 = arith.constant 0.000000e+00 : f32
    %max3A_60 = vector.broadcast %max3A_59 : f32 to vector<10000x128xf32>
    %max3A_61 = arith.maximumf %add3A_58, %max3A_60 : vector<10000x128xf32>
    %swap3A = arith.constant 0 : index
    %swap3A_62 = arith.constant 0 : index
    %swap3A_63 = vector.load %arg8[%swap3A, %swap3A_62] : memref<10000x128xf32, #tpu.memory_space<vmem>>, vector<10000x128xf32>
    tpu.vector_store %arg8[%swap3A, %swap3A_62], %max3A_61 {strides = array<i32>} : memref<10000x128xf32, #tpu.memory_space<vmem>>, vector<10000x128xf32>,
    return
  }
}

module attributes {stable_mosaic.version = 14 : i64} {
  func.func @_tc_layer_body(%arg0: memref<2x10240x128xf32, #tpu.memory_space<vmem>>, %arg1: memref<10000x1xf32, #tpu.memory_space<vmem>>, %arg2: memref<10000x128xf32, #tpu.memory_space<vmem>>, %arg3: memref<128x128xf32, #tpu.memory_space<vmem>>, %arg4: memref<1x128xf32, #tpu.memory_space<vmem>>, %arg5: memref<128x128xf32, #tpu.memory_space<vmem>>, %arg6: memref<1x128xf32, #tpu.memory_space<vmem>>, %arg7: memref<1x128xf32, #tpu.memory_space<vmem>>, %arg8: memref<2x128xf32, #tpu.memory_space<vmem>>, %arg9: memref<1x2xf32, #tpu.memory_space<vmem>>, %arg10: memref<10000x2xf32, #tpu.memory_space<vmem>>) attributes {dimension_semantics = [], scalar_prefetch = 0 : i64, scratch_operands = 0 : i64, tpu.core_type = #tpu.core_type<tc>} {
    %get3A = arith.constant 0 : index
    %get3A_0 = arith.constant 0 : index
    %get3A_1 = arith.constant 0 : index
    %get3A_2 = vector.load %arg0[%get3A, %get3A_0, %get3A_1] : memref<2x10240x128xf32, #tpu.memory_space<vmem>>, vector<1x10000x128xf32>
    %get3A_3 = vector.shape_cast %get3A_2 : vector<1x10000x128xf32> to vector<10000x128xf32>
    %get3A_4 = arith.constant 1 : index
    %get3A_5 = arith.constant 0 : index
    %get3A_6 = arith.constant 0 : index
    %get3A_7 = vector.load %arg0[%get3A_4, %get3A_5, %get3A_6] : memref<2x10240x128xf32, #tpu.memory_space<vmem>>, vector<1x10000x128xf32>
    %get3A_8 = vector.shape_cast %get3A_7 : vector<1x10000x128xf32> to vector<10000x128xf32>
    %add3A = arith.addf %get3A_3, %get3A_8 : vector<10000x128xf32>
    %get3A_9 = arith.constant 0 : index
    %get3A_10 = arith.constant 0 : index
    %get3A_11 = vector.load %arg1[%get3A_9, %get3A_10] : memref<10000x1xf32, #tpu.memory_space<vmem>>, vector<10000x1xf32>
    %max3A = arith.constant 1.000000e+00 : f32
    %max3A_12 = vector.broadcast %max3A : f32 to vector<10000x1xf32>
    %max3A_13 = arith.maximumf %get3A_11, %max3A_12 : vector<10000x1xf32>
    %div3A = vector.broadcast %max3A_13 : vector<10000x1xf32> to vector<10000x128xf32>
    %div3A_14 = arith.divf %add3A, %div3A : vector<10000x128xf32>
    %get3A_15 = arith.constant 0 : index
    %get3A_16 = arith.constant 0 : index
    %get3A_17 = vector.load %arg2[%get3A_15, %get3A_16] : memref<10000x128xf32, #tpu.memory_space<vmem>>, vector<10000x128xf32>
    %get3A_18 = arith.constant 0 : index
    %get3A_19 = arith.constant 0 : index
    %get3A_20 = vector.load %arg3[%get3A_18, %get3A_19] : memref<128x128xf32, #tpu.memory_space<vmem>>, vector<128x128xf32>
    %dot_general3A = arith.constant dense<0.000000e+00> : vector<10000x128xf32>
    %dot_general3A_21 = tpu.matmul %div3A_14, %get3A_20, %dot_general3A {dimension_numbers = #tpu.dot_dimension_numbers<[1], [1], [0], [0], [0, 0, 1, 0], [], []>, transpose_lhs_hint = false} : vector<10000x128xf32>, vector<128x128xf32>, vector<10000x128xf32> -> vector<10000x128xf32>
    %get3A_22 = arith.constant 0 : index
    %get3A_23 = arith.constant 0 : index
    %get3A_24 = vector.load %arg4[%get3A_22, %get3A_23] : memref<1x128xf32, #tpu.memory_space<vmem>>, vector<1x128xf32>
    %add3A_25 = vector.broadcast %get3A_24 : vector<1x128xf32> to vector<10000x128xf32>
    %add3A_26 = arith.addf %dot_general3A_21, %add3A_25 : vector<10000x128xf32>
    %get3A_27 = arith.constant 0 : index
    %get3A_28 = arith.constant 0 : index
    %get3A_29 = vector.load %arg5[%get3A_27, %get3A_28] : memref<128x128xf32, #tpu.memory_space<vmem>>, vector<128x128xf32>
    %dot_general3A_30 = arith.constant dense<0.000000e+00> : vector<10000x128xf32>
    %dot_general3A_31 = tpu.matmul %get3A_17, %get3A_29, %dot_general3A_30 {dimension_numbers = #tpu.dot_dimension_numbers<[1], [1], [0], [0], [0, 0, 1, 0], [], []>, transpose_lhs_hint = false} : vector<10000x128xf32>, vector<128x128xf32>, vector<10000x128xf32> -> vector<10000x128xf32>
    %add3A_32 = arith.addf %add3A_26, %dot_general3A_31 : vector<10000x128xf32>
    %reduce_sum3A = arith.constant dense<0.000000e+00> : vector<128xf32>
    %reduce_sum3A_33 = vector.multi_reduction <add>, %add3A_32, %reduce_sum3A [0] : vector<10000x128xf32> to vector<128xf32>
    %broadcast_in_dim3A = vector.shape_cast %reduce_sum3A_33 : vector<128xf32> to vector<1x128xf32>
    %div3A_34 = arith.constant 1.000000e+04 : f32
    %div3A_35 = vector.broadcast %div3A_34 : f32 to vector<1x128xf32>
    %div3A_36 = arith.divf %broadcast_in_dim3A, %div3A_35 : vector<1x128xf32>
    %sub3A = vector.broadcast %div3A_36 : vector<1x128xf32> to vector<10000x128xf32>
    %sub3A_37 = arith.subf %add3A_32, %sub3A : vector<10000x128xf32>
    %mul3A = arith.mulf %sub3A_37, %sub3A_37 : vector<10000x128xf32>
    %reduce_sum3A_38 = arith.constant dense<0.000000e+00> : vector<128xf32>
    %reduce_sum3A_39 = vector.multi_reduction <add>, %mul3A, %reduce_sum3A_38 [0] : vector<10000x128xf32> to vector<128xf32>
    %broadcast_in_dim3A_40 = vector.shape_cast %reduce_sum3A_39 : vector<128xf32> to vector<1x128xf32>
    %div3A_41 = arith.constant 1.000000e+04 : f32
    %div3A_42 = vector.broadcast %div3A_41 : f32 to vector<1x128xf32>
    %div3A_43 = arith.divf %broadcast_in_dim3A_40, %div3A_42 : vector<1x128xf32>
    %get3A_44 = arith.constant 0 : index
    %get3A_45 = arith.constant 0 : index
    %get3A_46 = vector.load %arg6[%get3A_44, %get3A_45] : memref<1x128xf32, #tpu.memory_space<vmem>>, vector<1x128xf32>
    %mul3A_47 = vector.broadcast %get3A_46 : vector<1x128xf32> to vector<10000x128xf32>
    %mul3A_48 = arith.mulf %mul3A_47, %sub3A_37 : vector<10000x128xf32>
    %add3A_49 = arith.constant 9.99999974E-6 : f32
    %add3A_50 = vector.broadcast %add3A_49 : f32 to vector<1x128xf32>
    %add3A_51 = arith.addf %div3A_43, %add3A_50 : vector<1x128xf32>
    %rsqrt3A = math.rsqrt %add3A_51 : vector<1x128xf32>
    %mul3A_52 = vector.broadcast %rsqrt3A : vector<1x128xf32> to vector<10000x128xf32>
    %mul3A_53 = arith.mulf %mul3A_48, %mul3A_52 : vector<10000x128xf32>
    %get3A_54 = arith.constant 0 : index
    %get3A_55 = arith.constant 0 : index
    %get3A_56 = vector.load %arg7[%get3A_54, %get3A_55] : memref<1x128xf32, #tpu.memory_space<vmem>>, vector<1x128xf32>
    %add3A_57 = vector.broadcast %get3A_56 : vector<1x128xf32> to vector<10000x128xf32>
    %add3A_58 = arith.addf %mul3A_53, %add3A_57 : vector<10000x128xf32>
    %max3A_59 = arith.constant 0.000000e+00 : f32
    %max3A_60 = vector.broadcast %max3A_59 : f32 to vector<10000x128xf32>
    %max3A_61 = arith.maximumf %add3A_58, %max3A_60 : vector<10000x128xf32>
    %get3A_62 = arith.constant 0 : index
    %get3A_63 = arith.constant 0 : index
    %get3A_64 = vector.load %arg8[%get3A_62, %get3A_63] : memref<2x128xf32, #tpu.memory_space<vmem>>, vector<2x128xf32>
    %dot_general3A_65 = arith.constant dense<0.000000e+00> : vector<10000x2xf32>
    %dot_general3A_66 = tpu.matmul %max3A_61, %get3A_64, %dot_general3A_65 {dimension_numbers = #tpu.dot_dimension_numbers<[1], [1], [0], [0], [0, 0, 1, 0], [], []>, transpose_lhs_hint = false} : vector<10000x128xf32>, vector<2x128xf32>, vector<10000x2xf32> -> vector<10000x2xf32>
    %get3A_67 = arith.constant 0 : index
    %get3A_68 = arith.constant 0 : index
    %get3A_69 = vector.load %arg9[%get3A_67, %get3A_68] : memref<1x2xf32, #tpu.memory_space<vmem>>, vector<1x2xf32>
    %add3A_70 = vector.broadcast %get3A_69 : vector<1x2xf32> to vector<10000x2xf32>
    %add3A_71 = arith.addf %dot_general3A_66, %add3A_70 : vector<10000x2xf32>
    %swap3A = arith.constant 0 : index
    %swap3A_72 = arith.constant 0 : index
    %swap3A_73 = vector.load %arg10[%swap3A, %swap3A_72] : memref<10000x2xf32, #tpu.memory_space<vmem>>, vector<10000x2xf32>
    tpu.vector_store %arg10[%swap3A, %swap3A_72], %add3A_71 {strides = array<i32>} : memref<10000x2xf32, #tpu.memory_space<vmem>>, vector<10000x2xf32>,
    return
  }
}

</mosaic_0001>

<sc_bundles>
// kernel: kernel.6.cloned.1.call-start
scs
__scs_entry_jumppad:
0x0: {  	(pc) =	sbr.rel $0x88, $3  }
0x1: {  	(tag) =	ssettag $0x0;
	lr =	simm.s32 $0x1  }
0x2: {  	[smem:$0x3F93] =	sst lr;
	_ =	strace $0xD0000000  }
0x3: {  	_ = 	snop  }
0x4: {  	_ = 	snop  }
0x5: {  	_ = 	snop  }
0x6: {  	_ = 	snop  }
0x7: {  	_ = 	snop  }
__scs_overlays_trampoline_lowered:
0x8: {  	[smem:$0x3FA2] =	sst s0  }
0x9: {  	[smem:$0x3FA3] =	sst s1  }
0xa: {  	[smem:$0x3FA4] =	sst s2  }
0xb: {  	[smem:$0x3FA5] =	sst s3  }
0xc: {  	[smem:$0x3FA6] =	sst s4  }
0xd: {  	[smem:$0x3FA7] =	sst s5  }
0xe: {  	[smem:$0x3FA8] =	sst s6  }
0xf: {  	[smem:$0x3FA9] =	sst s7  }
0x10: {  	[smem:$0x3FAA] =	sst s8  }
0x11: {  	[smem:$0x3FAB] =	sst s9;
	s0 =	simm.s32 @!p0 $0x0  }
0x12: {  	s1 =	sld [smem:$0x3F91];
	s0 =	simm.s32 @p0 $0x1  }
0x13: {  	[smem:$0x3FAC] =	sst s0;
	s0 =	simm.s32 @!p1 $0x0  }
0x14: {  	s2 =	sld [smem:$0x3F90];
	s0 =	simm.s32 @p1 $0x1  }
0x15: {  	[smem:$0x3FAD] =	sst s0;
	s0 =	simm.s32 @!p2 $0x0  }
0x16: {  	s3 =	sld [smem:$0x3FDB];
	s0 =	simm.s32 @p2 $0x1  }
0x17: {  	s4 =	simm.s32 $0x1BF5;
	[smem:$0x3FAF] =	sst s0  }
0x18: {  	s0 =	sld [smem:$0x3F92];
	_ =	swait.ge [sflag:s4], $0x0  }
0x19: {  	s7 =	sld [smem:$0x3F93]  }
0x1a: {  	s8 =	sadd.s32 $0xFFFFE003, lr  }
0x1b: {  	s9 =	sadd.s32 $0xFFFFFEF7, lr;
	s5 =	simm.s32 $0xFFFFFFFF;
	p2 =	slt.u32 s8, $0xFFFFF086  }
0x1c: {  	p1 =	slt.u32 s9, $0xF7A;
	s5 =	simm.s32 @!p2 $0x0  }
0x1d: {  	s5 =	simm.s32 @p1 $0x1;
	p0 =	seq.s32 s7, s2  }
0x1e: {  	s7 =	smul.u32 @!p0 $0xF7A, s2;
	p2 =	seq.s32 @!p0 s5, $0x0  }
0x1f: {  	s9 =	smul.u32 $0xF7A, s1;
	s8 =	simm.s32 @!p0 $0x1BF5;
	p2 =	por !p2, p0  }
0x20: {  	[sflag:s8] =	ssyncset.s32 @!p0 $0xFFFFF086;
	s6 =	sadd.s32 @!p0 s3, s7;
	s7 =	simm.s32 @!p0 $0x108  }
0x21: {  	s3 =	sadd.s32 s3, s9;
	s6 =	sadd.s32 @!p0 $0x88, s6;
	s7 =	simm.s32 @p2 $0x1082  }
0x22: {  	[simem:s7], [sflag:s8] =	dma.local @!p0 [hbm:s6], $0xF7A  }
0x23: {  	s9 =	sor.u32 $0xD0000000, s2;
	s6 =	simm.s32 $0x108;
	_ =	swait.ge @!p0 [sflag:s8], $0x0  }
0x24: {  	s3 =	sadd.s32 $0x88, s3;
	s6 =	simm.s32 @!p1 $0x1082;
	[sflag:s4] =	ssyncset.s32 $0xFFFFF086  }
0x25: {  	[simem:s6], [sflag:s4] =	dma.local [hbm:s3], $0xF7A  }
0x26: {  	[smem:$0x3F93] =	sst s1;
	(tag) =	ssettag s2;
	_ =	strace s9  }
0x27: {  	s1 =	sld [smem:$0x3FA3]  }
0x28: {  	s2 =	sld [smem:$0x3FA4]  }
0x29: {  	s4 =	sld [smem:$0x3FA6]  }
0x2a: {  	p0 =	seq.s32 s5, $0x0;
	s5 =	sld [smem:$0x3FA7]  }
0x2b: {  	s6 =	sld [smem:$0x3FA8]  }
0x2c: {  	s7 =	sld [smem:$0x3FA9]  }
0x2d: {  	s3 =	simm.s32 $0x108;
	s8 =	sld [smem:$0x3FAA]  }
0x2e: {  	s3 =	simm.s32 @!p0 $0x1082;
	s9 =	sld [smem:$0x3FAB]  }
0x2f: {  	lr =	sadd.s32 s0, s3;
	s0 =	sld [smem:$0x3FA2]  }
0x30: {  	s3 =	sld [smem:$0x3FA5]  }
0x31: {  	[smem:$0x3FAE] =	sst s10  }
0x32: {  	s10 =	sld [smem:$0x3FAC];
	_ =	sdelay $0x3  }
0x33: {  	p0 =	seq.s32 s10, $0x1;
	s10 =	sld [smem:$0x3FAE];
	_ =	sdelay $0x3  }
0x34: {  	[smem:$0x3FAE] =	sst s10  }
0x35: {  	s10 =	sld [smem:$0x3FAD];
	_ =	sdelay $0x3  }
0x36: {  	p1 =	seq.s32 s10, $0x1;
	s10 =	sld [smem:$0x3FAE];
	_ =	sdelay $0x3  }
0x37: {  	[smem:$0x3FAE] =	sst s10  }
0x38: {  	s10 =	sld [smem:$0x3FAF]  }
0x39: {  	_ = 	snop;
	(pc) =	sbr.ind lr, $3  }
0x3a: {  	_ = 	snop  }
0x3b: {  	_ = 	snop  }
0x3c: {  	p2 =	seq.s32 s10, $0x1;
	s10 =	sld [smem:$0x3FAE]  }
0x3d: {  	_ =	shalt  }
0x3e: {  	_ =	shalt  }
0x3f: {  	_ =	shalt  }
0x40: {  	_ =	shalt  }
0x41: {  	_ =	shalt  }
0x42: {  	_ =	shalt  }
0x43: {  	_ =	shalt  }
0x44: {  	_ =	shalt  }
0x45: {  	_ =	shalt  }
0x46: {  	_ =	shalt  }
0x47: {  	_ =	shalt  }
0x48: {  	_ =	shalt  }
0x49: {  	_ =	shalt  }
0x4a: {  	_ =	shalt  }
0x4b: {  	_ =	shalt  }
0x4c: {  	_ =	shalt  }
0x4d: {  	_ =	shalt  }
0x4e: {  	_ =	shalt  }
0x4f: {  	_ =	shalt  }
0x50: {  	_ =	shalt  }
0x51: {  	_ =	shalt  }
0x52: {  	_ =	shalt  }
0x53: {  	_ =	shalt  }
0x54: {  	_ =	shalt  }
0x55: {  	_ =	shalt  }
0x56: {  	_ =	shalt  }
0x57: {  	_ =	shalt  }
0x58: {  	_ =	shalt  }
0x59: {  	_ =	shalt  }
0x5a: {  	_ =	shalt  }
0x5b: {  	_ =	shalt  }
0x5c: {  	_ =	shalt  }
0x5d: {  	_ =	shalt  }
0x5e: {  	_ =	shalt  }
0x5f: {  	_ =	shalt  }
0x60: {  	_ =	shalt  }
0x61: {  	_ =	shalt  }
0x62: {  	_ =	shalt  }
0x63: {  	_ =	shalt  }
0x64: {  	_ =	shalt  }
0x65: {  	_ =	shalt  }
0x66: {  	_ =	shalt  }
0x67: {  	_ =	shalt  }
0x68: {  	_ =	shalt  }
0x69: {  	_ =	shalt  }
0x6a: {  	_ =	shalt  }
0x6b: {  	_ =	shalt  }
0x6c: {  	_ =	shalt  }
0x6d: {  	_ =	shalt  }
0x6e: {  	_ =	shalt  }
0x6f: {  	_ =	shalt  }
0x70: {  	_ =	shalt  }
0x71: {  	_ =	shalt  }
0x72: {  	_ =	shalt  }
0x73: {  	_ =	shalt  }
0x74: {  	_ =	shalt  }
0x75: {  	_ =	shalt  }
0x76: {  	_ =	shalt  }
0x77: {  	_ =	shalt  }
0x78: {  	_ =	shalt  }
0x79: {  	_ =	shalt  }
0x7a: {  	_ =	shalt  }
0x7b: {  	_ =	shalt  }
0x7c: {  	_ =	shalt  }
0x7d: {  	_ =	shalt  }
0x7e: {  	_ =	shalt  }
0x7f: {  	_ =	shalt  }
0x80: {  	_ =	shalt  }
0x81: {  	_ =	shalt  }
0x82: {  	_ =	shalt  }
0x83: {  	_ =	shalt  }
0x84: {  	_ =	shalt  }
0x85: {  	_ =	shalt  }
0x86: {  	_ =	shalt  }
0x87: {  	_ =	shalt  }
.Lfunc_end0:
.L_simem_size_0:
called_computation_lowered:
.L_overlay_start_0:
0x88: {  	s2 =	sld [smem:$0x3FD9]  }
0x89: {  	s3 =	sld [smem:$0x3FFE];
	_ =	sdelay $0x1  }
0x8a: {  	s1 =	srdreg.scid  }
0x8b: {  	s0 =	sand.u32 $0x1, s1  }
0x8c: {  	s17 =	sshll.u32 s0, $0xA;
	s2 =	sadd.s32 s3, s2  }
0x8d: {  	s2 =	sadd.s32 s2, s17  }
0x8e: {  	[smem:$0x3FBA] =	sst s2  }
0x8f: {  	_ = 	snop  }
0x90: {  	s2 =	sld [smem:$0x3FC9];
	(tm) =	ssettm $0x1  }
0x91: {  	s18 =	sld [smem:$0x3FFB];
	_ =	sdelay $0x3  }
0x92: {  	_ =	strace s18  }
0x93: {  	s3 =	sld [smem:$0x3FFC];
	_ =	sdelay $0x3  }
0x94: {  	_ =	strace s3  }
0x95: {  	s3 =	sld [smem:$0x3FFD];
	_ =	sdelay $0x3  }
0x96: {  	_ =	strace s3  }
0x97: {  	_ =	strace $0x8FFFFFFF  }
0x98: {  	s19 =	sld [smem:$0x3FDB];
	_ =	sdelay $0x1  }
0x99: {  	s4 =	simm.s32 $_scs_section_size  }
0x9a: {  	s5 =	simm.s32 $_size__tile_overlayer_lowered;
	s6 =	simm.s32 $_tile_overlayer_lowered  }
0x9b: {  	s22 =	simm.s32 $0x1BFF;
	s21 =	sshll.u32 s6, $0x1;
	s3 =	sadd.s32 s4, s19  }
0x9c: {  	s7 =	simm.s32 $0x0;
	s20 =	sshll.u32 s5, $0x1;
	s5 =	sadd.s32 s21, s3  }
0x9d: {  	[timem:s7], [sflag:s22] =	dma.local [hbm:s5], s20  }
0x9e: {  	_ =	swait.ge [sflag:s22], s20  }
0x9f: {  	s4 =	ssub.s32 $0x0, s20;
	[sflag:s22] =	ssyncset.done $0x0  }
0xa0: {  	[sflag:s22] =	ssyncadd.s32 s4;
	_ =	sdelay $0x1  }
0xa1: {  	s23 =	simm.s32 $0x1B8B  }
0xa2: {  	_ =	swait.ge [sflag:s23], $0x1  }
0xa3: {  	[sflag:s23] =	ssyncset.done $0x0  }
0xa4: {  	s25 =	simm.s32 $0x1B8E;
	s24 =	sld [smem:$0x3FFE];
	[sflag:s23] =	ssyncadd.s32 $0xFFFFFFFF  }
0xa5: {  	s26 =	simm.s32 $execute0_lowered;
	[smem:$0x3FD2] =	sst s25  }
0xa6: {  	s5 =	sshll.u32 s26, $0x1;
	_ =	strace $0x80000046;
	[dreg:$0x1] =	wrdreg $0xFFFFFFFF  }
0xa7: {  	s28 =	simm.s32 $_size_execute0_lowered;
	s3 =	sadd.s32 s3, s5;
	[dreg:$0x0] =	wrdreg $0x0  }
0xa8: {  	s5 =	sshll.u32 s28, $0x1;
	[dreg:$0x2] =	wrdreg s3  }
0xa9: {  	[dreg:$0x3] =	wrdreg s5  }
0xaa: {  	[dreg:$0x4] =	wrdreg $0xC0  }
0xab: {  	_ =	task [dreg:s7], $0x5FFFF  }
0xac: {  	[dreg:$0x1] =	wrdreg $0xFFFFFFFF  }
0xad: {  	[dreg:$0x0] =	wrdreg $0x60  }
0xae: {  	[dreg:$0x2] =	wrdreg s2  }
0xaf: {  	[dreg:$0x3] =	wrdreg s24  }
0xb0: {  	[dreg:$0x4] =	wrdreg $0x8C000  }
0xb1: {  	[dreg:$0x5] =	wrdreg $0x9  }
0xb2: {  	_ =	task.clear_ibuf [dreg:s7], $0x6FFFF;
	_ =	strace $0x90000046  }
0xb3: {  	s29 =	simm.s32 $0x9;
	_ =	strace $0x80000048  }
0xb4: {  	_ =	swait.ge [sflag:s29], $0x1  }
0xb5: {  	[sflag:s29] =	ssyncadd.s32 $0xFFFFFFFF  }
0xb6: {  	_ =	strace $0x90000048  }
0xb7: {  	_ =	sfence  }
0xb8: {  	s30 =	sld [smem:$0x0];
	_ =	sdelay $0x2  }
0xb9: {  	s31 =	sshll.u32 s1, $0xD;
	s1 =	sshrl.u32 s1, $0x2  }
0xba: {  	s3 =	sand.u32 $0x4000, s31;
	s1 =	sadd.s32 s1, s30  }
0xbb: {  	s0 =	sor.u32 s3, s0;
	s1 =	sshll.u32 s1, $0x11  }
0xbc: {  	s0 =	sor.u32 s1, s0  }
0xbd: {  	s0 =	sadd.s32 $0x8F2B, s0  }
0xbe: {  	[sflag:s0] =	ssyncadd.remote.s32 $0x1  }
0xbf: {  	_ =	sfence.sel $0xFFFF  }
0xc0: {  	[dreg:$0x0] =	wrdreg $0xFFFFFFFF;
	(pc) =	sbr.abs _section_cstart, $3  }
0xc1: {  	[dreg:$0x1] =	wrdreg $0xFFFFFFFF  }
0xc2: {  	_ =	task.clear_ibuf [dreg:s7], $0x2FFFF;
	_ =	strace $0x9FFFFFFF  }
0xc3: {  	(tm) =	ssettm $0x7FFFFFFF  }
tec
execute0_lowered:
.L_overlay_start_1:
0x0: {  	(tag) =	ssettag $0x1  }
0x1: {  	s2 =	rddreg [dreg:$0x0]  }
0x2: {  	s0 =	rddreg [dreg:$0x1]  }
0x3: {  	s3 =	rddreg [dreg:$0x2]  }
0x4: {  	s12 =	stileid.u32;
	s4 =	simm.s32 $0x0;
	s1 =	srdreg.scid  }
0x5: {  	s13 =	simm.s32 $0x11;
	s14 =	simm.s32 $0x3;
	s15 =	simm.s32 $0x400  }
0x6: {  	s16 =	simm.s32 $0x80;
	s17 =	simm.s32 $0x800;
	s18 =	simm.s32 $0x4800  }
0x7: {  	s19 =	simm.s32 $0x1;
	s20 =	simm.s32 $0x100;
	s5 =	smul.u32 $0x18, s12  }
0x8: {  	s28 =	simm.s32 $0x280;
	s29 =	simm.s32 $0x600;
	s6 =	smul.u32 $0x88, s12  }
0x9: {  	s30 =	simm.s32 $0x300;
	s31 =	simm.s32 $0x680;
	s7 =	smul.u32 $0x14000, s12  }
0xa: {  	[smem:$0x7FF] =	sst s4;
	s1 =	sand.u32 $0x1, s1;
	s10 =	smul.u32 $0x50000, s12  }
0xb: {  	s9 =	sadd.s32 $0x2A00, s0;
	s25 =	smul.u32 $0xA00, s12;
	p0 =	seq.s32 s1, $0x0  }
0xc: {  	s21 =	smul.u32 $0x140000, s1;
	_ =	strace $0x80000047;
	s22 =	ssub.s32 $0x2, s1  }
0xd: {  	s5 =	sadd.s32 $0x880, s5;
	s23 =	sshrl.u32 s22, $0x1;
	s10 =	sshrl.u32 s10, $0x2  }
0xe: {  	s13 =	simm.s32 @!p0 $0x3;
	s12 =	sadd.s32 s25, s9;
	s25 =	simm.s32 $0x200  }
0xf: {  	s5 =	smov.u32 @p0 s6;
	s6 =	sadd.s32 s7, s21;
	s7 =	sshrl.u32 s7, $0x3  }
0x10: {  	[dreg:$0x4] =	wrdreg s13;
	s13 =	simm.s32 $0x8800;
	s21 =	simm.s32 $0x2  }
0x11: {  	p0 =	sne.s32 s1, $0x0;
	s5 =	sshll.u32 s5, $0x4;
	s6 =	sshrl.u32 s6, $0x3  }
0x12: {  	s1 =	simm.s32 $0x780;
	s8 =	sadd.s32 s5, s0;
	s11 =	sadd.s32 s6, s0  }
0x13: {  	s0 =	sadd.s32 s7, s0;
	s7 =	ssub.s32 s22, s23;
	s5 =	sadd.s32 s5, s9  }
0x14: {  	s6 =	sadd.s32 s10, s3;
	s24 =	sadd.s32 $0x3EA00, s11;
	[dreg:$0x8] =	wrdreg s5  }
.Ltmp0:
0x15: {  	s0 =	sadd.s32 $0x16A00, s0;
	[dreg:$0x5] =	wrdreg s24;
	(pc) =	sbr.rel .LBB2_1-.Ltmp0, $4  }
0x16: {  	s22 =	simm.s32 $0x480;
	s7 =	smax.u32 s7, $0x1;
	[dreg:$0x6] =	wrdreg s0  }
0x17: {  	s23 =	simm.s32 $0x180;
	s26 =	sadd.s32 $0xCA00, s8;
	[dreg:$0x7] =	wrdreg s7  }
0x18: {  	s8 =	simm.s32 $0x700;
	[dreg:$0x9] =	wrdreg s26;
	s24 =	simm.s32 $0x500  }
0x19: {  	v0 =	vimm.f32 $0.0e+00;
	v1 =	vimm.f32 $1.000000000e+00;
	s26 =	simm.s32 $0x580;
	s0 =	simm.s32 $0x380;
	s7 =	simm.s32 $0x0  }
.LBB2_12:
0x1a: {  	s5 =	sadd.s32 s11, s12;
	[sflag:s14] =	ssyncadd.s32 $0xFFFFC000  }
0x1b: {  	[tilespmem:s15], [sflag:$0x3] =	stream.linear.gather [hbm4b:s5+s4], $0x400, $0x38;
	[tilespmem:$0x1CC00] =	vst v63  }
0x1c: {  	_ =	swait.ge [sflag:s14], $0x400  }
0x1d: {  	[sflag:s14] =	ssyncset.done $0x0  }
0x1e: {  	[sflag:s14] =	ssyncadd.s32 $0xFFFFFC00  }
0x1f: {  	[spmem:s3] =	stream.indirect.scatter.add.f32 [tilespmem:s17], [sflag:$0x3], $0x80, s15, s16, $0xb8;
	[tilespmem:$0x1CC00] =	vst v63  }
0x20: {  	_ =	swait.ge [sflag:s14], $0x4000  }
0x21: {  	[sflag:s14] =	ssyncset.done $0x0  }
0x22: {  	[sflag:s14] =	ssyncadd.s32 $0xFFFFC000  }
0x23: {  	[spmem:s3] =	stream.indirect.scatter.add.f32 [tilespmem:s17], [sflag:$0x3], $0x80, s22, s16, $0xb8;
	[tilespmem:$0x1CC00] =	vst v63  }
0x24: {  	_ =	swait.ge [sflag:s14], $0x4000  }
0x25: {  	[sflag:s14] =	ssyncset.done $0x0  }
0x26: {  	[sflag:s14] =	ssyncadd.s32 $0xFFFFC000  }
0x27: {  	[spmem:s3] =	stream.indirect.scatter.add.f32 [tilespmem:s17], [sflag:$0x3], $0x80, s24, s16, $0xb8;
	[tilespmem:$0x1CC00] =	vst v63  }
0x28: {  	_ =	swait.ge [sflag:s14], $0x4000  }
0x29: {  	[sflag:s14] =	ssyncset.done $0x0  }
0x2a: {  	[sflag:s14] =	ssyncadd.s32 $0xFFFFC000  }
0x2b: {  	[spmem:s3] =	stream.indirect.scatter.add.f32 [tilespmem:s17], [sflag:$0x3], $0x80, s26, s16, $0xb8;
	[tilespmem:$0x1CC00] =	vst v63  }
0x2c: {  	_ =	swait.ge [sflag:s14], $0x4000  }
0x2d: {  	[sflag:s14] =	ssyncset.done $0x0  }
0x2e: {  	[sflag:s14] =	ssyncadd.s32 $0xFFFFC000  }
0x2f: {  	[spmem:s3] =	stream.indirect.scatter.add.f32 [tilespmem:s17], [sflag:$0x3], $0x80, s29, s16, $0xb8;
	[tilespmem:$0x1CC00] =	vst v63  }
0x30: {  	_ =	swait.ge [sflag:s14], $0x4000  }
0x31: {  	[sflag:s14] =	ssyncset.done $0x0  }
0x32: {  	[sflag:s14] =	ssyncadd.s32 $0xFFFFC000  }
0x33: {  	[spmem:s3] =	stream.indirect.scatter.add.f32 [tilespmem:s17], [sflag:$0x3], $0x80, s31, s16, $0xb8;
	[tilespmem:$0x1CC00] =	vst v63  }
0x34: {  	_ =	swait.ge [sflag:s14], $0x4000  }
0x35: {  	[sflag:s14] =	ssyncset.done $0x0  }
0x36: {  	[sflag:s14] =	ssyncadd.s32 $0xFFFFC000  }
0x37: {  	[spmem:s3] =	stream.indirect.scatter.add.f32 [tilespmem:s17], [sflag:$0x3], $0x80, s8, s16, $0xb8;
	[tilespmem:$0x1CC00] =	vst v63  }
0x38: {  	_ =	swait.ge [sflag:s14], $0x4000  }
0x39: {  	[sflag:s14] =	ssyncset.done $0x0  }
0x3a: {  	[sflag:s14] =	ssyncadd.s32 $0xFFFFC000  }
0x3b: {  	[spmem:s3] =	stream.indirect.scatter.add.f32 [tilespmem:s17], [sflag:$0x3], $0x80, s1, s16, $0xb8;
	[tilespmem:$0x1CC00] =	vst v63  }
0x3c: {  	_ =	swait.ge [sflag:s14], $0x4000  }
0x3d: {  	[sflag:s14] =	ssyncset.done $0x0  }
0x3e: {  	[sflag:s14] =	ssyncadd.s32 $0xFFFFC000  }
0x3f: {  	[bflag:$0x0] =	sbarrier.arrive $0xFFFF  }
0x40: {  	s11 =	rddreg [dreg:$0x6]  }
0x41: {  	s9 =	rddreg [dreg:$0xa]  }
0x42: {  	s10 =	rddreg [dreg:$0xb]  }
0x43: {  	[hbm:s11], [sflag:s9] =	dma.local [spmem:s10], $0x2800  }
0x44: {  	_ =	swait.ge [sflag:s14], $0x2800  }
0x45: {  	[sflag:s14] =	ssyncset.done $0x0  }
0x46: {  	[sflag:s14] =	ssyncadd.s32 $0xFFFFD800  }
.LBB2_13:
0x47: {  	s7 =	sadd.s32 $0x1, s7;
	s5 =	rddreg [dreg:$0x7]  }
0x48: {  	p1 =	sne.s32 s7, s5  }
.Ltmp1:
0x49: {  	_ = 	snop;
	(pc) =	sbr.rel @!p1 .LBB2_14-.Ltmp1, $1  }
0x4a: {  	_ =	sdelay $0x3  }
.LBB2_1:
0x4b: {  	[tilespmem:$0x8800] =	vst v0  }
0x4c: {  	[tilespmem:$0x8810] =	vst v0  }
0x4d: {  	[tilespmem:$0x8820] =	vst v0  }
0x4e: {  	[tilespmem:$0x8830] =	vst v0  }
0x4f: {  	[tilespmem:$0x8840] =	vst v0  }
0x50: {  	[tilespmem:$0x8850] =	vst v0  }
0x51: {  	[tilespmem:$0x8860] =	vst v0  }
0x52: {  	[tilespmem:$0x8870] =	vst v0  }
0x53: {  	[tilespmem:$0x8880] =	vst v0  }
0x54: {  	[tilespmem:$0x8890] =	vst v0  }
0x55: {  	[tilespmem:$0x88A0] =	vst v0  }
0x56: {  	[tilespmem:$0x88B0] =	vst v0  }
0x57: {  	[tilespmem:$0x88C0] =	vst v0  }
0x58: {  	[tilespmem:$0x88D0] =	vst v0  }
0x59: {  	[tilespmem:$0x88E0] =	vst v0  }
0x5a: {  	[tilespmem:$0x88F0] =	vst v0  }
0x5b: {  	[tilespmem:$0x8900] =	vst v0  }
0x5c: {  	[tilespmem:$0x8910] =	vst v0  }
0x5d: {  	[tilespmem:$0x8920] =	vst v0  }
0x5e: {  	[tilespmem:$0x8930] =	vst v0  }
0x5f: {  	[tilespmem:$0x8940] =	vst v0  }
0x60: {  	[tilespmem:$0x8950] =	vst v0  }
0x61: {  	[tilespmem:$0x8960] =	vst v0  }
0x62: {  	[tilespmem:$0x8970] =	vst v0  }
0x63: {  	[tilespmem:$0x8980] =	vst v0  }
0x64: {  	[tilespmem:$0x8990] =	vst v0  }
0x65: {  	[tilespmem:$0x89A0] =	vst v0  }
0x66: {  	[tilespmem:$0x89B0] =	vst v0  }
0x67: {  	[tilespmem:$0x89C0] =	vst v0  }
0x68: {  	[tilespmem:$0x89D0] =	vst v0  }
0x69: {  	[tilespmem:$0x89E0] =	vst v0  }
0x6a: {  	[tilespmem:$0x89F0] =	vst v0  }
0x6b: {  	[tilespmem:$0x8A00] =	vst v0  }
0x6c: {  	[tilespmem:$0x8A10] =	vst v0  }
0x6d: {  	[tilespmem:$0x8A20] =	vst v0  }
0x6e: {  	[tilespmem:$0x8A30] =	vst v0  }
0x6f: {  	[tilespmem:$0x8A40] =	vst v0  }
0x70: {  	[tilespmem:$0x8A50] =	vst v0  }
0x71: {  	[tilespmem:$0x8A60] =	vst v0  }
0x72: {  	[tilespmem:$0x8A70] =	vst v0  }
0x73: {  	[tilespmem:$0x8A80] =	vst v0  }
0x74: {  	[tilespmem:$0x8A90] =	vst v0  }
0x75: {  	[tilespmem:$0x8AA0] =	vst v0  }
0x76: {  	[tilespmem:$0x8AB0] =	vst v0  }
0x77: {  	[tilespmem:$0x8AC0] =	vst v0  }
0x78: {  	[tilespmem:$0x8AD0] =	vst v0  }
0x79: {  	[tilespmem:$0x8AE0] =	vst v0  }
0x7a: {  	[tilespmem:$0x8AF0] =	vst v0  }
0x7b: {  	[tilespmem:$0x8B00] =	vst v0  }
0x7c: {  	[tilespmem:$0x8B10] =	vst v0  }
0x7d: {  	[tilespmem:$0x8B20] =	vst v0  }
0x7e: {  	[tilespmem:$0x8B30] =	vst v0  }
0x7f: {  	[tilespmem:$0x8B40] =	vst v0  }
0x80: {  	[tilespmem:$0x8B50] =	vst v0  }
0x81: {  	[tilespmem:$0x8B60] =	vst v0  }
0x82: {  	[tilespmem:$0x8B70] =	vst v0  }
0x83: {  	[tilespmem:$0x8B80] =	vst v0  }
0x84: {  	[tilespmem:$0x8B90] =	vst v0  }
0x85: {  	[tilespmem:$0x8BA0] =	vst v0  }
0x86: {  	[tilespmem:$0x8BB0] =	vst v0  }
0x87: {  	[tilespmem:$0x8BC0] =	vst v0  }
0x88: {  	[tilespmem:$0x8BD0] =	vst v0  }
0x89: {  	[tilespmem:$0x8BE0] =	vst v0  }
0x8a: {  	[tilespmem:$0x8BF0] =	vst v0;
	s5 =	sadd.s32 $0x0, s6  }
0x8b: {  	[spmem:s5] =	stream.linear.scatter [tilespmem:s13], [sflag:$0x3], $0x400, $0x38;
	[tilespmem:$0x1CC00] =	vst v63  }
0x8c: {  	s5 =	simm.s32 $0x1000;
	_ =	swait.ge [sflag:s14], $0x400  }
.LBB2_2:
0x8d: {  	s9 =	sshra.s32 s5, $0x2;
	[sflag:s14] =	ssyncset.done $0x0;
	p1 =	sne.s32 s5, $0x4F000  }
.Ltmp2:
0x8e: {  	s9 =	sadd.s32 s9, s6;
	[sflag:s14] =	ssyncadd.s32 $0xFFFFFC00;
	(pc) =	sbr.rel @p1 .LBB2_2-.Ltmp2, $3  }
0x8f: {  	[spmem:s9] =	stream.linear.scatter [tilespmem:s13], [sflag:$0x3], $0x400, $0x38;
	[tilespmem:$0x1CC00] =	vst v63  }
0x90: {  	s5 =	sadd.s32 $0x1000, s5;
	_ =	sdelay $0x1  }
0x91: {  	_ =	swait.ge [sflag:s14], $0x400  }
0x92: {  	[sflag:s14] =	ssyncset.done $0x0  }
0x93: {  	[sflag:s14] =	ssyncadd.s32 $0xFFFFFC00  }
0x94: {  	[bflag:$0x0] =	sbarrier.arrive $0xFFFF  }
0x95: {  	s11 =	rddreg [dreg:$0x9]  }
0x96: {  	[tilespmem:s4], [sflag:$0x3] =	stream.linear.gather [hbm4b:s11+s4], $0x400, $0x38;
	[tilespmem:$0x1CC00] =	vst v63  }
0x97: {  	_ =	swait.ge [sflag:s14], $0x400  }
0x98: {  	[sflag:s14] =	ssyncset.done $0x0  }
0x99: {  	s10 =	rddreg [dreg:$0x8];
	[sflag:s14] =	ssyncadd.s32 $0xFFFFFC00  }
0x9a: {  	[tilespmem:s15], [sflag:$0x3] =	stream.linear.gather [hbm4b:s10+s4], $0x400, $0x38;
	[tilespmem:$0x1CC00] =	vst v63  }
0x9b: {  	_ =	swait.ge [sflag:s14], $0x400  }
0x9c: {  	[sflag:s14] =	ssyncset.done $0x0  }
0x9d: {  	[sflag:s14] =	ssyncadd.s32 $0xFFFFFC00  }
0x9e: {  	[tilespmem:s17], [sflag:$0x1] =	stream.indirect.gather [hbm4b:s2+s16], $0x80, s4, s16, $0xb8;
	[tilespmem:$0x1CC00] =	vst v63  }
0x9f: {  	_ = 	snop  }
0xa0: {  	[tilespmem:s18], [sflag:$0x2] =	stream.indirect.gather [hbm4b:s2+s16], $0x80, s16, s16, $0xb8;
	[tilespmem:$0x1CC00] =	vst v63  }
0xa1: {  	_ =	swait.ge [sflag:s19], $0x4000  }
0xa2: {  	[sflag:s19] =	ssyncset.done $0x0  }
0xa3: {  	[sflag:s19] =	ssyncadd.s32 $0xFFFFC000  }
0xa4: {  	[spmem:s3] =	stream.indirect.scatter.add.f32 [tilespmem:s17], [sflag:$0x3], $0x80, s15, s16, $0xb8;
	[tilespmem:$0x1CC00] =	vst v63  }
0xa5: {  	_ =	swait.ge [sflag:s14], $0x4000  }
0xa6: {  	[sflag:s14] =	ssyncset.done $0x0  }
0xa7: {  	[sflag:s14] =	ssyncadd.s32 $0xFFFFC000  }
0xa8: {  	[tilespmem:s17], [sflag:$0x1] =	stream.indirect.gather [hbm4b:s2+s16], $0x80, s20, s16, $0xb8;
	[tilespmem:$0x1CC00] =	vst v63  }
0xa9: {  	_ =	swait.ge [sflag:s21], $0x4000  }
0xaa: {  	[sflag:s21] =	ssyncset.done $0x0  }
0xab: {  	[sflag:s21] =	ssyncadd.s32 $0xFFFFC000  }
0xac: {  	[spmem:s3] =	stream.indirect.scatter.add.f32 [tilespmem:s18], [sflag:$0x3], $0x80, s22, s16, $0xb8;
	[tilespmem:$0x1CC00] =	vst v63  }
0xad: {  	_ =	swait.ge [sflag:s14], $0x4000  }
0xae: {  	[sflag:s14] =	ssyncset.done $0x0  }
0xaf: {  	[sflag:s14] =	ssyncadd.s32 $0xFFFFC000  }
0xb0: {  	[tilespmem:s18], [sflag:$0x2] =	stream.indirect.gather [hbm4b:s2+s16], $0x80, s23, s16, $0xb8;
	[tilespmem:$0x1CC00] =	vst v63  }
0xb1: {  	_ =	swait.ge [sflag:s19], $0x4000  }
0xb2: {  	[sflag:s19] =	ssyncset.done $0x0  }
0xb3: {  	[sflag:s19] =	ssyncadd.s32 $0xFFFFC000  }
0xb4: {  	[spmem:s3] =	stream.indirect.scatter.add.f32 [tilespmem:s17], [sflag:$0x3], $0x80, s24, s16, $0xb8;
	[tilespmem:$0x1CC00] =	vst v63  }
0xb5: {  	_ =	swait.ge [sflag:s14], $0x4000  }
0xb6: {  	[sflag:s14] =	ssyncset.done $0x0  }
0xb7: {  	[sflag:s14] =	ssyncadd.s32 $0xFFFFC000  }
0xb8: {  	[tilespmem:s17], [sflag:$0x1] =	stream.indirect.gather [hbm4b:s2+s16], $0x80, s25, s16, $0xb8;
	[tilespmem:$0x1CC00] =	vst v63  }
0xb9: {  	_ =	swait.ge [sflag:s21], $0x4000  }
0xba: {  	[sflag:s21] =	ssyncset.done $0x0  }
0xbb: {  	[sflag:s21] =	ssyncadd.s32 $0xFFFFC000  }
0xbc: {  	[spmem:s3] =	stream.indirect.scatter.add.f32 [tilespmem:s18], [sflag:$0x3], $0x80, s26, s16, $0xb8;
	[tilespmem:$0x1CC00] =	vst v63  }
0xbd: {  	_ =	swait.ge [sflag:s14], $0x4000  }
0xbe: {  	[sflag:s14] =	ssyncset.done $0x0  }
0xbf: {  	[sflag:s14] =	ssyncadd.s32 $0xFFFFC000  }
0xc0: {  	[tilespmem:s18], [sflag:$0x2] =	stream.indirect.gather [hbm4b:s2+s16], $0x80, s28, s16, $0xb8;
	[tilespmem:$0x1CC00] =	vst v63  }
0xc1: {  	_ =	swait.ge [sflag:s19], $0x4000  }
0xc2: {  	[sflag:s19] =	ssyncset.done $0x0  }
0xc3: {  	[sflag:s19] =	ssyncadd.s32 $0xFFFFC000  }
0xc4: {  	[spmem:s3] =	stream.indirect.scatter.add.f32 [tilespmem:s17], [sflag:$0x3], $0x80, s29, s16, $0xb8;
	[tilespmem:$0x1CC00] =	vst v63  }
0xc5: {  	_ =	swait.ge [sflag:s14], $0x4000  }
0xc6: {  	[sflag:s14] =	ssyncset.done $0x0  }
0xc7: {  	[sflag:s14] =	ssyncadd.s32 $0xFFFFC000  }
0xc8: {  	[tilespmem:s17], [sflag:$0x1] =	stream.indirect.gather [hbm4b:s2+s16], $0x80, s30, s16, $0xb8;
	[tilespmem:$0x1CC00] =	vst v63  }
0xc9: {  	_ =	swait.ge [sflag:s21], $0x4000  }
0xca: {  	[sflag:s21] =	ssyncset.done $0x0  }
0xcb: {  	[sflag:s21] =	ssyncadd.s32 $0xFFFFC000  }
0xcc: {  	[spmem:s3] =	stream.indirect.scatter.add.f32 [tilespmem:s18], [sflag:$0x3], $0x80, s31, s16, $0xb8;
	[tilespmem:$0x1CC00] =	vst v63  }
0xcd: {  	_ =	swait.ge [sflag:s14], $0x4000  }
0xce: {  	[sflag:s14] =	ssyncset.done $0x0  }
0xcf: {  	[sflag:s14] =	ssyncadd.s32 $0xFFFFC000  }
0xd0: {  	[tilespmem:s18], [sflag:$0x2] =	stream.indirect.gather [hbm4b:s2+s16], $0x80, s0, s16, $0xb8;
	[tilespmem:$0x1CC00] =	vst v63  }
0xd1: {  	_ =	swait.ge [sflag:s19], $0x4000  }
0xd2: {  	[sflag:s19] =	ssyncset.done $0x0  }
0xd3: {  	[sflag:s19] =	ssyncadd.s32 $0xFFFFC000  }
0xd4: {  	[spmem:s3] =	stream.indirect.scatter.add.f32 [tilespmem:s17], [sflag:$0x3], $0x80, s8, s16, $0xb8;
	[tilespmem:$0x1CC00] =	vst v63  }
0xd5: {  	_ =	swait.ge [sflag:s14], $0x4000  }
0xd6: {  	[sflag:s14] =	ssyncset.done $0x0  }
0xd7: {  	[sflag:s14] =	ssyncadd.s32 $0xFFFFC000  }
0xd8: {  	_ =	swait.ge [sflag:s21], $0x4000  }
0xd9: {  	s5 =	rddreg [dreg:$0x4]  }
0xda: {  	p1 =	sne.s32 s5, $0x1  }
.Ltmp3:
0xdb: {  	[sflag:s21] =	ssyncset.done $0x0;
	(pc) =	sbr.rel @!p1 .LBB2_5-.Ltmp3, $4  }
0xdc: {  	[sflag:s21] =	ssyncadd.s32 $0xFFFFC000  }
0xdd: {  	[spmem:s3] =	stream.indirect.scatter.add.f32 [tilespmem:s18], [sflag:$0x3], $0x80, s1, s16, $0xb8;
	[tilespmem:$0x1CC00] =	vst v63  }
0xde: {  	_ =	swait.ge [sflag:s14], $0x4000  }
0xdf: {  	s9 =	sadd.s32 $0xFFFFFFFF, s5;
	[sflag:s14] =	ssyncset.done $0x0  }
.LBB2_4:
0xe0: {  	[sflag:s14] =	ssyncadd.s32 $0xFFFFC000;
	s10 =	sadd.s32 $0x80, s10;
	s11 =	sadd.s32 $0x80, s11  }
0xe1: {  	[tilespmem:s4], [sflag:$0x3] =	stream.linear.gather [hbm4b:s11+s4], $0x400, $0x38;
	[tilespmem:$0x1CC00] =	vst v63  }
0xe2: {  	p1 =	sne.s32 s9, $0x1;
	s9 =	sadd.s32 $0xFFFFFFFF, s9;
	_ =	swait.ge [sflag:s14], $0x400  }
0xe3: {  	[sflag:s14] =	ssyncset.done $0x0  }
0xe4: {  	[sflag:s14] =	ssyncadd.s32 $0xFFFFFC00  }
0xe5: {  	[tilespmem:s15], [sflag:$0x3] =	stream.linear.gather [hbm4b:s10+s4], $0x400, $0x38;
	[tilespmem:$0x1CC00] =	vst v63  }
0xe6: {  	_ =	swait.ge [sflag:s14], $0x400  }
0xe7: {  	[sflag:s14] =	ssyncset.done $0x0  }
0xe8: {  	[sflag:s14] =	ssyncadd.s32 $0xFFFFFC00  }
0xe9: {  	[tilespmem:s17], [sflag:$0x1] =	stream.indirect.gather [hbm4b:s2+s16], $0x80, s4, s16, $0xb8;
	[tilespmem:$0x1CC00] =	vst v63  }
0xea: {  	_ = 	snop  }
0xeb: {  	[tilespmem:s18], [sflag:$0x2] =	stream.indirect.gather [hbm4b:s2+s16], $0x80, s16, s16, $0xb8;
	[tilespmem:$0x1CC00] =	vst v63  }
0xec: {  	_ =	swait.ge [sflag:s19], $0x4000  }
0xed: {  	[sflag:s19] =	ssyncset.done $0x0  }
0xee: {  	[sflag:s19] =	ssyncadd.s32 $0xFFFFC000  }
0xef: {  	[spmem:s3] =	stream.indirect.scatter.add.f32 [tilespmem:s17], [sflag:$0x3], $0x80, s15, s16, $0xb8;
	[tilespmem:$0x1CC00] =	vst v63  }
0xf0: {  	_ =	swait.ge [sflag:s14], $0x4000  }
0xf1: {  	[sflag:s14] =	ssyncset.done $0x0  }
0xf2: {  	[sflag:s14] =	ssyncadd.s32 $0xFFFFC000  }
0xf3: {  	[tilespmem:s17], [sflag:$0x1] =	stream.indirect.gather [hbm4b:s2+s16], $0x80, s20, s16, $0xb8;
	[tilespmem:$0x1CC00] =	vst v63  }
0xf4: {  	_ =	swait.ge [sflag:s21], $0x4000  }
0xf5: {  	[sflag:s21] =	ssyncset.done $0x0  }
0xf6: {  	[sflag:s21] =	ssyncadd.s32 $0xFFFFC000  }
0xf7: {  	[spmem:s3] =	stream.indirect.scatter.add.f32 [tilespmem:s18], [sflag:$0x3], $0x80, s22, s16, $0xb8;
	[tilespmem:$0x1CC00] =	vst v63  }
0xf8: {  	_ =	swait.ge [sflag:s14], $0x4000  }
0xf9: {  	[sflag:s14] =	ssyncset.done $0x0  }
0xfa: {  	[sflag:s14] =	ssyncadd.s32 $0xFFFFC000  }
0xfb: {  	[tilespmem:s18], [sflag:$0x2] =	stream.indirect.gather [hbm4b:s2+s16], $0x80, s23, s16, $0xb8;
	[tilespmem:$0x1CC00] =	vst v63  }
0xfc: {  	_ =	swait.ge [sflag:s19], $0x4000  }
0xfd: {  	[sflag:s19] =	ssyncset.done $0x0  }
0xfe: {  	[sflag:s19] =	ssyncadd.s32 $0xFFFFC000  }
0xff: {  	[spmem:s3] =	stream.indirect.scatter.add.f32 [tilespmem:s17], [sflag:$0x3], $0x80, s24, s16, $0xb8;
	[tilespmem:$0x1CC00] =	vst v63  }
0x100: {  	_ =	swait.ge [sflag:s14], $0x4000  }
0x101: {  	[sflag:s14] =	ssyncset.done $0x0  }
0x102: {  	[sflag:s14] =	ssyncadd.s32 $0xFFFFC000  }
0x103: {  	[tilespmem:s17], [sflag:$0x1] =	stream.indirect.gather [hbm4b:s2+s16], $0x80, s25, s16, $0xb8;
	[tilespmem:$0x1CC00] =	vst v63  }
0x104: {  	_ =	swait.ge [sflag:s21], $0x4000  }
0x105: {  	[sflag:s21] =	ssyncset.done $0x0  }
0x106: {  	[sflag:s21] =	ssyncadd.s32 $0xFFFFC000  }
0x107: {  	[spmem:s3] =	stream.indirect.scatter.add.f32 [tilespmem:s18], [sflag:$0x3], $0x80, s26, s16, $0xb8;
	[tilespmem:$0x1CC00] =	vst v63  }
0x108: {  	_ =	swait.ge [sflag:s14], $0x4000  }
0x109: {  	[sflag:s14] =	ssyncset.done $0x0  }
0x10a: {  	[sflag:s14] =	ssyncadd.s32 $0xFFFFC000  }
0x10b: {  	[tilespmem:s18], [sflag:$0x2] =	stream.indirect.gather [hbm4b:s2+s16], $0x80, s28, s16, $0xb8;
	[tilespmem:$0x1CC00] =	vst v63  }
0x10c: {  	_ =	swait.ge [sflag:s19], $0x4000  }
0x10d: {  	[sflag:s19] =	ssyncset.done $0x0  }
0x10e: {  	[sflag:s19] =	ssyncadd.s32 $0xFFFFC000  }
0x10f: {  	[spmem:s3] =	stream.indirect.scatter.add.f32 [tilespmem:s17], [sflag:$0x3], $0x80, s29, s16, $0xb8;
	[tilespmem:$0x1CC00] =	vst v63  }
0x110: {  	_ =	swait.ge [sflag:s14], $0x4000  }
0x111: {  	[sflag:s14] =	ssyncset.done $0x0  }
0x112: {  	[sflag:s14] =	ssyncadd.s32 $0xFFFFC000  }
0x113: {  	[tilespmem:s17], [sflag:$0x1] =	stream.indirect.gather [hbm4b:s2+s16], $0x80, s30, s16, $0xb8;
	[tilespmem:$0x1CC00] =	vst v63  }
0x114: {  	_ =	swait.ge [sflag:s21], $0x4000  }
0x115: {  	[sflag:s21] =	ssyncset.done $0x0  }
0x116: {  	[sflag:s21] =	ssyncadd.s32 $0xFFFFC000  }
0x117: {  	[spmem:s3] =	stream.indirect.scatter.add.f32 [tilespmem:s18], [sflag:$0x3], $0x80, s31, s16, $0xb8;
	[tilespmem:$0x1CC00] =	vst v63  }
0x118: {  	_ =	swait.ge [sflag:s14], $0x4000  }
0x119: {  	[sflag:s14] =	ssyncset.done $0x0  }
0x11a: {  	[sflag:s14] =	ssyncadd.s32 $0xFFFFC000  }
0x11b: {  	[tilespmem:s18], [sflag:$0x2] =	stream.indirect.gather [hbm4b:s2+s16], $0x80, s0, s16, $0xb8;
	[tilespmem:$0x1CC00] =	vst v63  }
0x11c: {  	_ =	swait.ge [sflag:s19], $0x4000  }
0x11d: {  	[sflag:s19] =	ssyncset.done $0x0  }
0x11e: {  	[sflag:s19] =	ssyncadd.s32 $0xFFFFC000  }
0x11f: {  	[spmem:s3] =	stream.indirect.scatter.add.f32 [tilespmem:s17], [sflag:$0x3], $0x80, s8, s16, $0xb8;
	[tilespmem:$0x1CC00] =	vst v63  }
0x120: {  	_ =	swait.ge [sflag:s14], $0x4000  }
0x121: {  	[sflag:s14] =	ssyncset.done $0x0  }
0x122: {  	[sflag:s14] =	ssyncadd.s32 $0xFFFFC000  }
0x123: {  	_ =	swait.ge [sflag:s21], $0x4000  }
.Ltmp4:
0x124: {  	[sflag:s21] =	ssyncset.done $0x0;
	(pc) =	sbr.rel @p1 .LBB2_4-.Ltmp4, $4  }
0x125: {  	[sflag:s21] =	ssyncadd.s32 $0xFFFFC000  }
0x126: {  	[spmem:s3] =	stream.indirect.scatter.add.f32 [tilespmem:s18], [sflag:$0x3], $0x80, s1, s16, $0xb8;
	[tilespmem:$0x1CC00] =	vst v63  }
0x127: {  	_ =	swait.ge [sflag:s14], $0x4000  }
0x128: {  	[sflag:s14] =	ssyncset.done $0x0  }
.LBB2_5:
0x129: {  	[sflag:s14] =	ssyncadd.s32 $0xFFFFC000;
	s5 =	stileid.u32  }
0x12a: {  	s10 =	sshrl.u32 s6, $0x3;
	s5 =	sshll.u32 s5, $0x6;
	[bflag:$0x0] =	sbarrier.arrive $0xFFFF  }
.Ltmp5:
0x12b: {  	s9 =	sor.u32 $0x1C03, s5;
	s11 =	rddreg [dreg:$0x5];
	(pc) =	sbr.rel @p0 .LBB2_13-.Ltmp5, $4  }
0x12c: {  	[hbm:s11], [sflag:s9] =	dma.local [spmem:s10], $0x2800  }
0x12d: {  	_ =	swait.ge [sflag:s14], $0x2800  }
0x12e: {  	[sflag:s14] =	ssyncset.done $0x0  }
0x12f: {  	[sflag:s14] =	ssyncadd.s32 $0xFFFFD800  }
0x130: {  	[dreg:$0xa] =	wrdreg s9  }
0x131: {  	s5 =	sadd.s32 $0x0, s6;
	[bflag:$0x0] =	sbarrier.arrive $0xFFFF  }
0x132: {  	[spmem:s5] =	stream.linear.scatter [tilespmem:s13], [sflag:$0x3], $0x400, $0x38;
	[tilespmem:$0x1CC00] =	vst v63  }
0x133: {  	s11 =	simm.s32 $0x1000;
	s5 =	simm.s32 $0x0;
	_ =	swait.ge [sflag:s14], $0x400  }
.LBB2_7:
0x134: {  	s9 =	sshra.s32 s11, $0x2;
	[sflag:s14] =	ssyncset.done $0x0;
	p1 =	sne.s32 s11, $0x4F000  }
.Ltmp6:
0x135: {  	s9 =	sadd.s32 s9, s6;
	[sflag:s14] =	ssyncadd.s32 $0xFFFFFC00;
	(pc) =	sbr.rel @p1 .LBB2_7-.Ltmp6, $3  }
0x136: {  	[spmem:s9] =	stream.linear.scatter [tilespmem:s13], [sflag:$0x3], $0x400, $0x38;
	[tilespmem:$0x1CC00] =	vst v63  }
0x137: {  	s11 =	sadd.s32 $0x1000, s11;
	_ =	sdelay $0x1  }
0x138: {  	_ =	swait.ge [sflag:s14], $0x400  }
0x139: {  	[sflag:s14] =	ssyncset.done $0x0  }
0x13a: {  	[dreg:$0xb] =	wrdreg s10;
	s11 =	simm.s32 $0x200;
	[sflag:s14] =	ssyncadd.s32 $0xFFFFFC00  }
.LBB2_9:
0x13b: {  	p1 =	sne.s32 s11, $0xFE00;
	[tilespmem:s5+$0x870] =	vst v1  }
0x13c: {  	[tilespmem:s5+$0x800] =	vst v1  }
0x13d: {  	[tilespmem:s5+$0x810] =	vst v1  }
.Ltmp7:
0x13e: {  	[tilespmem:s5+$0x820] =	vst v1;
	(pc) =	sbr.rel @p1 .LBB2_9-.Ltmp7, $4  }
0x13f: {  	[tilespmem:s5+$0x830] =	vst v1  }
0x140: {  	[tilespmem:s5+$0x840] =	vst v1  }
0x141: {  	[tilespmem:s5+$0x850] =	vst v1  }
0x142: {  	[tilespmem:s5+$0x860] =	vst v1;
	s5 =	sshra.s32 s11, $0x2;
	s11 =	sadd.s32 $0x200, s11  }
0x143: {  	[tilespmem:s5+$0x870] =	vst v1  }
0x144: {  	[tilespmem:s5+$0x800] =	vst v1  }
0x145: {  	[tilespmem:s5+$0x810] =	vst v1  }
0x146: {  	[tilespmem:s5+$0x820] =	vst v1  }
0x147: {  	[tilespmem:s5+$0x830] =	vst v1  }
0x148: {  	[tilespmem:s5+$0x840] =	vst v1  }
0x149: {  	[tilespmem:s5+$0x850] =	vst v1  }
0x14a: {  	[tilespmem:s5+$0x860] =	vst v1  }
0x14b: {  	s11 =	sadd.s32 $0x0, s12;
	[bflag:$0x0] =	sbarrier.arrive $0xFFFF  }
0x14c: {  	[tilespmem:s15], [sflag:$0x3] =	stream.linear.gather [hbm4b:s11+s4], $0x400, $0x38;
	[tilespmem:$0x1CC00] =	vst v63  }
0x14d: {  	_ =	swait.ge [sflag:s14], $0x400  }
0x14e: {  	[sflag:s14] =	ssyncset.done $0x0  }
0x14f: {  	[sflag:s14] =	ssyncadd.s32 $0xFFFFFC00  }
0x150: {  	[spmem:s3] =	stream.indirect.scatter.add.f32 [tilespmem:s17], [sflag:$0x3], $0x80, s15, s16, $0xb8;
	[tilespmem:$0x1CC00] =	vst v63  }
0x151: {  	_ =	swait.ge [sflag:s14], $0x4000  }
0x152: {  	[sflag:s14] =	ssyncset.done $0x0  }
0x153: {  	[sflag:s14] =	ssyncadd.s32 $0xFFFFC000  }
0x154: {  	[spmem:s3] =	stream.indirect.scatter.add.f32 [tilespmem:s17], [sflag:$0x3], $0x80, s22, s16, $0xb8;
	[tilespmem:$0x1CC00] =	vst v63  }
0x155: {  	_ =	swait.ge [sflag:s14], $0x4000  }
0x156: {  	[sflag:s14] =	ssyncset.done $0x0  }
0x157: {  	[sflag:s14] =	ssyncadd.s32 $0xFFFFC000  }
0x158: {  	[spmem:s3] =	stream.indirect.scatter.add.f32 [tilespmem:s17], [sflag:$0x3], $0x80, s24, s16, $0xb8;
	[tilespmem:$0x1CC00] =	vst v63  }
0x159: {  	_ =	swait.ge [sflag:s14], $0x4000  }
0x15a: {  	[sflag:s14] =	ssyncset.done $0x0  }
0x15b: {  	[sflag:s14] =	ssyncadd.s32 $0xFFFFC000  }
0x15c: {  	[spmem:s3] =	stream.indirect.scatter.add.f32 [tilespmem:s17], [sflag:$0x3], $0x80, s26, s16, $0xb8;
	[tilespmem:$0x1CC00] =	vst v63  }
0x15d: {  	_ =	swait.ge [sflag:s14], $0x4000  }
0x15e: {  	[sflag:s14] =	ssyncset.done $0x0  }
0x15f: {  	[sflag:s14] =	ssyncadd.s32 $0xFFFFC000  }
0x160: {  	[spmem:s3] =	stream.indirect.scatter.add.f32 [tilespmem:s17], [sflag:$0x3], $0x80, s29, s16, $0xb8;
	[tilespmem:$0x1CC00] =	vst v63  }
0x161: {  	_ =	swait.ge [sflag:s14], $0x4000  }
0x162: {  	[sflag:s14] =	ssyncset.done $0x0  }
0x163: {  	[sflag:s14] =	ssyncadd.s32 $0xFFFFC000  }
0x164: {  	[spmem:s3] =	stream.indirect.scatter.add.f32 [tilespmem:s17], [sflag:$0x3], $0x80, s31, s16, $0xb8;
	[tilespmem:$0x1CC00] =	vst v63  }
0x165: {  	_ =	swait.ge [sflag:s14], $0x4000  }
0x166: {  	[sflag:s14] =	ssyncset.done $0x0  }
0x167: {  	[sflag:s14] =	ssyncadd.s32 $0xFFFFC000  }
0x168: {  	[spmem:s3] =	stream.indirect.scatter.add.f32 [tilespmem:s17], [sflag:$0x3], $0x80, s8, s16, $0xb8;
	[tilespmem:$0x1CC00] =	vst v63  }
0x169: {  	_ =	swait.ge [sflag:s14], $0x4000  }
0x16a: {  	[sflag:s14] =	ssyncset.done $0x0  }
0x16b: {  	[sflag:s14] =	ssyncadd.s32 $0xFFFFC000  }
0x16c: {  	[spmem:s3] =	stream.indirect.scatter.add.f32 [tilespmem:s17], [sflag:$0x3], $0x80, s1, s16, $0xb8;
	[tilespmem:$0x1CC00] =	vst v63  }
0x16d: {  	_ =	swait.ge [sflag:s14], $0x4000  }
0x16e: {  	s5 =	simm.s32 $0x100;
	s11 =	simm.s32 $0x80;
	[sflag:s14] =	ssyncset.done $0x0  }
.LBB2_11:
0x16f: {  	s10 =	sadd.s32 s11, s12  }
0x170: {  	[sflag:s14] =	ssyncadd.s32 $0xFFFFC000;
	s11 =	smov.u32 s5;
	s9 =	sadd.s32 $0x80, s5  }
0x171: {  	[tilespmem:s15], [sflag:$0x3] =	stream.linear.gather [hbm4b:s10+s4], $0x400, $0x38;
	[tilespmem:$0x1CC00] =	vst v63  }
0x172: {  	p1 =	sne.s32 s5, $0x980;
	_ =	swait.ge [sflag:s14], $0x400  }
0x173: {  	[sflag:s14] =	ssyncset.done $0x0  }
0x174: {  	[sflag:s14] =	ssyncadd.s32 $0xFFFFFC00  }
0x175: {  	[spmem:s3] =	stream.indirect.scatter.add.f32 [tilespmem:s17], [sflag:$0x3], $0x80, s15, s16, $0xb8;
	[tilespmem:$0x1CC00] =	vst v63  }
0x176: {  	_ =	swait.ge [sflag:s14], $0x4000  }
0x177: {  	[sflag:s14] =	ssyncset.done $0x0  }
0x178: {  	[sflag:s14] =	ssyncadd.s32 $0xFFFFC000  }
0x179: {  	[spmem:s3] =	stream.indirect.scatter.add.f32 [tilespmem:s17], [sflag:$0x3], $0x80, s22, s16, $0xb8;
	[tilespmem:$0x1CC00] =	vst v63  }
0x17a: {  	_ =	swait.ge [sflag:s14], $0x4000  }
0x17b: {  	[sflag:s14] =	ssyncset.done $0x0  }
0x17c: {  	[sflag:s14] =	ssyncadd.s32 $0xFFFFC000  }
0x17d: {  	[spmem:s3] =	stream.indirect.scatter.add.f32 [tilespmem:s17], [sflag:$0x3], $0x80, s24, s16, $0xb8;
	[tilespmem:$0x1CC00] =	vst v63  }
0x17e: {  	_ =	swait.ge [sflag:s14], $0x4000  }
0x17f: {  	[sflag:s14] =	ssyncset.done $0x0  }
0x180: {  	[sflag:s14] =	ssyncadd.s32 $0xFFFFC000  }
0x181: {  	[spmem:s3] =	stream.indirect.scatter.add.f32 [tilespmem:s17], [sflag:$0x3], $0x80, s26, s16, $0xb8;
	[tilespmem:$0x1CC00] =	vst v63  }
0x182: {  	_ =	swait.ge [sflag:s14], $0x4000  }
0x183: {  	[sflag:s14] =	ssyncset.done $0x0  }
0x184: {  	[sflag:s14] =	ssyncadd.s32 $0xFFFFC000  }
0x185: {  	[spmem:s3] =	stream.indirect.scatter.add.f32 [tilespmem:s17], [sflag:$0x3], $0x80, s29, s16, $0xb8;
	[tilespmem:$0x1CC00] =	vst v63  }
0x186: {  	_ =	swait.ge [sflag:s14], $0x4000  }
0x187: {  	[sflag:s14] =	ssyncset.done $0x0  }
0x188: {  	[sflag:s14] =	ssyncadd.s32 $0xFFFFC000  }
0x189: {  	[spmem:s3] =	stream.indirect.scatter.add.f32 [tilespmem:s17], [sflag:$0x3], $0x80, s31, s16, $0xb8;
	[tilespmem:$0x1CC00] =	vst v63  }
0x18a: {  	_ =	swait.ge [sflag:s14], $0x4000  }
0x18b: {  	[sflag:s14] =	ssyncset.done $0x0  }
0x18c: {  	[sflag:s14] =	ssyncadd.s32 $0xFFFFC000  }
0x18d: {  	[spmem:s3] =	stream.indirect.scatter.add.f32 [tilespmem:s17], [sflag:$0x3], $0x80, s8, s16, $0xb8;
	[tilespmem:$0x1CC00] =	vst v63  }
0x18e: {  	_ =	swait.ge [sflag:s14], $0x4000  }
.Ltmp8:
0x18f: {  	[sflag:s14] =	ssyncset.done $0x0;
	(pc) =	sbr.rel @p1 .LBB2_11-.Ltmp8, $4  }
0x190: {  	[sflag:s14] =	ssyncadd.s32 $0xFFFFC000  }
0x191: {  	[spmem:s3] =	stream.indirect.scatter.add.f32 [tilespmem:s17], [sflag:$0x3], $0x80, s1, s16, $0xb8;
	[tilespmem:$0x1CC00] =	vst v63  }
0x192: {  	_ =	swait.ge [sflag:s14], $0x4000  }
0x193: {  	s5 =	smov.u32 s9;
	[sflag:s14] =	ssyncset.done $0x0  }
.Ltmp9:
0x194: {  	_ = 	snop;
	(pc) =	sbr.rel .LBB2_12-.Ltmp9, $1  }
0x195: {  	_ =	sdelay $0x3  }
.LBB2_14:
0x196: {  	_ =	sfence.sel $0x180000  }
0x197: {  	[bflag:$0x0] =	sbarrier.arrive $0xFFFF  }
0x198: {  	_ =	strace $0x90000047  }
0x199: {  	s0 =	stileid.u32;
	[bflag:$0x2] =	sbarrier.arrive $0xFFFF  }
0x19a: {  	p0 =	sne.s32 s0, $0x0;
	s0 =	rddreg [dreg:$0x3]  }
0x19b: {  	s0 =	sadd.s32 @!p0 $0x100000, s0  }
0x19c: {  	[sflag:s0] =	ssyncadd.tile.s32 @!p0 $0x1;
	_ =	shalt  }
.Lfunc_end2:
_tile_overlayer_lowered:
.L_overlay_start_2:
0x19d: {  	(tag) =	ssettag $0x2  }
0x19e: {  	s0 =	rddreg [dreg:$0x0];
	s2 =	stileid.u32  }
0x19f: {  	s1 =	rddreg [dreg:$0x1];
	p0 =	sne.s32 s2, $0x0  }
0x1a0: {  	s3 =	rddreg [dreg:$0x2];
	[bflag:$0x3] =	sbarrier.arrive $0xFFFF;
	s2 =	simm.s32 @!p0 $0x1C03  }
0x1a1: {  	[timem:s3], [sflag:s2] =	dma.local @!p0 [hbm:s0], s1  }
0x1a2: {  	s0 =	simm.s32 @!p0 $0x3  }
0x1a3: {  	_ =	swait.ge @!p0 [sflag:s0], s1  }
0x1a4: {  	s1 =	ssub.s32 @!p0 $0x0, s1;
	[sflag:s0] =	ssyncset.done @!p0 $0x0  }
0x1a5: {  	[sflag:s0] =	ssyncadd.s32 @!p0 s1  }
0x1a6: {  	[bflag:$0x3] =	sbarrier.arrive $0xFFFF  }
0x1a7: {  	_ =	shalt  }

// kernel: kernel.9.cloned.1.call-start
scs
__scs_entry_jumppad:
0x0: {  	(pc) =	sbr.rel $0x88, $3  }
0x1: {  	(tag) =	ssettag $0x0;
	lr =	simm.s32 $0x1  }
0x2: {  	[smem:$0x3F93] =	sst lr;
	_ =	strace $0xD0000000  }
0x3: {  	_ = 	snop  }
0x4: {  	_ = 	snop  }
0x5: {  	_ = 	snop  }
0x6: {  	_ = 	snop  }
0x7: {  	_ = 	snop  }
__scs_overlays_trampoline_lowered:
0x8: {  	[smem:$0x3FA2] =	sst s0  }
0x9: {  	[smem:$0x3FA3] =	sst s1  }
0xa: {  	[smem:$0x3FA4] =	sst s2  }
0xb: {  	[smem:$0x3FA5] =	sst s3  }
0xc: {  	[smem:$0x3FA6] =	sst s4  }
0xd: {  	[smem:$0x3FA7] =	sst s5  }
0xe: {  	[smem:$0x3FA8] =	sst s6  }
0xf: {  	[smem:$0x3FA9] =	sst s7  }
0x10: {  	[smem:$0x3FAA] =	sst s8  }
0x11: {  	[smem:$0x3FAB] =	sst s9;
	s0 =	simm.s32 @!p0 $0x0  }
0x12: {  	s1 =	sld [smem:$0x3F91];
	s0 =	simm.s32 @p0 $0x1  }
0x13: {  	[smem:$0x3FAC] =	sst s0;
	s0 =	simm.s32 @!p1 $0x0  }
0x14: {  	s2 =	sld [smem:$0x3F90];
	s0 =	simm.s32 @p1 $0x1  }
0x15: {  	[smem:$0x3FAD] =	sst s0;
	s0 =	simm.s32 @!p2 $0x0  }
0x16: {  	s3 =	sld [smem:$0x3FDB];
	s0 =	simm.s32 @p2 $0x1  }
0x17: {  	s4 =	simm.s32 $0x1BF5;
	[smem:$0x3FAF] =	sst s0  }
0x18: {  	s0 =	sld [smem:$0x3F92];
	_ =	swait.ge [sflag:s4], $0x0  }
0x19: {  	s7 =	sld [smem:$0x3F93]  }
0x1a: {  	s8 =	sadd.s32 $0xFFFFE003, lr  }
0x1b: {  	s9 =	sadd.s32 $0xFFFFFEF7, lr;
	s5 =	simm.s32 $0xFFFFFFFF;
	p2 =	slt.u32 s8, $0xFFFFF086  }
0x1c: {  	p1 =	slt.u32 s9, $0xF7A;
	s5 =	simm.s32 @!p2 $0x0  }
0x1d: {  	s5 =	simm.s32 @p1 $0x1;
	p0 =	seq.s32 s7, s2  }
0x1e: {  	s7 =	smul.u32 @!p0 $0xF7A, s2;
	p2 =	seq.s32 @!p0 s5, $0x0  }
0x1f: {  	s9 =	smul.u32 $0xF7A, s1;
	s8 =	simm.s32 @!p0 $0x1BF5;
	p2 =	por !p2, p0  }
0x20: {  	[sflag:s8] =	ssyncset.s32 @!p0 $0xFFFFF086;
	s6 =	sadd.s32 @!p0 s3, s7;
	s7 =	simm.s32 @!p0 $0x108  }
0x21: {  	s3 =	sadd.s32 s3, s9;
	s6 =	sadd.s32 @!p0 $0x88, s6;
	s7 =	simm.s32 @p2 $0x1082  }
0x22: {  	[simem:s7], [sflag:s8] =	dma.local @!p0 [hbm:s6], $0xF7A  }
0x23: {  	s9 =	sor.u32 $0xD0000000, s2;
	s6 =	simm.s32 $0x108;
	_ =	swait.ge @!p0 [sflag:s8], $0x0  }
0x24: {  	s3 =	sadd.s32 $0x88, s3;
	s6 =	simm.s32 @!p1 $0x1082;
	[sflag:s4] =	ssyncset.s32 $0xFFFFF086  }
0x25: {  	[simem:s6], [sflag:s4] =	dma.local [hbm:s3], $0xF7A  }
0x26: {  	[smem:$0x3F93] =	sst s1;
	(tag) =	ssettag s2;
	_ =	strace s9  }
0x27: {  	s1 =	sld [smem:$0x3FA3]  }
0x28: {  	s2 =	sld [smem:$0x3FA4]  }
0x29: {  	s4 =	sld [smem:$0x3FA6]  }
0x2a: {  	p0 =	seq.s32 s5, $0x0;
	s5 =	sld [smem:$0x3FA7]  }
0x2b: {  	s6 =	sld [smem:$0x3FA8]  }
0x2c: {  	s7 =	sld [smem:$0x3FA9]  }
0x2d: {  	s3 =	simm.s32 $0x108;
	s8 =	sld [smem:$0x3FAA]  }
0x2e: {  	s3 =	simm.s32 @!p0 $0x1082;
	s9 =	sld [smem:$0x3FAB]  }
0x2f: {  	lr =	sadd.s32 s0, s3;
	s0 =	sld [smem:$0x3FA2]  }
0x30: {  	s3 =	sld [smem:$0x3FA5]  }
0x31: {  	[smem:$0x3FAE] =	sst s10  }
0x32: {  	s10 =	sld [smem:$0x3FAC];
	_ =	sdelay $0x3  }
0x33: {  	p0 =	seq.s32 s10, $0x1;
	s10 =	sld [smem:$0x3FAE];
	_ =	sdelay $0x3  }
0x34: {  	[smem:$0x3FAE] =	sst s10  }
0x35: {  	s10 =	sld [smem:$0x3FAD];
	_ =	sdelay $0x3  }
0x36: {  	p1 =	seq.s32 s10, $0x1;
	s10 =	sld [smem:$0x3FAE];
	_ =	sdelay $0x3  }
0x37: {  	[smem:$0x3FAE] =	sst s10  }
0x38: {  	s10 =	sld [smem:$0x3FAF]  }
0x39: {  	_ = 	snop;
	(pc) =	sbr.ind lr, $3  }
0x3a: {  	_ = 	snop  }
0x3b: {  	_ = 	snop  }
0x3c: {  	p2 =	seq.s32 s10, $0x1;
	s10 =	sld [smem:$0x3FAE]  }
0x3d: {  	_ =	shalt  }
0x3e: {  	_ =	shalt  }
0x3f: {  	_ =	shalt  }
0x40: {  	_ =	shalt  }
0x41: {  	_ =	shalt  }
0x42: {  	_ =	shalt  }
0x43: {  	_ =	shalt  }
0x44: {  	_ =	shalt  }
0x45: {  	_ =	shalt  }
0x46: {  	_ =	shalt  }
0x47: {  	_ =	shalt  }
0x48: {  	_ =	shalt  }
0x49: {  	_ =	shalt  }
0x4a: {  	_ =	shalt  }
0x4b: {  	_ =	shalt  }
0x4c: {  	_ =	shalt  }
0x4d: {  	_ =	shalt  }
0x4e: {  	_ =	shalt  }
0x4f: {  	_ =	shalt  }
0x50: {  	_ =	shalt  }
0x51: {  	_ =	shalt  }
0x52: {  	_ =	shalt  }
0x53: {  	_ =	shalt  }
0x54: {  	_ =	shalt  }
0x55: {  	_ =	shalt  }
0x56: {  	_ =	shalt  }
0x57: {  	_ =	shalt  }
0x58: {  	_ =	shalt  }
0x59: {  	_ =	shalt  }
0x5a: {  	_ =	shalt  }
0x5b: {  	_ =	shalt  }
0x5c: {  	_ =	shalt  }
0x5d: {  	_ =	shalt  }
0x5e: {  	_ =	shalt  }
0x5f: {  	_ =	shalt  }
0x60: {  	_ =	shalt  }
0x61: {  	_ =	shalt  }
0x62: {  	_ =	shalt  }
0x63: {  	_ =	shalt  }
0x64: {  	_ =	shalt  }
0x65: {  	_ =	shalt  }
0x66: {  	_ =	shalt  }
0x67: {  	_ =	shalt  }
0x68: {  	_ =	shalt  }
0x69: {  	_ =	shalt  }
0x6a: {  	_ =	shalt  }
0x6b: {  	_ =	shalt  }
0x6c: {  	_ =	shalt  }
0x6d: {  	_ =	shalt  }
0x6e: {  	_ =	shalt  }
0x6f: {  	_ =	shalt  }
0x70: {  	_ =	shalt  }
0x71: {  	_ =	shalt  }
0x72: {  	_ =	shalt  }
0x73: {  	_ =	shalt  }
0x74: {  	_ =	shalt  }
0x75: {  	_ =	shalt  }
0x76: {  	_ =	shalt  }
0x77: {  	_ =	shalt  }
0x78: {  	_ =	shalt  }
0x79: {  	_ =	shalt  }
0x7a: {  	_ =	shalt  }
0x7b: {  	_ =	shalt  }
0x7c: {  	_ =	shalt  }
0x7d: {  	_ =	shalt  }
0x7e: {  	_ =	shalt  }
0x7f: {  	_ =	shalt  }
0x80: {  	_ =	shalt  }
0x81: {  	_ =	shalt  }
0x82: {  	_ =	shalt  }
0x83: {  	_ =	shalt  }
0x84: {  	_ =	shalt  }
0x85: {  	_ =	shalt  }
0x86: {  	_ =	shalt  }
0x87: {  	_ =	shalt  }
.Lfunc_end0:
.L_simem_size_0:
called_computation.1_lowered:
.L_overlay_start_0:
0x88: {  	s2 =	sld [smem:$0x3FD9]  }
0x89: {  	s3 =	sld [smem:$0x3FFE];
	_ =	sdelay $0x1  }
0x8a: {  	s1 =	srdreg.scid  }
0x8b: {  	s0 =	sand.u32 $0x1, s1  }
0x8c: {  	s16 =	sshll.u32 s0, $0xA;
	s2 =	sadd.s32 s3, s2  }
0x8d: {  	s2 =	sadd.s32 s2, s16  }
0x8e: {  	[smem:$0x3FBA] =	sst s2  }
0x8f: {  	_ = 	snop  }
0x90: {  	(tm) =	ssettm $0x1  }
0x91: {  	s17 =	sld [smem:$0x3FFB];
	_ =	sdelay $0x3  }
0x92: {  	_ =	strace s17  }
0x93: {  	s2 =	sld [smem:$0x3FFC];
	_ =	sdelay $0x3  }
0x94: {  	_ =	strace s2  }
0x95: {  	s2 =	sld [smem:$0x3FFD];
	_ =	sdelay $0x3  }
0x96: {  	_ =	strace s2  }
0x97: {  	_ =	strace $0x8FFFFFFF  }
0x98: {  	s18 =	sld [smem:$0x3FDB];
	_ =	sdelay $0x1  }
0x99: {  	s19 =	simm.s32 $_scs_section_size  }
0x9a: {  	s4 =	simm.s32 $_size__tile_overlayer_lowered;
	s5 =	simm.s32 $_tile_overlayer_lowered  }
0x9b: {  	s22 =	simm.s32 $0x1BFF;
	s21 =	sshll.u32 s5, $0x1;
	s2 =	sadd.s32 s19, s18  }
0x9c: {  	s6 =	simm.s32 $0x0;
	s20 =	sshll.u32 s4, $0x1;
	s4 =	sadd.s32 s21, s2  }
0x9d: {  	[timem:s6], [sflag:s22] =	dma.local [hbm:s4], s20  }
0x9e: {  	_ =	swait.ge [sflag:s22], s20  }
0x9f: {  	s3 =	ssub.s32 $0x0, s20;
	[sflag:s22] =	ssyncset.done $0x0  }
0xa0: {  	[sflag:s22] =	ssyncadd.s32 s3;
	_ =	sdelay $0x1  }
0xa1: {  	s23 =	simm.s32 $0x1B8B  }
0xa2: {  	_ =	swait.ge [sflag:s23], $0x1  }
0xa3: {  	[sflag:s23] =	ssyncset.done $0x0  }
0xa4: {  	s25 =	simm.s32 $0x1B8E;
	s24 =	sld [smem:$0x3FFE];
	[sflag:s23] =	ssyncadd.s32 $0xFFFFFFFF  }
0xa5: {  	s26 =	simm.s32 $execute0_lowered;
	[smem:$0x3FD2] =	sst s25  }
0xa6: {  	s4 =	sshll.u32 s26, $0x1;
	_ =	strace $0x80000049;
	[dreg:$0x1] =	wrdreg $0xFFFFFFFF  }
0xa7: {  	s28 =	simm.s32 $_size_execute0_lowered;
	s2 =	sadd.s32 s2, s4;
	[dreg:$0x0] =	wrdreg $0x0  }
0xa8: {  	s4 =	sshll.u32 s28, $0x1;
	[dreg:$0x2] =	wrdreg s2  }
0xa9: {  	[dreg:$0x3] =	wrdreg s4  }
0xaa: {  	[dreg:$0x4] =	wrdreg $0xC0  }
0xab: {  	_ =	task [dreg:s6], $0x5FFFF  }
0xac: {  	[dreg:$0x1] =	wrdreg $0xFFFFFFFF  }
0xad: {  	[dreg:$0x0] =	wrdreg $0x60  }
0xae: {  	[dreg:$0x2] =	wrdreg s24  }
0xaf: {  	[dreg:$0x3] =	wrdreg $0x8C000  }
0xb0: {  	[dreg:$0x4] =	wrdreg $0x9  }
0xb1: {  	_ =	task.clear_ibuf [dreg:s6], $0x5FFFF;
	_ =	strace $0x90000049  }
0xb2: {  	s29 =	simm.s32 $0x9;
	_ =	strace $0x8000004B  }
0xb3: {  	_ =	swait.ge [sflag:s29], $0x1  }
0xb4: {  	[sflag:s29] =	ssyncadd.s32 $0xFFFFFFFF  }
0xb5: {  	_ =	strace $0x9000004B  }
0xb6: {  	_ =	sfence  }
0xb7: {  	s30 =	sld [smem:$0x0];
	_ =	sdelay $0x2  }
0xb8: {  	s31 =	sshll.u32 s1, $0xD;
	s1 =	sshrl.u32 s1, $0x2  }
0xb9: {  	s3 =	sand.u32 $0x4000, s31;
	s1 =	sadd.s32 s1, s30  }
0xba: {  	s0 =	sor.u32 s3, s0;
	s1 =	sshll.u32 s1, $0x11  }
0xbb: {  	s0 =	sor.u32 s1, s0  }
0xbc: {  	s0 =	sadd.s32 $0x8F2B, s0  }
0xbd: {  	[sflag:s0] =	ssyncadd.remote.s32 $0x1  }
0xbe: {  	_ =	sfence.sel $0xFFFF  }
0xbf: {  	[dreg:$0x0] =	wrdreg $0xFFFFFFFF;
	(pc) =	sbr.abs _section_cstart, $3  }
0xc0: {  	[dreg:$0x1] =	wrdreg $0xFFFFFFFF  }
0xc1: {  	_ =	task.clear_ibuf [dreg:s6], $0x2FFFF;
	_ =	strace $0x9FFFFFFF  }
0xc2: {  	(tm) =	ssettm $0x7FFFFFFF  }
0xc3: {  	_ =	shalt  }
tec
execute0_lowered:
.L_overlay_start_1:
0x0: {  	(tag) =	ssettag $0x1  }
0x1: {  	s0 =	rddreg [dreg:$0x0]  }
0x2: {  	s2 =	rddreg [dreg:$0x1];
	s8 =	stileid.u32;
	s3 =	simm.s32 $0x0  }
0x3: {  	s1 =	srdreg.scid;
	s11 =	simm.s32 $0x8800;
	s12 =	simm.s32 $0x3  }
0x4: {  	s13 =	simm.s32 $0x400;
	s14 =	simm.s32 $0x80;
	s15 =	simm.s32 $0x800  }
0x5: {  	s16 =	simm.s32 $0x4800;
	s17 =	simm.s32 $0x1;
	s18 =	simm.s32 $0x100  }
0x6: {  	s19 =	simm.s32 $0x2;
	s20 =	simm.s32 $0x480;
	s4 =	smul.u32 $0x18, s8  }
0x7: {  	s21 =	simm.s32 $0x180;
	s28 =	simm.s32 $0x300;
	s5 =	smul.u32 $0x88, s8  }
0x8: {  	s29 =	simm.s32 $0x680;
	s30 =	simm.s32 $0x380;
	s22 =	smul.u32 $0x14000, s8  }
0x9: {  	s31 =	simm.s32 $0x700;
	s1 =	sand.u32 $0x1, s1;
	s23 =	smul.u32 $0x50000, s8  }
0xa: {  	[smem:$0x7FF] =	sst s3;
	p0 =	seq.s32 s1, $0x0;
	s6 =	smul.u32 $0x140000, s1  }
0xb: {  	_ =	strace $0x8000004A;
	s1 =	ssub.s32 $0x2, s1;
	s4 =	sadd.s32 $0x880, s4  }
0xc: {  	s24 =	sshrl.u32 s1, $0x1;
	s4 =	smov.u32 @p0 s5;
	s5 =	sadd.s32 s22, s6  }
0xd: {  	s1 =	ssub.s32 s1, s24;
	s6 =	sshrl.u32 s23, $0x2;
	s22 =	simm.s32 $0x500  }
0xe: {  	s23 =	simm.s32 $0x200;
	s24 =	simm.s32 $0x580;
	s7 =	sshll.u32 s4, $0x4  }
0xf: {  	s4 =	sadd.s32 $0x16A00, s0;
	s5 =	sshrl.u32 s5, $0x3;
	s6 =	sadd.s32 s6, s2  }
0x10: {  	s25 =	smax.u32 s1, $0x1;
	s1 =	simm.s32 $0x0;
	s7 =	sadd.s32 s7, s0  }
0x11: {  	s0 =	sadd.s32 s5, s0;
	s5 =	simm.s32 $0x11;
	[dreg:$0x4] =	wrdreg s25  }
0x12: {  	s25 =	simm.s32 $0x280;
	s5 =	simm.s32 @!p0 $0x3;
	s0 =	sadd.s32 $0x3DC00, s0  }
0x13: {  	s26 =	sadd.s32 $0x2A00, s7;
	s8 =	sadd.s32 $0xCA00, s7;
	[dreg:$0x3] =	wrdreg s0  }
0x14: {  	v0 =	vimm.f32 $0.0e+00;
	[dreg:$0x5] =	wrdreg s26;
	s26 =	simm.s32 $0x600;
	s0 =	simm.s32 $0x780  }
.LBB2_1:
0x15: {  	[tilespmem:$0x8800] =	vst v0  }
0x16: {  	[tilespmem:$0x8810] =	vst v0  }
0x17: {  	[tilespmem:$0x8820] =	vst v0  }
0x18: {  	[tilespmem:$0x8830] =	vst v0  }
0x19: {  	[tilespmem:$0x8840] =	vst v0  }
0x1a: {  	[tilespmem:$0x8850] =	vst v0  }
0x1b: {  	[tilespmem:$0x8860] =	vst v0  }
0x1c: {  	[tilespmem:$0x8870] =	vst v0  }
0x1d: {  	[tilespmem:$0x8880] =	vst v0  }
0x1e: {  	[tilespmem:$0x8890] =	vst v0  }
0x1f: {  	[tilespmem:$0x88A0] =	vst v0  }
0x20: {  	[tilespmem:$0x88B0] =	vst v0  }
0x21: {  	[tilespmem:$0x88C0] =	vst v0  }
0x22: {  	[tilespmem:$0x88D0] =	vst v0  }
0x23: {  	[tilespmem:$0x88E0] =	vst v0  }
0x24: {  	[tilespmem:$0x88F0] =	vst v0  }
0x25: {  	[tilespmem:$0x8900] =	vst v0  }
0x26: {  	[tilespmem:$0x8910] =	vst v0  }
0x27: {  	[tilespmem:$0x8920] =	vst v0  }
0x28: {  	[tilespmem:$0x8930] =	vst v0  }
0x29: {  	[tilespmem:$0x8940] =	vst v0  }
0x2a: {  	[tilespmem:$0x8950] =	vst v0  }
0x2b: {  	[tilespmem:$0x8960] =	vst v0  }
0x2c: {  	[tilespmem:$0x8970] =	vst v0  }
0x2d: {  	[tilespmem:$0x8980] =	vst v0  }
0x2e: {  	[tilespmem:$0x8990] =	vst v0  }
0x2f: {  	[tilespmem:$0x89A0] =	vst v0  }
0x30: {  	[tilespmem:$0x89B0] =	vst v0  }
0x31: {  	[tilespmem:$0x89C0] =	vst v0  }
0x32: {  	[tilespmem:$0x89D0] =	vst v0  }
0x33: {  	[tilespmem:$0x89E0] =	vst v0  }
0x34: {  	[tilespmem:$0x89F0] =	vst v0  }
0x35: {  	[tilespmem:$0x8A00] =	vst v0  }
0x36: {  	[tilespmem:$0x8A10] =	vst v0  }
0x37: {  	[tilespmem:$0x8A20] =	vst v0  }
0x38: {  	[tilespmem:$0x8A30] =	vst v0  }
0x39: {  	[tilespmem:$0x8A40] =	vst v0  }
0x3a: {  	[tilespmem:$0x8A50] =	vst v0  }
0x3b: {  	[tilespmem:$0x8A60] =	vst v0  }
0x3c: {  	[tilespmem:$0x8A70] =	vst v0  }
0x3d: {  	[tilespmem:$0x8A80] =	vst v0  }
0x3e: {  	[tilespmem:$0x8A90] =	vst v0  }
0x3f: {  	[tilespmem:$0x8AA0] =	vst v0  }
0x40: {  	[tilespmem:$0x8AB0] =	vst v0  }
0x41: {  	[tilespmem:$0x8AC0] =	vst v0  }
0x42: {  	[tilespmem:$0x8AD0] =	vst v0  }
0x43: {  	[tilespmem:$0x8AE0] =	vst v0  }
0x44: {  	[tilespmem:$0x8AF0] =	vst v0  }
0x45: {  	[tilespmem:$0x8B00] =	vst v0  }
0x46: {  	[tilespmem:$0x8B10] =	vst v0  }
0x47: {  	[tilespmem:$0x8B20] =	vst v0  }
0x48: {  	[tilespmem:$0x8B30] =	vst v0  }
0x49: {  	[tilespmem:$0x8B40] =	vst v0  }
0x4a: {  	[tilespmem:$0x8B50] =	vst v0  }
0x4b: {  	[tilespmem:$0x8B60] =	vst v0  }
0x4c: {  	[tilespmem:$0x8B70] =	vst v0  }
0x4d: {  	[tilespmem:$0x8B80] =	vst v0  }
0x4e: {  	[tilespmem:$0x8B90] =	vst v0  }
0x4f: {  	[tilespmem:$0x8BA0] =	vst v0  }
0x50: {  	[tilespmem:$0x8BB0] =	vst v0  }
0x51: {  	[tilespmem:$0x8BC0] =	vst v0  }
0x52: {  	[tilespmem:$0x8BD0] =	vst v0  }
0x53: {  	[tilespmem:$0x8BE0] =	vst v0  }
0x54: {  	[tilespmem:$0x8BF0] =	vst v0;
	s7 =	sadd.s32 $0x0, s6  }
0x55: {  	[spmem:s7] =	stream.linear.scatter [tilespmem:s11], [sflag:$0x3], $0x400, $0x38;
	[tilespmem:$0x1CC00] =	vst v63  }
0x56: {  	s7 =	simm.s32 $0x1000;
	_ =	swait.ge [sflag:s12], $0x400  }
.LBB2_2:
0x57: {  	s9 =	sshra.s32 s7, $0x2;
	[sflag:s12] =	ssyncset.done $0x0;
	p0 =	sne.s32 s7, $0x4F000  }
.Ltmp0:
0x58: {  	s9 =	sadd.s32 s9, s6;
	[sflag:s12] =	ssyncadd.s32 $0xFFFFFC00;
	(pc) =	sbr.rel @p0 .LBB2_2-.Ltmp0, $3  }
0x59: {  	[spmem:s9] =	stream.linear.scatter [tilespmem:s11], [sflag:$0x3], $0x400, $0x38;
	[tilespmem:$0x1CC00] =	vst v63  }
0x5a: {  	s7 =	sadd.s32 $0x1000, s7;
	_ =	sdelay $0x1  }
0x5b: {  	_ =	swait.ge [sflag:s12], $0x400  }
0x5c: {  	[sflag:s12] =	ssyncset.done $0x0  }
0x5d: {  	[sflag:s12] =	ssyncadd.s32 $0xFFFFFC00  }
0x5e: {  	[bflag:$0x0] =	sbarrier.arrive $0xFFFF  }
0x5f: {  	[tilespmem:s3], [sflag:$0x3] =	stream.linear.gather [hbm4b:s8+s3], $0x400, $0x38;
	[tilespmem:$0x1CC00] =	vst v63  }
0x60: {  	_ =	swait.ge [sflag:s12], $0x400  }
0x61: {  	[sflag:s12] =	ssyncset.done $0x0  }
0x62: {  	s9 =	rddreg [dreg:$0x5];
	[sflag:s12] =	ssyncadd.s32 $0xFFFFFC00  }
0x63: {  	[tilespmem:s13], [sflag:$0x3] =	stream.linear.gather [hbm4b:s9+s3], $0x400, $0x38;
	[tilespmem:$0x1CC00] =	vst v63  }
0x64: {  	_ =	swait.ge [sflag:s12], $0x400  }
0x65: {  	[sflag:s12] =	ssyncset.done $0x0  }
0x66: {  	[sflag:s12] =	ssyncadd.s32 $0xFFFFFC00  }
0x67: {  	[tilespmem:s15], [sflag:$0x1] =	stream.indirect.gather [hbm4b:s4+s14], $0x80, s3, s14, $0xb8;
	[tilespmem:$0x1CC00] =	vst v63  }
0x68: {  	_ = 	snop  }
0x69: {  	[tilespmem:s16], [sflag:$0x2] =	stream.indirect.gather [hbm4b:s4+s14], $0x80, s14, s14, $0xb8;
	[tilespmem:$0x1CC00] =	vst v63  }
0x6a: {  	_ =	swait.ge [sflag:s17], $0x4000  }
0x6b: {  	[sflag:s17] =	ssyncset.done $0x0  }
0x6c: {  	[sflag:s17] =	ssyncadd.s32 $0xFFFFC000  }
0x6d: {  	[spmem:s2] =	stream.indirect.scatter.add.f32 [tilespmem:s15], [sflag:$0x3], $0x80, s13, s14, $0xb8;
	[tilespmem:$0x1CC00] =	vst v63  }
0x6e: {  	_ =	swait.ge [sflag:s12], $0x4000  }
0x6f: {  	[sflag:s12] =	ssyncset.done $0x0  }
0x70: {  	[sflag:s12] =	ssyncadd.s32 $0xFFFFC000  }
0x71: {  	[tilespmem:s15], [sflag:$0x1] =	stream.indirect.gather [hbm4b:s4+s14], $0x80, s18, s14, $0xb8;
	[tilespmem:$0x1CC00] =	vst v63  }
0x72: {  	_ =	swait.ge [sflag:s19], $0x4000  }
0x73: {  	[sflag:s19] =	ssyncset.done $0x0  }
0x74: {  	[sflag:s19] =	ssyncadd.s32 $0xFFFFC000  }
0x75: {  	[spmem:s2] =	stream.indirect.scatter.add.f32 [tilespmem:s16], [sflag:$0x3], $0x80, s20, s14, $0xb8;
	[tilespmem:$0x1CC00] =	vst v63  }
0x76: {  	_ =	swait.ge [sflag:s12], $0x4000  }
0x77: {  	[sflag:s12] =	ssyncset.done $0x0  }
0x78: {  	[sflag:s12] =	ssyncadd.s32 $0xFFFFC000  }
0x79: {  	[tilespmem:s16], [sflag:$0x2] =	stream.indirect.gather [hbm4b:s4+s14], $0x80, s21, s14, $0xb8;
	[tilespmem:$0x1CC00] =	vst v63  }
0x7a: {  	_ =	swait.ge [sflag:s17], $0x4000  }
0x7b: {  	[sflag:s17] =	ssyncset.done $0x0  }
0x7c: {  	[sflag:s17] =	ssyncadd.s32 $0xFFFFC000  }
0x7d: {  	[spmem:s2] =	stream.indirect.scatter.add.f32 [tilespmem:s15], [sflag:$0x3], $0x80, s22, s14, $0xb8;
	[tilespmem:$0x1CC00] =	vst v63  }
0x7e: {  	_ =	swait.ge [sflag:s12], $0x4000  }
0x7f: {  	[sflag:s12] =	ssyncset.done $0x0  }
0x80: {  	[sflag:s12] =	ssyncadd.s32 $0xFFFFC000  }
0x81: {  	[tilespmem:s15], [sflag:$0x1] =	stream.indirect.gather [hbm4b:s4+s14], $0x80, s23, s14, $0xb8;
	[tilespmem:$0x1CC00] =	vst v63  }
0x82: {  	_ =	swait.ge [sflag:s19], $0x4000  }
0x83: {  	[sflag:s19] =	ssyncset.done $0x0  }
0x84: {  	[sflag:s19] =	ssyncadd.s32 $0xFFFFC000  }
0x85: {  	[spmem:s2] =	stream.indirect.scatter.add.f32 [tilespmem:s16], [sflag:$0x3], $0x80, s24, s14, $0xb8;
	[tilespmem:$0x1CC00] =	vst v63  }
0x86: {  	_ =	swait.ge [sflag:s12], $0x4000  }
0x87: {  	[sflag:s12] =	ssyncset.done $0x0  }
0x88: {  	[sflag:s12] =	ssyncadd.s32 $0xFFFFC000  }
0x89: {  	[tilespmem:s16], [sflag:$0x2] =	stream.indirect.gather [hbm4b:s4+s14], $0x80, s25, s14, $0xb8;
	[tilespmem:$0x1CC00] =	vst v63  }
0x8a: {  	_ =	swait.ge [sflag:s17], $0x4000  }
0x8b: {  	[sflag:s17] =	ssyncset.done $0x0  }
0x8c: {  	[sflag:s17] =	ssyncadd.s32 $0xFFFFC000  }
0x8d: {  	[spmem:s2] =	stream.indirect.scatter.add.f32 [tilespmem:s15], [sflag:$0x3], $0x80, s26, s14, $0xb8;
	[tilespmem:$0x1CC00] =	vst v63  }
0x8e: {  	_ =	swait.ge [sflag:s12], $0x4000  }
0x8f: {  	[sflag:s12] =	ssyncset.done $0x0  }
0x90: {  	[sflag:s12] =	ssyncadd.s32 $0xFFFFC000  }
0x91: {  	[tilespmem:s15], [sflag:$0x1] =	stream.indirect.gather [hbm4b:s4+s14], $0x80, s28, s14, $0xb8;
	[tilespmem:$0x1CC00] =	vst v63  }
0x92: {  	_ =	swait.ge [sflag:s19], $0x4000  }
0x93: {  	[sflag:s19] =	ssyncset.done $0x0  }
0x94: {  	[sflag:s19] =	ssyncadd.s32 $0xFFFFC000  }
0x95: {  	[spmem:s2] =	stream.indirect.scatter.add.f32 [tilespmem:s16], [sflag:$0x3], $0x80, s29, s14, $0xb8;
	[tilespmem:$0x1CC00] =	vst v63  }
0x96: {  	_ =	swait.ge [sflag:s12], $0x4000  }
0x97: {  	[sflag:s12] =	ssyncset.done $0x0  }
0x98: {  	[sflag:s12] =	ssyncadd.s32 $0xFFFFC000  }
0x99: {  	[tilespmem:s16], [sflag:$0x2] =	stream.indirect.gather [hbm4b:s4+s14], $0x80, s30, s14, $0xb8;
	[tilespmem:$0x1CC00] =	vst v63  }
0x9a: {  	_ =	swait.ge [sflag:s17], $0x4000  }
0x9b: {  	[sflag:s17] =	ssyncset.done $0x0  }
0x9c: {  	[sflag:s17] =	ssyncadd.s32 $0xFFFFC000  }
0x9d: {  	[spmem:s2] =	stream.indirect.scatter.add.f32 [tilespmem:s15], [sflag:$0x3], $0x80, s31, s14, $0xb8;
	[tilespmem:$0x1CC00] =	vst v63  }
0x9e: {  	_ =	swait.ge [sflag:s12], $0x4000  }
0x9f: {  	[sflag:s12] =	ssyncset.done $0x0  }
0xa0: {  	[sflag:s12] =	ssyncadd.s32 $0xFFFFC000  }
0xa1: {  	p0 =	sne.s32 s5, $0x1;
	_ =	swait.ge [sflag:s19], $0x4000  }
.Ltmp1:
0xa2: {  	[sflag:s19] =	ssyncset.done $0x0;
	(pc) =	sbr.rel @!p0 .LBB2_5-.Ltmp1, $4  }
0xa3: {  	[sflag:s19] =	ssyncadd.s32 $0xFFFFC000  }
0xa4: {  	[spmem:s2] =	stream.indirect.scatter.add.f32 [tilespmem:s16], [sflag:$0x3], $0x80, s0, s14, $0xb8;
	[tilespmem:$0x1CC00] =	vst v63  }
0xa5: {  	_ =	swait.ge [sflag:s12], $0x4000  }
0xa6: {  	s7 =	sadd.s32 $0xFFFFFFFF, s5;
	s10 =	smov.u32 s8;
	[sflag:s12] =	ssyncset.done $0x0  }
.LBB2_4:
0xa7: {  	[sflag:s12] =	ssyncadd.s32 $0xFFFFC000;
	s9 =	sadd.s32 $0x80, s9;
	s10 =	sadd.s32 $0x80, s10  }
0xa8: {  	[tilespmem:s3], [sflag:$0x3] =	stream.linear.gather [hbm4b:s10+s3], $0x400, $0x38;
	[tilespmem:$0x1CC00] =	vst v63  }
0xa9: {  	p0 =	sne.s32 s7, $0x1;
	s7 =	sadd.s32 $0xFFFFFFFF, s7;
	_ =	swait.ge [sflag:s12], $0x400  }
0xaa: {  	[sflag:s12] =	ssyncset.done $0x0  }
0xab: {  	[sflag:s12] =	ssyncadd.s32 $0xFFFFFC00  }
0xac: {  	[tilespmem:s13], [sflag:$0x3] =	stream.linear.gather [hbm4b:s9+s3], $0x400, $0x38;
	[tilespmem:$0x1CC00] =	vst v63  }
0xad: {  	_ =	swait.ge [sflag:s12], $0x400  }
0xae: {  	[sflag:s12] =	ssyncset.done $0x0  }
0xaf: {  	[sflag:s12] =	ssyncadd.s32 $0xFFFFFC00  }
0xb0: {  	[tilespmem:s15], [sflag:$0x1] =	stream.indirect.gather [hbm4b:s4+s14], $0x80, s3, s14, $0xb8;
	[tilespmem:$0x1CC00] =	vst v63  }
0xb1: {  	_ = 	snop  }
0xb2: {  	[tilespmem:s16], [sflag:$0x2] =	stream.indirect.gather [hbm4b:s4+s14], $0x80, s14, s14, $0xb8;
	[tilespmem:$0x1CC00] =	vst v63  }
0xb3: {  	_ =	swait.ge [sflag:s17], $0x4000  }
0xb4: {  	[sflag:s17] =	ssyncset.done $0x0  }
0xb5: {  	[sflag:s17] =	ssyncadd.s32 $0xFFFFC000  }
0xb6: {  	[spmem:s2] =	stream.indirect.scatter.add.f32 [tilespmem:s15], [sflag:$0x3], $0x80, s13, s14, $0xb8;
	[tilespmem:$0x1CC00] =	vst v63  }
0xb7: {  	_ =	swait.ge [sflag:s12], $0x4000  }
0xb8: {  	[sflag:s12] =	ssyncset.done $0x0  }
0xb9: {  	[sflag:s12] =	ssyncadd.s32 $0xFFFFC000  }
0xba: {  	[tilespmem:s15], [sflag:$0x1] =	stream.indirect.gather [hbm4b:s4+s14], $0x80, s18, s14, $0xb8;
	[tilespmem:$0x1CC00] =	vst v63  }
0xbb: {  	_ =	swait.ge [sflag:s19], $0x4000  }
0xbc: {  	[sflag:s19] =	ssyncset.done $0x0  }
0xbd: {  	[sflag:s19] =	ssyncadd.s32 $0xFFFFC000  }
0xbe: {  	[spmem:s2] =	stream.indirect.scatter.add.f32 [tilespmem:s16], [sflag:$0x3], $0x80, s20, s14, $0xb8;
	[tilespmem:$0x1CC00] =	vst v63  }
0xbf: {  	_ =	swait.ge [sflag:s12], $0x4000  }
0xc0: {  	[sflag:s12] =	ssyncset.done $0x0  }
0xc1: {  	[sflag:s12] =	ssyncadd.s32 $0xFFFFC000  }
0xc2: {  	[tilespmem:s16], [sflag:$0x2] =	stream.indirect.gather [hbm4b:s4+s14], $0x80, s21, s14, $0xb8;
	[tilespmem:$0x1CC00] =	vst v63  }
0xc3: {  	_ =	swait.ge [sflag:s17], $0x4000  }
0xc4: {  	[sflag:s17] =	ssyncset.done $0x0  }
0xc5: {  	[sflag:s17] =	ssyncadd.s32 $0xFFFFC000  }
0xc6: {  	[spmem:s2] =	stream.indirect.scatter.add.f32 [tilespmem:s15], [sflag:$0x3], $0x80, s22, s14, $0xb8;
	[tilespmem:$0x1CC00] =	vst v63  }
0xc7: {  	_ =	swait.ge [sflag:s12], $0x4000  }
0xc8: {  	[sflag:s12] =	ssyncset.done $0x0  }
0xc9: {  	[sflag:s12] =	ssyncadd.s32 $0xFFFFC000  }
0xca: {  	[tilespmem:s15], [sflag:$0x1] =	stream.indirect.gather [hbm4b:s4+s14], $0x80, s23, s14, $0xb8;
	[tilespmem:$0x1CC00] =	vst v63  }
0xcb: {  	_ =	swait.ge [sflag:s19], $0x4000  }
0xcc: {  	[sflag:s19] =	ssyncset.done $0x0  }
0xcd: {  	[sflag:s19] =	ssyncadd.s32 $0xFFFFC000  }
0xce: {  	[spmem:s2] =	stream.indirect.scatter.add.f32 [tilespmem:s16], [sflag:$0x3], $0x80, s24, s14, $0xb8;
	[tilespmem:$0x1CC00] =	vst v63  }
0xcf: {  	_ =	swait.ge [sflag:s12], $0x4000  }
0xd0: {  	[sflag:s12] =	ssyncset.done $0x0  }
0xd1: {  	[sflag:s12] =	ssyncadd.s32 $0xFFFFC000  }
0xd2: {  	[tilespmem:s16], [sflag:$0x2] =	stream.indirect.gather [hbm4b:s4+s14], $0x80, s25, s14, $0xb8;
	[tilespmem:$0x1CC00] =	vst v63  }
0xd3: {  	_ =	swait.ge [sflag:s17], $0x4000  }
0xd4: {  	[sflag:s17] =	ssyncset.done $0x0  }
0xd5: {  	[sflag:s17] =	ssyncadd.s32 $0xFFFFC000  }
0xd6: {  	[spmem:s2] =	stream.indirect.scatter.add.f32 [tilespmem:s15], [sflag:$0x3], $0x80, s26, s14, $0xb8;
	[tilespmem:$0x1CC00] =	vst v63  }
0xd7: {  	_ =	swait.ge [sflag:s12], $0x4000  }
0xd8: {  	[sflag:s12] =	ssyncset.done $0x0  }
0xd9: {  	[sflag:s12] =	ssyncadd.s32 $0xFFFFC000  }
0xda: {  	[tilespmem:s15], [sflag:$0x1] =	stream.indirect.gather [hbm4b:s4+s14], $0x80, s28, s14, $0xb8;
	[tilespmem:$0x1CC00] =	vst v63  }
0xdb: {  	_ =	swait.ge [sflag:s19], $0x4000  }
0xdc: {  	[sflag:s19] =	ssyncset.done $0x0  }
0xdd: {  	[sflag:s19] =	ssyncadd.s32 $0xFFFFC000  }
0xde: {  	[spmem:s2] =	stream.indirect.scatter.add.f32 [tilespmem:s16], [sflag:$0x3], $0x80, s29, s14, $0xb8;
	[tilespmem:$0x1CC00] =	vst v63  }
0xdf: {  	_ =	swait.ge [sflag:s12], $0x4000  }
0xe0: {  	[sflag:s12] =	ssyncset.done $0x0  }
0xe1: {  	[sflag:s12] =	ssyncadd.s32 $0xFFFFC000  }
0xe2: {  	[tilespmem:s16], [sflag:$0x2] =	stream.indirect.gather [hbm4b:s4+s14], $0x80, s30, s14, $0xb8;
	[tilespmem:$0x1CC00] =	vst v63  }
0xe3: {  	_ =	swait.ge [sflag:s17], $0x4000  }
0xe4: {  	[sflag:s17] =	ssyncset.done $0x0  }
0xe5: {  	[sflag:s17] =	ssyncadd.s32 $0xFFFFC000  }
0xe6: {  	[spmem:s2] =	stream.indirect.scatter.add.f32 [tilespmem:s15], [sflag:$0x3], $0x80, s31, s14, $0xb8;
	[tilespmem:$0x1CC00] =	vst v63  }
0xe7: {  	_ =	swait.ge [sflag:s12], $0x4000  }
0xe8: {  	[sflag:s12] =	ssyncset.done $0x0  }
0xe9: {  	[sflag:s12] =	ssyncadd.s32 $0xFFFFC000  }
0xea: {  	_ =	swait.ge [sflag:s19], $0x4000  }
.Ltmp2:
0xeb: {  	[sflag:s19] =	ssyncset.done $0x0;
	(pc) =	sbr.rel @p0 .LBB2_4-.Ltmp2, $4  }
0xec: {  	[sflag:s19] =	ssyncadd.s32 $0xFFFFC000  }
0xed: {  	[spmem:s2] =	stream.indirect.scatter.add.f32 [tilespmem:s16], [sflag:$0x3], $0x80, s0, s14, $0xb8;
	[tilespmem:$0x1CC00] =	vst v63  }
0xee: {  	_ =	swait.ge [sflag:s12], $0x4000  }
0xef: {  	[sflag:s12] =	ssyncset.done $0x0  }
.LBB2_5:
0xf0: {  	[sflag:s12] =	ssyncadd.s32 $0xFFFFC000;
	s7 =	stileid.u32  }
0xf1: {  	s7 =	sshll.u32 s7, $0x6;
	[bflag:$0x0] =	sbarrier.arrive $0xFFFF  }
0xf2: {  	s9 =	sshrl.u32 s6, $0x3;
	s7 =	sor.u32 $0x1C03, s7;
	s10 =	rddreg [dreg:$0x3]  }
0xf3: {  	[hbm:s10], [sflag:s7] =	dma.local [spmem:s9], $0x2800  }
0xf4: {  	_ =	swait.ge [sflag:s12], $0x2800  }
0xf5: {  	s1 =	sadd.s32 $0x1, s1;
	s10 =	rddreg [dreg:$0x4]  }
0xf6: {  	p0 =	sne.s32 s1, s10  }
.Ltmp3:
0xf7: {  	_ = 	snop;
	(pc) =	sbr.rel @p0 .LBB2_1-.Ltmp3, $3  }
0xf8: {  	_ =	sdelay $0x1  }
0xf9: {  	[sflag:s12] =	ssyncset.done $0x0  }
0xfa: {  	[sflag:s12] =	ssyncadd.s32 $0xFFFFD800  }
0xfb: {  	_ =	sfence.sel $0x180000  }
0xfc: {  	[bflag:$0x0] =	sbarrier.arrive $0xFFFF  }
0xfd: {  	_ =	strace $0x9000004A  }
0xfe: {  	s0 =	stileid.u32;
	[bflag:$0x2] =	sbarrier.arrive $0xFFFF  }
0xff: {  	p0 =	sne.s32 s0, $0x0;
	s0 =	rddreg [dreg:$0x2]  }
0x100: {  	s0 =	sadd.s32 @!p0 $0x100000, s0  }
0x101: {  	[sflag:s0] =	ssyncadd.tile.s32 @!p0 $0x1;
	_ =	shalt  }
.Lfunc_end2:
_tile_overlayer_lowered:
.L_overlay_start_2:
0x102: {  	(tag) =	ssettag $0x2  }
0x103: {  	s0 =	rddreg [dreg:$0x0];
	s2 =	stileid.u32  }
0x104: {  	s1 =	rddreg [dreg:$0x1];
	p0 =	sne.s32 s2, $0x0  }
0x105: {  	s3 =	rddreg [dreg:$0x2];
	[bflag:$0x3] =	sbarrier.arrive $0xFFFF;
	s2 =	simm.s32 @!p0 $0x1C03  }
0x106: {  	[timem:s3], [sflag:s2] =	dma.local @!p0 [hbm:s0], s1  }
0x107: {  	s0 =	simm.s32 @!p0 $0x3  }
0x108: {  	_ =	swait.ge @!p0 [sflag:s0], s1  }
0x109: {  	s1 =	ssub.s32 @!p0 $0x0, s1;
	[sflag:s0] =	ssyncset.done @!p0 $0x0  }
0x10a: {  	[sflag:s0] =	ssyncadd.s32 @!p0 s1  }
0x10b: {  	[bflag:$0x3] =	sbarrier.arrive $0xFFFF  }
0x10c: {  	_ =	shalt  }

</sc_bundles>
